<compile_context>
chip_gen: v7x
topology: tpu7x:2x2x1
jax: 0.10.2.dev20260603
libtpu: 0.0.44.dev20260713+nightly
codegen_flags: <defaults>
</compile_context>

<pallas_src>
import functools

import numpy as np
import jax
import jax.numpy as jnp
from jax import lax
from jax.experimental import pallas as pl
from jax.experimental.pallas import tpu as pltpu
from jax.experimental.pallas import tpu_sc as plsc

M = 16384
U = 1024
NC = 2
NS = 16
HALF = U // NC
EPT = M // NS
UPT = HALF // NS
C = 16

_KS0 = np.uint32(0)
_KS1 = np.uint32(42)
_KS2 = np.uint32(0x1BD11BDA ^ 42)
_ROT0 = (13, 15, 26, 6)
_ROT1 = (17, 29, 16, 24)


def _threefry_bits(flat):
    x0 = jnp.zeros_like(flat)
    x1 = flat + _KS1
    ks = (_KS0, _KS1, _KS2)
    for g in range(5):
        for r in (_ROT0 if g % 2 == 0 else _ROT1):
            x0 = x0 + x1
            x1 = (x1 << np.uint32(r)) | (x1 >> np.uint32(32 - r))
            x1 = x1 ^ x0
        x0 = x0 + ks[(g + 1) % 3]
        x1 = x1 + ks[(g + 2) % 3] + np.uint32(g + 1)
    return x0 ^ x1


_MESH = plsc.VectorSubcoreMesh(core_axis_name="c", subcore_axis_name="s")
_PARAMS = pltpu.CompilerParams(
    needs_layout_passes=False,
    disable_bounds_checks=True,
    disable_semaphore_checks=True,
)


@functools.partial(
    pl.kernel,
    mesh=_MESH,
    compiler_params=_PARAMS,
    out_type=(
        jax.ShapeDtypeStruct((U,), jnp.int32),
        jax.ShapeDtypeStruct((U,), jnp.int32),
        jax.ShapeDtypeStruct((U * C,), jnp.float32),
    ),
    scratch_types=[
        pltpu.VMEM((EPT,), jnp.int32),
        pltpu.VMEM((EPT,), jnp.int32),
        pltpu.VMEM((EPT,), jnp.int32),
        pltpu.VMEM((16 * HALF,), jnp.int32),
        pltpu.VMEM((16 * HALF,), jnp.int32),
        pltpu.VMEM((NS * UPT,), jnp.int32),
        pltpu.VMEM((NS * UPT,), jnp.int32),
        pltpu.VMEM((UPT,), jnp.int32),
        pltpu.VMEM((UPT,), jnp.int32),
        pltpu.VMEM((UPT,), jnp.int32),
        pltpu.VMEM((UPT, C, 128), jnp.float32),
        pltpu.VMEM((C * UPT,), jnp.float32),
        pltpu.VMEM_SHARED((NS, HALF), jnp.int32),
        pltpu.VMEM_SHARED((NS, HALF), jnp.int32),
        pltpu.SemaphoreType.DMA,
    ],
)
def _fused(nn_hbm, ranks_hbm, aug_hbm, ex_hbm, tea_hbm,
           out_idx_hbm, out_rank_hbm, out_tea_hbm,
           mask_v, rank_v, augc_v, tk_v, tm_v, kt_v, mt_v,
           sel_v, rnk_v, ex_v, win_v, row_v, shk_s, shm_s, sem):
    cid = lax.axis_index("c")
    sid = lax.axis_index("s")
    base = sid * EPT
    lubase = sid * UPT
    ubase = cid * HALF + lubase
    in_cps = [
        pltpu.async_copy(nn_hbm.at[pl.ds(base, EPT)], mask_v, sem),
        pltpu.async_copy(ranks_hbm.at[pl.ds(base, EPT)], rank_v, sem),
        pltpu.async_copy(aug_hbm.at[pl.ds(base, EPT)], augc_v, sem),
        pltpu.async_copy(ex_hbm.at[pl.ds(ubase, UPT)], ex_v, sem),
    ]

    lane = lax.iota(jnp.int32, 16)
    neg1 = jnp.full((16,), -1, jnp.int32)

    def init_body(i, _):
        for r in range(8):
            tk_v[pl.ds(i * 128 + r * 16, 16)] = neg1
        return 0

    lax.fori_loop(0, 16 * HALF // 128, init_body, 0)
    for cp in in_cps:
        cp.wait()

    def scatter_body(j, _):
        us, ks, metas, gidxs = [], [], [], []
        for t in range(2):
            u16 = mask_v[pl.ds(j * 32 + t * 16, 16)]
            mglob = base + j * 32 + t * 16 + lane
            flat = (u16 * M + mglob).astype(jnp.uint32)
            k16 = (_threefry_bits(flat) >> np.uint32(9)).astype(jnp.int32)
            meta = (mglob << 8) | (rank_v[pl.ds(j * 32 + t * 16, 16)] << 4) \
                | augc_v[pl.ds(j * 32 + t * 16, 16)]
            us.append(u16)
            ks.append(k16)
            metas.append(meta)
            gidxs.append(lane * HALF + (u16 & (HALF - 1)))
        for t in range(2):
            inhalf = (us[t] >> 9) == cid
            cur_k = plsc.load_gather(tk_v, [gidxs[t]])
            better = inhalf & (ks[t] > cur_k)
            plsc.store_scatter(tk_v, [gidxs[t]], ks[t], mask=better)
            plsc.store_scatter(tm_v, [gidxs[t]], metas[t], mask=better)
        return 0

    lax.fori_loop(0, EPT // 32, scatter_body, 0)

    for s in (8, 4, 2, 1):
        def fold_body(c, _, s=s):
            for l in range(s):
                a = l * HALF + c * 16
                b = (l + s) * HALF + c * 16
                ka = tk_v[pl.ds(a, 16)]
                kb = tk_v[pl.ds(b, 16)]
                ma = tm_v[pl.ds(a, 16)]
                mb = tm_v[pl.ds(b, 16)]
                better = (kb > ka) | ((kb == ka) & (mb < ma))
                tk_v[pl.ds(a, 16)] = jnp.where(better, kb, ka)
                tm_v[pl.ds(a, 16)] = jnp.where(better, mb, ma)
            return 0

        lax.fori_loop(0, HALF // 16, fold_body, 0)

    pltpu.sync_copy(tk_v.at[pl.ds(0, HALF)], shk_s.at[sid])
    pltpu.sync_copy(tm_v.at[pl.ds(0, HALF)], shm_s.at[sid])
    plsc.subcore_barrier()

    tab_cps = []
    for src in range(NS):
        tab_cps.append(pltpu.async_copy(
            shk_s.at[src, pl.ds(lubase, UPT)],
            kt_v.at[pl.ds(src * UPT, UPT)], sem))
        tab_cps.append(pltpu.async_copy(
            shm_s.at[src, pl.ds(lubase, UPT)],
            mt_v.at[pl.ds(src * UPT, UPT)], sem))
    for cp in tab_cps:
        cp.wait()

    zero16 = jnp.zeros((16,), jnp.int32)

    def merge_body(src, carry):
        acck0, accm0, acck1, accm1 = carry
        k0 = kt_v[pl.ds(src * UPT, 16)]
        m0 = mt_v[pl.ds(src * UPT, 16)]
        k1 = kt_v[pl.ds(src * UPT + 16, 16)]
        m1 = mt_v[pl.ds(src * UPT + 16, 16)]
        b0 = k0 > acck0
        b1 = k1 > acck1
        return (jnp.where(b0, k0, acck0), jnp.where(b0, m0, accm0),
                jnp.where(b1, k1, acck1), jnp.where(b1, m1, accm1))

    _, accm0, _, accm1 = lax.fori_loop(
        0, NS, merge_body, (neg1, zero16, neg1, zero16))
    augs = []
    for h, accm in enumerate((accm0, accm1)):
        sel_v[pl.ds(h * 16, 16)] = accm >> 8
        rnk_v[pl.ds(h * 16, 16)] = (accm >> 4) & 15
        augs.append(accm & 15)

    small_cps = [
        pltpu.async_copy(sel_v, out_idx_hbm.at[pl.ds(ubase, UPT)], sem),
        pltpu.async_copy(rnk_v, out_rank_hbm.at[pl.ds(ubase, UPT)], sem),
    ]

    exv = [ex_v[pl.ds(0, 16)], ex_v[pl.ds(16, 16)]]
    ebv = [e & -128 for e in exv]
    eov = [e & 127 for e in exv]
    blk_cps = []
    for i in range(UPT):
        aug_i = augs[i // 16][i % 16]
        eb_i = pl.multiple_of(ebv[i // 16][i % 16], 128)
        blk_cps.append(pltpu.async_copy(
            tea_hbm.at[aug_i + 1, :, pl.ds(eb_i, 128)], win_v.at[i], sem))
    for cp in blk_cps:
        cp.wait()

    zeros = jnp.zeros((16,), jnp.int32)

    def gather_body(c, _):
        for h in range(UPT // 16):
            vals = plsc.load_gather(win_v, [lane + h * 16, zeros + c, eov[h]])
            row_v[pl.ds(c * UPT + h * 16, 16)] = vals
        return 0

    lax.fori_loop(0, C, gather_body, 0)

    out_cps = []
    for c in range(C):
        out_cps.append(pltpu.async_copy(
            row_v.at[pl.ds(c * UPT, UPT)],
            out_tea_hbm.at[pl.ds(c * U + ubase, UPT)], sem))
    for cp in small_cps:
        cp.wait()
    for cp in out_cps:
        cp.wait()


def kernel(stu_logits, teacher_logits, augment_rank, nn_mask, example_indices,
           augmented_indices, nn_ranks):
    del stu_logits, augment_rank
    tea_t = jnp.transpose(teacher_logits, (1, 2, 0))
    sel_idx, sel_rank, sel_tea = _fused(
        nn_mask, nn_ranks, augmented_indices, example_indices, tea_t)
    return sel_idx, sel_rank, sel_tea.reshape(C, U).T

# --- scband reference (transcript-rebuilt; emitter-appended) ---
"""Pipeline reference for scband-random-glitter-for-sequence-classification-24610162606205 (READ-ONLY COPY).

The authoritative reference and input builder live on the scoring server;
editing this copy changes nothing except your own understanding.
"""

import jax, jax.numpy as jnp
import numpy as np

NUM_EXAMPLES = 100000
NUM_AUG_P1 = 17
NUM_CLASSES = 16
M = 16384
B_EX = 1024


def setup_inputs(seed: int = 0) -> dict:
    key = jax.random.key(seed)
    k1, k2, k3, k4, k5, k6 = jax.random.split(key, 6)
    stu_logits = jax.random.normal(k1, (M, NUM_CLASSES), dtype=jnp.float32)
    # learned/buffer parameter from __init__ (full table; module slices [:, 1:])
    teacher_logits = jax.random.normal(k2, (NUM_EXAMPLES, NUM_AUG_P1, NUM_CLASSES), dtype=jnp.float32)
    # guarantee every group id 0..B_EX-1 appears at least once so unique count is deterministic
    base = jnp.arange(B_EX, dtype=jnp.int32)
    extra = jax.random.randint(k3, (M - B_EX,), 0, B_EX, dtype=jnp.int32)
    nn_mask = jnp.concatenate([base, extra])
    example_indices = jax.random.randint(k4, (B_EX,), 0, NUM_EXAMPLES, dtype=jnp.int32)
    augmented_indices = jax.random.randint(k5, (M,), 0, NUM_AUG_P1 - 1, dtype=jnp.int32)
    nn_ranks = jax.random.randint(k6, (M,), 0, NUM_AUG_P1 - 1, dtype=jnp.int32)
    return {
        "stu_logits": stu_logits,
        "teacher_logits": teacher_logits,
        "augment_rank": 1,
        "nn_mask": nn_mask,
        "example_indices": example_indices,
        "augmented_indices": augmented_indices,
        "nn_ranks": nn_ranks,
    }


def reference(stu_logits, teacher_logits, augment_rank, nn_mask, example_indices, augmented_indices, nn_ranks):
    # __init__ stores teacher_logits[:, 1:]
    tea_buf = teacher_logits[:, 1:, :]
    # gather teacher rows for each candidate: [M, C]
    gathered_ex = jnp.take(example_indices, nn_mask, axis=0)
    tea_logits = tea_buf[gathered_ex, augmented_indices, :]
    # group candidates by unique nn_mask value and sample one index per group
    unq = jnp.unique(nn_mask, size=example_indices.shape[0])
    self_mask = nn_mask[None, :] == unq[:, None]  # [U, M]
    sel_logits = jnp.where(self_mask, 0.0, -1e9)
    selected_indices = jax.random.categorical(jax.random.key(42), sel_logits, axis=1)  # [U]
    selected_ranks = jnp.take(nn_ranks, selected_indices, axis=0)
    selected_teacher = jnp.take(tea_logits, selected_indices, axis=0)  # [U, C]
    return (selected_indices, selected_ranks, selected_teacher)

if __name__ == "__main__":
    import jax
    _d = setup_inputs()
    print(jax.jit(kernel)(*tuple(_d.values())))

</pallas_src>

<mosaic_0001>
#map = affine_map<(d0, d1) -> (0)>
#map1 = affine_map<(d0, d1) -> (0, 0, 0)>
module attributes {stable_mosaic.version = 14 : i64} {
  func.func @_fused(%arg0: i32, %arg1: i32, %arg2: memref<16384xi32, #tpu.memory_space<hbm>>, %arg3: memref<16384xi32, #tpu.memory_space<hbm>>, %arg4: memref<16384xi32, #tpu.memory_space<hbm>>, %arg5: memref<1024xi32, #tpu.memory_space<hbm>>, %arg6: memref<17x16x100000xf32, #tpu.memory_space<hbm>>, %arg7: memref<1024xi32, #tpu.memory_space<hbm>>, %arg8: memref<1024xi32, #tpu.memory_space<hbm>>, %arg9: memref<16384xf32, #tpu.memory_space<hbm>>, %arg10: memref<1024xi32, #tpu.memory_space<vmem>>, %arg11: memref<1024xi32, #tpu.memory_space<vmem>>, %arg12: memref<1024xi32, #tpu.memory_space<vmem>>, %arg13: memref<8192xi32, #tpu.memory_space<vmem>>, %arg14: memref<8192xi32, #tpu.memory_space<vmem>>, %arg15: memref<512xi32, #tpu.memory_space<vmem>>, %arg16: memref<512xi32, #tpu.memory_space<vmem>>, %arg17: memref<32xi32, #tpu.memory_space<vmem>>, %arg18: memref<32xi32, #tpu.memory_space<vmem>>, %arg19: memref<32xi32, #tpu.memory_space<vmem>>, %arg20: memref<32x16x128xf32, #tpu.memory_space<vmem>>, %arg21: memref<512xf32, #tpu.memory_space<vmem>>, %arg22: memref<16x512xi32, #tpu.memory_space<vmem_shared>>, %arg23: memref<16x512xi32, #tpu.memory_space<vmem_shared>>, %arg24: memref<!tpu.dma_semaphore, #tpu.memory_space<semaphore_mem>>) attributes {dimension_semantics = [#tpu.dimension_semantics<core_parallel>, #tpu.dimension_semantics<subcore_parallel>], iteration_bounds = array<i64: 2, 16>, scalar_prefetch = 0 : i64, scratch_operands = 15 : i64, tpu.core_type = #tpu.core_type<sc_vector_subcore>, window_params = [{transform_indices = #map}, {transform_indices = #map}, {transform_indices = #map}, {transform_indices = #map}, {transform_indices = #map1}, {transform_indices = #map}, {transform_indices = #map}, {transform_indices = #map}]} {
    %mul3A = arith.constant 1024 : i32
    %mul3A_0 = arith.muli %arg1, %mul3A : i32
    %mul3A_1 = arith.constant 32 : i32
    %mul3A_2 = arith.muli %arg1, %mul3A_1 : i32
    %mul3A_3 = arith.constant 512 : i32
    %mul3A_4 = arith.muli %arg0, %mul3A_3 : i32
    %add3A = arith.addi %mul3A_4, %mul3A_2 : i32
    %dma_start3A = tpu.memref_slice %arg2[%mul3A_0] : memref<16384xi32, #tpu.memory_space<hbm>> -> memref<1024xi32, #tpu.memory_space<hbm>>
    %dma_start3A_5 = tpu.memref_slice %arg2[%mul3A_0] : memref<16384xi32, #tpu.memory_space<hbm>> -> memref<1024xi32, #tpu.memory_space<hbm>>
    tpu.enqueue_dma source(%dma_start3A_5 : memref<1024xi32, #tpu.memory_space<hbm>>) target(%arg10 : memref<1024xi32, #tpu.memory_space<vmem>>) target_semaphore(%arg24 : memref<!tpu.dma_semaphore, #tpu.memory_space<semaphore_mem>>)
    %dma_start3A_6 = tpu.memref_slice %arg3[%mul3A_0] : memref<16384xi32, #tpu.memory_space<hbm>> -> memref<1024xi32, #tpu.memory_space<hbm>>
    %dma_start3A_7 = tpu.memref_slice %arg3[%mul3A_0] : memref<16384xi32, #tpu.memory_space<hbm>> -> memref<1024xi32, #tpu.memory_space<hbm>>
    tpu.enqueue_dma source(%dma_start3A_7 : memref<1024xi32, #tpu.memory_space<hbm>>) target(%arg11 : memref<1024xi32, #tpu.memory_space<vmem>>) target_semaphore(%arg24 : memref<!tpu.dma_semaphore, #tpu.memory_space<semaphore_mem>>)
    %dma_start3A_8 = tpu.memref_slice %arg4[%mul3A_0] : memref<16384xi32, #tpu.memory_space<hbm>> -> memref<1024xi32, #tpu.memory_space<hbm>>
    %dma_start3A_9 = tpu.memref_slice %arg4[%mul3A_0] : memref<16384xi32, #tpu.memory_space<hbm>> -> memref<1024xi32, #tpu.memory_space<hbm>>
    tpu.enqueue_dma source(%dma_start3A_9 : memref<1024xi32, #tpu.memory_space<hbm>>) target(%arg12 : memref<1024xi32, #tpu.memory_space<vmem>>) target_semaphore(%arg24 : memref<!tpu.dma_semaphore, #tpu.memory_space<semaphore_mem>>)
    %dma_start3A_10 = tpu.memref_slice %arg5[%add3A] : memref<1024xi32, #tpu.memory_space<hbm>> -> memref<32xi32, #tpu.memory_space<hbm>>
    %dma_start3A_11 = tpu.memref_slice %arg5[%add3A] : memref<1024xi32, #tpu.memory_space<hbm>> -> memref<32xi32, #tpu.memory_space<hbm>>
    tpu.enqueue_dma source(%dma_start3A_11 : memref<32xi32, #tpu.memory_space<hbm>>) target(%arg19 : memref<32xi32, #tpu.memory_space<vmem>>) target_semaphore(%arg24 : memref<!tpu.dma_semaphore, #tpu.memory_space<semaphore_mem>>)
    %iota3A = tpu.iota {dimensions = array<i32: 0>} : vector<16xi32>
    %broadcast_in_dim3A = arith.constant -1 : i32
    %broadcast_in_dim3A_12 = vector.broadcast %broadcast_in_dim3A : i32 to vector<16xi32>
    %scan3A = arith.constant 0 : i32
    %scan3A_13 = arith.constant 0 : i32
    %scan3A_14 = arith.constant 64 : i32
    %scan3A_15 = arith.addi %scan3A_13, %scan3A_14 : i32
    %scan3A_16 = arith.constant 1 : i32
    %scan3A_17 = scf.for %scan3A_2111 = %scan3A_13 to %scan3A_15 step %scan3A_16 iter_args(%scan3A_2112 = %scan3A) -> (i32)  : i32 {
      %mul3A_2113 = arith.constant 128 : i32
      %mul3A_2114 = arith.muli %scan3A_2111, %mul3A_2113 : i32
      %add3A_2115 = arith.constant 0 : i32
      %add3A_2116 = arith.addi %mul3A_2114, %add3A_2115 : i32
      %swap3A_2117 = arith.index_cast %add3A_2116 : i32 to index
      %swap3A_2118 = tpu.vector_load %arg13[%swap3A_2117] {strides = array<i32>} : memref<8192xi32, #tpu.memory_space<vmem>>, vector<16xi32>,
      tpu.vector_store %arg13[%swap3A_2117], %broadcast_in_dim3A_12 {strides = array<i32>} : memref<8192xi32, #tpu.memory_space<vmem>>, vector<16xi32>,
      %mul3A_2119 = arith.constant 128 : i32
      %mul3A_2120 = arith.muli %scan3A_2111, %mul3A_2119 : i32
      %add3A_2121 = arith.constant 16 : i32
      %add3A_2122 = arith.addi %mul3A_2120, %add3A_2121 : i32
      %swap3A_2123 = arith.index_cast %add3A_2122 : i32 to index
      %swap3A_2124 = tpu.vector_load %arg13[%swap3A_2123] {strides = array<i32>} : memref<8192xi32, #tpu.memory_space<vmem>>, vector<16xi32>,
      tpu.vector_store %arg13[%swap3A_2123], %broadcast_in_dim3A_12 {strides = array<i32>} : memref<8192xi32, #tpu.memory_space<vmem>>, vector<16xi32>,
      %mul3A_2125 = arith.constant 128 : i32
      %mul3A_2126 = arith.muli %scan3A_2111, %mul3A_2125 : i32
      %add3A_2127 = arith.constant 32 : i32
      %add3A_2128 = arith.addi %mul3A_2126, %add3A_2127 : i32
      %swap3A_2129 = arith.index_cast %add3A_2128 : i32 to index
      %swap3A_2130 = tpu.vector_load %arg13[%swap3A_2129] {strides = array<i32>} : memref<8192xi32, #tpu.memory_space<vmem>>, vector<16xi32>,
      tpu.vector_store %arg13[%swap3A_2129], %broadcast_in_dim3A_12 {strides = array<i32>} : memref<8192xi32, #tpu.memory_space<vmem>>, vector<16xi32>,
      %mul3A_2131 = arith.constant 128 : i32
      %mul3A_2132 = arith.muli %scan3A_2111, %mul3A_2131 : i32
      %add3A_2133 = arith.constant 48 : i32
      %add3A_2134 = arith.addi %mul3A_2132, %add3A_2133 : i32
      %swap3A_2135 = arith.index_cast %add3A_2134 : i32 to index
      %swap3A_2136 = tpu.vector_load %arg13[%swap3A_2135] {strides = array<i32>} : memref<8192xi32, #tpu.memory_space<vmem>>, vector<16xi32>,
      tpu.vector_store %arg13[%swap3A_2135], %broadcast_in_dim3A_12 {strides = array<i32>} : memref<8192xi32, #tpu.memory_space<vmem>>, vector<16xi32>,
      %mul3A_2137 = arith.constant 128 : i32
      %mul3A_2138 = arith.muli %scan3A_2111, %mul3A_2137 : i32
      %add3A_2139 = arith.constant 64 : i32
      %add3A_2140 = arith.addi %mul3A_2138, %add3A_2139 : i32
      %swap3A_2141 = arith.index_cast %add3A_2140 : i32 to index
      %swap3A_2142 = tpu.vector_load %arg13[%swap3A_2141] {strides = array<i32>} : memref<8192xi32, #tpu.memory_space<vmem>>, vector<16xi32>,
      tpu.vector_store %arg13[%swap3A_2141], %broadcast_in_dim3A_12 {strides = array<i32>} : memref<8192xi32, #tpu.memory_space<vmem>>, vector<16xi32>,
      %mul3A_2143 = arith.constant 128 : i32
      %mul3A_2144 = arith.muli %scan3A_2111, %mul3A_2143 : i32
      %add3A_2145 = arith.constant 80 : i32
      %add3A_2146 = arith.addi %mul3A_2144, %add3A_2145 : i32
      %swap3A_2147 = arith.index_cast %add3A_2146 : i32 to index
      %swap3A_2148 = tpu.vector_load %arg13[%swap3A_2147] {strides = array<i32>} : memref<8192xi32, #tpu.memory_space<vmem>>, vector<16xi32>,
      tpu.vector_store %arg13[%swap3A_2147], %broadcast_in_dim3A_12 {strides = array<i32>} : memref<8192xi32, #tpu.memory_space<vmem>>, vector<16xi32>,
      %mul3A_2149 = arith.constant 128 : i32
      %mul3A_2150 = arith.muli %scan3A_2111, %mul3A_2149 : i32
      %add3A_2151 = arith.constant 96 : i32
      %add3A_2152 = arith.addi %mul3A_2150, %add3A_2151 : i32
      %swap3A_2153 = arith.index_cast %add3A_2152 : i32 to index
      %swap3A_2154 = tpu.vector_load %arg13[%swap3A_2153] {strides = array<i32>} : memref<8192xi32, #tpu.memory_space<vmem>>, vector<16xi32>,
      tpu.vector_store %arg13[%swap3A_2153], %broadcast_in_dim3A_12 {strides = array<i32>} : memref<8192xi32, #tpu.memory_space<vmem>>, vector<16xi32>,
      %mul3A_2155 = arith.constant 128 : i32
      %mul3A_2156 = arith.muli %scan3A_2111, %mul3A_2155 : i32
      %add3A_2157 = arith.constant 112 : i32
      %add3A_2158 = arith.addi %mul3A_2156, %add3A_2157 : i32
      %swap3A_2159 = arith.index_cast %add3A_2158 : i32 to index
      %swap3A_2160 = tpu.vector_load %arg13[%swap3A_2159] {strides = array<i32>} : memref<8192xi32, #tpu.memory_space<vmem>>, vector<16xi32>,
      tpu.vector_store %arg13[%swap3A_2159], %broadcast_in_dim3A_12 {strides = array<i32>} : memref<8192xi32, #tpu.memory_space<vmem>>, vector<16xi32>,
      %scan3A_2161 = arith.constant 0 : i32
      scf.yield %scan3A_2161 : i32
    }
    %scan3A_18 = arith.constant 64 : i32
    %dma_wait3A = tpu.memref_slice %arg2[%mul3A_0] : memref<16384xi32, #tpu.memory_space<hbm>> -> memref<1024xi32, #tpu.memory_space<hbm>>
    %dma_wait3A_19 = tpu.memref_slice %arg2[%mul3A_0] : memref<16384xi32, #tpu.memory_space<hbm>> -> memref<1024xi32, #tpu.memory_space<hbm>>
    tpu.wait_dma2 semaphore(%arg24 : memref<!tpu.dma_semaphore, #tpu.memory_space<semaphore_mem>>) src(%dma_wait3A_19 : memref<1024xi32, #tpu.memory_space<hbm>>) dst(%arg10 : memref<1024xi32, #tpu.memory_space<vmem>>)
    %dma_wait3A_20 = tpu.memref_slice %arg3[%mul3A_0] : memref<16384xi32, #tpu.memory_space<hbm>> -> memref<1024xi32, #tpu.memory_space<hbm>>
    %dma_wait3A_21 = tpu.memref_slice %arg3[%mul3A_0] : memref<16384xi32, #tpu.memory_space<hbm>> -> memref<1024xi32, #tpu.memory_space<hbm>>
    tpu.wait_dma2 semaphore(%arg24 : memref<!tpu.dma_semaphore, #tpu.memory_space<semaphore_mem>>) src(%dma_wait3A_21 : memref<1024xi32, #tpu.memory_space<hbm>>) dst(%arg11 : memref<1024xi32, #tpu.memory_space<vmem>>)
    %dma_wait3A_22 = tpu.memref_slice %arg4[%mul3A_0] : memref<16384xi32, #tpu.memory_space<hbm>> -> memref<1024xi32, #tpu.memory_space<hbm>>
    %dma_wait3A_23 = tpu.memref_slice %arg4[%mul3A_0] : memref<16384xi32, #tpu.memory_space<hbm>> -> memref<1024xi32, #tpu.memory_space<hbm>>
    tpu.wait_dma2 semaphore(%arg24 : memref<!tpu.dma_semaphore, #tpu.memory_space<semaphore_mem>>) src(%dma_wait3A_23 : memref<1024xi32, #tpu.memory_space<hbm>>) dst(%arg12 : memref<1024xi32, #tpu.memory_space<vmem>>)
    %dma_wait3A_24 = tpu.memref_slice %arg5[%add3A] : memref<1024xi32, #tpu.memory_space<hbm>> -> memref<32xi32, #tpu.memory_space<hbm>>
    %dma_wait3A_25 = tpu.memref_slice %arg5[%add3A] : memref<1024xi32, #tpu.memory_space<hbm>> -> memref<32xi32, #tpu.memory_space<hbm>>
    tpu.wait_dma2 semaphore(%arg24 : memref<!tpu.dma_semaphore, #tpu.memory_space<semaphore_mem>>) src(%dma_wait3A_25 : memref<32xi32, #tpu.memory_space<hbm>>) dst(%arg19 : memref<32xi32, #tpu.memory_space<vmem>>)
    %scan3A_26 = arith.constant 0 : i32
    %scan3A_27 = arith.constant 0 : i32
    %scan3A_28 = arith.constant 32 : i32
    %scan3A_29 = arith.addi %scan3A_27, %scan3A_28 : i32
    %scan3A_30 = arith.constant 1 : i32
    %scan3A_31 = scf.for %scan3A_2111 = %scan3A_27 to %scan3A_29 step %scan3A_30 iter_args(%scan3A_2112 = %scan3A_26) -> (i32)  : i32 {
      %mul3A_2113 = arith.constant 32 : i32
      %mul3A_2114 = arith.muli %scan3A_2111, %mul3A_2113 : i32
      %add3A_2115 = arith.constant 0 : i32
      %add3A_2116 = arith.addi %mul3A_2114, %add3A_2115 : i32
      %get3A_2117 = arith.index_cast %add3A_2116 : i32 to index
      %get3A_2118 = tpu.vector_load %arg10[%get3A_2117] {strides = array<i32>} : memref<1024xi32, #tpu.memory_space<vmem>>, vector<16xi32>,
      %mul3A_2119 = arith.constant 32 : i32
      %mul3A_2120 = arith.muli %scan3A_2111, %mul3A_2119 : i32
      %add3A_2121 = arith.addi %mul3A_0, %mul3A_2120 : i32
      %add3A_2122 = arith.constant 0 : i32
      %add3A_2123 = arith.addi %add3A_2121, %add3A_2122 : i32
      %add3A_2124 = vector.broadcast %add3A_2123 : i32 to vector<16xi32>
      %add3A_2125 = arith.addi %add3A_2124, %iota3A : vector<16xi32>
      %mul3A_2126 = arith.constant 16384 : i32
      %mul3A_2127 = vector.broadcast %mul3A_2126 : i32 to vector<16xi32>
      %mul3A_2128 = arith.muli %get3A_2118, %mul3A_2127 : vector<16xi32>
      %add3A_2129 = arith.addi %mul3A_2128, %add3A_2125 : vector<16xi32>
      %broadcast_in_dim3A_2130 = arith.constant 0 : i32
      %broadcast_in_dim3A_2131 = vector.broadcast %broadcast_in_dim3A_2130 : i32 to vector<16xi32>
      %add3A_2132 = arith.constant 42 : i32
      %add3A_2133 = vector.broadcast %add3A_2132 : i32 to vector<16xi32>
      %add3A_2134 = arith.addi %add3A_2129, %add3A_2133 : vector<16xi32>
      %add3A_2135 = arith.addi %broadcast_in_dim3A_2131, %add3A_2134 : vector<16xi32>
      %shift_left3A = arith.constant 13 : i32
      %shift_left3A_2136 = vector.broadcast %shift_left3A : i32 to vector<16xi32>
      %shift_left3A_2137 = arith.shli %add3A_2134, %shift_left3A_2136 : vector<16xi32>
      %shift_right_logical3A = arith.constant 19 : i32
      %shift_right_logical3A_2138 = vector.broadcast %shift_right_logical3A : i32 to vector<16xi32>
      %shift_right_logical3A_2139 = arith.shrui %add3A_2134, %shift_right_logical3A_2138 : vector<16xi32>
      %or3A = arith.ori %shift_left3A_2137, %shift_right_logical3A_2139 : vector<16xi32>
      %xor3A = arith.xori %or3A, %add3A_2135 : vector<16xi32>
      %add3A_2140 = arith.addi %add3A_2135, %xor3A : vector<16xi32>
      %shift_left3A_2141 = arith.constant 15 : i32
      %shift_left3A_2142 = vector.broadcast %shift_left3A_2141 : i32 to vector<16xi32>
      %shift_left3A_2143 = arith.shli %xor3A, %shift_left3A_2142 : vector<16xi32>
      %shift_right_logical3A_2144 = arith.constant 17 : i32
      %shift_right_logical3A_2145 = vector.broadcast %shift_right_logical3A_2144 : i32 to vector<16xi32>
      %shift_right_logical3A_2146 = arith.shrui %xor3A, %shift_right_logical3A_2145 : vector<16xi32>
      %or3A_2147 = arith.ori %shift_left3A_2143, %shift_right_logical3A_2146 : vector<16xi32>
      %xor3A_2148 = arith.xori %or3A_2147, %add3A_2140 : vector<16xi32>
      %add3A_2149 = arith.addi %add3A_2140, %xor3A_2148 : vector<16xi32>
      %shift_left3A_2150 = arith.constant 26 : i32
      %shift_left3A_2151 = vector.broadcast %shift_left3A_2150 : i32 to vector<16xi32>
      %shift_left3A_2152 = arith.shli %xor3A_2148, %shift_left3A_2151 : vector<16xi32>
      %shift_right_logical3A_2153 = arith.constant 6 : i32
      %shift_right_logical3A_2154 = vector.broadcast %shift_right_logical3A_2153 : i32 to vector<16xi32>
      %shift_right_logical3A_2155 = arith.shrui %xor3A_2148, %shift_right_logical3A_2154 : vector<16xi32>
      %or3A_2156 = arith.ori %shift_left3A_2152, %shift_right_logical3A_2155 : vector<16xi32>
      %xor3A_2157 = arith.xori %or3A_2156, %add3A_2149 : vector<16xi32>
      %add3A_2158 = arith.addi %add3A_2149, %xor3A_2157 : vector<16xi32>
      %shift_left3A_2159 = arith.constant 6 : i32
      %shift_left3A_2160 = vector.broadcast %shift_left3A_2159 : i32 to vector<16xi32>
      %shift_left3A_2161 = arith.shli %xor3A_2157, %shift_left3A_2160 : vector<16xi32>
      %shift_right_logical3A_2162 = arith.constant 26 : i32
      %shift_right_logical3A_2163 = vector.broadcast %shift_right_logical3A_2162 : i32 to vector<16xi32>
      %shift_right_logical3A_2164 = arith.shrui %xor3A_2157, %shift_right_logical3A_2163 : vector<16xi32>
      %or3A_2165 = arith.ori %shift_left3A_2161, %shift_right_logical3A_2164 : vector<16xi32>
      %xor3A_2166 = arith.xori %or3A_2165, %add3A_2158 : vector<16xi32>
      %add3A_2167 = arith.constant 42 : i32
      %add3A_2168 = vector.broadcast %add3A_2167 : i32 to vector<16xi32>
      %add3A_2169 = arith.addi %add3A_2158, %add3A_2168 : vector<16xi32>
      %add3A_2170 = arith.constant 466689008 : i32
      %add3A_2171 = vector.broadcast %add3A_2170 : i32 to vector<16xi32>
      %add3A_2172 = arith.addi %xor3A_2166, %add3A_2171 : vector<16xi32>
      %add3A_2173 = arith.constant 1 : i32
      %add3A_2174 = vector.broadcast %add3A_2173 : i32 to vector<16xi32>
      %add3A_2175 = arith.addi %add3A_2172, %add3A_2174 : vector<16xi32>
      %add3A_2176 = arith.addi %add3A_2169, %add3A_2175 : vector<16xi32>
      %shift_left3A_2177 = arith.constant 17 : i32
      %shift_left3A_2178 = vector.broadcast %shift_left3A_2177 : i32 to vector<16xi32>
      %shift_left3A_2179 = arith.shli %add3A_2175, %shift_left3A_2178 : vector<16xi32>
      %shift_right_logical3A_2180 = arith.constant 15 : i32
      %shift_right_logical3A_2181 = vector.broadcast %shift_right_logical3A_2180 : i32 to vector<16xi32>
      %shift_right_logical3A_2182 = arith.shrui %add3A_2175, %shift_right_logical3A_2181 : vector<16xi32>
      %or3A_2183 = arith.ori %shift_left3A_2179, %shift_right_logical3A_2182 : vector<16xi32>
      %xor3A_2184 = arith.xori %or3A_2183, %add3A_2176 : vector<16xi32>
      %add3A_2185 = arith.addi %add3A_2176, %xor3A_2184 : vector<16xi32>
      %shift_left3A_2186 = arith.constant 29 : i32
      %shift_left3A_2187 = vector.broadcast %shift_left3A_2186 : i32 to vector<16xi32>
      %shift_left3A_2188 = arith.shli %xor3A_2184, %shift_left3A_2187 : vector<16xi32>
      %shift_right_logical3A_2189 = arith.constant 3 : i32
      %shift_right_logical3A_2190 = vector.broadcast %shift_right_logical3A_2189 : i32 to vector<16xi32>
      %shift_right_logical3A_2191 = arith.shrui %xor3A_2184, %shift_right_logical3A_2190 : vector<16xi32>
      %or3A_2192 = arith.ori %shift_left3A_2188, %shift_right_logical3A_2191 : vector<16xi32>
      %xor3A_2193 = arith.xori %or3A_2192, %add3A_2185 : vector<16xi32>
      %add3A_2194 = arith.addi %add3A_2185, %xor3A_2193 : vector<16xi32>
      %shift_left3A_2195 = arith.constant 16 : i32
      %shift_left3A_2196 = vector.broadcast %shift_left3A_2195 : i32 to vector<16xi32>
      %shift_left3A_2197 = arith.shli %xor3A_2193, %shift_left3A_2196 : vector<16xi32>
      %shift_right_logical3A_2198 = arith.constant 16 : i32
      %shift_right_logical3A_2199 = vector.broadcast %shift_right_logical3A_2198 : i32 to vector<16xi32>
      %shift_right_logical3A_2200 = arith.shrui %xor3A_2193, %shift_right_logical3A_2199 : vector<16xi32>
      %or3A_2201 = arith.ori %shift_left3A_2197, %shift_right_logical3A_2200 : vector<16xi32>
      %xor3A_2202 = arith.xori %or3A_2201, %add3A_2194 : vector<16xi32>
      %add3A_2203 = arith.addi %add3A_2194, %xor3A_2202 : vector<16xi32>
      %shift_left3A_2204 = arith.constant 24 : i32
      %shift_left3A_2205 = vector.broadcast %shift_left3A_2204 : i32 to vector<16xi32>
      %shift_left3A_2206 = arith.shli %xor3A_2202, %shift_left3A_2205 : vector<16xi32>
      %shift_right_logical3A_2207 = arith.constant 8 : i32
      %shift_right_logical3A_2208 = vector.broadcast %shift_right_logical3A_2207 : i32 to vector<16xi32>
      %shift_right_logical3A_2209 = arith.shrui %xor3A_2202, %shift_right_logical3A_2208 : vector<16xi32>
      %or3A_2210 = arith.ori %shift_left3A_2206, %shift_right_logical3A_2209 : vector<16xi32>
      %xor3A_2211 = arith.xori %or3A_2210, %add3A_2203 : vector<16xi32>
      %add3A_2212 = arith.constant 466689008 : i32
      %add3A_2213 = vector.broadcast %add3A_2212 : i32 to vector<16xi32>
      %add3A_2214 = arith.addi %add3A_2203, %add3A_2213 : vector<16xi32>
      %add3A_2215 = arith.constant 0 : i32
      %add3A_2216 = vector.broadcast %add3A_2215 : i32 to vector<16xi32>
      %add3A_2217 = arith.addi %xor3A_2211, %add3A_2216 : vector<16xi32>
      %add3A_2218 = arith.constant 2 : i32
      %add3A_2219 = vector.broadcast %add3A_2218 : i32 to vector<16xi32>
      %add3A_2220 = arith.addi %add3A_2217, %add3A_2219 : vector<16xi32>
      %add3A_2221 = arith.addi %add3A_2214, %add3A_2220 : vector<16xi32>
      %shift_left3A_2222 = arith.constant 13 : i32
      %shift_left3A_2223 = vector.broadcast %shift_left3A_2222 : i32 to vector<16xi32>
      %shift_left3A_2224 = arith.shli %add3A_2220, %shift_left3A_2223 : vector<16xi32>
      %shift_right_logical3A_2225 = arith.constant 19 : i32
      %shift_right_logical3A_2226 = vector.broadcast %shift_right_logical3A_2225 : i32 to vector<16xi32>
      %shift_right_logical3A_2227 = arith.shrui %add3A_2220, %shift_right_logical3A_2226 : vector<16xi32>
      %or3A_2228 = arith.ori %shift_left3A_2224, %shift_right_logical3A_2227 : vector<16xi32>
      %xor3A_2229 = arith.xori %or3A_2228, %add3A_2221 : vector<16xi32>
      %add3A_2230 = arith.addi %add3A_2221, %xor3A_2229 : vector<16xi32>
      %shift_left3A_2231 = arith.constant 15 : i32
      %shift_left3A_2232 = vector.broadcast %shift_left3A_2231 : i32 to vector<16xi32>
      %shift_left3A_2233 = arith.shli %xor3A_2229, %shift_left3A_2232 : vector<16xi32>
      %shift_right_logical3A_2234 = arith.constant 17 : i32
      %shift_right_logical3A_2235 = vector.broadcast %shift_right_logical3A_2234 : i32 to vector<16xi32>
      %shift_right_logical3A_2236 = arith.shrui %xor3A_2229, %shift_right_logical3A_2235 : vector<16xi32>
      %or3A_2237 = arith.ori %shift_left3A_2233, %shift_right_logical3A_2236 : vector<16xi32>
      %xor3A_2238 = arith.xori %or3A_2237, %add3A_2230 : vector<16xi32>
      %add3A_2239 = arith.addi %add3A_2230, %xor3A_2238 : vector<16xi32>
      %shift_left3A_2240 = arith.constant 26 : i32
      %shift_left3A_2241 = vector.broadcast %shift_left3A_2240 : i32 to vector<16xi32>
      %shift_left3A_2242 = arith.shli %xor3A_2238, %shift_left3A_2241 : vector<16xi32>
      %shift_right_logical3A_2243 = arith.constant 6 : i32
      %shift_right_logical3A_2244 = vector.broadcast %shift_right_logical3A_2243 : i32 to vector<16xi32>
      %shift_right_logical3A_2245 = arith.shrui %xor3A_2238, %shift_right_logical3A_2244 : vector<16xi32>
      %or3A_2246 = arith.ori %shift_left3A_2242, %shift_right_logical3A_2245 : vector<16xi32>
      %xor3A_2247 = arith.xori %or3A_2246, %add3A_2239 : vector<16xi32>
      %add3A_2248 = arith.addi %add3A_2239, %xor3A_2247 : vector<16xi32>
      %shift_left3A_2249 = arith.constant 6 : i32
      %shift_left3A_2250 = vector.broadcast %shift_left3A_2249 : i32 to vector<16xi32>
      %shift_left3A_2251 = arith.shli %xor3A_2247, %shift_left3A_2250 : vector<16xi32>
      %shift_right_logical3A_2252 = arith.constant 26 : i32
      %shift_right_logical3A_2253 = vector.broadcast %shift_right_logical3A_2252 : i32 to vector<16xi32>
      %shift_right_logical3A_2254 = arith.shrui %xor3A_2247, %shift_right_logical3A_2253 : vector<16xi32>
      %or3A_2255 = arith.ori %shift_left3A_2251, %shift_right_logical3A_2254 : vector<16xi32>
      %xor3A_2256 = arith.xori %or3A_2255, %add3A_2248 : vector<16xi32>
      %add3A_2257 = arith.constant 0 : i32
      %add3A_2258 = vector.broadcast %add3A_2257 : i32 to vector<16xi32>
      %add3A_2259 = arith.addi %add3A_2248, %add3A_2258 : vector<16xi32>
      %add3A_2260 = arith.constant 42 : i32
      %add3A_2261 = vector.broadcast %add3A_2260 : i32 to vector<16xi32>
      %add3A_2262 = arith.addi %xor3A_2256, %add3A_2261 : vector<16xi32>
      %add3A_2263 = arith.constant 3 : i32
      %add3A_2264 = vector.broadcast %add3A_2263 : i32 to vector<16xi32>
      %add3A_2265 = arith.addi %add3A_2262, %add3A_2264 : vector<16xi32>
      %add3A_2266 = arith.addi %add3A_2259, %add3A_2265 : vector<16xi32>
      %shift_left3A_2267 = arith.constant 17 : i32
      %shift_left3A_2268 = vector.broadcast %shift_left3A_2267 : i32 to vector<16xi32>
      %shift_left3A_2269 = arith.shli %add3A_2265, %shift_left3A_2268 : vector<16xi32>
      %shift_right_logical3A_2270 = arith.constant 15 : i32
      %shift_right_logical3A_2271 = vector.broadcast %shift_right_logical3A_2270 : i32 to vector<16xi32>
      %shift_right_logical3A_2272 = arith.shrui %add3A_2265, %shift_right_logical3A_2271 : vector<16xi32>
      %or3A_2273 = arith.ori %shift_left3A_2269, %shift_right_logical3A_2272 : vector<16xi32>
      %xor3A_2274 = arith.xori %or3A_2273, %add3A_2266 : vector<16xi32>
      %add3A_2275 = arith.addi %add3A_2266, %xor3A_2274 : vector<16xi32>
      %shift_left3A_2276 = arith.constant 29 : i32
      %shift_left3A_2277 = vector.broadcast %shift_left3A_2276 : i32 to vector<16xi32>
      %shift_left3A_2278 = arith.shli %xor3A_2274, %shift_left3A_2277 : vector<16xi32>
      %shift_right_logical3A_2279 = arith.constant 3 : i32
      %shift_right_logical3A_2280 = vector.broadcast %shift_right_logical3A_2279 : i32 to vector<16xi32>
      %shift_right_logical3A_2281 = arith.shrui %xor3A_2274, %shift_right_logical3A_2280 : vector<16xi32>
      %or3A_2282 = arith.ori %shift_left3A_2278, %shift_right_logical3A_2281 : vector<16xi32>
      %xor3A_2283 = arith.xori %or3A_2282, %add3A_2275 : vector<16xi32>
      %add3A_2284 = arith.addi %add3A_2275, %xor3A_2283 : vector<16xi32>
      %shift_left3A_2285 = arith.constant 16 : i32
      %shift_left3A_2286 = vector.broadcast %shift_left3A_2285 : i32 to vector<16xi32>
      %shift_left3A_2287 = arith.shli %xor3A_2283, %shift_left3A_2286 : vector<16xi32>
      %shift_right_logical3A_2288 = arith.constant 16 : i32
      %shift_right_logical3A_2289 = vector.broadcast %shift_right_logical3A_2288 : i32 to vector<16xi32>
      %shift_right_logical3A_2290 = arith.shrui %xor3A_2283, %shift_right_logical3A_2289 : vector<16xi32>
      %or3A_2291 = arith.ori %shift_left3A_2287, %shift_right_logical3A_2290 : vector<16xi32>
      %xor3A_2292 = arith.xori %or3A_2291, %add3A_2284 : vector<16xi32>
      %add3A_2293 = arith.addi %add3A_2284, %xor3A_2292 : vector<16xi32>
      %shift_left3A_2294 = arith.constant 24 : i32
      %shift_left3A_2295 = vector.broadcast %shift_left3A_2294 : i32 to vector<16xi32>
      %shift_left3A_2296 = arith.shli %xor3A_2292, %shift_left3A_2295 : vector<16xi32>
      %shift_right_logical3A_2297 = arith.constant 8 : i32
      %shift_right_logical3A_2298 = vector.broadcast %shift_right_logical3A_2297 : i32 to vector<16xi32>
      %shift_right_logical3A_2299 = arith.shrui %xor3A_2292, %shift_right_logical3A_2298 : vector<16xi32>
      %or3A_2300 = arith.ori %shift_left3A_2296, %shift_right_logical3A_2299 : vector<16xi32>
      %xor3A_2301 = arith.xori %or3A_2300, %add3A_2293 : vector<16xi32>
      %add3A_2302 = arith.constant 42 : i32
      %add3A_2303 = vector.broadcast %add3A_2302 : i32 to vector<16xi32>
      %add3A_2304 = arith.addi %add3A_2293, %add3A_2303 : vector<16xi32>
      %add3A_2305 = arith.constant 466689008 : i32
      %add3A_2306 = vector.broadcast %add3A_2305 : i32 to vector<16xi32>
      %add3A_2307 = arith.addi %xor3A_2301, %add3A_2306 : vector<16xi32>
      %add3A_2308 = arith.constant 4 : i32
      %add3A_2309 = vector.broadcast %add3A_2308 : i32 to vector<16xi32>
      %add3A_2310 = arith.addi %add3A_2307, %add3A_2309 : vector<16xi32>
      %add3A_2311 = arith.addi %add3A_2304, %add3A_2310 : vector<16xi32>
      %shift_left3A_2312 = arith.constant 13 : i32
      %shift_left3A_2313 = vector.broadcast %shift_left3A_2312 : i32 to vector<16xi32>
      %shift_left3A_2314 = arith.shli %add3A_2310, %shift_left3A_2313 : vector<16xi32>
      %shift_right_logical3A_2315 = arith.constant 19 : i32
      %shift_right_logical3A_2316 = vector.broadcast %shift_right_logical3A_2315 : i32 to vector<16xi32>
      %shift_right_logical3A_2317 = arith.shrui %add3A_2310, %shift_right_logical3A_2316 : vector<16xi32>
      %or3A_2318 = arith.ori %shift_left3A_2314, %shift_right_logical3A_2317 : vector<16xi32>
      %xor3A_2319 = arith.xori %or3A_2318, %add3A_2311 : vector<16xi32>
      %add3A_2320 = arith.addi %add3A_2311, %xor3A_2319 : vector<16xi32>
      %shift_left3A_2321 = arith.constant 15 : i32
      %shift_left3A_2322 = vector.broadcast %shift_left3A_2321 : i32 to vector<16xi32>
      %shift_left3A_2323 = arith.shli %xor3A_2319, %shift_left3A_2322 : vector<16xi32>
      %shift_right_logical3A_2324 = arith.constant 17 : i32
      %shift_right_logical3A_2325 = vector.broadcast %shift_right_logical3A_2324 : i32 to vector<16xi32>
      %shift_right_logical3A_2326 = arith.shrui %xor3A_2319, %shift_right_logical3A_2325 : vector<16xi32>
      %or3A_2327 = arith.ori %shift_left3A_2323, %shift_right_logical3A_2326 : vector<16xi32>
      %xor3A_2328 = arith.xori %or3A_2327, %add3A_2320 : vector<16xi32>
      %add3A_2329 = arith.addi %add3A_2320, %xor3A_2328 : vector<16xi32>
      %shift_left3A_2330 = arith.constant 26 : i32
      %shift_left3A_2331 = vector.broadcast %shift_left3A_2330 : i32 to vector<16xi32>
      %shift_left3A_2332 = arith.shli %xor3A_2328, %shift_left3A_2331 : vector<16xi32>
      %shift_right_logical3A_2333 = arith.constant 6 : i32
      %shift_right_logical3A_2334 = vector.broadcast %shift_right_logical3A_2333 : i32 to vector<16xi32>
      %shift_right_logical3A_2335 = arith.shrui %xor3A_2328, %shift_right_logical3A_2334 : vector<16xi32>
      %or3A_2336 = arith.ori %shift_left3A_2332, %shift_right_logical3A_2335 : vector<16xi32>
      %xor3A_2337 = arith.xori %or3A_2336, %add3A_2329 : vector<16xi32>
      %add3A_2338 = arith.addi %add3A_2329, %xor3A_2337 : vector<16xi32>
      %shift_left3A_2339 = arith.constant 6 : i32
      %shift_left3A_2340 = vector.broadcast %shift_left3A_2339 : i32 to vector<16xi32>
      %shift_left3A_2341 = arith.shli %xor3A_2337, %shift_left3A_2340 : vector<16xi32>
      %shift_right_logical3A_2342 = arith.constant 26 : i32
      %shift_right_logical3A_2343 = vector.broadcast %shift_right_logical3A_2342 : i32 to vector<16xi32>
      %shift_right_logical3A_2344 = arith.shrui %xor3A_2337, %shift_right_logical3A_2343 : vector<16xi32>
      %or3A_2345 = arith.ori %shift_left3A_2341, %shift_right_logical3A_2344 : vector<16xi32>
      %xor3A_2346 = arith.xori %or3A_2345, %add3A_2338 : vector<16xi32>
      %add3A_2347 = arith.constant 466689008 : i32
      %add3A_2348 = vector.broadcast %add3A_2347 : i32 to vector<16xi32>
      %add3A_2349 = arith.addi %add3A_2338, %add3A_2348 : vector<16xi32>
      %add3A_2350 = arith.constant 0 : i32
      %add3A_2351 = vector.broadcast %add3A_2350 : i32 to vector<16xi32>
      %add3A_2352 = arith.addi %xor3A_2346, %add3A_2351 : vector<16xi32>
      %add3A_2353 = arith.constant 5 : i32
      %add3A_2354 = vector.broadcast %add3A_2353 : i32 to vector<16xi32>
      %add3A_2355 = arith.addi %add3A_2352, %add3A_2354 : vector<16xi32>
      %xor3A_2356 = arith.xori %add3A_2349, %add3A_2355 : vector<16xi32>
      %shift_right_logical3A_2357 = arith.constant 9 : i32
      %shift_right_logical3A_2358 = vector.broadcast %shift_right_logical3A_2357 : i32 to vector<16xi32>
      %shift_right_logical3A_2359 = arith.shrui %xor3A_2356, %shift_right_logical3A_2358 : vector<16xi32>
      %shift_left3A_2360 = arith.constant 8 : i32
      %shift_left3A_2361 = vector.broadcast %shift_left3A_2360 : i32 to vector<16xi32>
      %shift_left3A_2362 = arith.shli %add3A_2125, %shift_left3A_2361 : vector<16xi32>
      %mul3A_2363 = arith.constant 32 : i32
      %mul3A_2364 = arith.muli %scan3A_2111, %mul3A_2363 : i32
      %add3A_2365 = arith.constant 0 : i32
      %add3A_2366 = arith.addi %mul3A_2364, %add3A_2365 : i32
      %get3A_2367 = arith.index_cast %add3A_2366 : i32 to index
      %get3A_2368 = tpu.vector_load %arg11[%get3A_2367] {strides = array<i32>} : memref<1024xi32, #tpu.memory_space<vmem>>, vector<16xi32>,
      %shift_left3A_2369 = arith.constant 4 : i32
      %shift_left3A_2370 = vector.broadcast %shift_left3A_2369 : i32 to vector<16xi32>
      %shift_left3A_2371 = arith.shli %get3A_2368, %shift_left3A_2370 : vector<16xi32>
      %or3A_2372 = arith.ori %shift_left3A_2362, %shift_left3A_2371 : vector<16xi32>
      %mul3A_2373 = arith.constant 32 : i32
      %mul3A_2374 = arith.muli %scan3A_2111, %mul3A_2373 : i32
      %add3A_2375 = arith.constant 0 : i32
      %add3A_2376 = arith.addi %mul3A_2374, %add3A_2375 : i32
      %get3A_2377 = arith.index_cast %add3A_2376 : i32 to index
      %get3A_2378 = tpu.vector_load %arg12[%get3A_2377] {strides = array<i32>} : memref<1024xi32, #tpu.memory_space<vmem>>, vector<16xi32>,
      %or3A_2379 = arith.ori %or3A_2372, %get3A_2378 : vector<16xi32>
      %mul3A_2380 = arith.constant 512 : i32
      %mul3A_2381 = vector.broadcast %mul3A_2380 : i32 to vector<16xi32>
      %mul3A_2382 = arith.muli %iota3A, %mul3A_2381 : vector<16xi32>
      %and3A_2383 = arith.constant 511 : i32
      %and3A_2384 = vector.broadcast %and3A_2383 : i32 to vector<16xi32>
      %and3A_2385 = arith.andi %get3A_2118, %and3A_2384 : vector<16xi32>
      %add3A_2386 = arith.addi %mul3A_2382, %and3A_2385 : vector<16xi32>
      %mul3A_2387 = arith.constant 32 : i32
      %mul3A_2388 = arith.muli %scan3A_2111, %mul3A_2387 : i32
      %add3A_2389 = arith.constant 16 : i32
      %add3A_2390 = arith.addi %mul3A_2388, %add3A_2389 : i32
      %get3A_2391 = arith.index_cast %add3A_2390 : i32 to index
      %get3A_2392 = tpu.vector_load %arg10[%get3A_2391] {strides = array<i32>} : memref<1024xi32, #tpu.memory_space<vmem>>, vector<16xi32>,
      %mul3A_2393 = arith.constant 32 : i32
      %mul3A_2394 = arith.muli %scan3A_2111, %mul3A_2393 : i32
      %add3A_2395 = arith.addi %mul3A_0, %mul3A_2394 : i32
      %add3A_2396 = arith.constant 16 : i32
      %add3A_2397 = arith.addi %add3A_2395, %add3A_2396 : i32
      %add3A_2398 = vector.broadcast %add3A_2397 : i32 to vector<16xi32>
      %add3A_2399 = arith.addi %add3A_2398, %iota3A : vector<16xi32>
      %mul3A_2400 = arith.constant 16384 : i32
      %mul3A_2401 = vector.broadcast %mul3A_2400 : i32 to vector<16xi32>
      %mul3A_2402 = arith.muli %get3A_2392, %mul3A_2401 : vector<16xi32>
      %add3A_2403 = arith.addi %mul3A_2402, %add3A_2399 : vector<16xi32>
      %broadcast_in_dim3A_2404 = arith.constant 0 : i32
      %broadcast_in_dim3A_2405 = vector.broadcast %broadcast_in_dim3A_2404 : i32 to vector<16xi32>
      %add3A_2406 = arith.constant 42 : i32
      %add3A_2407 = vector.broadcast %add3A_2406 : i32 to vector<16xi32>
      %add3A_2408 = arith.addi %add3A_2403, %add3A_2407 : vector<16xi32>
      %add3A_2409 = arith.addi %broadcast_in_dim3A_2405, %add3A_2408 : vector<16xi32>
      %shift_left3A_2410 = arith.constant 13 : i32
      %shift_left3A_2411 = vector.broadcast %shift_left3A_2410 : i32 to vector<16xi32>
      %shift_left3A_2412 = arith.shli %add3A_2408, %shift_left3A_2411 : vector<16xi32>
      %shift_right_logical3A_2413 = arith.constant 19 : i32
      %shift_right_logical3A_2414 = vector.broadcast %shift_right_logical3A_2413 : i32 to vector<16xi32>
      %shift_right_logical3A_2415 = arith.shrui %add3A_2408, %shift_right_logical3A_2414 : vector<16xi32>
      %or3A_2416 = arith.ori %shift_left3A_2412, %shift_right_logical3A_2415 : vector<16xi32>
      %xor3A_2417 = arith.xori %or3A_2416, %add3A_2409 : vector<16xi32>
      %add3A_2418 = arith.addi %add3A_2409, %xor3A_2417 : vector<16xi32>
      %shift_left3A_2419 = arith.constant 15 : i32
      %shift_left3A_2420 = vector.broadcast %shift_left3A_2419 : i32 to vector<16xi32>
      %shift_left3A_2421 = arith.shli %xor3A_2417, %shift_left3A_2420 : vector<16xi32>
      %shift_right_logical3A_2422 = arith.constant 17 : i32
      %shift_right_logical3A_2423 = vector.broadcast %shift_right_logical3A_2422 : i32 to vector<16xi32>
      %shift_right_logical3A_2424 = arith.shrui %xor3A_2417, %shift_right_logical3A_2423 : vector<16xi32>
      %or3A_2425 = arith.ori %shift_left3A_2421, %shift_right_logical3A_2424 : vector<16xi32>
      %xor3A_2426 = arith.xori %or3A_2425, %add3A_2418 : vector<16xi32>
      %add3A_2427 = arith.addi %add3A_2418, %xor3A_2426 : vector<16xi32>
      %shift_left3A_2428 = arith.constant 26 : i32
      %shift_left3A_2429 = vector.broadcast %shift_left3A_2428 : i32 to vector<16xi32>
      %shift_left3A_2430 = arith.shli %xor3A_2426, %shift_left3A_2429 : vector<16xi32>
      %shift_right_logical3A_2431 = arith.constant 6 : i32
      %shift_right_logical3A_2432 = vector.broadcast %shift_right_logical3A_2431 : i32 to vector<16xi32>
      %shift_right_logical3A_2433 = arith.shrui %xor3A_2426, %shift_right_logical3A_2432 : vector<16xi32>
      %or3A_2434 = arith.ori %shift_left3A_2430, %shift_right_logical3A_2433 : vector<16xi32>
      %xor3A_2435 = arith.xori %or3A_2434, %add3A_2427 : vector<16xi32>
      %add3A_2436 = arith.addi %add3A_2427, %xor3A_2435 : vector<16xi32>
      %shift_left3A_2437 = arith.constant 6 : i32
      %shift_left3A_2438 = vector.broadcast %shift_left3A_2437 : i32 to vector<16xi32>
      %shift_left3A_2439 = arith.shli %xor3A_2435, %shift_left3A_2438 : vector<16xi32>
      %shift_right_logical3A_2440 = arith.constant 26 : i32
      %shift_right_logical3A_2441 = vector.broadcast %shift_right_logical3A_2440 : i32 to vector<16xi32>
      %shift_right_logical3A_2442 = arith.shrui %xor3A_2435, %shift_right_logical3A_2441 : vector<16xi32>
      %or3A_2443 = arith.ori %shift_left3A_2439, %shift_right_logical3A_2442 : vector<16xi32>
      %xor3A_2444 = arith.xori %or3A_2443, %add3A_2436 : vector<16xi32>
      %add3A_2445 = arith.constant 42 : i32
      %add3A_2446 = vector.broadcast %add3A_2445 : i32 to vector<16xi32>
      %add3A_2447 = arith.addi %add3A_2436, %add3A_2446 : vector<16xi32>
      %add3A_2448 = arith.constant 466689008 : i32
      %add3A_2449 = vector.broadcast %add3A_2448 : i32 to vector<16xi32>
      %add3A_2450 = arith.addi %xor3A_2444, %add3A_2449 : vector<16xi32>
      %add3A_2451 = arith.constant 1 : i32
      %add3A_2452 = vector.broadcast %add3A_2451 : i32 to vector<16xi32>
      %add3A_2453 = arith.addi %add3A_2450, %add3A_2452 : vector<16xi32>
      %add3A_2454 = arith.addi %add3A_2447, %add3A_2453 : vector<16xi32>
      %shift_left3A_2455 = arith.constant 17 : i32
      %shift_left3A_2456 = vector.broadcast %shift_left3A_2455 : i32 to vector<16xi32>
      %shift_left3A_2457 = arith.shli %add3A_2453, %shift_left3A_2456 : vector<16xi32>
      %shift_right_logical3A_2458 = arith.constant 15 : i32
      %shift_right_logical3A_2459 = vector.broadcast %shift_right_logical3A_2458 : i32 to vector<16xi32>
      %shift_right_logical3A_2460 = arith.shrui %add3A_2453, %shift_right_logical3A_2459 : vector<16xi32>
      %or3A_2461 = arith.ori %shift_left3A_2457, %shift_right_logical3A_2460 : vector<16xi32>
      %xor3A_2462 = arith.xori %or3A_2461, %add3A_2454 : vector<16xi32>
      %add3A_2463 = arith.addi %add3A_2454, %xor3A_2462 : vector<16xi32>
      %shift_left3A_2464 = arith.constant 29 : i32
      %shift_left3A_2465 = vector.broadcast %shift_left3A_2464 : i32 to vector<16xi32>
      %shift_left3A_2466 = arith.shli %xor3A_2462, %shift_left3A_2465 : vector<16xi32>
      %shift_right_logical3A_2467 = arith.constant 3 : i32
      %shift_right_logical3A_2468 = vector.broadcast %shift_right_logical3A_2467 : i32 to vector<16xi32>
      %shift_right_logical3A_2469 = arith.shrui %xor3A_2462, %shift_right_logical3A_2468 : vector<16xi32>
      %or3A_2470 = arith.ori %shift_left3A_2466, %shift_right_logical3A_2469 : vector<16xi32>
      %xor3A_2471 = arith.xori %or3A_2470, %add3A_2463 : vector<16xi32>
      %add3A_2472 = arith.addi %add3A_2463, %xor3A_2471 : vector<16xi32>
      %shift_left3A_2473 = arith.constant 16 : i32
      %shift_left3A_2474 = vector.broadcast %shift_left3A_2473 : i32 to vector<16xi32>
      %shift_left3A_2475 = arith.shli %xor3A_2471, %shift_left3A_2474 : vector<16xi32>
      %shift_right_logical3A_2476 = arith.constant 16 : i32
      %shift_right_logical3A_2477 = vector.broadcast %shift_right_logical3A_2476 : i32 to vector<16xi32>
      %shift_right_logical3A_2478 = arith.shrui %xor3A_2471, %shift_right_logical3A_2477 : vector<16xi32>
      %or3A_2479 = arith.ori %shift_left3A_2475, %shift_right_logical3A_2478 : vector<16xi32>
      %xor3A_2480 = arith.xori %or3A_2479, %add3A_2472 : vector<16xi32>
      %add3A_2481 = arith.addi %add3A_2472, %xor3A_2480 : vector<16xi32>
      %shift_left3A_2482 = arith.constant 24 : i32
      %shift_left3A_2483 = vector.broadcast %shift_left3A_2482 : i32 to vector<16xi32>
      %shift_left3A_2484 = arith.shli %xor3A_2480, %shift_left3A_2483 : vector<16xi32>
      %shift_right_logical3A_2485 = arith.constant 8 : i32
      %shift_right_logical3A_2486 = vector.broadcast %shift_right_logical3A_2485 : i32 to vector<16xi32>
      %shift_right_logical3A_2487 = arith.shrui %xor3A_2480, %shift_right_logical3A_2486 : vector<16xi32>
      %or3A_2488 = arith.ori %shift_left3A_2484, %shift_right_logical3A_2487 : vector<16xi32>
      %xor3A_2489 = arith.xori %or3A_2488, %add3A_2481 : vector<16xi32>
      %add3A_2490 = arith.constant 466689008 : i32
      %add3A_2491 = vector.broadcast %add3A_2490 : i32 to vector<16xi32>
      %add3A_2492 = arith.addi %add3A_2481, %add3A_2491 : vector<16xi32>
      %add3A_2493 = arith.constant 0 : i32
      %add3A_2494 = vector.broadcast %add3A_2493 : i32 to vector<16xi32>
      %add3A_2495 = arith.addi %xor3A_2489, %add3A_2494 : vector<16xi32>
      %add3A_2496 = arith.constant 2 : i32
      %add3A_2497 = vector.broadcast %add3A_2496 : i32 to vector<16xi32>
      %add3A_2498 = arith.addi %add3A_2495, %add3A_2497 : vector<16xi32>
      %add3A_2499 = arith.addi %add3A_2492, %add3A_2498 : vector<16xi32>
      %shift_left3A_2500 = arith.constant 13 : i32
      %shift_left3A_2501 = vector.broadcast %shift_left3A_2500 : i32 to vector<16xi32>
      %shift_left3A_2502 = arith.shli %add3A_2498, %shift_left3A_2501 : vector<16xi32>
      %shift_right_logical3A_2503 = arith.constant 19 : i32
      %shift_right_logical3A_2504 = vector.broadcast %shift_right_logical3A_2503 : i32 to vector<16xi32>
      %shift_right_logical3A_2505 = arith.shrui %add3A_2498, %shift_right_logical3A_2504 : vector<16xi32>
      %or3A_2506 = arith.ori %shift_left3A_2502, %shift_right_logical3A_2505 : vector<16xi32>
      %xor3A_2507 = arith.xori %or3A_2506, %add3A_2499 : vector<16xi32>
      %add3A_2508 = arith.addi %add3A_2499, %xor3A_2507 : vector<16xi32>
      %shift_left3A_2509 = arith.constant 15 : i32
      %shift_left3A_2510 = vector.broadcast %shift_left3A_2509 : i32 to vector<16xi32>
      %shift_left3A_2511 = arith.shli %xor3A_2507, %shift_left3A_2510 : vector<16xi32>
      %shift_right_logical3A_2512 = arith.constant 17 : i32
      %shift_right_logical3A_2513 = vector.broadcast %shift_right_logical3A_2512 : i32 to vector<16xi32>
      %shift_right_logical3A_2514 = arith.shrui %xor3A_2507, %shift_right_logical3A_2513 : vector<16xi32>
      %or3A_2515 = arith.ori %shift_left3A_2511, %shift_right_logical3A_2514 : vector<16xi32>
      %xor3A_2516 = arith.xori %or3A_2515, %add3A_2508 : vector<16xi32>
      %add3A_2517 = arith.addi %add3A_2508, %xor3A_2516 : vector<16xi32>
      %shift_left3A_2518 = arith.constant 26 : i32
      %shift_left3A_2519 = vector.broadcast %shift_left3A_2518 : i32 to vector<16xi32>
      %shift_left3A_2520 = arith.shli %xor3A_2516, %shift_left3A_2519 : vector<16xi32>
      %shift_right_logical3A_2521 = arith.constant 6 : i32
      %shift_right_logical3A_2522 = vector.broadcast %shift_right_logical3A_2521 : i32 to vector<16xi32>
      %shift_right_logical3A_2523 = arith.shrui %xor3A_2516, %shift_right_logical3A_2522 : vector<16xi32>
      %or3A_2524 = arith.ori %shift_left3A_2520, %shift_right_logical3A_2523 : vector<16xi32>
      %xor3A_2525 = arith.xori %or3A_2524, %add3A_2517 : vector<16xi32>
      %add3A_2526 = arith.addi %add3A_2517, %xor3A_2525 : vector<16xi32>
      %shift_left3A_2527 = arith.constant 6 : i32
      %shift_left3A_2528 = vector.broadcast %shift_left3A_2527 : i32 to vector<16xi32>
      %shift_left3A_2529 = arith.shli %xor3A_2525, %shift_left3A_2528 : vector<16xi32>
      %shift_right_logical3A_2530 = arith.constant 26 : i32
      %shift_right_logical3A_2531 = vector.broadcast %shift_right_logical3A_2530 : i32 to vector<16xi32>
      %shift_right_logical3A_2532 = arith.shrui %xor3A_2525, %shift_right_logical3A_2531 : vector<16xi32>
      %or3A_2533 = arith.ori %shift_left3A_2529, %shift_right_logical3A_2532 : vector<16xi32>
      %xor3A_2534 = arith.xori %or3A_2533, %add3A_2526 : vector<16xi32>
      %add3A_2535 = arith.constant 0 : i32
      %add3A_2536 = vector.broadcast %add3A_2535 : i32 to vector<16xi32>
      %add3A_2537 = arith.addi %add3A_2526, %add3A_2536 : vector<16xi32>
      %add3A_2538 = arith.constant 42 : i32
      %add3A_2539 = vector.broadcast %add3A_2538 : i32 to vector<16xi32>
      %add3A_2540 = arith.addi %xor3A_2534, %add3A_2539 : vector<16xi32>
      %add3A_2541 = arith.constant 3 : i32
      %add3A_2542 = vector.broadcast %add3A_2541 : i32 to vector<16xi32>
      %add3A_2543 = arith.addi %add3A_2540, %add3A_2542 : vector<16xi32>
      %add3A_2544 = arith.addi %add3A_2537, %add3A_2543 : vector<16xi32>
      %shift_left3A_2545 = arith.constant 17 : i32
      %shift_left3A_2546 = vector.broadcast %shift_left3A_2545 : i32 to vector<16xi32>
      %shift_left3A_2547 = arith.shli %add3A_2543, %shift_left3A_2546 : vector<16xi32>
      %shift_right_logical3A_2548 = arith.constant 15 : i32
      %shift_right_logical3A_2549 = vector.broadcast %shift_right_logical3A_2548 : i32 to vector<16xi32>
      %shift_right_logical3A_2550 = arith.shrui %add3A_2543, %shift_right_logical3A_2549 : vector<16xi32>
      %or3A_2551 = arith.ori %shift_left3A_2547, %shift_right_logical3A_2550 : vector<16xi32>
      %xor3A_2552 = arith.xori %or3A_2551, %add3A_2544 : vector<16xi32>
      %add3A_2553 = arith.addi %add3A_2544, %xor3A_2552 : vector<16xi32>
      %shift_left3A_2554 = arith.constant 29 : i32
      %shift_left3A_2555 = vector.broadcast %shift_left3A_2554 : i32 to vector<16xi32>
      %shift_left3A_2556 = arith.shli %xor3A_2552, %shift_left3A_2555 : vector<16xi32>
      %shift_right_logical3A_2557 = arith.constant 3 : i32
      %shift_right_logical3A_2558 = vector.broadcast %shift_right_logical3A_2557 : i32 to vector<16xi32>
      %shift_right_logical3A_2559 = arith.shrui %xor3A_2552, %shift_right_logical3A_2558 : vector<16xi32>
      %or3A_2560 = arith.ori %shift_left3A_2556, %shift_right_logical3A_2559 : vector<16xi32>
      %xor3A_2561 = arith.xori %or3A_2560, %add3A_2553 : vector<16xi32>
      %add3A_2562 = arith.addi %add3A_2553, %xor3A_2561 : vector<16xi32>
      %shift_left3A_2563 = arith.constant 16 : i32
      %shift_left3A_2564 = vector.broadcast %shift_left3A_2563 : i32 to vector<16xi32>
      %shift_left3A_2565 = arith.shli %xor3A_2561, %shift_left3A_2564 : vector<16xi32>
      %shift_right_logical3A_2566 = arith.constant 16 : i32
      %shift_right_logical3A_2567 = vector.broadcast %shift_right_logical3A_2566 : i32 to vector<16xi32>
      %shift_right_logical3A_2568 = arith.shrui %xor3A_2561, %shift_right_logical3A_2567 : vector<16xi32>
      %or3A_2569 = arith.ori %shift_left3A_2565, %shift_right_logical3A_2568 : vector<16xi32>
      %xor3A_2570 = arith.xori %or3A_2569, %add3A_2562 : vector<16xi32>
      %add3A_2571 = arith.addi %add3A_2562, %xor3A_2570 : vector<16xi32>
      %shift_left3A_2572 = arith.constant 24 : i32
      %shift_left3A_2573 = vector.broadcast %shift_left3A_2572 : i32 to vector<16xi32>
      %shift_left3A_2574 = arith.shli %xor3A_2570, %shift_left3A_2573 : vector<16xi32>
      %shift_right_logical3A_2575 = arith.constant 8 : i32
      %shift_right_logical3A_2576 = vector.broadcast %shift_right_logical3A_2575 : i32 to vector<16xi32>
      %shift_right_logical3A_2577 = arith.shrui %xor3A_2570, %shift_right_logical3A_2576 : vector<16xi32>
      %or3A_2578 = arith.ori %shift_left3A_2574, %shift_right_logical3A_2577 : vector<16xi32>
      %xor3A_2579 = arith.xori %or3A_2578, %add3A_2571 : vector<16xi32>
      %add3A_2580 = arith.constant 42 : i32
      %add3A_2581 = vector.broadcast %add3A_2580 : i32 to vector<16xi32>
      %add3A_2582 = arith.addi %add3A_2571, %add3A_2581 : vector<16xi32>
      %add3A_2583 = arith.constant 466689008 : i32
      %add3A_2584 = vector.broadcast %add3A_2583 : i32 to vector<16xi32>
      %add3A_2585 = arith.addi %xor3A_2579, %add3A_2584 : vector<16xi32>
      %add3A_2586 = arith.constant 4 : i32
      %add3A_2587 = vector.broadcast %add3A_2586 : i32 to vector<16xi32>
      %add3A_2588 = arith.addi %add3A_2585, %add3A_2587 : vector<16xi32>
      %add3A_2589 = arith.addi %add3A_2582, %add3A_2588 : vector<16xi32>
      %shift_left3A_2590 = arith.constant 13 : i32
      %shift_left3A_2591 = vector.broadcast %shift_left3A_2590 : i32 to vector<16xi32>
      %shift_left3A_2592 = arith.shli %add3A_2588, %shift_left3A_2591 : vector<16xi32>
      %shift_right_logical3A_2593 = arith.constant 19 : i32
      %shift_right_logical3A_2594 = vector.broadcast %shift_right_logical3A_2593 : i32 to vector<16xi32>
      %shift_right_logical3A_2595 = arith.shrui %add3A_2588, %shift_right_logical3A_2594 : vector<16xi32>
      %or3A_2596 = arith.ori %shift_left3A_2592, %shift_right_logical3A_2595 : vector<16xi32>
      %xor3A_2597 = arith.xori %or3A_2596, %add3A_2589 : vector<16xi32>
      %add3A_2598 = arith.addi %add3A_2589, %xor3A_2597 : vector<16xi32>
      %shift_left3A_2599 = arith.constant 15 : i32
      %shift_left3A_2600 = vector.broadcast %shift_left3A_2599 : i32 to vector<16xi32>
      %shift_left3A_2601 = arith.shli %xor3A_2597, %shift_left3A_2600 : vector<16xi32>
      %shift_right_logical3A_2602 = arith.constant 17 : i32
      %shift_right_logical3A_2603 = vector.broadcast %shift_right_logical3A_2602 : i32 to vector<16xi32>
      %shift_right_logical3A_2604 = arith.shrui %xor3A_2597, %shift_right_logical3A_2603 : vector<16xi32>
      %or3A_2605 = arith.ori %shift_left3A_2601, %shift_right_logical3A_2604 : vector<16xi32>
      %xor3A_2606 = arith.xori %or3A_2605, %add3A_2598 : vector<16xi32>
      %add3A_2607 = arith.addi %add3A_2598, %xor3A_2606 : vector<16xi32>
      %shift_left3A_2608 = arith.constant 26 : i32
      %shift_left3A_2609 = vector.broadcast %shift_left3A_2608 : i32 to vector<16xi32>
      %shift_left3A_2610 = arith.shli %xor3A_2606, %shift_left3A_2609 : vector<16xi32>
      %shift_right_logical3A_2611 = arith.constant 6 : i32
      %shift_right_logical3A_2612 = vector.broadcast %shift_right_logical3A_2611 : i32 to vector<16xi32>
      %shift_right_logical3A_2613 = arith.shrui %xor3A_2606, %shift_right_logical3A_2612 : vector<16xi32>
      %or3A_2614 = arith.ori %shift_left3A_2610, %shift_right_logical3A_2613 : vector<16xi32>
      %xor3A_2615 = arith.xori %or3A_2614, %add3A_2607 : vector<16xi32>
      %add3A_2616 = arith.addi %add3A_2607, %xor3A_2615 : vector<16xi32>
      %shift_left3A_2617 = arith.constant 6 : i32
      %shift_left3A_2618 = vector.broadcast %shift_left3A_2617 : i32 to vector<16xi32>
      %shift_left3A_2619 = arith.shli %xor3A_2615, %shift_left3A_2618 : vector<16xi32>
      %shift_right_logical3A_2620 = arith.constant 26 : i32
      %shift_right_logical3A_2621 = vector.broadcast %shift_right_logical3A_2620 : i32 to vector<16xi32>
      %shift_right_logical3A_2622 = arith.shrui %xor3A_2615, %shift_right_logical3A_2621 : vector<16xi32>
      %or3A_2623 = arith.ori %shift_left3A_2619, %shift_right_logical3A_2622 : vector<16xi32>
      %xor3A_2624 = arith.xori %or3A_2623, %add3A_2616 : vector<16xi32>
      %add3A_2625 = arith.constant 466689008 : i32
      %add3A_2626 = vector.broadcast %add3A_2625 : i32 to vector<16xi32>
      %add3A_2627 = arith.addi %add3A_2616, %add3A_2626 : vector<16xi32>
      %add3A_2628 = arith.constant 0 : i32
      %add3A_2629 = vector.broadcast %add3A_2628 : i32 to vector<16xi32>
      %add3A_2630 = arith.addi %xor3A_2624, %add3A_2629 : vector<16xi32>
      %add3A_2631 = arith.constant 5 : i32
      %add3A_2632 = vector.broadcast %add3A_2631 : i32 to vector<16xi32>
      %add3A_2633 = arith.addi %add3A_2630, %add3A_2632 : vector<16xi32>
      %xor3A_2634 = arith.xori %add3A_2627, %add3A_2633 : vector<16xi32>
      %shift_right_logical3A_2635 = arith.constant 9 : i32
      %shift_right_logical3A_2636 = vector.broadcast %shift_right_logical3A_2635 : i32 to vector<16xi32>
      %shift_right_logical3A_2637 = arith.shrui %xor3A_2634, %shift_right_logical3A_2636 : vector<16xi32>
      %shift_left3A_2638 = arith.constant 8 : i32
      %shift_left3A_2639 = vector.broadcast %shift_left3A_2638 : i32 to vector<16xi32>
      %shift_left3A_2640 = arith.shli %add3A_2399, %shift_left3A_2639 : vector<16xi32>
      %mul3A_2641 = arith.constant 32 : i32
      %mul3A_2642 = arith.muli %scan3A_2111, %mul3A_2641 : i32
      %add3A_2643 = arith.constant 16 : i32
      %add3A_2644 = arith.addi %mul3A_2642, %add3A_2643 : i32
      %get3A_2645 = arith.index_cast %add3A_2644 : i32 to index
      %get3A_2646 = tpu.vector_load %arg11[%get3A_2645] {strides = array<i32>} : memref<1024xi32, #tpu.memory_space<vmem>>, vector<16xi32>,
      %shift_left3A_2647 = arith.constant 4 : i32
      %shift_left3A_2648 = vector.broadcast %shift_left3A_2647 : i32 to vector<16xi32>
      %shift_left3A_2649 = arith.shli %get3A_2646, %shift_left3A_2648 : vector<16xi32>
      %or3A_2650 = arith.ori %shift_left3A_2640, %shift_left3A_2649 : vector<16xi32>
      %mul3A_2651 = arith.constant 32 : i32
      %mul3A_2652 = arith.muli %scan3A_2111, %mul3A_2651 : i32
      %add3A_2653 = arith.constant 16 : i32
      %add3A_2654 = arith.addi %mul3A_2652, %add3A_2653 : i32
      %get3A_2655 = arith.index_cast %add3A_2654 : i32 to index
      %get3A_2656 = tpu.vector_load %arg12[%get3A_2655] {strides = array<i32>} : memref<1024xi32, #tpu.memory_space<vmem>>, vector<16xi32>,
      %or3A_2657 = arith.ori %or3A_2650, %get3A_2656 : vector<16xi32>
      %mul3A_2658 = arith.constant 512 : i32
      %mul3A_2659 = vector.broadcast %mul3A_2658 : i32 to vector<16xi32>
      %mul3A_2660 = arith.muli %iota3A, %mul3A_2659 : vector<16xi32>
      %and3A_2661 = arith.constant 511 : i32
      %and3A_2662 = vector.broadcast %and3A_2661 : i32 to vector<16xi32>
      %and3A_2663 = arith.andi %get3A_2392, %and3A_2662 : vector<16xi32>
      %add3A_2664 = arith.addi %mul3A_2660, %and3A_2663 : vector<16xi32>
      %shift_right_arithmetic3A_2665 = arith.constant 9 : i32
      %shift_right_arithmetic3A_2666 = vector.broadcast %shift_right_arithmetic3A_2665 : i32 to vector<16xi32>
      %shift_right_arithmetic3A_2667 = arith.shrsi %get3A_2118, %shift_right_arithmetic3A_2666 : vector<16xi32>
      %eq3A = vector.broadcast %arg0 : i32 to vector<16xi32>
      %eq3A_2668 = arith.cmpi eq, %shift_right_arithmetic3A_2667, %eq3A : vector<16xi32>
      %gather3A = tpu.vector_load_idx %arg13[%add3A_2386] : memref<8192xi32, #tpu.memory_space<vmem>>[vector<16xi32>], vector<16xi32>,
      %gt3A = arith.cmpi sgt, %shift_right_logical3A_2359, %gather3A : vector<16xi32>
      %and3A_2669 = arith.andi %eq3A_2668, %gt3A : vector<16xi1>
      tpu.vector_store_idx %arg13[%add3A_2386], %shift_right_logical3A_2359 masked %and3A_2669 : memref<8192xi32, #tpu.memory_space<vmem>>[vector<16xi32>], vector<16xi32>, vector<16xi1>
      tpu.vector_store_idx %arg14[%add3A_2386], %or3A_2379 masked %and3A_2669 : memref<8192xi32, #tpu.memory_space<vmem>>[vector<16xi32>], vector<16xi32>, vector<16xi1>
      %shift_right_arithmetic3A_2670 = arith.constant 9 : i32
      %shift_right_arithmetic3A_2671 = vector.broadcast %shift_right_arithmetic3A_2670 : i32 to vector<16xi32>
      %shift_right_arithmetic3A_2672 = arith.shrsi %get3A_2392, %shift_right_arithmetic3A_2671 : vector<16xi32>
      %eq3A_2673 = vector.broadcast %arg0 : i32 to vector<16xi32>
      %eq3A_2674 = arith.cmpi eq, %shift_right_arithmetic3A_2672, %eq3A_2673 : vector<16xi32>
      %gather3A_2675 = tpu.vector_load_idx %arg13[%add3A_2664] : memref<8192xi32, #tpu.memory_space<vmem>>[vector<16xi32>], vector<16xi32>,
      %gt3A_2676 = arith.cmpi sgt, %shift_right_logical3A_2637, %gather3A_2675 : vector<16xi32>
      %and3A_2677 = arith.andi %eq3A_2674, %gt3A_2676 : vector<16xi1>
      tpu.vector_store_idx %arg13[%add3A_2664], %shift_right_logical3A_2637 masked %and3A_2677 : memref<8192xi32, #tpu.memory_space<vmem>>[vector<16xi32>], vector<16xi32>, vector<16xi1>
      tpu.vector_store_idx %arg14[%add3A_2664], %or3A_2657 masked %and3A_2677 : memref<8192xi32, #tpu.memory_space<vmem>>[vector<16xi32>], vector<16xi32>, vector<16xi1>
      %scan3A_2678 = arith.constant 0 : i32
      scf.yield %scan3A_2678 : i32
    }
    %scan3A_32 = arith.constant 32 : i32
    %scan3A_33 = arith.constant 0 : i32
    %scan3A_34 = arith.constant 0 : i32
    %scan3A_35 = arith.constant 32 : i32
    %scan3A_36 = arith.addi %scan3A_34, %scan3A_35 : i32
    %scan3A_37 = arith.constant 1 : i32
    %scan3A_38 = scf.for %scan3A_2111 = %scan3A_34 to %scan3A_36 step %scan3A_37 iter_args(%scan3A_2112 = %scan3A_33) -> (i32)  : i32 {
      %mul3A_2113 = arith.constant 16 : i32
      %mul3A_2114 = arith.muli %scan3A_2111, %mul3A_2113 : i32
      %add3A_2115 = arith.constant 0 : i32
      %add3A_2116 = arith.addi %add3A_2115, %mul3A_2114 : i32
      %mul3A_2117 = arith.constant 16 : i32
      %mul3A_2118 = arith.muli %scan3A_2111, %mul3A_2117 : i32
      %add3A_2119 = arith.constant 4096 : i32
      %add3A_2120 = arith.addi %add3A_2119, %mul3A_2118 : i32
      %get3A_2121 = arith.index_cast %add3A_2116 : i32 to index
      %get3A_2122 = tpu.vector_load %arg13[%get3A_2121] {strides = array<i32>} : memref<8192xi32, #tpu.memory_space<vmem>>, vector<16xi32>,
      %get3A_2123 = arith.index_cast %add3A_2120 : i32 to index
      %get3A_2124 = tpu.vector_load %arg13[%get3A_2123] {strides = array<i32>} : memref<8192xi32, #tpu.memory_space<vmem>>, vector<16xi32>,
      %get3A_2125 = arith.index_cast %add3A_2116 : i32 to index
      %get3A_2126 = tpu.vector_load %arg14[%get3A_2125] {strides = array<i32>} : memref<8192xi32, #tpu.memory_space<vmem>>, vector<16xi32>,
      %get3A_2127 = arith.index_cast %add3A_2120 : i32 to index
      %get3A_2128 = tpu.vector_load %arg14[%get3A_2127] {strides = array<i32>} : memref<8192xi32, #tpu.memory_space<vmem>>, vector<16xi32>,
      %gt3A = arith.cmpi sgt, %get3A_2124, %get3A_2122 : vector<16xi32>
      %eq3A = arith.cmpi eq, %get3A_2124, %get3A_2122 : vector<16xi32>
      %lt3A = arith.cmpi slt, %get3A_2128, %get3A_2126 : vector<16xi32>
      %and3A_2129 = arith.andi %eq3A, %lt3A : vector<16xi1>
      %or3A = arith.ori %gt3A, %and3A_2129 : vector<16xi1>
      %select_n3A = arith.select %or3A, %get3A_2124, %get3A_2122 : vector<16xi1>, vector<16xi32>
      %swap3A_2130 = arith.index_cast %add3A_2116 : i32 to index
      %swap3A_2131 = tpu.vector_load %arg13[%swap3A_2130] {strides = array<i32>} : memref<8192xi32, #tpu.memory_space<vmem>>, vector<16xi32>,
      tpu.vector_store %arg13[%swap3A_2130], %select_n3A {strides = array<i32>} : memref<8192xi32, #tpu.memory_space<vmem>>, vector<16xi32>,
      %select_n3A_2132 = arith.select %or3A, %get3A_2128, %get3A_2126 : vector<16xi1>, vector<16xi32>
      %swap3A_2133 = arith.index_cast %add3A_2116 : i32 to index
      %swap3A_2134 = tpu.vector_load %arg14[%swap3A_2133] {strides = array<i32>} : memref<8192xi32, #tpu.memory_space<vmem>>, vector<16xi32>,
      tpu.vector_store %arg14[%swap3A_2133], %select_n3A_2132 {strides = array<i32>} : memref<8192xi32, #tpu.memory_space<vmem>>, vector<16xi32>,
      %mul3A_2135 = arith.constant 16 : i32
      %mul3A_2136 = arith.muli %scan3A_2111, %mul3A_2135 : i32
      %add3A_2137 = arith.constant 512 : i32
      %add3A_2138 = arith.addi %add3A_2137, %mul3A_2136 : i32
      %mul3A_2139 = arith.constant 16 : i32
      %mul3A_2140 = arith.muli %scan3A_2111, %mul3A_2139 : i32
      %add3A_2141 = arith.constant 4608 : i32
      %add3A_2142 = arith.addi %add3A_2141, %mul3A_2140 : i32
      %get3A_2143 = arith.index_cast %add3A_2138 : i32 to index
      %get3A_2144 = tpu.vector_load %arg13[%get3A_2143] {strides = array<i32>} : memref<8192xi32, #tpu.memory_space<vmem>>, vector<16xi32>,
      %get3A_2145 = arith.index_cast %add3A_2142 : i32 to index
      %get3A_2146 = tpu.vector_load %arg13[%get3A_2145] {strides = array<i32>} : memref<8192xi32, #tpu.memory_space<vmem>>, vector<16xi32>,
      %get3A_2147 = arith.index_cast %add3A_2138 : i32 to index
      %get3A_2148 = tpu.vector_load %arg14[%get3A_2147] {strides = array<i32>} : memref<8192xi32, #tpu.memory_space<vmem>>, vector<16xi32>,
      %get3A_2149 = arith.index_cast %add3A_2142 : i32 to index
      %get3A_2150 = tpu.vector_load %arg14[%get3A_2149] {strides = array<i32>} : memref<8192xi32, #tpu.memory_space<vmem>>, vector<16xi32>,
      %gt3A_2151 = arith.cmpi sgt, %get3A_2146, %get3A_2144 : vector<16xi32>
      %eq3A_2152 = arith.cmpi eq, %get3A_2146, %get3A_2144 : vector<16xi32>
      %lt3A_2153 = arith.cmpi slt, %get3A_2150, %get3A_2148 : vector<16xi32>
      %and3A_2154 = arith.andi %eq3A_2152, %lt3A_2153 : vector<16xi1>
      %or3A_2155 = arith.ori %gt3A_2151, %and3A_2154 : vector<16xi1>
      %select_n3A_2156 = arith.select %or3A_2155, %get3A_2146, %get3A_2144 : vector<16xi1>, vector<16xi32>
      %swap3A_2157 = arith.index_cast %add3A_2138 : i32 to index
      %swap3A_2158 = tpu.vector_load %arg13[%swap3A_2157] {strides = array<i32>} : memref<8192xi32, #tpu.memory_space<vmem>>, vector<16xi32>,
      tpu.vector_store %arg13[%swap3A_2157], %select_n3A_2156 {strides = array<i32>} : memref<8192xi32, #tpu.memory_space<vmem>>, vector<16xi32>,
      %select_n3A_2159 = arith.select %or3A_2155, %get3A_2150, %get3A_2148 : vector<16xi1>, vector<16xi32>
      %swap3A_2160 = arith.index_cast %add3A_2138 : i32 to index
      %swap3A_2161 = tpu.vector_load %arg14[%swap3A_2160] {strides = array<i32>} : memref<8192xi32, #tpu.memory_space<vmem>>, vector<16xi32>,
      tpu.vector_store %arg14[%swap3A_2160], %select_n3A_2159 {strides = array<i32>} : memref<8192xi32, #tpu.memory_space<vmem>>, vector<16xi32>,
      %mul3A_2162 = arith.constant 16 : i32
      %mul3A_2163 = arith.muli %scan3A_2111, %mul3A_2162 : i32
      %add3A_2164 = arith.constant 1024 : i32
      %add3A_2165 = arith.addi %add3A_2164, %mul3A_2163 : i32
      %mul3A_2166 = arith.constant 16 : i32
      %mul3A_2167 = arith.muli %scan3A_2111, %mul3A_2166 : i32
      %add3A_2168 = arith.constant 5120 : i32
      %add3A_2169 = arith.addi %add3A_2168, %mul3A_2167 : i32
      %get3A_2170 = arith.index_cast %add3A_2165 : i32 to index
      %get3A_2171 = tpu.vector_load %arg13[%get3A_2170] {strides = array<i32>} : memref<8192xi32, #tpu.memory_space<vmem>>, vector<16xi32>,
      %get3A_2172 = arith.index_cast %add3A_2169 : i32 to index
      %get3A_2173 = tpu.vector_load %arg13[%get3A_2172] {strides = array<i32>} : memref<8192xi32, #tpu.memory_space<vmem>>, vector<16xi32>,
      %get3A_2174 = arith.index_cast %add3A_2165 : i32 to index
      %get3A_2175 = tpu.vector_load %arg14[%get3A_2174] {strides = array<i32>} : memref<8192xi32, #tpu.memory_space<vmem>>, vector<16xi32>,
      %get3A_2176 = arith.index_cast %add3A_2169 : i32 to index
      %get3A_2177 = tpu.vector_load %arg14[%get3A_2176] {strides = array<i32>} : memref<8192xi32, #tpu.memory_space<vmem>>, vector<16xi32>,
      %gt3A_2178 = arith.cmpi sgt, %get3A_2173, %get3A_2171 : vector<16xi32>
      %eq3A_2179 = arith.cmpi eq, %get3A_2173, %get3A_2171 : vector<16xi32>
      %lt3A_2180 = arith.cmpi slt, %get3A_2177, %get3A_2175 : vector<16xi32>
      %and3A_2181 = arith.andi %eq3A_2179, %lt3A_2180 : vector<16xi1>
      %or3A_2182 = arith.ori %gt3A_2178, %and3A_2181 : vector<16xi1>
      %select_n3A_2183 = arith.select %or3A_2182, %get3A_2173, %get3A_2171 : vector<16xi1>, vector<16xi32>
      %swap3A_2184 = arith.index_cast %add3A_2165 : i32 to index
      %swap3A_2185 = tpu.vector_load %arg13[%swap3A_2184] {strides = array<i32>} : memref<8192xi32, #tpu.memory_space<vmem>>, vector<16xi32>,
      tpu.vector_store %arg13[%swap3A_2184], %select_n3A_2183 {strides = array<i32>} : memref<8192xi32, #tpu.memory_space<vmem>>, vector<16xi32>,
      %select_n3A_2186 = arith.select %or3A_2182, %get3A_2177, %get3A_2175 : vector<16xi1>, vector<16xi32>
      %swap3A_2187 = arith.index_cast %add3A_2165 : i32 to index
      %swap3A_2188 = tpu.vector_load %arg14[%swap3A_2187] {strides = array<i32>} : memref<8192xi32, #tpu.memory_space<vmem>>, vector<16xi32>,
      tpu.vector_store %arg14[%swap3A_2187], %select_n3A_2186 {strides = array<i32>} : memref<8192xi32, #tpu.memory_space<vmem>>, vector<16xi32>,
      %mul3A_2189 = arith.constant 16 : i32
      %mul3A_2190 = arith.muli %scan3A_2111, %mul3A_2189 : i32
      %add3A_2191 = arith.constant 1536 : i32
      %add3A_2192 = arith.addi %add3A_2191, %mul3A_2190 : i32
      %mul3A_2193 = arith.constant 16 : i32
      %mul3A_2194 = arith.muli %scan3A_2111, %mul3A_2193 : i32
      %add3A_2195 = arith.constant 5632 : i32
      %add3A_2196 = arith.addi %add3A_2195, %mul3A_2194 : i32
      %get3A_2197 = arith.index_cast %add3A_2192 : i32 to index
      %get3A_2198 = tpu.vector_load %arg13[%get3A_2197] {strides = array<i32>} : memref<8192xi32, #tpu.memory_space<vmem>>, vector<16xi32>,
      %get3A_2199 = arith.index_cast %add3A_2196 : i32 to index
      %get3A_2200 = tpu.vector_load %arg13[%get3A_2199] {strides = array<i32>} : memref<8192xi32, #tpu.memory_space<vmem>>, vector<16xi32>,
      %get3A_2201 = arith.index_cast %add3A_2192 : i32 to index
      %get3A_2202 = tpu.vector_load %arg14[%get3A_2201] {strides = array<i32>} : memref<8192xi32, #tpu.memory_space<vmem>>, vector<16xi32>,
      %get3A_2203 = arith.index_cast %add3A_2196 : i32 to index
      %get3A_2204 = tpu.vector_load %arg14[%get3A_2203] {strides = array<i32>} : memref<8192xi32, #tpu.memory_space<vmem>>, vector<16xi32>,
      %gt3A_2205 = arith.cmpi sgt, %get3A_2200, %get3A_2198 : vector<16xi32>
      %eq3A_2206 = arith.cmpi eq, %get3A_2200, %get3A_2198 : vector<16xi32>
      %lt3A_2207 = arith.cmpi slt, %get3A_2204, %get3A_2202 : vector<16xi32>
      %and3A_2208 = arith.andi %eq3A_2206, %lt3A_2207 : vector<16xi1>
      %or3A_2209 = arith.ori %gt3A_2205, %and3A_2208 : vector<16xi1>
      %select_n3A_2210 = arith.select %or3A_2209, %get3A_2200, %get3A_2198 : vector<16xi1>, vector<16xi32>
      %swap3A_2211 = arith.index_cast %add3A_2192 : i32 to index
      %swap3A_2212 = tpu.vector_load %arg13[%swap3A_2211] {strides = array<i32>} : memref<8192xi32, #tpu.memory_space<vmem>>, vector<16xi32>,
      tpu.vector_store %arg13[%swap3A_2211], %select_n3A_2210 {strides = array<i32>} : memref<8192xi32, #tpu.memory_space<vmem>>, vector<16xi32>,
      %select_n3A_2213 = arith.select %or3A_2209, %get3A_2204, %get3A_2202 : vector<16xi1>, vector<16xi32>
      %swap3A_2214 = arith.index_cast %add3A_2192 : i32 to index
      %swap3A_2215 = tpu.vector_load %arg14[%swap3A_2214] {strides = array<i32>} : memref<8192xi32, #tpu.memory_space<vmem>>, vector<16xi32>,
      tpu.vector_store %arg14[%swap3A_2214], %select_n3A_2213 {strides = array<i32>} : memref<8192xi32, #tpu.memory_space<vmem>>, vector<16xi32>,
      %mul3A_2216 = arith.constant 16 : i32
      %mul3A_2217 = arith.muli %scan3A_2111, %mul3A_2216 : i32
      %add3A_2218 = arith.constant 2048 : i32
      %add3A_2219 = arith.addi %add3A_2218, %mul3A_2217 : i32
      %mul3A_2220 = arith.constant 16 : i32
      %mul3A_2221 = arith.muli %scan3A_2111, %mul3A_2220 : i32
      %add3A_2222 = arith.constant 6144 : i32
      %add3A_2223 = arith.addi %add3A_2222, %mul3A_2221 : i32
      %get3A_2224 = arith.index_cast %add3A_2219 : i32 to index
      %get3A_2225 = tpu.vector_load %arg13[%get3A_2224] {strides = array<i32>} : memref<8192xi32, #tpu.memory_space<vmem>>, vector<16xi32>,
      %get3A_2226 = arith.index_cast %add3A_2223 : i32 to index
      %get3A_2227 = tpu.vector_load %arg13[%get3A_2226] {strides = array<i32>} : memref<8192xi32, #tpu.memory_space<vmem>>, vector<16xi32>,
      %get3A_2228 = arith.index_cast %add3A_2219 : i32 to index
      %get3A_2229 = tpu.vector_load %arg14[%get3A_2228] {strides = array<i32>} : memref<8192xi32, #tpu.memory_space<vmem>>, vector<16xi32>,
      %get3A_2230 = arith.index_cast %add3A_2223 : i32 to index
      %get3A_2231 = tpu.vector_load %arg14[%get3A_2230] {strides = array<i32>} : memref<8192xi32, #tpu.memory_space<vmem>>, vector<16xi32>,
      %gt3A_2232 = arith.cmpi sgt, %get3A_2227, %get3A_2225 : vector<16xi32>
      %eq3A_2233 = arith.cmpi eq, %get3A_2227, %get3A_2225 : vector<16xi32>
      %lt3A_2234 = arith.cmpi slt, %get3A_2231, %get3A_2229 : vector<16xi32>
      %and3A_2235 = arith.andi %eq3A_2233, %lt3A_2234 : vector<16xi1>
      %or3A_2236 = arith.ori %gt3A_2232, %and3A_2235 : vector<16xi1>
      %select_n3A_2237 = arith.select %or3A_2236, %get3A_2227, %get3A_2225 : vector<16xi1>, vector<16xi32>
      %swap3A_2238 = arith.index_cast %add3A_2219 : i32 to index
      %swap3A_2239 = tpu.vector_load %arg13[%swap3A_2238] {strides = array<i32>} : memref<8192xi32, #tpu.memory_space<vmem>>, vector<16xi32>,
      tpu.vector_store %arg13[%swap3A_2238], %select_n3A_2237 {strides = array<i32>} : memref<8192xi32, #tpu.memory_space<vmem>>, vector<16xi32>,
      %select_n3A_2240 = arith.select %or3A_2236, %get3A_2231, %get3A_2229 : vector<16xi1>, vector<16xi32>
      %swap3A_2241 = arith.index_cast %add3A_2219 : i32 to index
      %swap3A_2242 = tpu.vector_load %arg14[%swap3A_2241] {strides = array<i32>} : memref<8192xi32, #tpu.memory_space<vmem>>, vector<16xi32>,
      tpu.vector_store %arg14[%swap3A_2241], %select_n3A_2240 {strides = array<i32>} : memref<8192xi32, #tpu.memory_space<vmem>>, vector<16xi32>,
      %mul3A_2243 = arith.constant 16 : i32
      %mul3A_2244 = arith.muli %scan3A_2111, %mul3A_2243 : i32
      %add3A_2245 = arith.constant 2560 : i32
      %add3A_2246 = arith.addi %add3A_2245, %mul3A_2244 : i32
      %mul3A_2247 = arith.constant 16 : i32
      %mul3A_2248 = arith.muli %scan3A_2111, %mul3A_2247 : i32
      %add3A_2249 = arith.constant 6656 : i32
      %add3A_2250 = arith.addi %add3A_2249, %mul3A_2248 : i32
      %get3A_2251 = arith.index_cast %add3A_2246 : i32 to index
      %get3A_2252 = tpu.vector_load %arg13[%get3A_2251] {strides = array<i32>} : memref<8192xi32, #tpu.memory_space<vmem>>, vector<16xi32>,
      %get3A_2253 = arith.index_cast %add3A_2250 : i32 to index
      %get3A_2254 = tpu.vector_load %arg13[%get3A_2253] {strides = array<i32>} : memref<8192xi32, #tpu.memory_space<vmem>>, vector<16xi32>,
      %get3A_2255 = arith.index_cast %add3A_2246 : i32 to index
      %get3A_2256 = tpu.vector_load %arg14[%get3A_2255] {strides = array<i32>} : memref<8192xi32, #tpu.memory_space<vmem>>, vector<16xi32>,
      %get3A_2257 = arith.index_cast %add3A_2250 : i32 to index
      %get3A_2258 = tpu.vector_load %arg14[%get3A_2257] {strides = array<i32>} : memref<8192xi32, #tpu.memory_space<vmem>>, vector<16xi32>,
      %gt3A_2259 = arith.cmpi sgt, %get3A_2254, %get3A_2252 : vector<16xi32>
      %eq3A_2260 = arith.cmpi eq, %get3A_2254, %get3A_2252 : vector<16xi32>
      %lt3A_2261 = arith.cmpi slt, %get3A_2258, %get3A_2256 : vector<16xi32>
      %and3A_2262 = arith.andi %eq3A_2260, %lt3A_2261 : vector<16xi1>
      %or3A_2263 = arith.ori %gt3A_2259, %and3A_2262 : vector<16xi1>
      %select_n3A_2264 = arith.select %or3A_2263, %get3A_2254, %get3A_2252 : vector<16xi1>, vector<16xi32>
      %swap3A_2265 = arith.index_cast %add3A_2246 : i32 to index
      %swap3A_2266 = tpu.vector_load %arg13[%swap3A_2265] {strides = array<i32>} : memref<8192xi32, #tpu.memory_space<vmem>>, vector<16xi32>,
      tpu.vector_store %arg13[%swap3A_2265], %select_n3A_2264 {strides = array<i32>} : memref<8192xi32, #tpu.memory_space<vmem>>, vector<16xi32>,
      %select_n3A_2267 = arith.select %or3A_2263, %get3A_2258, %get3A_2256 : vector<16xi1>, vector<16xi32>
      %swap3A_2268 = arith.index_cast %add3A_2246 : i32 to index
      %swap3A_2269 = tpu.vector_load %arg14[%swap3A_2268] {strides = array<i32>} : memref<8192xi32, #tpu.memory_space<vmem>>, vector<16xi32>,
      tpu.vector_store %arg14[%swap3A_2268], %select_n3A_2267 {strides = array<i32>} : memref<8192xi32, #tpu.memory_space<vmem>>, vector<16xi32>,
      %mul3A_2270 = arith.constant 16 : i32
      %mul3A_2271 = arith.muli %scan3A_2111, %mul3A_2270 : i32
      %add3A_2272 = arith.constant 3072 : i32
      %add3A_2273 = arith.addi %add3A_2272, %mul3A_2271 : i32
      %mul3A_2274 = arith.constant 16 : i32
      %mul3A_2275 = arith.muli %scan3A_2111, %mul3A_2274 : i32
      %add3A_2276 = arith.constant 7168 : i32
      %add3A_2277 = arith.addi %add3A_2276, %mul3A_2275 : i32
      %get3A_2278 = arith.index_cast %add3A_2273 : i32 to index
      %get3A_2279 = tpu.vector_load %arg13[%get3A_2278] {strides = array<i32>} : memref<8192xi32, #tpu.memory_space<vmem>>, vector<16xi32>,
      %get3A_2280 = arith.index_cast %add3A_2277 : i32 to index
      %get3A_2281 = tpu.vector_load %arg13[%get3A_2280] {strides = array<i32>} : memref<8192xi32, #tpu.memory_space<vmem>>, vector<16xi32>,
      %get3A_2282 = arith.index_cast %add3A_2273 : i32 to index
      %get3A_2283 = tpu.vector_load %arg14[%get3A_2282] {strides = array<i32>} : memref<8192xi32, #tpu.memory_space<vmem>>, vector<16xi32>,
      %get3A_2284 = arith.index_cast %add3A_2277 : i32 to index
      %get3A_2285 = tpu.vector_load %arg14[%get3A_2284] {strides = array<i32>} : memref<8192xi32, #tpu.memory_space<vmem>>, vector<16xi32>,
      %gt3A_2286 = arith.cmpi sgt, %get3A_2281, %get3A_2279 : vector<16xi32>
      %eq3A_2287 = arith.cmpi eq, %get3A_2281, %get3A_2279 : vector<16xi32>
      %lt3A_2288 = arith.cmpi slt, %get3A_2285, %get3A_2283 : vector<16xi32>
      %and3A_2289 = arith.andi %eq3A_2287, %lt3A_2288 : vector<16xi1>
      %or3A_2290 = arith.ori %gt3A_2286, %and3A_2289 : vector<16xi1>
      %select_n3A_2291 = arith.select %or3A_2290, %get3A_2281, %get3A_2279 : vector<16xi1>, vector<16xi32>
      %swap3A_2292 = arith.index_cast %add3A_2273 : i32 to index
      %swap3A_2293 = tpu.vector_load %arg13[%swap3A_2292] {strides = array<i32>} : memref<8192xi32, #tpu.memory_space<vmem>>, vector<16xi32>,
      tpu.vector_store %arg13[%swap3A_2292], %select_n3A_2291 {strides = array<i32>} : memref<8192xi32, #tpu.memory_space<vmem>>, vector<16xi32>,
      %select_n3A_2294 = arith.select %or3A_2290, %get3A_2285, %get3A_2283 : vector<16xi1>, vector<16xi32>
      %swap3A_2295 = arith.index_cast %add3A_2273 : i32 to index
      %swap3A_2296 = tpu.vector_load %arg14[%swap3A_2295] {strides = array<i32>} : memref<8192xi32, #tpu.memory_space<vmem>>, vector<16xi32>,
      tpu.vector_store %arg14[%swap3A_2295], %select_n3A_2294 {strides = array<i32>} : memref<8192xi32, #tpu.memory_space<vmem>>, vector<16xi32>,
      %mul3A_2297 = arith.constant 16 : i32
      %mul3A_2298 = arith.muli %scan3A_2111, %mul3A_2297 : i32
      %add3A_2299 = arith.constant 3584 : i32
      %add3A_2300 = arith.addi %add3A_2299, %mul3A_2298 : i32
      %mul3A_2301 = arith.constant 16 : i32
      %mul3A_2302 = arith.muli %scan3A_2111, %mul3A_2301 : i32
      %add3A_2303 = arith.constant 7680 : i32
      %add3A_2304 = arith.addi %add3A_2303, %mul3A_2302 : i32
      %get3A_2305 = arith.index_cast %add3A_2300 : i32 to index
      %get3A_2306 = tpu.vector_load %arg13[%get3A_2305] {strides = array<i32>} : memref<8192xi32, #tpu.memory_space<vmem>>, vector<16xi32>,
      %get3A_2307 = arith.index_cast %add3A_2304 : i32 to index
      %get3A_2308 = tpu.vector_load %arg13[%get3A_2307] {strides = array<i32>} : memref<8192xi32, #tpu.memory_space<vmem>>, vector<16xi32>,
      %get3A_2309 = arith.index_cast %add3A_2300 : i32 to index
      %get3A_2310 = tpu.vector_load %arg14[%get3A_2309] {strides = array<i32>} : memref<8192xi32, #tpu.memory_space<vmem>>, vector<16xi32>,
      %get3A_2311 = arith.index_cast %add3A_2304 : i32 to index
      %get3A_2312 = tpu.vector_load %arg14[%get3A_2311] {strides = array<i32>} : memref<8192xi32, #tpu.memory_space<vmem>>, vector<16xi32>,
      %gt3A_2313 = arith.cmpi sgt, %get3A_2308, %get3A_2306 : vector<16xi32>
      %eq3A_2314 = arith.cmpi eq, %get3A_2308, %get3A_2306 : vector<16xi32>
      %lt3A_2315 = arith.cmpi slt, %get3A_2312, %get3A_2310 : vector<16xi32>
      %and3A_2316 = arith.andi %eq3A_2314, %lt3A_2315 : vector<16xi1>
      %or3A_2317 = arith.ori %gt3A_2313, %and3A_2316 : vector<16xi1>
      %select_n3A_2318 = arith.select %or3A_2317, %get3A_2308, %get3A_2306 : vector<16xi1>, vector<16xi32>
      %swap3A_2319 = arith.index_cast %add3A_2300 : i32 to index
      %swap3A_2320 = tpu.vector_load %arg13[%swap3A_2319] {strides = array<i32>} : memref<8192xi32, #tpu.memory_space<vmem>>, vector<16xi32>,
      tpu.vector_store %arg13[%swap3A_2319], %select_n3A_2318 {strides = array<i32>} : memref<8192xi32, #tpu.memory_space<vmem>>, vector<16xi32>,
      %select_n3A_2321 = arith.select %or3A_2317, %get3A_2312, %get3A_2310 : vector<16xi1>, vector<16xi32>
      %swap3A_2322 = arith.index_cast %add3A_2300 : i32 to index
      %swap3A_2323 = tpu.vector_load %arg14[%swap3A_2322] {strides = array<i32>} : memref<8192xi32, #tpu.memory_space<vmem>>, vector<16xi32>,
      tpu.vector_store %arg14[%swap3A_2322], %select_n3A_2321 {strides = array<i32>} : memref<8192xi32, #tpu.memory_space<vmem>>, vector<16xi32>,
      %scan3A_2324 = arith.constant 0 : i32
      scf.yield %scan3A_2324 : i32
    }
    %scan3A_39 = arith.constant 32 : i32
    %scan3A_40 = arith.constant 0 : i32
    %scan3A_41 = arith.constant 0 : i32
    %scan3A_42 = arith.constant 32 : i32
    %scan3A_43 = arith.addi %scan3A_41, %scan3A_42 : i32
    %scan3A_44 = arith.constant 1 : i32
    %scan3A_45 = scf.for %scan3A_2111 = %scan3A_41 to %scan3A_43 step %scan3A_44 iter_args(%scan3A_2112 = %scan3A_40) -> (i32)  : i32 {
      %mul3A_2113 = arith.constant 16 : i32
      %mul3A_2114 = arith.muli %scan3A_2111, %mul3A_2113 : i32
      %add3A_2115 = arith.constant 0 : i32
      %add3A_2116 = arith.addi %add3A_2115, %mul3A_2114 : i32
      %mul3A_2117 = arith.constant 16 : i32
      %mul3A_2118 = arith.muli %scan3A_2111, %mul3A_2117 : i32
      %add3A_2119 = arith.constant 2048 : i32
      %add3A_2120 = arith.addi %add3A_2119, %mul3A_2118 : i32
      %get3A_2121 = arith.index_cast %add3A_2116 : i32 to index
      %get3A_2122 = tpu.vector_load %arg13[%get3A_2121] {strides = array<i32>} : memref<8192xi32, #tpu.memory_space<vmem>>, vector<16xi32>,
      %get3A_2123 = arith.index_cast %add3A_2120 : i32 to index
      %get3A_2124 = tpu.vector_load %arg13[%get3A_2123] {strides = array<i32>} : memref<8192xi32, #tpu.memory_space<vmem>>, vector<16xi32>,
      %get3A_2125 = arith.index_cast %add3A_2116 : i32 to index
      %get3A_2126 = tpu.vector_load %arg14[%get3A_2125] {strides = array<i32>} : memref<8192xi32, #tpu.memory_space<vmem>>, vector<16xi32>,
      %get3A_2127 = arith.index_cast %add3A_2120 : i32 to index
      %get3A_2128 = tpu.vector_load %arg14[%get3A_2127] {strides = array<i32>} : memref<8192xi32, #tpu.memory_space<vmem>>, vector<16xi32>,
      %gt3A = arith.cmpi sgt, %get3A_2124, %get3A_2122 : vector<16xi32>
      %eq3A = arith.cmpi eq, %get3A_2124, %get3A_2122 : vector<16xi32>
      %lt3A = arith.cmpi slt, %get3A_2128, %get3A_2126 : vector<16xi32>
      %and3A_2129 = arith.andi %eq3A, %lt3A : vector<16xi1>
      %or3A = arith.ori %gt3A, %and3A_2129 : vector<16xi1>
      %select_n3A = arith.select %or3A, %get3A_2124, %get3A_2122 : vector<16xi1>, vector<16xi32>
      %swap3A_2130 = arith.index_cast %add3A_2116 : i32 to index
      %swap3A_2131 = tpu.vector_load %arg13[%swap3A_2130] {strides = array<i32>} : memref<8192xi32, #tpu.memory_space<vmem>>, vector<16xi32>,
      tpu.vector_store %arg13[%swap3A_2130], %select_n3A {strides = array<i32>} : memref<8192xi32, #tpu.memory_space<vmem>>, vector<16xi32>,
      %select_n3A_2132 = arith.select %or3A, %get3A_2128, %get3A_2126 : vector<16xi1>, vector<16xi32>
      %swap3A_2133 = arith.index_cast %add3A_2116 : i32 to index
      %swap3A_2134 = tpu.vector_load %arg14[%swap3A_2133] {strides = array<i32>} : memref<8192xi32, #tpu.memory_space<vmem>>, vector<16xi32>,
      tpu.vector_store %arg14[%swap3A_2133], %select_n3A_2132 {strides = array<i32>} : memref<8192xi32, #tpu.memory_space<vmem>>, vector<16xi32>,
      %mul3A_2135 = arith.constant 16 : i32
      %mul3A_2136 = arith.muli %scan3A_2111, %mul3A_2135 : i32
      %add3A_2137 = arith.constant 512 : i32
      %add3A_2138 = arith.addi %add3A_2137, %mul3A_2136 : i32
      %mul3A_2139 = arith.constant 16 : i32
      %mul3A_2140 = arith.muli %scan3A_2111, %mul3A_2139 : i32
      %add3A_2141 = arith.constant 2560 : i32
      %add3A_2142 = arith.addi %add3A_2141, %mul3A_2140 : i32
      %get3A_2143 = arith.index_cast %add3A_2138 : i32 to index
      %get3A_2144 = tpu.vector_load %arg13[%get3A_2143] {strides = array<i32>} : memref<8192xi32, #tpu.memory_space<vmem>>, vector<16xi32>,
      %get3A_2145 = arith.index_cast %add3A_2142 : i32 to index
      %get3A_2146 = tpu.vector_load %arg13[%get3A_2145] {strides = array<i32>} : memref<8192xi32, #tpu.memory_space<vmem>>, vector<16xi32>,
      %get3A_2147 = arith.index_cast %add3A_2138 : i32 to index
      %get3A_2148 = tpu.vector_load %arg14[%get3A_2147] {strides = array<i32>} : memref<8192xi32, #tpu.memory_space<vmem>>, vector<16xi32>,
      %get3A_2149 = arith.index_cast %add3A_2142 : i32 to index
      %get3A_2150 = tpu.vector_load %arg14[%get3A_2149] {strides = array<i32>} : memref<8192xi32, #tpu.memory_space<vmem>>, vector<16xi32>,
      %gt3A_2151 = arith.cmpi sgt, %get3A_2146, %get3A_2144 : vector<16xi32>
      %eq3A_2152 = arith.cmpi eq, %get3A_2146, %get3A_2144 : vector<16xi32>
      %lt3A_2153 = arith.cmpi slt, %get3A_2150, %get3A_2148 : vector<16xi32>
      %and3A_2154 = arith.andi %eq3A_2152, %lt3A_2153 : vector<16xi1>
      %or3A_2155 = arith.ori %gt3A_2151, %and3A_2154 : vector<16xi1>
      %select_n3A_2156 = arith.select %or3A_2155, %get3A_2146, %get3A_2144 : vector<16xi1>, vector<16xi32>
      %swap3A_2157 = arith.index_cast %add3A_2138 : i32 to index
      %swap3A_2158 = tpu.vector_load %arg13[%swap3A_2157] {strides = array<i32>} : memref<8192xi32, #tpu.memory_space<vmem>>, vector<16xi32>,
      tpu.vector_store %arg13[%swap3A_2157], %select_n3A_2156 {strides = array<i32>} : memref<8192xi32, #tpu.memory_space<vmem>>, vector<16xi32>,
      %select_n3A_2159 = arith.select %or3A_2155, %get3A_2150, %get3A_2148 : vector<16xi1>, vector<16xi32>
      %swap3A_2160 = arith.index_cast %add3A_2138 : i32 to index
      %swap3A_2161 = tpu.vector_load %arg14[%swap3A_2160] {strides = array<i32>} : memref<8192xi32, #tpu.memory_space<vmem>>, vector<16xi32>,
      tpu.vector_store %arg14[%swap3A_2160], %select_n3A_2159 {strides = array<i32>} : memref<8192xi32, #tpu.memory_space<vmem>>, vector<16xi32>,
      %mul3A_2162 = arith.constant 16 : i32
      %mul3A_2163 = arith.muli %scan3A_2111, %mul3A_2162 : i32
      %add3A_2164 = arith.constant 1024 : i32
      %add3A_2165 = arith.addi %add3A_2164, %mul3A_2163 : i32
      %mul3A_2166 = arith.constant 16 : i32
      %mul3A_2167 = arith.muli %scan3A_2111, %mul3A_2166 : i32
      %add3A_2168 = arith.constant 3072 : i32
      %add3A_2169 = arith.addi %add3A_2168, %mul3A_2167 : i32
      %get3A_2170 = arith.index_cast %add3A_2165 : i32 to index
      %get3A_2171 = tpu.vector_load %arg13[%get3A_2170] {strides = array<i32>} : memref<8192xi32, #tpu.memory_space<vmem>>, vector<16xi32>,
      %get3A_2172 = arith.index_cast %add3A_2169 : i32 to index
      %get3A_2173 = tpu.vector_load %arg13[%get3A_2172] {strides = array<i32>} : memref<8192xi32, #tpu.memory_space<vmem>>, vector<16xi32>,
      %get3A_2174 = arith.index_cast %add3A_2165 : i32 to index
      %get3A_2175 = tpu.vector_load %arg14[%get3A_2174] {strides = array<i32>} : memref<8192xi32, #tpu.memory_space<vmem>>, vector<16xi32>,
      %get3A_2176 = arith.index_cast %add3A_2169 : i32 to index
      %get3A_2177 = tpu.vector_load %arg14[%get3A_2176] {strides = array<i32>} : memref<8192xi32, #tpu.memory_space<vmem>>, vector<16xi32>,
      %gt3A_2178 = arith.cmpi sgt, %get3A_2173, %get3A_2171 : vector<16xi32>
      %eq3A_2179 = arith.cmpi eq, %get3A_2173, %get3A_2171 : vector<16xi32>
      %lt3A_2180 = arith.cmpi slt, %get3A_2177, %get3A_2175 : vector<16xi32>
      %and3A_2181 = arith.andi %eq3A_2179, %lt3A_2180 : vector<16xi1>
      %or3A_2182 = arith.ori %gt3A_2178, %and3A_2181 : vector<16xi1>
      %select_n3A_2183 = arith.select %or3A_2182, %get3A_2173, %get3A_2171 : vector<16xi1>, vector<16xi32>
      %swap3A_2184 = arith.index_cast %add3A_2165 : i32 to index
      %swap3A_2185 = tpu.vector_load %arg13[%swap3A_2184] {strides = array<i32>} : memref<8192xi32, #tpu.memory_space<vmem>>, vector<16xi32>,
      tpu.vector_store %arg13[%swap3A_2184], %select_n3A_2183 {strides = array<i32>} : memref<8192xi32, #tpu.memory_space<vmem>>, vector<16xi32>,
      %select_n3A_2186 = arith.select %or3A_2182, %get3A_2177, %get3A_2175 : vector<16xi1>, vector<16xi32>
      %swap3A_2187 = arith.index_cast %add3A_2165 : i32 to index
      %swap3A_2188 = tpu.vector_load %arg14[%swap3A_2187] {strides = array<i32>} : memref<8192xi32, #tpu.memory_space<vmem>>, vector<16xi32>,
      tpu.vector_store %arg14[%swap3A_2187], %select_n3A_2186 {strides = array<i32>} : memref<8192xi32, #tpu.memory_space<vmem>>, vector<16xi32>,
      %mul3A_2189 = arith.constant 16 : i32
      %mul3A_2190 = arith.muli %scan3A_2111, %mul3A_2189 : i32
      %add3A_2191 = arith.constant 1536 : i32
      %add3A_2192 = arith.addi %add3A_2191, %mul3A_2190 : i32
      %mul3A_2193 = arith.constant 16 : i32
      %mul3A_2194 = arith.muli %scan3A_2111, %mul3A_2193 : i32
      %add3A_2195 = arith.constant 3584 : i32
      %add3A_2196 = arith.addi %add3A_2195, %mul3A_2194 : i32
      %get3A_2197 = arith.index_cast %add3A_2192 : i32 to index
      %get3A_2198 = tpu.vector_load %arg13[%get3A_2197] {strides = array<i32>} : memref<8192xi32, #tpu.memory_space<vmem>>, vector<16xi32>,
      %get3A_2199 = arith.index_cast %add3A_2196 : i32 to index
      %get3A_2200 = tpu.vector_load %arg13[%get3A_2199] {strides = array<i32>} : memref<8192xi32, #tpu.memory_space<vmem>>, vector<16xi32>,
      %get3A_2201 = arith.index_cast %add3A_2192 : i32 to index
      %get3A_2202 = tpu.vector_load %arg14[%get3A_2201] {strides = array<i32>} : memref<8192xi32, #tpu.memory_space<vmem>>, vector<16xi32>,
      %get3A_2203 = arith.index_cast %add3A_2196 : i32 to index
      %get3A_2204 = tpu.vector_load %arg14[%get3A_2203] {strides = array<i32>} : memref<8192xi32, #tpu.memory_space<vmem>>, vector<16xi32>,
      %gt3A_2205 = arith.cmpi sgt, %get3A_2200, %get3A_2198 : vector<16xi32>
      %eq3A_2206 = arith.cmpi eq, %get3A_2200, %get3A_2198 : vector<16xi32>
      %lt3A_2207 = arith.cmpi slt, %get3A_2204, %get3A_2202 : vector<16xi32>
      %and3A_2208 = arith.andi %eq3A_2206, %lt3A_2207 : vector<16xi1>
      %or3A_2209 = arith.ori %gt3A_2205, %and3A_2208 : vector<16xi1>
      %select_n3A_2210 = arith.select %or3A_2209, %get3A_2200, %get3A_2198 : vector<16xi1>, vector<16xi32>
      %swap3A_2211 = arith.index_cast %add3A_2192 : i32 to index
      %swap3A_2212 = tpu.vector_load %arg13[%swap3A_2211] {strides = array<i32>} : memref<8192xi32, #tpu.memory_space<vmem>>, vector<16xi32>,
      tpu.vector_store %arg13[%swap3A_2211], %select_n3A_2210 {strides = array<i32>} : memref<8192xi32, #tpu.memory_space<vmem>>, vector<16xi32>,
      %select_n3A_2213 = arith.select %or3A_2209, %get3A_2204, %get3A_2202 : vector<16xi1>, vector<16xi32>
      %swap3A_2214 = arith.index_cast %add3A_2192 : i32 to index
      %swap3A_2215 = tpu.vector_load %arg14[%swap3A_2214] {strides = array<i32>} : memref<8192xi32, #tpu.memory_space<vmem>>, vector<16xi32>,
      tpu.vector_store %arg14[%swap3A_2214], %select_n3A_2213 {strides = array<i32>} : memref<8192xi32, #tpu.memory_space<vmem>>, vector<16xi32>,
      %scan3A_2216 = arith.constant 0 : i32
      scf.yield %scan3A_2216 : i32
    }
    %scan3A_46 = arith.constant 32 : i32
    %scan3A_47 = arith.constant 0 : i32
    %scan3A_48 = arith.constant 0 : i32
    %scan3A_49 = arith.constant 32 : i32
    %scan3A_50 = arith.addi %scan3A_48, %scan3A_49 : i32
    %scan3A_51 = arith.constant 1 : i32
    %scan3A_52 = scf.for %scan3A_2111 = %scan3A_48 to %scan3A_50 step %scan3A_51 iter_args(%scan3A_2112 = %scan3A_47) -> (i32)  : i32 {
      %mul3A_2113 = arith.constant 16 : i32
      %mul3A_2114 = arith.muli %scan3A_2111, %mul3A_2113 : i32
      %add3A_2115 = arith.constant 0 : i32
      %add3A_2116 = arith.addi %add3A_2115, %mul3A_2114 : i32
      %mul3A_2117 = arith.constant 16 : i32
      %mul3A_2118 = arith.muli %scan3A_2111, %mul3A_2117 : i32
      %add3A_2119 = arith.constant 1024 : i32
      %add3A_2120 = arith.addi %add3A_2119, %mul3A_2118 : i32
      %get3A_2121 = arith.index_cast %add3A_2116 : i32 to index
      %get3A_2122 = tpu.vector_load %arg13[%get3A_2121] {strides = array<i32>} : memref<8192xi32, #tpu.memory_space<vmem>>, vector<16xi32>,
      %get3A_2123 = arith.index_cast %add3A_2120 : i32 to index
      %get3A_2124 = tpu.vector_load %arg13[%get3A_2123] {strides = array<i32>} : memref<8192xi32, #tpu.memory_space<vmem>>, vector<16xi32>,
      %get3A_2125 = arith.index_cast %add3A_2116 : i32 to index
      %get3A_2126 = tpu.vector_load %arg14[%get3A_2125] {strides = array<i32>} : memref<8192xi32, #tpu.memory_space<vmem>>, vector<16xi32>,
      %get3A_2127 = arith.index_cast %add3A_2120 : i32 to index
      %get3A_2128 = tpu.vector_load %arg14[%get3A_2127] {strides = array<i32>} : memref<8192xi32, #tpu.memory_space<vmem>>, vector<16xi32>,
      %gt3A = arith.cmpi sgt, %get3A_2124, %get3A_2122 : vector<16xi32>
      %eq3A = arith.cmpi eq, %get3A_2124, %get3A_2122 : vector<16xi32>
      %lt3A = arith.cmpi slt, %get3A_2128, %get3A_2126 : vector<16xi32>
      %and3A_2129 = arith.andi %eq3A, %lt3A : vector<16xi1>
      %or3A = arith.ori %gt3A, %and3A_2129 : vector<16xi1>
      %select_n3A = arith.select %or3A, %get3A_2124, %get3A_2122 : vector<16xi1>, vector<16xi32>
      %swap3A_2130 = arith.index_cast %add3A_2116 : i32 to index
      %swap3A_2131 = tpu.vector_load %arg13[%swap3A_2130] {strides = array<i32>} : memref<8192xi32, #tpu.memory_space<vmem>>, vector<16xi32>,
      tpu.vector_store %arg13[%swap3A_2130], %select_n3A {strides = array<i32>} : memref<8192xi32, #tpu.memory_space<vmem>>, vector<16xi32>,
      %select_n3A_2132 = arith.select %or3A, %get3A_2128, %get3A_2126 : vector<16xi1>, vector<16xi32>
      %swap3A_2133 = arith.index_cast %add3A_2116 : i32 to index
      %swap3A_2134 = tpu.vector_load %arg14[%swap3A_2133] {strides = array<i32>} : memref<8192xi32, #tpu.memory_space<vmem>>, vector<16xi32>,
      tpu.vector_store %arg14[%swap3A_2133], %select_n3A_2132 {strides = array<i32>} : memref<8192xi32, #tpu.memory_space<vmem>>, vector<16xi32>,
      %mul3A_2135 = arith.constant 16 : i32
      %mul3A_2136 = arith.muli %scan3A_2111, %mul3A_2135 : i32
      %add3A_2137 = arith.constant 512 : i32
      %add3A_2138 = arith.addi %add3A_2137, %mul3A_2136 : i32
      %mul3A_2139 = arith.constant 16 : i32
      %mul3A_2140 = arith.muli %scan3A_2111, %mul3A_2139 : i32
      %add3A_2141 = arith.constant 1536 : i32
      %add3A_2142 = arith.addi %add3A_2141, %mul3A_2140 : i32
      %get3A_2143 = arith.index_cast %add3A_2138 : i32 to index
      %get3A_2144 = tpu.vector_load %arg13[%get3A_2143] {strides = array<i32>} : memref<8192xi32, #tpu.memory_space<vmem>>, vector<16xi32>,
      %get3A_2145 = arith.index_cast %add3A_2142 : i32 to index
      %get3A_2146 = tpu.vector_load %arg13[%get3A_2145] {strides = array<i32>} : memref<8192xi32, #tpu.memory_space<vmem>>, vector<16xi32>,
      %get3A_2147 = arith.index_cast %add3A_2138 : i32 to index
      %get3A_2148 = tpu.vector_load %arg14[%get3A_2147] {strides = array<i32>} : memref<8192xi32, #tpu.memory_space<vmem>>, vector<16xi32>,
      %get3A_2149 = arith.index_cast %add3A_2142 : i32 to index
      %get3A_2150 = tpu.vector_load %arg14[%get3A_2149] {strides = array<i32>} : memref<8192xi32, #tpu.memory_space<vmem>>, vector<16xi32>,
      %gt3A_2151 = arith.cmpi sgt, %get3A_2146, %get3A_2144 : vector<16xi32>
      %eq3A_2152 = arith.cmpi eq, %get3A_2146, %get3A_2144 : vector<16xi32>
      %lt3A_2153 = arith.cmpi slt, %get3A_2150, %get3A_2148 : vector<16xi32>
      %and3A_2154 = arith.andi %eq3A_2152, %lt3A_2153 : vector<16xi1>
      %or3A_2155 = arith.ori %gt3A_2151, %and3A_2154 : vector<16xi1>
      %select_n3A_2156 = arith.select %or3A_2155, %get3A_2146, %get3A_2144 : vector<16xi1>, vector<16xi32>
      %swap3A_2157 = arith.index_cast %add3A_2138 : i32 to index
      %swap3A_2158 = tpu.vector_load %arg13[%swap3A_2157] {strides = array<i32>} : memref<8192xi32, #tpu.memory_space<vmem>>, vector<16xi32>,
      tpu.vector_store %arg13[%swap3A_2157], %select_n3A_2156 {strides = array<i32>} : memref<8192xi32, #tpu.memory_space<vmem>>, vector<16xi32>,
      %select_n3A_2159 = arith.select %or3A_2155, %get3A_2150, %get3A_2148 : vector<16xi1>, vector<16xi32>
      %swap3A_2160 = arith.index_cast %add3A_2138 : i32 to index
      %swap3A_2161 = tpu.vector_load %arg14[%swap3A_2160] {strides = array<i32>} : memref<8192xi32, #tpu.memory_space<vmem>>, vector<16xi32>,
      tpu.vector_store %arg14[%swap3A_2160], %select_n3A_2159 {strides = array<i32>} : memref<8192xi32, #tpu.memory_space<vmem>>, vector<16xi32>,
      %scan3A_2162 = arith.constant 0 : i32
      scf.yield %scan3A_2162 : i32
    }
    %scan3A_53 = arith.constant 32 : i32
    %scan3A_54 = arith.constant 0 : i32
    %scan3A_55 = arith.constant 0 : i32
    %scan3A_56 = arith.constant 32 : i32
    %scan3A_57 = arith.addi %scan3A_55, %scan3A_56 : i32
    %scan3A_58 = arith.constant 1 : i32
    %scan3A_59 = scf.for %scan3A_2111 = %scan3A_55 to %scan3A_57 step %scan3A_58 iter_args(%scan3A_2112 = %scan3A_54) -> (i32)  : i32 {
      %mul3A_2113 = arith.constant 16 : i32
      %mul3A_2114 = arith.muli %scan3A_2111, %mul3A_2113 : i32
      %add3A_2115 = arith.constant 0 : i32
      %add3A_2116 = arith.addi %add3A_2115, %mul3A_2114 : i32
      %mul3A_2117 = arith.constant 16 : i32
      %mul3A_2118 = arith.muli %scan3A_2111, %mul3A_2117 : i32
      %add3A_2119 = arith.constant 512 : i32
      %add3A_2120 = arith.addi %add3A_2119, %mul3A_2118 : i32
      %get3A_2121 = arith.index_cast %add3A_2116 : i32 to index
      %get3A_2122 = tpu.vector_load %arg13[%get3A_2121] {strides = array<i32>} : memref<8192xi32, #tpu.memory_space<vmem>>, vector<16xi32>,
      %get3A_2123 = arith.index_cast %add3A_2120 : i32 to index
      %get3A_2124 = tpu.vector_load %arg13[%get3A_2123] {strides = array<i32>} : memref<8192xi32, #tpu.memory_space<vmem>>, vector<16xi32>,
      %get3A_2125 = arith.index_cast %add3A_2116 : i32 to index
      %get3A_2126 = tpu.vector_load %arg14[%get3A_2125] {strides = array<i32>} : memref<8192xi32, #tpu.memory_space<vmem>>, vector<16xi32>,
      %get3A_2127 = arith.index_cast %add3A_2120 : i32 to index
      %get3A_2128 = tpu.vector_load %arg14[%get3A_2127] {strides = array<i32>} : memref<8192xi32, #tpu.memory_space<vmem>>, vector<16xi32>,
      %gt3A = arith.cmpi sgt, %get3A_2124, %get3A_2122 : vector<16xi32>
      %eq3A = arith.cmpi eq, %get3A_2124, %get3A_2122 : vector<16xi32>
      %lt3A = arith.cmpi slt, %get3A_2128, %get3A_2126 : vector<16xi32>
      %and3A_2129 = arith.andi %eq3A, %lt3A : vector<16xi1>
      %or3A = arith.ori %gt3A, %and3A_2129 : vector<16xi1>
      %select_n3A = arith.select %or3A, %get3A_2124, %get3A_2122 : vector<16xi1>, vector<16xi32>
      %swap3A_2130 = arith.index_cast %add3A_2116 : i32 to index
      %swap3A_2131 = tpu.vector_load %arg13[%swap3A_2130] {strides = array<i32>} : memref<8192xi32, #tpu.memory_space<vmem>>, vector<16xi32>,
      tpu.vector_store %arg13[%swap3A_2130], %select_n3A {strides = array<i32>} : memref<8192xi32, #tpu.memory_space<vmem>>, vector<16xi32>,
      %select_n3A_2132 = arith.select %or3A, %get3A_2128, %get3A_2126 : vector<16xi1>, vector<16xi32>
      %swap3A_2133 = arith.index_cast %add3A_2116 : i32 to index
      %swap3A_2134 = tpu.vector_load %arg14[%swap3A_2133] {strides = array<i32>} : memref<8192xi32, #tpu.memory_space<vmem>>, vector<16xi32>,
      tpu.vector_store %arg14[%swap3A_2133], %select_n3A_2132 {strides = array<i32>} : memref<8192xi32, #tpu.memory_space<vmem>>, vector<16xi32>,
      %scan3A_2135 = arith.constant 0 : i32
      scf.yield %scan3A_2135 : i32
    }
    %scan3A_60 = arith.constant 32 : i32
    "tpu.region"() ({
      %run_scoped3A = tpu.sem_alloc : memref<!tpu.dma_semaphore, #tpu.memory_space<semaphore_mem>>
      %dma_start3A_2111 = arith.constant 0 : i32
      %dma_start3A_2112 = tpu.memref_slice %arg13[%dma_start3A_2111] : memref<8192xi32, #tpu.memory_space<vmem>> -> memref<512xi32, #tpu.memory_space<vmem>>
      %dma_start3A_2113 = arith.constant 0 : i32
      %dma_start3A_2114 = tpu.memref_slice %arg22[%arg1, %dma_start3A_2113] : memref<16x512xi32, #tpu.memory_space<vmem_shared>> -> memref<1x512xi32, #tpu.memory_space<vmem_shared>>
      %dma_start3A_2115 = tpu.memref_squeeze %dma_start3A_2114 : memref<1x512xi32, #tpu.memory_space<vmem_shared>> -> memref<512xi32, #tpu.memory_space<vmem_shared>>
      %dma_start3A_2116 = arith.constant 0 : i32
      %dma_start3A_2117 = tpu.memref_slice %arg22[%arg1, %dma_start3A_2116] : memref<16x512xi32, #tpu.memory_space<vmem_shared>> -> memref<1x512xi32, #tpu.memory_space<vmem_shared>>
      %dma_start3A_2118 = tpu.memref_squeeze %dma_start3A_2117 : memref<1x512xi32, #tpu.memory_space<vmem_shared>> -> memref<512xi32, #tpu.memory_space<vmem_shared>>
      %dma_start3A_2119 = arith.constant 0 : i32
      %dma_start3A_2120 = tpu.memref_slice %arg13[%dma_start3A_2119] : memref<8192xi32, #tpu.memory_space<vmem>> -> memref<512xi32, #tpu.memory_space<vmem>>
      tpu.enqueue_dma source(%dma_start3A_2120 : memref<512xi32, #tpu.memory_space<vmem>>) target(%dma_start3A_2118 : memref<512xi32, #tpu.memory_space<vmem_shared>>) target_semaphore(%run_scoped3A : memref<!tpu.dma_semaphore, #tpu.memory_space<semaphore_mem>>)
      %dma_wait3A_2121 = arith.constant 0 : i32
      %dma_wait3A_2122 = tpu.memref_slice %arg13[%dma_wait3A_2121] : memref<8192xi32, #tpu.memory_space<vmem>> -> memref<512xi32, #tpu.memory_space<vmem>>
      %dma_wait3A_2123 = arith.constant 0 : i32
      %dma_wait3A_2124 = tpu.memref_slice %arg22[%arg1, %dma_wait3A_2123] : memref<16x512xi32, #tpu.memory_space<vmem_shared>> -> memref<1x512xi32, #tpu.memory_space<vmem_shared>>
      %dma_wait3A_2125 = tpu.memref_squeeze %dma_wait3A_2124 : memref<1x512xi32, #tpu.memory_space<vmem_shared>> -> memref<512xi32, #tpu.memory_space<vmem_shared>>
      %dma_wait3A_2126 = arith.constant 0 : i32
      %dma_wait3A_2127 = tpu.memref_slice %arg22[%arg1, %dma_wait3A_2126] : memref<16x512xi32, #tpu.memory_space<vmem_shared>> -> memref<1x512xi32, #tpu.memory_space<vmem_shared>>
      %dma_wait3A_2128 = tpu.memref_squeeze %dma_wait3A_2127 : memref<1x512xi32, #tpu.memory_space<vmem_shared>> -> memref<512xi32, #tpu.memory_space<vmem_shared>>
      %dma_wait3A_2129 = arith.constant 0 : i32
      %dma_wait3A_2130 = tpu.memref_slice %arg13[%dma_wait3A_2129] : memref<8192xi32, #tpu.memory_space<vmem>> -> memref<512xi32, #tpu.memory_space<vmem>>
      tpu.wait_dma2 semaphore(%run_scoped3A : memref<!tpu.dma_semaphore, #tpu.memory_space<semaphore_mem>>) src(%dma_wait3A_2130 : memref<512xi32, #tpu.memory_space<vmem>>) dst(%dma_wait3A_2128 : memref<512xi32, #tpu.memory_space<vmem_shared>>)
      tpu.yield
    }) : () -> ()
    "tpu.region"() ({
      %run_scoped3A = tpu.sem_alloc : memref<!tpu.dma_semaphore, #tpu.memory_space<semaphore_mem>>
      %dma_start3A_2111 = arith.constant 0 : i32
      %dma_start3A_2112 = tpu.memref_slice %arg14[%dma_start3A_2111] : memref<8192xi32, #tpu.memory_space<vmem>> -> memref<512xi32, #tpu.memory_space<vmem>>
      %dma_start3A_2113 = arith.constant 0 : i32
      %dma_start3A_2114 = tpu.memref_slice %arg23[%arg1, %dma_start3A_2113] : memref<16x512xi32, #tpu.memory_space<vmem_shared>> -> memref<1x512xi32, #tpu.memory_space<vmem_shared>>
      %dma_start3A_2115 = tpu.memref_squeeze %dma_start3A_2114 : memref<1x512xi32, #tpu.memory_space<vmem_shared>> -> memref<512xi32, #tpu.memory_space<vmem_shared>>
      %dma_start3A_2116 = arith.constant 0 : i32
      %dma_start3A_2117 = tpu.memref_slice %arg23[%arg1, %dma_start3A_2116] : memref<16x512xi32, #tpu.memory_space<vmem_shared>> -> memref<1x512xi32, #tpu.memory_space<vmem_shared>>
      %dma_start3A_2118 = tpu.memref_squeeze %dma_start3A_2117 : memref<1x512xi32, #tpu.memory_space<vmem_shared>> -> memref<512xi32, #tpu.memory_space<vmem_shared>>
      %dma_start3A_2119 = arith.constant 0 : i32
      %dma_start3A_2120 = tpu.memref_slice %arg14[%dma_start3A_2119] : memref<8192xi32, #tpu.memory_space<vmem>> -> memref<512xi32, #tpu.memory_space<vmem>>
      tpu.enqueue_dma source(%dma_start3A_2120 : memref<512xi32, #tpu.memory_space<vmem>>) target(%dma_start3A_2118 : memref<512xi32, #tpu.memory_space<vmem_shared>>) target_semaphore(%run_scoped3A : memref<!tpu.dma_semaphore, #tpu.memory_space<semaphore_mem>>)
      %dma_wait3A_2121 = arith.constant 0 : i32
      %dma_wait3A_2122 = tpu.memref_slice %arg14[%dma_wait3A_2121] : memref<8192xi32, #tpu.memory_space<vmem>> -> memref<512xi32, #tpu.memory_space<vmem>>
      %dma_wait3A_2123 = arith.constant 0 : i32
      %dma_wait3A_2124 = tpu.memref_slice %arg23[%arg1, %dma_wait3A_2123] : memref<16x512xi32, #tpu.memory_space<vmem_shared>> -> memref<1x512xi32, #tpu.memory_space<vmem_shared>>
      %dma_wait3A_2125 = tpu.memref_squeeze %dma_wait3A_2124 : memref<1x512xi32, #tpu.memory_space<vmem_shared>> -> memref<512xi32, #tpu.memory_space<vmem_shared>>
      %dma_wait3A_2126 = arith.constant 0 : i32
      %dma_wait3A_2127 = tpu.memref_slice %arg23[%arg1, %dma_wait3A_2126] : memref<16x512xi32, #tpu.memory_space<vmem_shared>> -> memref<1x512xi32, #tpu.memory_space<vmem_shared>>
      %dma_wait3A_2128 = tpu.memref_squeeze %dma_wait3A_2127 : memref<1x512xi32, #tpu.memory_space<vmem_shared>> -> memref<512xi32, #tpu.memory_space<vmem_shared>>
      %dma_wait3A_2129 = arith.constant 0 : i32
      %dma_wait3A_2130 = tpu.memref_slice %arg14[%dma_wait3A_2129] : memref<8192xi32, #tpu.memory_space<vmem>> -> memref<512xi32, #tpu.memory_space<vmem>>
      tpu.wait_dma2 semaphore(%run_scoped3A : memref<!tpu.dma_semaphore, #tpu.memory_space<semaphore_mem>>) src(%dma_wait3A_2130 : memref<512xi32, #tpu.memory_space<vmem>>) dst(%dma_wait3A_2128 : memref<512xi32, #tpu.memory_space<vmem_shared>>)
      tpu.yield
    }) : () -> ()
    %barrier3A = arith.constant 0 : index
    tpu.barrier barrier_id(%barrier3A)
    %dma_start3A_61 = arith.constant 0 : i32
    %dma_start3A_62 = arith.constant 0 : i32
    %dma_start3A_63 = tpu.memref_slice %arg15[%dma_start3A_62] : memref<512xi32, #tpu.memory_space<vmem>> -> memref<32xi32, #tpu.memory_space<vmem>>
    %dma_start3A_64 = tpu.memref_slice %arg22[%dma_start3A_61, %mul3A_2] : memref<16x512xi32, #tpu.memory_space<vmem_shared>> -> memref<1x32xi32, #tpu.memory_space<vmem_shared>>
    %dma_start3A_65 = tpu.memref_squeeze %dma_start3A_64 : memref<1x32xi32, #tpu.memory_space<vmem_shared>> -> memref<32xi32, #tpu.memory_space<vmem_shared>>
    %dma_start3A_66 = arith.constant 0 : i32
    %dma_start3A_67 = tpu.memref_slice %arg15[%dma_start3A_66] : memref<512xi32, #tpu.memory_space<vmem>> -> memref<32xi32, #tpu.memory_space<vmem>>
    %dma_start3A_68 = tpu.memref_slice %arg22[%dma_start3A_61, %mul3A_2] : memref<16x512xi32, #tpu.memory_space<vmem_shared>> -> memref<1x32xi32, #tpu.memory_space<vmem_shared>>
    %dma_start3A_69 = tpu.memref_squeeze %dma_start3A_68 : memref<1x32xi32, #tpu.memory_space<vmem_shared>> -> memref<32xi32, #tpu.memory_space<vmem_shared>>
    tpu.enqueue_dma source(%dma_start3A_69 : memref<32xi32, #tpu.memory_space<vmem_shared>>) target(%dma_start3A_67 : memref<32xi32, #tpu.memory_space<vmem>>) target_semaphore(%arg24 : memref<!tpu.dma_semaphore, #tpu.memory_space<semaphore_mem>>)
    %dma_start3A_70 = arith.constant 0 : i32
    %dma_start3A_71 = arith.constant 0 : i32
    %dma_start3A_72 = tpu.memref_slice %arg16[%dma_start3A_71] : memref<512xi32, #tpu.memory_space<vmem>> -> memref<32xi32, #tpu.memory_space<vmem>>
    %dma_start3A_73 = tpu.memref_slice %arg23[%dma_start3A_70, %mul3A_2] : memref<16x512xi32, #tpu.memory_space<vmem_shared>> -> memref<1x32xi32, #tpu.memory_space<vmem_shared>>
    %dma_start3A_74 = tpu.memref_squeeze %dma_start3A_73 : memref<1x32xi32, #tpu.memory_space<vmem_shared>> -> memref<32xi32, #tpu.memory_space<vmem_shared>>
    %dma_start3A_75 = arith.constant 0 : i32
    %dma_start3A_76 = tpu.memref_slice %arg16[%dma_start3A_75] : memref<512xi32, #tpu.memory_space<vmem>> -> memref<32xi32, #tpu.memory_space<vmem>>
    %dma_start3A_77 = tpu.memref_slice %arg23[%dma_start3A_70, %mul3A_2] : memref<16x512xi32, #tpu.memory_space<vmem_shared>> -> memref<1x32xi32, #tpu.memory_space<vmem_shared>>
    %dma_start3A_78 = tpu.memref_squeeze %dma_start3A_77 : memref<1x32xi32, #tpu.memory_space<vmem_shared>> -> memref<32xi32, #tpu.memory_space<vmem_shared>>
    tpu.enqueue_dma source(%dma_start3A_78 : memref<32xi32, #tpu.memory_space<vmem_shared>>) target(%dma_start3A_76 : memref<32xi32, #tpu.memory_space<vmem>>) target_semaphore(%arg24 : memref<!tpu.dma_semaphore, #tpu.memory_space<semaphore_mem>>)
    %dma_start3A_79 = arith.constant 1 : i32
    %dma_start3A_80 = arith.constant 32 : i32
    %dma_start3A_81 = tpu.memref_slice %arg15[%dma_start3A_80] : memref<512xi32, #tpu.memory_space<vmem>> -> memref<32xi32, #tpu.memory_space<vmem>>
    %dma_start3A_82 = tpu.memref_slice %arg22[%dma_start3A_79, %mul3A_2] : memref<16x512xi32, #tpu.memory_space<vmem_shared>> -> memref<1x32xi32, #tpu.memory_space<vmem_shared>>
    %dma_start3A_83 = tpu.memref_squeeze %dma_start3A_82 : memref<1x32xi32, #tpu.memory_space<vmem_shared>> -> memref<32xi32, #tpu.memory_space<vmem_shared>>
    %dma_start3A_84 = arith.constant 32 : i32
    %dma_start3A_85 = tpu.memref_slice %arg15[%dma_start3A_84] : memref<512xi32, #tpu.memory_space<vmem>> -> memref<32xi32, #tpu.memory_space<vmem>>
    %dma_start3A_86 = tpu.memref_slice %arg22[%dma_start3A_79, %mul3A_2] : memref<16x512xi32, #tpu.memory_space<vmem_shared>> -> memref<1x32xi32, #tpu.memory_space<vmem_shared>>
    %dma_start3A_87 = tpu.memref_squeeze %dma_start3A_86 : memref<1x32xi32, #tpu.memory_space<vmem_shared>> -> memref<32xi32, #tpu.memory_space<vmem_shared>>
    tpu.enqueue_dma source(%dma_start3A_87 : memref<32xi32, #tpu.memory_space<vmem_shared>>) target(%dma_start3A_85 : memref<32xi32, #tpu.memory_space<vmem>>) target_semaphore(%arg24 : memref<!tpu.dma_semaphore, #tpu.memory_space<semaphore_mem>>)
    %dma_start3A_88 = arith.constant 1 : i32
    %dma_start3A_89 = arith.constant 32 : i32
    %dma_start3A_90 = tpu.memref_slice %arg16[%dma_start3A_89] : memref<512xi32, #tpu.memory_space<vmem>> -> memref<32xi32, #tpu.memory_space<vmem>>
    %dma_start3A_91 = tpu.memref_slice %arg23[%dma_start3A_88, %mul3A_2] : memref<16x512xi32, #tpu.memory_space<vmem_shared>> -> memref<1x32xi32, #tpu.memory_space<vmem_shared>>
    %dma_start3A_92 = tpu.memref_squeeze %dma_start3A_91 : memref<1x32xi32, #tpu.memory_space<vmem_shared>> -> memref<32xi32, #tpu.memory_space<vmem_shared>>
    %dma_start3A_93 = arith.constant 32 : i32
    %dma_start3A_94 = tpu.memref_slice %arg16[%dma_start3A_93] : memref<512xi32, #tpu.memory_space<vmem>> -> memref<32xi32, #tpu.memory_space<vmem>>
    %dma_start3A_95 = tpu.memref_slice %arg23[%dma_start3A_88, %mul3A_2] : memref<16x512xi32, #tpu.memory_space<vmem_shared>> -> memref<1x32xi32, #tpu.memory_space<vmem_shared>>
    %dma_start3A_96 = tpu.memref_squeeze %dma_start3A_95 : memref<1x32xi32, #tpu.memory_space<vmem_shared>> -> memref<32xi32, #tpu.memory_space<vmem_shared>>
    tpu.enqueue_dma source(%dma_start3A_96 : memref<32xi32, #tpu.memory_space<vmem_shared>>) target(%dma_start3A_94 : memref<32xi32, #tpu.memory_space<vmem>>) target_semaphore(%arg24 : memref<!tpu.dma_semaphore, #tpu.memory_space<semaphore_mem>>)
    %dma_start3A_97 = arith.constant 2 : i32
    %dma_start3A_98 = arith.constant 64 : i32
    %dma_start3A_99 = tpu.memref_slice %arg15[%dma_start3A_98] : memref<512xi32, #tpu.memory_space<vmem>> -> memref<32xi32, #tpu.memory_space<vmem>>
    %dma_start3A_100 = tpu.memref_slice %arg22[%dma_start3A_97, %mul3A_2] : memref<16x512xi32, #tpu.memory_space<vmem_shared>> -> memref<1x32xi32, #tpu.memory_space<vmem_shared>>
    %dma_start3A_101 = tpu.memref_squeeze %dma_start3A_100 : memref<1x32xi32, #tpu.memory_space<vmem_shared>> -> memref<32xi32, #tpu.memory_space<vmem_shared>>
    %dma_start3A_102 = arith.constant 64 : i32
    %dma_start3A_103 = tpu.memref_slice %arg15[%dma_start3A_102] : memref<512xi32, #tpu.memory_space<vmem>> -> memref<32xi32, #tpu.memory_space<vmem>>
    %dma_start3A_104 = tpu.memref_slice %arg22[%dma_start3A_97, %mul3A_2] : memref<16x512xi32, #tpu.memory_space<vmem_shared>> -> memref<1x32xi32, #tpu.memory_space<vmem_shared>>
    %dma_start3A_105 = tpu.memref_squeeze %dma_start3A_104 : memref<1x32xi32, #tpu.memory_space<vmem_shared>> -> memref<32xi32, #tpu.memory_space<vmem_shared>>
    tpu.enqueue_dma source(%dma_start3A_105 : memref<32xi32, #tpu.memory_space<vmem_shared>>) target(%dma_start3A_103 : memref<32xi32, #tpu.memory_space<vmem>>) target_semaphore(%arg24 : memref<!tpu.dma_semaphore, #tpu.memory_space<semaphore_mem>>)
    %dma_start3A_106 = arith.constant 2 : i32
    %dma_start3A_107 = arith.constant 64 : i32
    %dma_start3A_108 = tpu.memref_slice %arg16[%dma_start3A_107] : memref<512xi32, #tpu.memory_space<vmem>> -> memref<32xi32, #tpu.memory_space<vmem>>
    %dma_start3A_109 = tpu.memref_slice %arg23[%dma_start3A_106, %mul3A_2] : memref<16x512xi32, #tpu.memory_space<vmem_shared>> -> memref<1x32xi32, #tpu.memory_space<vmem_shared>>
    %dma_start3A_110 = tpu.memref_squeeze %dma_start3A_109 : memref<1x32xi32, #tpu.memory_space<vmem_shared>> -> memref<32xi32, #tpu.memory_space<vmem_shared>>
    %dma_start3A_111 = arith.constant 64 : i32
    %dma_start3A_112 = tpu.memref_slice %arg16[%dma_start3A_111] : memref<512xi32, #tpu.memory_space<vmem>> -> memref<32xi32, #tpu.memory_space<vmem>>
    %dma_start3A_113 = tpu.memref_slice %arg23[%dma_start3A_106, %mul3A_2] : memref<16x512xi32, #tpu.memory_space<vmem_shared>> -> memref<1x32xi32, #tpu.memory_space<vmem_shared>>
    %dma_start3A_114 = tpu.memref_squeeze %dma_start3A_113 : memref<1x32xi32, #tpu.memory_space<vmem_shared>> -> memref<32xi32, #tpu.memory_space<vmem_shared>>
    tpu.enqueue_dma source(%dma_start3A_114 : memref<32xi32, #tpu.memory_space<vmem_shared>>) target(%dma_start3A_112 : memref<32xi32, #tpu.memory_space<vmem>>) target_semaphore(%arg24 : memref<!tpu.dma_semaphore, #tpu.memory_space<semaphore_mem>>)
    %dma_start3A_115 = arith.constant 3 : i32
    %dma_start3A_116 = arith.constant 96 : i32
    %dma_start3A_117 = tpu.memref_slice %arg15[%dma_start3A_116] : memref<512xi32, #tpu.memory_space<vmem>> -> memref<32xi32, #tpu.memory_space<vmem>>
    %dma_start3A_118 = tpu.memref_slice %arg22[%dma_start3A_115, %mul3A_2] : memref<16x512xi32, #tpu.memory_space<vmem_shared>> -> memref<1x32xi32, #tpu.memory_space<vmem_shared>>
    %dma_start3A_119 = tpu.memref_squeeze %dma_start3A_118 : memref<1x32xi32, #tpu.memory_space<vmem_shared>> -> memref<32xi32, #tpu.memory_space<vmem_shared>>
    %dma_start3A_120 = arith.constant 96 : i32
    %dma_start3A_121 = tpu.memref_slice %arg15[%dma_start3A_120] : memref<512xi32, #tpu.memory_space<vmem>> -> memref<32xi32, #tpu.memory_space<vmem>>
    %dma_start3A_122 = tpu.memref_slice %arg22[%dma_start3A_115, %mul3A_2] : memref<16x512xi32, #tpu.memory_space<vmem_shared>> -> memref<1x32xi32, #tpu.memory_space<vmem_shared>>
    %dma_start3A_123 = tpu.memref_squeeze %dma_start3A_122 : memref<1x32xi32, #tpu.memory_space<vmem_shared>> -> memref<32xi32, #tpu.memory_space<vmem_shared>>
    tpu.enqueue_dma source(%dma_start3A_123 : memref<32xi32, #tpu.memory_space<vmem_shared>>) target(%dma_start3A_121 : memref<32xi32, #tpu.memory_space<vmem>>) target_semaphore(%arg24 : memref<!tpu.dma_semaphore, #tpu.memory_space<semaphore_mem>>)
    %dma_start3A_124 = arith.constant 3 : i32
    %dma_start3A_125 = arith.constant 96 : i32
    %dma_start3A_126 = tpu.memref_slice %arg16[%dma_start3A_125] : memref<512xi32, #tpu.memory_space<vmem>> -> memref<32xi32, #tpu.memory_space<vmem>>
    %dma_start3A_127 = tpu.memref_slice %arg23[%dma_start3A_124, %mul3A_2] : memref<16x512xi32, #tpu.memory_space<vmem_shared>> -> memref<1x32xi32, #tpu.memory_space<vmem_shared>>
    %dma_start3A_128 = tpu.memref_squeeze %dma_start3A_127 : memref<1x32xi32, #tpu.memory_space<vmem_shared>> -> memref<32xi32, #tpu.memory_space<vmem_shared>>
    %dma_start3A_129 = arith.constant 96 : i32
    %dma_start3A_130 = tpu.memref_slice %arg16[%dma_start3A_129] : memref<512xi32, #tpu.memory_space<vmem>> -> memref<32xi32, #tpu.memory_space<vmem>>
    %dma_start3A_131 = tpu.memref_slice %arg23[%dma_start3A_124, %mul3A_2] : memref<16x512xi32, #tpu.memory_space<vmem_shared>> -> memref<1x32xi32, #tpu.memory_space<vmem_shared>>
    %dma_start3A_132 = tpu.memref_squeeze %dma_start3A_131 : memref<1x32xi32, #tpu.memory_space<vmem_shared>> -> memref<32xi32, #tpu.memory_space<vmem_shared>>
    tpu.enqueue_dma source(%dma_start3A_132 : memref<32xi32, #tpu.memory_space<vmem_shared>>) target(%dma_start3A_130 : memref<32xi32, #tpu.memory_space<vmem>>) target_semaphore(%arg24 : memref<!tpu.dma_semaphore, #tpu.memory_space<semaphore_mem>>)
    %dma_start3A_133 = arith.constant 4 : i32
    %dma_start3A_134 = arith.constant 128 : i32
    %dma_start3A_135 = tpu.memref_slice %arg15[%dma_start3A_134] : memref<512xi32, #tpu.memory_space<vmem>> -> memref<32xi32, #tpu.memory_space<vmem>>
    %dma_start3A_136 = tpu.memref_slice %arg22[%dma_start3A_133, %mul3A_2] : memref<16x512xi32, #tpu.memory_space<vmem_shared>> -> memref<1x32xi32, #tpu.memory_space<vmem_shared>>
    %dma_start3A_137 = tpu.memref_squeeze %dma_start3A_136 : memref<1x32xi32, #tpu.memory_space<vmem_shared>> -> memref<32xi32, #tpu.memory_space<vmem_shared>>
    %dma_start3A_138 = arith.constant 128 : i32
    %dma_start3A_139 = tpu.memref_slice %arg15[%dma_start3A_138] : memref<512xi32, #tpu.memory_space<vmem>> -> memref<32xi32, #tpu.memory_space<vmem>>
    %dma_start3A_140 = tpu.memref_slice %arg22[%dma_start3A_133, %mul3A_2] : memref<16x512xi32, #tpu.memory_space<vmem_shared>> -> memref<1x32xi32, #tpu.memory_space<vmem_shared>>
    %dma_start3A_141 = tpu.memref_squeeze %dma_start3A_140 : memref<1x32xi32, #tpu.memory_space<vmem_shared>> -> memref<32xi32, #tpu.memory_space<vmem_shared>>
    tpu.enqueue_dma source(%dma_start3A_141 : memref<32xi32, #tpu.memory_space<vmem_shared>>) target(%dma_start3A_139 : memref<32xi32, #tpu.memory_space<vmem>>) target_semaphore(%arg24 : memref<!tpu.dma_semaphore, #tpu.memory_space<semaphore_mem>>)
    %dma_start3A_142 = arith.constant 4 : i32
    %dma_start3A_143 = arith.constant 128 : i32
    %dma_start3A_144 = tpu.memref_slice %arg16[%dma_start3A_143] : memref<512xi32, #tpu.memory_space<vmem>> -> memref<32xi32, #tpu.memory_space<vmem>>
    %dma_start3A_145 = tpu.memref_slice %arg23[%dma_start3A_142, %mul3A_2] : memref<16x512xi32, #tpu.memory_space<vmem_shared>> -> memref<1x32xi32, #tpu.memory_space<vmem_shared>>
    %dma_start3A_146 = tpu.memref_squeeze %dma_start3A_145 : memref<1x32xi32, #tpu.memory_space<vmem_shared>> -> memref<32xi32, #tpu.memory_space<vmem_shared>>
    %dma_start3A_147 = arith.constant 128 : i32
    %dma_start3A_148 = tpu.memref_slice %arg16[%dma_start3A_147] : memref<512xi32, #tpu.memory_space<vmem>> -> memref<32xi32, #tpu.memory_space<vmem>>
    %dma_start3A_149 = tpu.memref_slice %arg23[%dma_start3A_142, %mul3A_2] : memref<16x512xi32, #tpu.memory_space<vmem_shared>> -> memref<1x32xi32, #tpu.memory_space<vmem_shared>>
    %dma_start3A_150 = tpu.memref_squeeze %dma_start3A_149 : memref<1x32xi32, #tpu.memory_space<vmem_shared>> -> memref<32xi32, #tpu.memory_space<vmem_shared>>
    tpu.enqueue_dma source(%dma_start3A_150 : memref<32xi32, #tpu.memory_space<vmem_shared>>) target(%dma_start3A_148 : memref<32xi32, #tpu.memory_space<vmem>>) target_semaphore(%arg24 : memref<!tpu.dma_semaphore, #tpu.memory_space<semaphore_mem>>)
    %dma_start3A_151 = arith.constant 5 : i32
    %dma_start3A_152 = arith.constant 160 : i32
    %dma_start3A_153 = tpu.memref_slice %arg15[%dma_start3A_152] : memref<512xi32, #tpu.memory_space<vmem>> -> memref<32xi32, #tpu.memory_space<vmem>>
    %dma_start3A_154 = tpu.memref_slice %arg22[%dma_start3A_151, %mul3A_2] : memref<16x512xi32, #tpu.memory_space<vmem_shared>> -> memref<1x32xi32, #tpu.memory_space<vmem_shared>>
    %dma_start3A_155 = tpu.memref_squeeze %dma_start3A_154 : memref<1x32xi32, #tpu.memory_space<vmem_shared>> -> memref<32xi32, #tpu.memory_space<vmem_shared>>
    %dma_start3A_156 = arith.constant 160 : i32
    %dma_start3A_157 = tpu.memref_slice %arg15[%dma_start3A_156] : memref<512xi32, #tpu.memory_space<vmem>> -> memref<32xi32, #tpu.memory_space<vmem>>
    %dma_start3A_158 = tpu.memref_slice %arg22[%dma_start3A_151, %mul3A_2] : memref<16x512xi32, #tpu.memory_space<vmem_shared>> -> memref<1x32xi32, #tpu.memory_space<vmem_shared>>
    %dma_start3A_159 = tpu.memref_squeeze %dma_start3A_158 : memref<1x32xi32, #tpu.memory_space<vmem_shared>> -> memref<32xi32, #tpu.memory_space<vmem_shared>>
    tpu.enqueue_dma source(%dma_start3A_159 : memref<32xi32, #tpu.memory_space<vmem_shared>>) target(%dma_start3A_157 : memref<32xi32, #tpu.memory_space<vmem>>) target_semaphore(%arg24 : memref<!tpu.dma_semaphore, #tpu.memory_space<semaphore_mem>>)
    %dma_start3A_160 = arith.constant 5 : i32
    %dma_start3A_161 = arith.constant 160 : i32
    %dma_start3A_162 = tpu.memref_slice %arg16[%dma_start3A_161] : memref<512xi32, #tpu.memory_space<vmem>> -> memref<32xi32, #tpu.memory_space<vmem>>
    %dma_start3A_163 = tpu.memref_slice %arg23[%dma_start3A_160, %mul3A_2] : memref<16x512xi32, #tpu.memory_space<vmem_shared>> -> memref<1x32xi32, #tpu.memory_space<vmem_shared>>
    %dma_start3A_164 = tpu.memref_squeeze %dma_start3A_163 : memref<1x32xi32, #tpu.memory_space<vmem_shared>> -> memref<32xi32, #tpu.memory_space<vmem_shared>>
    %dma_start3A_165 = arith.constant 160 : i32
    %dma_start3A_166 = tpu.memref_slice %arg16[%dma_start3A_165] : memref<512xi32, #tpu.memory_space<vmem>> -> memref<32xi32, #tpu.memory_space<vmem>>
    %dma_start3A_167 = tpu.memref_slice %arg23[%dma_start3A_160, %mul3A_2] : memref<16x512xi32, #tpu.memory_space<vmem_shared>> -> memref<1x32xi32, #tpu.memory_space<vmem_shared>>
    %dma_start3A_168 = tpu.memref_squeeze %dma_start3A_167 : memref<1x32xi32, #tpu.memory_space<vmem_shared>> -> memref<32xi32, #tpu.memory_space<vmem_shared>>
    tpu.enqueue_dma source(%dma_start3A_168 : memref<32xi32, #tpu.memory_space<vmem_shared>>) target(%dma_start3A_166 : memref<32xi32, #tpu.memory_space<vmem>>) target_semaphore(%arg24 : memref<!tpu.dma_semaphore, #tpu.memory_space<semaphore_mem>>)
    %dma_start3A_169 = arith.constant 6 : i32
    %dma_start3A_170 = arith.constant 192 : i32
    %dma_start3A_171 = tpu.memref_slice %arg15[%dma_start3A_170] : memref<512xi32, #tpu.memory_space<vmem>> -> memref<32xi32, #tpu.memory_space<vmem>>
    %dma_start3A_172 = tpu.memref_slice %arg22[%dma_start3A_169, %mul3A_2] : memref<16x512xi32, #tpu.memory_space<vmem_shared>> -> memref<1x32xi32, #tpu.memory_space<vmem_shared>>
    %dma_start3A_173 = tpu.memref_squeeze %dma_start3A_172 : memref<1x32xi32, #tpu.memory_space<vmem_shared>> -> memref<32xi32, #tpu.memory_space<vmem_shared>>
    %dma_start3A_174 = arith.constant 192 : i32
    %dma_start3A_175 = tpu.memref_slice %arg15[%dma_start3A_174] : memref<512xi32, #tpu.memory_space<vmem>> -> memref<32xi32, #tpu.memory_space<vmem>>
    %dma_start3A_176 = tpu.memref_slice %arg22[%dma_start3A_169, %mul3A_2] : memref<16x512xi32, #tpu.memory_space<vmem_shared>> -> memref<1x32xi32, #tpu.memory_space<vmem_shared>>
    %dma_start3A_177 = tpu.memref_squeeze %dma_start3A_176 : memref<1x32xi32, #tpu.memory_space<vmem_shared>> -> memref<32xi32, #tpu.memory_space<vmem_shared>>
    tpu.enqueue_dma source(%dma_start3A_177 : memref<32xi32, #tpu.memory_space<vmem_shared>>) target(%dma_start3A_175 : memref<32xi32, #tpu.memory_space<vmem>>) target_semaphore(%arg24 : memref<!tpu.dma_semaphore, #tpu.memory_space<semaphore_mem>>)
    %dma_start3A_178 = arith.constant 6 : i32
    %dma_start3A_179 = arith.constant 192 : i32
    %dma_start3A_180 = tpu.memref_slice %arg16[%dma_start3A_179] : memref<512xi32, #tpu.memory_space<vmem>> -> memref<32xi32, #tpu.memory_space<vmem>>
    %dma_start3A_181 = tpu.memref_slice %arg23[%dma_start3A_178, %mul3A_2] : memref<16x512xi32, #tpu.memory_space<vmem_shared>> -> memref<1x32xi32, #tpu.memory_space<vmem_shared>>
    %dma_start3A_182 = tpu.memref_squeeze %dma_start3A_181 : memref<1x32xi32, #tpu.memory_space<vmem_shared>> -> memref<32xi32, #tpu.memory_space<vmem_shared>>
    %dma_start3A_183 = arith.constant 192 : i32
    %dma_start3A_184 = tpu.memref_slice %arg16[%dma_start3A_183] : memref<512xi32, #tpu.memory_space<vmem>> -> memref<32xi32, #tpu.memory_space<vmem>>
    %dma_start3A_185 = tpu.memref_slice %arg23[%dma_start3A_178, %mul3A_2] : memref<16x512xi32, #tpu.memory_space<vmem_shared>> -> memref<1x32xi32, #tpu.memory_space<vmem_shared>>
    %dma_start3A_186 = tpu.memref_squeeze %dma_start3A_185 : memref<1x32xi32, #tpu.memory_space<vmem_shared>> -> memref<32xi32, #tpu.memory_space<vmem_shared>>
    tpu.enqueue_dma source(%dma_start3A_186 : memref<32xi32, #tpu.memory_space<vmem_shared>>) target(%dma_start3A_184 : memref<32xi32, #tpu.memory_space<vmem>>) target_semaphore(%arg24 : memref<!tpu.dma_semaphore, #tpu.memory_space<semaphore_mem>>)
    %dma_start3A_187 = arith.constant 7 : i32
    %dma_start3A_188 = arith.constant 224 : i32
    %dma_start3A_189 = tpu.memref_slice %arg15[%dma_start3A_188] : memref<512xi32, #tpu.memory_space<vmem>> -> memref<32xi32, #tpu.memory_space<vmem>>
    %dma_start3A_190 = tpu.memref_slice %arg22[%dma_start3A_187, %mul3A_2] : memref<16x512xi32, #tpu.memory_space<vmem_shared>> -> memref<1x32xi32, #tpu.memory_space<vmem_shared>>
    %dma_start3A_191 = tpu.memref_squeeze %dma_start3A_190 : memref<1x32xi32, #tpu.memory_space<vmem_shared>> -> memref<32xi32, #tpu.memory_space<vmem_shared>>
    %dma_start3A_192 = arith.constant 224 : i32
    %dma_start3A_193 = tpu.memref_slice %arg15[%dma_start3A_192] : memref<512xi32, #tpu.memory_space<vmem>> -> memref<32xi32, #tpu.memory_space<vmem>>
    %dma_start3A_194 = tpu.memref_slice %arg22[%dma_start3A_187, %mul3A_2] : memref<16x512xi32, #tpu.memory_space<vmem_shared>> -> memref<1x32xi32, #tpu.memory_space<vmem_shared>>
    %dma_start3A_195 = tpu.memref_squeeze %dma_start3A_194 : memref<1x32xi32, #tpu.memory_space<vmem_shared>> -> memref<32xi32, #tpu.memory_space<vmem_shared>>
    tpu.enqueue_dma source(%dma_start3A_195 : memref<32xi32, #tpu.memory_space<vmem_shared>>) target(%dma_start3A_193 : memref<32xi32, #tpu.memory_space<vmem>>) target_semaphore(%arg24 : memref<!tpu.dma_semaphore, #tpu.memory_space<semaphore_mem>>)
    %dma_start3A_196 = arith.constant 7 : i32
    %dma_start3A_197 = arith.constant 224 : i32
    %dma_start3A_198 = tpu.memref_slice %arg16[%dma_start3A_197] : memref<512xi32, #tpu.memory_space<vmem>> -> memref<32xi32, #tpu.memory_space<vmem>>
    %dma_start3A_199 = tpu.memref_slice %arg23[%dma_start3A_196, %mul3A_2] : memref<16x512xi32, #tpu.memory_space<vmem_shared>> -> memref<1x32xi32, #tpu.memory_space<vmem_shared>>
    %dma_start3A_200 = tpu.memref_squeeze %dma_start3A_199 : memref<1x32xi32, #tpu.memory_space<vmem_shared>> -> memref<32xi32, #tpu.memory_space<vmem_shared>>
    %dma_start3A_201 = arith.constant 224 : i32
    %dma_start3A_202 = tpu.memref_slice %arg16[%dma_start3A_201] : memref<512xi32, #tpu.memory_space<vmem>> -> memref<32xi32, #tpu.memory_space<vmem>>
    %dma_start3A_203 = tpu.memref_slice %arg23[%dma_start3A_196, %mul3A_2] : memref<16x512xi32, #tpu.memory_space<vmem_shared>> -> memref<1x32xi32, #tpu.memory_space<vmem_shared>>
    %dma_start3A_204 = tpu.memref_squeeze %dma_start3A_203 : memref<1x32xi32, #tpu.memory_space<vmem_shared>> -> memref<32xi32, #tpu.memory_space<vmem_shared>>
    tpu.enqueue_dma source(%dma_start3A_204 : memref<32xi32, #tpu.memory_space<vmem_shared>>) target(%dma_start3A_202 : memref<32xi32, #tpu.memory_space<vmem>>) target_semaphore(%arg24 : memref<!tpu.dma_semaphore, #tpu.memory_space<semaphore_mem>>)
    %dma_start3A_205 = arith.constant 8 : i32
    %dma_start3A_206 = arith.constant 256 : i32
    %dma_start3A_207 = tpu.memref_slice %arg15[%dma_start3A_206] : memref<512xi32, #tpu.memory_space<vmem>> -> memref<32xi32, #tpu.memory_space<vmem>>
    %dma_start3A_208 = tpu.memref_slice %arg22[%dma_start3A_205, %mul3A_2] : memref<16x512xi32, #tpu.memory_space<vmem_shared>> -> memref<1x32xi32, #tpu.memory_space<vmem_shared>>
    %dma_start3A_209 = tpu.memref_squeeze %dma_start3A_208 : memref<1x32xi32, #tpu.memory_space<vmem_shared>> -> memref<32xi32, #tpu.memory_space<vmem_shared>>
    %dma_start3A_210 = arith.constant 256 : i32
    %dma_start3A_211 = tpu.memref_slice %arg15[%dma_start3A_210] : memref<512xi32, #tpu.memory_space<vmem>> -> memref<32xi32, #tpu.memory_space<vmem>>
    %dma_start3A_212 = tpu.memref_slice %arg22[%dma_start3A_205, %mul3A_2] : memref<16x512xi32, #tpu.memory_space<vmem_shared>> -> memref<1x32xi32, #tpu.memory_space<vmem_shared>>
    %dma_start3A_213 = tpu.memref_squeeze %dma_start3A_212 : memref<1x32xi32, #tpu.memory_space<vmem_shared>> -> memref<32xi32, #tpu.memory_space<vmem_shared>>
    tpu.enqueue_dma source(%dma_start3A_213 : memref<32xi32, #tpu.memory_space<vmem_shared>>) target(%dma_start3A_211 : memref<32xi32, #tpu.memory_space<vmem>>) target_semaphore(%arg24 : memref<!tpu.dma_semaphore, #tpu.memory_space<semaphore_mem>>)
    %dma_start3A_214 = arith.constant 8 : i32
    %dma_start3A_215 = arith.constant 256 : i32
    %dma_start3A_216 = tpu.memref_slice %arg16[%dma_start3A_215] : memref<512xi32, #tpu.memory_space<vmem>> -> memref<32xi32, #tpu.memory_space<vmem>>
    %dma_start3A_217 = tpu.memref_slice %arg23[%dma_start3A_214, %mul3A_2] : memref<16x512xi32, #tpu.memory_space<vmem_shared>> -> memref<1x32xi32, #tpu.memory_space<vmem_shared>>
    %dma_start3A_218 = tpu.memref_squeeze %dma_start3A_217 : memref<1x32xi32, #tpu.memory_space<vmem_shared>> -> memref<32xi32, #tpu.memory_space<vmem_shared>>
    %dma_start3A_219 = arith.constant 256 : i32
    %dma_start3A_220 = tpu.memref_slice %arg16[%dma_start3A_219] : memref<512xi32, #tpu.memory_space<vmem>> -> memref<32xi32, #tpu.memory_space<vmem>>
    %dma_start3A_221 = tpu.memref_slice %arg23[%dma_start3A_214, %mul3A_2] : memref<16x512xi32, #tpu.memory_space<vmem_shared>> -> memref<1x32xi32, #tpu.memory_space<vmem_shared>>
    %dma_start3A_222 = tpu.memref_squeeze %dma_start3A_221 : memref<1x32xi32, #tpu.memory_space<vmem_shared>> -> memref<32xi32, #tpu.memory_space<vmem_shared>>
    tpu.enqueue_dma source(%dma_start3A_222 : memref<32xi32, #tpu.memory_space<vmem_shared>>) target(%dma_start3A_220 : memref<32xi32, #tpu.memory_space<vmem>>) target_semaphore(%arg24 : memref<!tpu.dma_semaphore, #tpu.memory_space<semaphore_mem>>)
    %dma_start3A_223 = arith.constant 9 : i32
    %dma_start3A_224 = arith.constant 288 : i32
    %dma_start3A_225 = tpu.memref_slice %arg15[%dma_start3A_224] : memref<512xi32, #tpu.memory_space<vmem>> -> memref<32xi32, #tpu.memory_space<vmem>>
    %dma_start3A_226 = tpu.memref_slice %arg22[%dma_start3A_223, %mul3A_2] : memref<16x512xi32, #tpu.memory_space<vmem_shared>> -> memref<1x32xi32, #tpu.memory_space<vmem_shared>>
    %dma_start3A_227 = tpu.memref_squeeze %dma_start3A_226 : memref<1x32xi32, #tpu.memory_space<vmem_shared>> -> memref<32xi32, #tpu.memory_space<vmem_shared>>
    %dma_start3A_228 = arith.constant 288 : i32
    %dma_start3A_229 = tpu.memref_slice %arg15[%dma_start3A_228] : memref<512xi32, #tpu.memory_space<vmem>> -> memref<32xi32, #tpu.memory_space<vmem>>
    %dma_start3A_230 = tpu.memref_slice %arg22[%dma_start3A_223, %mul3A_2] : memref<16x512xi32, #tpu.memory_space<vmem_shared>> -> memref<1x32xi32, #tpu.memory_space<vmem_shared>>
    %dma_start3A_231 = tpu.memref_squeeze %dma_start3A_230 : memref<1x32xi32, #tpu.memory_space<vmem_shared>> -> memref<32xi32, #tpu.memory_space<vmem_shared>>
    tpu.enqueue_dma source(%dma_start3A_231 : memref<32xi32, #tpu.memory_space<vmem_shared>>) target(%dma_start3A_229 : memref<32xi32, #tpu.memory_space<vmem>>) target_semaphore(%arg24 : memref<!tpu.dma_semaphore, #tpu.memory_space<semaphore_mem>>)
    %dma_start3A_232 = arith.constant 9 : i32
    %dma_start3A_233 = arith.constant 288 : i32
    %dma_start3A_234 = tpu.memref_slice %arg16[%dma_start3A_233] : memref<512xi32, #tpu.memory_space<vmem>> -> memref<32xi32, #tpu.memory_space<vmem>>
    %dma_start3A_235 = tpu.memref_slice %arg23[%dma_start3A_232, %mul3A_2] : memref<16x512xi32, #tpu.memory_space<vmem_shared>> -> memref<1x32xi32, #tpu.memory_space<vmem_shared>>
    %dma_start3A_236 = tpu.memref_squeeze %dma_start3A_235 : memref<1x32xi32, #tpu.memory_space<vmem_shared>> -> memref<32xi32, #tpu.memory_space<vmem_shared>>
    %dma_start3A_237 = arith.constant 288 : i32
    %dma_start3A_238 = tpu.memref_slice %arg16[%dma_start3A_237] : memref<512xi32, #tpu.memory_space<vmem>> -> memref<32xi32, #tpu.memory_space<vmem>>
    %dma_start3A_239 = tpu.memref_slice %arg23[%dma_start3A_232, %mul3A_2] : memref<16x512xi32, #tpu.memory_space<vmem_shared>> -> memref<1x32xi32, #tpu.memory_space<vmem_shared>>
    %dma_start3A_240 = tpu.memref_squeeze %dma_start3A_239 : memref<1x32xi32, #tpu.memory_space<vmem_shared>> -> memref<32xi32, #tpu.memory_space<vmem_shared>>
    tpu.enqueue_dma source(%dma_start3A_240 : memref<32xi32, #tpu.memory_space<vmem_shared>>) target(%dma_start3A_238 : memref<32xi32, #tpu.memory_space<vmem>>) target_semaphore(%arg24 : memref<!tpu.dma_semaphore, #tpu.memory_space<semaphore_mem>>)
    %dma_start3A_241 = arith.constant 10 : i32
    %dma_start3A_242 = arith.constant 320 : i32
    %dma_start3A_243 = tpu.memref_slice %arg15[%dma_start3A_242] : memref<512xi32, #tpu.memory_space<vmem>> -> memref<32xi32, #tpu.memory_space<vmem>>
    %dma_start3A_244 = tpu.memref_slice %arg22[%dma_start3A_241, %mul3A_2] : memref<16x512xi32, #tpu.memory_space<vmem_shared>> -> memref<1x32xi32, #tpu.memory_space<vmem_shared>>
    %dma_start3A_245 = tpu.memref_squeeze %dma_start3A_244 : memref<1x32xi32, #tpu.memory_space<vmem_shared>> -> memref<32xi32, #tpu.memory_space<vmem_shared>>
    %dma_start3A_246 = arith.constant 320 : i32
    %dma_start3A_247 = tpu.memref_slice %arg15[%dma_start3A_246] : memref<512xi32, #tpu.memory_space<vmem>> -> memref<32xi32, #tpu.memory_space<vmem>>
    %dma_start3A_248 = tpu.memref_slice %arg22[%dma_start3A_241, %mul3A_2] : memref<16x512xi32, #tpu.memory_space<vmem_shared>> -> memref<1x32xi32, #tpu.memory_space<vmem_shared>>
    %dma_start3A_249 = tpu.memref_squeeze %dma_start3A_248 : memref<1x32xi32, #tpu.memory_space<vmem_shared>> -> memref<32xi32, #tpu.memory_space<vmem_shared>>
    tpu.enqueue_dma source(%dma_start3A_249 : memref<32xi32, #tpu.memory_space<vmem_shared>>) target(%dma_start3A_247 : memref<32xi32, #tpu.memory_space<vmem>>) target_semaphore(%arg24 : memref<!tpu.dma_semaphore, #tpu.memory_space<semaphore_mem>>)
    %dma_start3A_250 = arith.constant 10 : i32
    %dma_start3A_251 = arith.constant 320 : i32
    %dma_start3A_252 = tpu.memref_slice %arg16[%dma_start3A_251] : memref<512xi32, #tpu.memory_space<vmem>> -> memref<32xi32, #tpu.memory_space<vmem>>
    %dma_start3A_253 = tpu.memref_slice %arg23[%dma_start3A_250, %mul3A_2] : memref<16x512xi32, #tpu.memory_space<vmem_shared>> -> memref<1x32xi32, #tpu.memory_space<vmem_shared>>
    %dma_start3A_254 = tpu.memref_squeeze %dma_start3A_253 : memref<1x32xi32, #tpu.memory_space<vmem_shared>> -> memref<32xi32, #tpu.memory_space<vmem_shared>>
    %dma_start3A_255 = arith.constant 320 : i32
    %dma_start3A_256 = tpu.memref_slice %arg16[%dma_start3A_255] : memref<512xi32, #tpu.memory_space<vmem>> -> memref<32xi32, #tpu.memory_space<vmem>>
    %dma_start3A_257 = tpu.memref_slice %arg23[%dma_start3A_250, %mul3A_2] : memref<16x512xi32, #tpu.memory_space<vmem_shared>> -> memref<1x32xi32, #tpu.memory_space<vmem_shared>>
    %dma_start3A_258 = tpu.memref_squeeze %dma_start3A_257 : memref<1x32xi32, #tpu.memory_space<vmem_shared>> -> memref<32xi32, #tpu.memory_space<vmem_shared>>
    tpu.enqueue_dma source(%dma_start3A_258 : memref<32xi32, #tpu.memory_space<vmem_shared>>) target(%dma_start3A_256 : memref<32xi32, #tpu.memory_space<vmem>>) target_semaphore(%arg24 : memref<!tpu.dma_semaphore, #tpu.memory_space<semaphore_mem>>)
    %dma_start3A_259 = arith.constant 11 : i32
    %dma_start3A_260 = arith.constant 352 : i32
    %dma_start3A_261 = tpu.memref_slice %arg15[%dma_start3A_260] : memref<512xi32, #tpu.memory_space<vmem>> -> memref<32xi32, #tpu.memory_space<vmem>>
    %dma_start3A_262 = tpu.memref_slice %arg22[%dma_start3A_259, %mul3A_2] : memref<16x512xi32, #tpu.memory_space<vmem_shared>> -> memref<1x32xi32, #tpu.memory_space<vmem_shared>>
    %dma_start3A_263 = tpu.memref_squeeze %dma_start3A_262 : memref<1x32xi32, #tpu.memory_space<vmem_shared>> -> memref<32xi32, #tpu.memory_space<vmem_shared>>
    %dma_start3A_264 = arith.constant 352 : i32
    %dma_start3A_265 = tpu.memref_slice %arg15[%dma_start3A_264] : memref<512xi32, #tpu.memory_space<vmem>> -> memref<32xi32, #tpu.memory_space<vmem>>
    %dma_start3A_266 = tpu.memref_slice %arg22[%dma_start3A_259, %mul3A_2] : memref<16x512xi32, #tpu.memory_space<vmem_shared>> -> memref<1x32xi32, #tpu.memory_space<vmem_shared>>
    %dma_start3A_267 = tpu.memref_squeeze %dma_start3A_266 : memref<1x32xi32, #tpu.memory_space<vmem_shared>> -> memref<32xi32, #tpu.memory_space<vmem_shared>>
    tpu.enqueue_dma source(%dma_start3A_267 : memref<32xi32, #tpu.memory_space<vmem_shared>>) target(%dma_start3A_265 : memref<32xi32, #tpu.memory_space<vmem>>) target_semaphore(%arg24 : memref<!tpu.dma_semaphore, #tpu.memory_space<semaphore_mem>>)
    %dma_start3A_268 = arith.constant 11 : i32
    %dma_start3A_269 = arith.constant 352 : i32
    %dma_start3A_270 = tpu.memref_slice %arg16[%dma_start3A_269] : memref<512xi32, #tpu.memory_space<vmem>> -> memref<32xi32, #tpu.memory_space<vmem>>
    %dma_start3A_271 = tpu.memref_slice %arg23[%dma_start3A_268, %mul3A_2] : memref<16x512xi32, #tpu.memory_space<vmem_shared>> -> memref<1x32xi32, #tpu.memory_space<vmem_shared>>
    %dma_start3A_272 = tpu.memref_squeeze %dma_start3A_271 : memref<1x32xi32, #tpu.memory_space<vmem_shared>> -> memref<32xi32, #tpu.memory_space<vmem_shared>>
    %dma_start3A_273 = arith.constant 352 : i32
    %dma_start3A_274 = tpu.memref_slice %arg16[%dma_start3A_273] : memref<512xi32, #tpu.memory_space<vmem>> -> memref<32xi32, #tpu.memory_space<vmem>>
    %dma_start3A_275 = tpu.memref_slice %arg23[%dma_start3A_268, %mul3A_2] : memref<16x512xi32, #tpu.memory_space<vmem_shared>> -> memref<1x32xi32, #tpu.memory_space<vmem_shared>>
    %dma_start3A_276 = tpu.memref_squeeze %dma_start3A_275 : memref<1x32xi32, #tpu.memory_space<vmem_shared>> -> memref<32xi32, #tpu.memory_space<vmem_shared>>
    tpu.enqueue_dma source(%dma_start3A_276 : memref<32xi32, #tpu.memory_space<vmem_shared>>) target(%dma_start3A_274 : memref<32xi32, #tpu.memory_space<vmem>>) target_semaphore(%arg24 : memref<!tpu.dma_semaphore, #tpu.memory_space<semaphore_mem>>)
    %dma_start3A_277 = arith.constant 12 : i32
    %dma_start3A_278 = arith.constant 384 : i32
    %dma_start3A_279 = tpu.memref_slice %arg15[%dma_start3A_278] : memref<512xi32, #tpu.memory_space<vmem>> -> memref<32xi32, #tpu.memory_space<vmem>>
    %dma_start3A_280 = tpu.memref_slice %arg22[%dma_start3A_277, %mul3A_2] : memref<16x512xi32, #tpu.memory_space<vmem_shared>> -> memref<1x32xi32, #tpu.memory_space<vmem_shared>>
    %dma_start3A_281 = tpu.memref_squeeze %dma_start3A_280 : memref<1x32xi32, #tpu.memory_space<vmem_shared>> -> memref<32xi32, #tpu.memory_space<vmem_shared>>
    %dma_start3A_282 = arith.constant 384 : i32
    %dma_start3A_283 = tpu.memref_slice %arg15[%dma_start3A_282] : memref<512xi32, #tpu.memory_space<vmem>> -> memref<32xi32, #tpu.memory_space<vmem>>
    %dma_start3A_284 = tpu.memref_slice %arg22[%dma_start3A_277, %mul3A_2] : memref<16x512xi32, #tpu.memory_space<vmem_shared>> -> memref<1x32xi32, #tpu.memory_space<vmem_shared>>
    %dma_start3A_285 = tpu.memref_squeeze %dma_start3A_284 : memref<1x32xi32, #tpu.memory_space<vmem_shared>> -> memref<32xi32, #tpu.memory_space<vmem_shared>>
    tpu.enqueue_dma source(%dma_start3A_285 : memref<32xi32, #tpu.memory_space<vmem_shared>>) target(%dma_start3A_283 : memref<32xi32, #tpu.memory_space<vmem>>) target_semaphore(%arg24 : memref<!tpu.dma_semaphore, #tpu.memory_space<semaphore_mem>>)
    %dma_start3A_286 = arith.constant 12 : i32
    %dma_start3A_287 = arith.constant 384 : i32
    %dma_start3A_288 = tpu.memref_slice %arg16[%dma_start3A_287] : memref<512xi32, #tpu.memory_space<vmem>> -> memref<32xi32, #tpu.memory_space<vmem>>
    %dma_start3A_289 = tpu.memref_slice %arg23[%dma_start3A_286, %mul3A_2] : memref<16x512xi32, #tpu.memory_space<vmem_shared>> -> memref<1x32xi32, #tpu.memory_space<vmem_shared>>
    %dma_start3A_290 = tpu.memref_squeeze %dma_start3A_289 : memref<1x32xi32, #tpu.memory_space<vmem_shared>> -> memref<32xi32, #tpu.memory_space<vmem_shared>>
    %dma_start3A_291 = arith.constant 384 : i32
    %dma_start3A_292 = tpu.memref_slice %arg16[%dma_start3A_291] : memref<512xi32, #tpu.memory_space<vmem>> -> memref<32xi32, #tpu.memory_space<vmem>>
    %dma_start3A_293 = tpu.memref_slice %arg23[%dma_start3A_286, %mul3A_2] : memref<16x512xi32, #tpu.memory_space<vmem_shared>> -> memref<1x32xi32, #tpu.memory_space<vmem_shared>>
    %dma_start3A_294 = tpu.memref_squeeze %dma_start3A_293 : memref<1x32xi32, #tpu.memory_space<vmem_shared>> -> memref<32xi32, #tpu.memory_space<vmem_shared>>
    tpu.enqueue_dma source(%dma_start3A_294 : memref<32xi32, #tpu.memory_space<vmem_shared>>) target(%dma_start3A_292 : memref<32xi32, #tpu.memory_space<vmem>>) target_semaphore(%arg24 : memref<!tpu.dma_semaphore, #tpu.memory_space<semaphore_mem>>)
    %dma_start3A_295 = arith.constant 13 : i32
    %dma_start3A_296 = arith.constant 416 : i32
    %dma_start3A_297 = tpu.memref_slice %arg15[%dma_start3A_296] : memref<512xi32, #tpu.memory_space<vmem>> -> memref<32xi32, #tpu.memory_space<vmem>>
    %dma_start3A_298 = tpu.memref_slice %arg22[%dma_start3A_295, %mul3A_2] : memref<16x512xi32, #tpu.memory_space<vmem_shared>> -> memref<1x32xi32, #tpu.memory_space<vmem_shared>>
    %dma_start3A_299 = tpu.memref_squeeze %dma_start3A_298 : memref<1x32xi32, #tpu.memory_space<vmem_shared>> -> memref<32xi32, #tpu.memory_space<vmem_shared>>
    %dma_start3A_300 = arith.constant 416 : i32
    %dma_start3A_301 = tpu.memref_slice %arg15[%dma_start3A_300] : memref<512xi32, #tpu.memory_space<vmem>> -> memref<32xi32, #tpu.memory_space<vmem>>
    %dma_start3A_302 = tpu.memref_slice %arg22[%dma_start3A_295, %mul3A_2] : memref<16x512xi32, #tpu.memory_space<vmem_shared>> -> memref<1x32xi32, #tpu.memory_space<vmem_shared>>
    %dma_start3A_303 = tpu.memref_squeeze %dma_start3A_302 : memref<1x32xi32, #tpu.memory_space<vmem_shared>> -> memref<32xi32, #tpu.memory_space<vmem_shared>>
    tpu.enqueue_dma source(%dma_start3A_303 : memref<32xi32, #tpu.memory_space<vmem_shared>>) target(%dma_start3A_301 : memref<32xi32, #tpu.memory_space<vmem>>) target_semaphore(%arg24 : memref<!tpu.dma_semaphore, #tpu.memory_space<semaphore_mem>>)
    %dma_start3A_304 = arith.constant 13 : i32
    %dma_start3A_305 = arith.constant 416 : i32
    %dma_start3A_306 = tpu.memref_slice %arg16[%dma_start3A_305] : memref<512xi32, #tpu.memory_space<vmem>> -> memref<32xi32, #tpu.memory_space<vmem>>
    %dma_start3A_307 = tpu.memref_slice %arg23[%dma_start3A_304, %mul3A_2] : memref<16x512xi32, #tpu.memory_space<vmem_shared>> -> memref<1x32xi32, #tpu.memory_space<vmem_shared>>
    %dma_start3A_308 = tpu.memref_squeeze %dma_start3A_307 : memref<1x32xi32, #tpu.memory_space<vmem_shared>> -> memref<32xi32, #tpu.memory_space<vmem_shared>>
    %dma_start3A_309 = arith.constant 416 : i32
    %dma_start3A_310 = tpu.memref_slice %arg16[%dma_start3A_309] : memref<512xi32, #tpu.memory_space<vmem>> -> memref<32xi32, #tpu.memory_space<vmem>>
    %dma_start3A_311 = tpu.memref_slice %arg23[%dma_start3A_304, %mul3A_2] : memref<16x512xi32, #tpu.memory_space<vmem_shared>> -> memref<1x32xi32, #tpu.memory_space<vmem_shared>>
    %dma_start3A_312 = tpu.memref_squeeze %dma_start3A_311 : memref<1x32xi32, #tpu.memory_space<vmem_shared>> -> memref<32xi32, #tpu.memory_space<vmem_shared>>
    tpu.enqueue_dma source(%dma_start3A_312 : memref<32xi32, #tpu.memory_space<vmem_shared>>) target(%dma_start3A_310 : memref<32xi32, #tpu.memory_space<vmem>>) target_semaphore(%arg24 : memref<!tpu.dma_semaphore, #tpu.memory_space<semaphore_mem>>)
    %dma_start3A_313 = arith.constant 14 : i32
    %dma_start3A_314 = arith.constant 448 : i32
    %dma_start3A_315 = tpu.memref_slice %arg15[%dma_start3A_314] : memref<512xi32, #tpu.memory_space<vmem>> -> memref<32xi32, #tpu.memory_space<vmem>>
    %dma_start3A_316 = tpu.memref_slice %arg22[%dma_start3A_313, %mul3A_2] : memref<16x512xi32, #tpu.memory_space<vmem_shared>> -> memref<1x32xi32, #tpu.memory_space<vmem_shared>>
    %dma_start3A_317 = tpu.memref_squeeze %dma_start3A_316 : memref<1x32xi32, #tpu.memory_space<vmem_shared>> -> memref<32xi32, #tpu.memory_space<vmem_shared>>
    %dma_start3A_318 = arith.constant 448 : i32
    %dma_start3A_319 = tpu.memref_slice %arg15[%dma_start3A_318] : memref<512xi32, #tpu.memory_space<vmem>> -> memref<32xi32, #tpu.memory_space<vmem>>
    %dma_start3A_320 = tpu.memref_slice %arg22[%dma_start3A_313, %mul3A_2] : memref<16x512xi32, #tpu.memory_space<vmem_shared>> -> memref<1x32xi32, #tpu.memory_space<vmem_shared>>
    %dma_start3A_321 = tpu.memref_squeeze %dma_start3A_320 : memref<1x32xi32, #tpu.memory_space<vmem_shared>> -> memref<32xi32, #tpu.memory_space<vmem_shared>>
    tpu.enqueue_dma source(%dma_start3A_321 : memref<32xi32, #tpu.memory_space<vmem_shared>>) target(%dma_start3A_319 : memref<32xi32, #tpu.memory_space<vmem>>) target_semaphore(%arg24 : memref<!tpu.dma_semaphore, #tpu.memory_space<semaphore_mem>>)
    %dma_start3A_322 = arith.constant 14 : i32
    %dma_start3A_323 = arith.constant 448 : i32
    %dma_start3A_324 = tpu.memref_slice %arg16[%dma_start3A_323] : memref<512xi32, #tpu.memory_space<vmem>> -> memref<32xi32, #tpu.memory_space<vmem>>
    %dma_start3A_325 = tpu.memref_slice %arg23[%dma_start3A_322, %mul3A_2] : memref<16x512xi32, #tpu.memory_space<vmem_shared>> -> memref<1x32xi32, #tpu.memory_space<vmem_shared>>
    %dma_start3A_326 = tpu.memref_squeeze %dma_start3A_325 : memref<1x32xi32, #tpu.memory_space<vmem_shared>> -> memref<32xi32, #tpu.memory_space<vmem_shared>>
    %dma_start3A_327 = arith.constant 448 : i32
    %dma_start3A_328 = tpu.memref_slice %arg16[%dma_start3A_327] : memref<512xi32, #tpu.memory_space<vmem>> -> memref<32xi32, #tpu.memory_space<vmem>>
    %dma_start3A_329 = tpu.memref_slice %arg23[%dma_start3A_322, %mul3A_2] : memref<16x512xi32, #tpu.memory_space<vmem_shared>> -> memref<1x32xi32, #tpu.memory_space<vmem_shared>>
    %dma_start3A_330 = tpu.memref_squeeze %dma_start3A_329 : memref<1x32xi32, #tpu.memory_space<vmem_shared>> -> memref<32xi32, #tpu.memory_space<vmem_shared>>
    tpu.enqueue_dma source(%dma_start3A_330 : memref<32xi32, #tpu.memory_space<vmem_shared>>) target(%dma_start3A_328 : memref<32xi32, #tpu.memory_space<vmem>>) target_semaphore(%arg24 : memref<!tpu.dma_semaphore, #tpu.memory_space<semaphore_mem>>)
    %dma_start3A_331 = arith.constant 15 : i32
    %dma_start3A_332 = arith.constant 480 : i32
    %dma_start3A_333 = tpu.memref_slice %arg15[%dma_start3A_332] : memref<512xi32, #tpu.memory_space<vmem>> -> memref<32xi32, #tpu.memory_space<vmem>>
    %dma_start3A_334 = tpu.memref_slice %arg22[%dma_start3A_331, %mul3A_2] : memref<16x512xi32, #tpu.memory_space<vmem_shared>> -> memref<1x32xi32, #tpu.memory_space<vmem_shared>>
    %dma_start3A_335 = tpu.memref_squeeze %dma_start3A_334 : memref<1x32xi32, #tpu.memory_space<vmem_shared>> -> memref<32xi32, #tpu.memory_space<vmem_shared>>
    %dma_start3A_336 = arith.constant 480 : i32
    %dma_start3A_337 = tpu.memref_slice %arg15[%dma_start3A_336] : memref<512xi32, #tpu.memory_space<vmem>> -> memref<32xi32, #tpu.memory_space<vmem>>
    %dma_start3A_338 = tpu.memref_slice %arg22[%dma_start3A_331, %mul3A_2] : memref<16x512xi32, #tpu.memory_space<vmem_shared>> -> memref<1x32xi32, #tpu.memory_space<vmem_shared>>
    %dma_start3A_339 = tpu.memref_squeeze %dma_start3A_338 : memref<1x32xi32, #tpu.memory_space<vmem_shared>> -> memref<32xi32, #tpu.memory_space<vmem_shared>>
    tpu.enqueue_dma source(%dma_start3A_339 : memref<32xi32, #tpu.memory_space<vmem_shared>>) target(%dma_start3A_337 : memref<32xi32, #tpu.memory_space<vmem>>) target_semaphore(%arg24 : memref<!tpu.dma_semaphore, #tpu.memory_space<semaphore_mem>>)
    %dma_start3A_340 = arith.constant 15 : i32
    %dma_start3A_341 = arith.constant 480 : i32
    %dma_start3A_342 = tpu.memref_slice %arg16[%dma_start3A_341] : memref<512xi32, #tpu.memory_space<vmem>> -> memref<32xi32, #tpu.memory_space<vmem>>
    %dma_start3A_343 = tpu.memref_slice %arg23[%dma_start3A_340, %mul3A_2] : memref<16x512xi32, #tpu.memory_space<vmem_shared>> -> memref<1x32xi32, #tpu.memory_space<vmem_shared>>
    %dma_start3A_344 = tpu.memref_squeeze %dma_start3A_343 : memref<1x32xi32, #tpu.memory_space<vmem_shared>> -> memref<32xi32, #tpu.memory_space<vmem_shared>>
    %dma_start3A_345 = arith.constant 480 : i32
    %dma_start3A_346 = tpu.memref_slice %arg16[%dma_start3A_345] : memref<512xi32, #tpu.memory_space<vmem>> -> memref<32xi32, #tpu.memory_space<vmem>>
    %dma_start3A_347 = tpu.memref_slice %arg23[%dma_start3A_340, %mul3A_2] : memref<16x512xi32, #tpu.memory_space<vmem_shared>> -> memref<1x32xi32, #tpu.memory_space<vmem_shared>>
    %dma_start3A_348 = tpu.memref_squeeze %dma_start3A_347 : memref<1x32xi32, #tpu.memory_space<vmem_shared>> -> memref<32xi32, #tpu.memory_space<vmem_shared>>
    tpu.enqueue_dma source(%dma_start3A_348 : memref<32xi32, #tpu.memory_space<vmem_shared>>) target(%dma_start3A_346 : memref<32xi32, #tpu.memory_space<vmem>>) target_semaphore(%arg24 : memref<!tpu.dma_semaphore, #tpu.memory_space<semaphore_mem>>)
    %dma_wait3A_349 = arith.constant 0 : i32
    %dma_wait3A_350 = arith.constant 0 : i32
    %dma_wait3A_351 = tpu.memref_slice %arg15[%dma_wait3A_350] : memref<512xi32, #tpu.memory_space<vmem>> -> memref<32xi32, #tpu.memory_space<vmem>>
    %dma_wait3A_352 = tpu.memref_slice %arg22[%dma_wait3A_349, %mul3A_2] : memref<16x512xi32, #tpu.memory_space<vmem_shared>> -> memref<1x32xi32, #tpu.memory_space<vmem_shared>>
    %dma_wait3A_353 = tpu.memref_squeeze %dma_wait3A_352 : memref<1x32xi32, #tpu.memory_space<vmem_shared>> -> memref<32xi32, #tpu.memory_space<vmem_shared>>
    %dma_wait3A_354 = arith.constant 0 : i32
    %dma_wait3A_355 = tpu.memref_slice %arg15[%dma_wait3A_354] : memref<512xi32, #tpu.memory_space<vmem>> -> memref<32xi32, #tpu.memory_space<vmem>>
    %dma_wait3A_356 = tpu.memref_slice %arg22[%dma_wait3A_349, %mul3A_2] : memref<16x512xi32, #tpu.memory_space<vmem_shared>> -> memref<1x32xi32, #tpu.memory_space<vmem_shared>>
    %dma_wait3A_357 = tpu.memref_squeeze %dma_wait3A_356 : memref<1x32xi32, #tpu.memory_space<vmem_shared>> -> memref<32xi32, #tpu.memory_space<vmem_shared>>
    tpu.wait_dma2 semaphore(%arg24 : memref<!tpu.dma_semaphore, #tpu.memory_space<semaphore_mem>>) src(%dma_wait3A_357 : memref<32xi32, #tpu.memory_space<vmem_shared>>) dst(%dma_wait3A_355 : memref<32xi32, #tpu.memory_space<vmem>>)
    %dma_wait3A_358 = arith.constant 0 : i32
    %dma_wait3A_359 = arith.constant 0 : i32
    %dma_wait3A_360 = tpu.memref_slice %arg16[%dma_wait3A_359] : memref<512xi32, #tpu.memory_space<vmem>> -> memref<32xi32, #tpu.memory_space<vmem>>
    %dma_wait3A_361 = tpu.memref_slice %arg23[%dma_wait3A_358, %mul3A_2] : memref<16x512xi32, #tpu.memory_space<vmem_shared>> -> memref<1x32xi32, #tpu.memory_space<vmem_shared>>
    %dma_wait3A_362 = tpu.memref_squeeze %dma_wait3A_361 : memref<1x32xi32, #tpu.memory_space<vmem_shared>> -> memref<32xi32, #tpu.memory_space<vmem_shared>>
    %dma_wait3A_363 = arith.constant 0 : i32
    %dma_wait3A_364 = tpu.memref_slice %arg16[%dma_wait3A_363] : memref<512xi32, #tpu.memory_space<vmem>> -> memref<32xi32, #tpu.memory_space<vmem>>
    %dma_wait3A_365 = tpu.memref_slice %arg23[%dma_wait3A_358, %mul3A_2] : memref<16x512xi32, #tpu.memory_space<vmem_shared>> -> memref<1x32xi32, #tpu.memory_space<vmem_shared>>
    %dma_wait3A_366 = tpu.memref_squeeze %dma_wait3A_365 : memref<1x32xi32, #tpu.memory_space<vmem_shared>> -> memref<32xi32, #tpu.memory_space<vmem_shared>>
    tpu.wait_dma2 semaphore(%arg24 : memref<!tpu.dma_semaphore, #tpu.memory_space<semaphore_mem>>) src(%dma_wait3A_366 : memref<32xi32, #tpu.memory_space<vmem_shared>>) dst(%dma_wait3A_364 : memref<32xi32, #tpu.memory_space<vmem>>)
    %dma_wait3A_367 = arith.constant 1 : i32
    %dma_wait3A_368 = arith.constant 32 : i32
    %dma_wait3A_369 = tpu.memref_slice %arg15[%dma_wait3A_368] : memref<512xi32, #tpu.memory_space<vmem>> -> memref<32xi32, #tpu.memory_space<vmem>>
    %dma_wait3A_370 = tpu.memref_slice %arg22[%dma_wait3A_367, %mul3A_2] : memref<16x512xi32, #tpu.memory_space<vmem_shared>> -> memref<1x32xi32, #tpu.memory_space<vmem_shared>>
    %dma_wait3A_371 = tpu.memref_squeeze %dma_wait3A_370 : memref<1x32xi32, #tpu.memory_space<vmem_shared>> -> memref<32xi32, #tpu.memory_space<vmem_shared>>
    %dma_wait3A_372 = arith.constant 32 : i32
    %dma_wait3A_373 = tpu.memref_slice %arg15[%dma_wait3A_372] : memref<512xi32, #tpu.memory_space<vmem>> -> memref<32xi32, #tpu.memory_space<vmem>>
    %dma_wait3A_374 = tpu.memref_slice %arg22[%dma_wait3A_367, %mul3A_2] : memref<16x512xi32, #tpu.memory_space<vmem_shared>> -> memref<1x32xi32, #tpu.memory_space<vmem_shared>>
    %dma_wait3A_375 = tpu.memref_squeeze %dma_wait3A_374 : memref<1x32xi32, #tpu.memory_space<vmem_shared>> -> memref<32xi32, #tpu.memory_space<vmem_shared>>
    tpu.wait_dma2 semaphore(%arg24 : memref<!tpu.dma_semaphore, #tpu.memory_space<semaphore_mem>>) src(%dma_wait3A_375 : memref<32xi32, #tpu.memory_space<vmem_shared>>) dst(%dma_wait3A_373 : memref<32xi32, #tpu.memory_space<vmem>>)
    %dma_wait3A_376 = arith.constant 1 : i32
    %dma_wait3A_377 = arith.constant 32 : i32
    %dma_wait3A_378 = tpu.memref_slice %arg16[%dma_wait3A_377] : memref<512xi32, #tpu.memory_space<vmem>> -> memref<32xi32, #tpu.memory_space<vmem>>
    %dma_wait3A_379 = tpu.memref_slice %arg23[%dma_wait3A_376, %mul3A_2] : memref<16x512xi32, #tpu.memory_space<vmem_shared>> -> memref<1x32xi32, #tpu.memory_space<vmem_shared>>
    %dma_wait3A_380 = tpu.memref_squeeze %dma_wait3A_379 : memref<1x32xi32, #tpu.memory_space<vmem_shared>> -> memref<32xi32, #tpu.memory_space<vmem_shared>>
    %dma_wait3A_381 = arith.constant 32 : i32
    %dma_wait3A_382 = tpu.memref_slice %arg16[%dma_wait3A_381] : memref<512xi32, #tpu.memory_space<vmem>> -> memref<32xi32, #tpu.memory_space<vmem>>
    %dma_wait3A_383 = tpu.memref_slice %arg23[%dma_wait3A_376, %mul3A_2] : memref<16x512xi32, #tpu.memory_space<vmem_shared>> -> memref<1x32xi32, #tpu.memory_space<vmem_shared>>
    %dma_wait3A_384 = tpu.memref_squeeze %dma_wait3A_383 : memref<1x32xi32, #tpu.memory_space<vmem_shared>> -> memref<32xi32, #tpu.memory_space<vmem_shared>>
    tpu.wait_dma2 semaphore(%arg24 : memref<!tpu.dma_semaphore, #tpu.memory_space<semaphore_mem>>) src(%dma_wait3A_384 : memref<32xi32, #tpu.memory_space<vmem_shared>>) dst(%dma_wait3A_382 : memref<32xi32, #tpu.memory_space<vmem>>)
    %dma_wait3A_385 = arith.constant 2 : i32
    %dma_wait3A_386 = arith.constant 64 : i32
    %dma_wait3A_387 = tpu.memref_slice %arg15[%dma_wait3A_386] : memref<512xi32, #tpu.memory_space<vmem>> -> memref<32xi32, #tpu.memory_space<vmem>>
    %dma_wait3A_388 = tpu.memref_slice %arg22[%dma_wait3A_385, %mul3A_2] : memref<16x512xi32, #tpu.memory_space<vmem_shared>> -> memref<1x32xi32, #tpu.memory_space<vmem_shared>>
    %dma_wait3A_389 = tpu.memref_squeeze %dma_wait3A_388 : memref<1x32xi32, #tpu.memory_space<vmem_shared>> -> memref<32xi32, #tpu.memory_space<vmem_shared>>
    %dma_wait3A_390 = arith.constant 64 : i32
    %dma_wait3A_391 = tpu.memref_slice %arg15[%dma_wait3A_390] : memref<512xi32, #tpu.memory_space<vmem>> -> memref<32xi32, #tpu.memory_space<vmem>>
    %dma_wait3A_392 = tpu.memref_slice %arg22[%dma_wait3A_385, %mul3A_2] : memref<16x512xi32, #tpu.memory_space<vmem_shared>> -> memref<1x32xi32, #tpu.memory_space<vmem_shared>>
    %dma_wait3A_393 = tpu.memref_squeeze %dma_wait3A_392 : memref<1x32xi32, #tpu.memory_space<vmem_shared>> -> memref<32xi32, #tpu.memory_space<vmem_shared>>
    tpu.wait_dma2 semaphore(%arg24 : memref<!tpu.dma_semaphore, #tpu.memory_space<semaphore_mem>>) src(%dma_wait3A_393 : memref<32xi32, #tpu.memory_space<vmem_shared>>) dst(%dma_wait3A_391 : memref<32xi32, #tpu.memory_space<vmem>>)
    %dma_wait3A_394 = arith.constant 2 : i32
    %dma_wait3A_395 = arith.constant 64 : i32
    %dma_wait3A_396 = tpu.memref_slice %arg16[%dma_wait3A_395] : memref<512xi32, #tpu.memory_space<vmem>> -> memref<32xi32, #tpu.memory_space<vmem>>
    %dma_wait3A_397 = tpu.memref_slice %arg23[%dma_wait3A_394, %mul3A_2] : memref<16x512xi32, #tpu.memory_space<vmem_shared>> -> memref<1x32xi32, #tpu.memory_space<vmem_shared>>
    %dma_wait3A_398 = tpu.memref_squeeze %dma_wait3A_397 : memref<1x32xi32, #tpu.memory_space<vmem_shared>> -> memref<32xi32, #tpu.memory_space<vmem_shared>>
    %dma_wait3A_399 = arith.constant 64 : i32
    %dma_wait3A_400 = tpu.memref_slice %arg16[%dma_wait3A_399] : memref<512xi32, #tpu.memory_space<vmem>> -> memref<32xi32, #tpu.memory_space<vmem>>
    %dma_wait3A_401 = tpu.memref_slice %arg23[%dma_wait3A_394, %mul3A_2] : memref<16x512xi32, #tpu.memory_space<vmem_shared>> -> memref<1x32xi32, #tpu.memory_space<vmem_shared>>
    %dma_wait3A_402 = tpu.memref_squeeze %dma_wait3A_401 : memref<1x32xi32, #tpu.memory_space<vmem_shared>> -> memref<32xi32, #tpu.memory_space<vmem_shared>>
    tpu.wait_dma2 semaphore(%arg24 : memref<!tpu.dma_semaphore, #tpu.memory_space<semaphore_mem>>) src(%dma_wait3A_402 : memref<32xi32, #tpu.memory_space<vmem_shared>>) dst(%dma_wait3A_400 : memref<32xi32, #tpu.memory_space<vmem>>)
    %dma_wait3A_403 = arith.constant 3 : i32
    %dma_wait3A_404 = arith.constant 96 : i32
    %dma_wait3A_405 = tpu.memref_slice %arg15[%dma_wait3A_404] : memref<512xi32, #tpu.memory_space<vmem>> -> memref<32xi32, #tpu.memory_space<vmem>>
    %dma_wait3A_406 = tpu.memref_slice %arg22[%dma_wait3A_403, %mul3A_2] : memref<16x512xi32, #tpu.memory_space<vmem_shared>> -> memref<1x32xi32, #tpu.memory_space<vmem_shared>>
    %dma_wait3A_407 = tpu.memref_squeeze %dma_wait3A_406 : memref<1x32xi32, #tpu.memory_space<vmem_shared>> -> memref<32xi32, #tpu.memory_space<vmem_shared>>
    %dma_wait3A_408 = arith.constant 96 : i32
    %dma_wait3A_409 = tpu.memref_slice %arg15[%dma_wait3A_408] : memref<512xi32, #tpu.memory_space<vmem>> -> memref<32xi32, #tpu.memory_space<vmem>>
    %dma_wait3A_410 = tpu.memref_slice %arg22[%dma_wait3A_403, %mul3A_2] : memref<16x512xi32, #tpu.memory_space<vmem_shared>> -> memref<1x32xi32, #tpu.memory_space<vmem_shared>>
    %dma_wait3A_411 = tpu.memref_squeeze %dma_wait3A_410 : memref<1x32xi32, #tpu.memory_space<vmem_shared>> -> memref<32xi32, #tpu.memory_space<vmem_shared>>
    tpu.wait_dma2 semaphore(%arg24 : memref<!tpu.dma_semaphore, #tpu.memory_space<semaphore_mem>>) src(%dma_wait3A_411 : memref<32xi32, #tpu.memory_space<vmem_shared>>) dst(%dma_wait3A_409 : memref<32xi32, #tpu.memory_space<vmem>>)
    %dma_wait3A_412 = arith.constant 3 : i32
    %dma_wait3A_413 = arith.constant 96 : i32
    %dma_wait3A_414 = tpu.memref_slice %arg16[%dma_wait3A_413] : memref<512xi32, #tpu.memory_space<vmem>> -> memref<32xi32, #tpu.memory_space<vmem>>
    %dma_wait3A_415 = tpu.memref_slice %arg23[%dma_wait3A_412, %mul3A_2] : memref<16x512xi32, #tpu.memory_space<vmem_shared>> -> memref<1x32xi32, #tpu.memory_space<vmem_shared>>
    %dma_wait3A_416 = tpu.memref_squeeze %dma_wait3A_415 : memref<1x32xi32, #tpu.memory_space<vmem_shared>> -> memref<32xi32, #tpu.memory_space<vmem_shared>>
    %dma_wait3A_417 = arith.constant 96 : i32
    %dma_wait3A_418 = tpu.memref_slice %arg16[%dma_wait3A_417] : memref<512xi32, #tpu.memory_space<vmem>> -> memref<32xi32, #tpu.memory_space<vmem>>
    %dma_wait3A_419 = tpu.memref_slice %arg23[%dma_wait3A_412, %mul3A_2] : memref<16x512xi32, #tpu.memory_space<vmem_shared>> -> memref<1x32xi32, #tpu.memory_space<vmem_shared>>
    %dma_wait3A_420 = tpu.memref_squeeze %dma_wait3A_419 : memref<1x32xi32, #tpu.memory_space<vmem_shared>> -> memref<32xi32, #tpu.memory_space<vmem_shared>>
    tpu.wait_dma2 semaphore(%arg24 : memref<!tpu.dma_semaphore, #tpu.memory_space<semaphore_mem>>) src(%dma_wait3A_420 : memref<32xi32, #tpu.memory_space<vmem_shared>>) dst(%dma_wait3A_418 : memref<32xi32, #tpu.memory_space<vmem>>)
    %dma_wait3A_421 = arith.constant 4 : i32
    %dma_wait3A_422 = arith.constant 128 : i32
    %dma_wait3A_423 = tpu.memref_slice %arg15[%dma_wait3A_422] : memref<512xi32, #tpu.memory_space<vmem>> -> memref<32xi32, #tpu.memory_space<vmem>>
    %dma_wait3A_424 = tpu.memref_slice %arg22[%dma_wait3A_421, %mul3A_2] : memref<16x512xi32, #tpu.memory_space<vmem_shared>> -> memref<1x32xi32, #tpu.memory_space<vmem_shared>>
    %dma_wait3A_425 = tpu.memref_squeeze %dma_wait3A_424 : memref<1x32xi32, #tpu.memory_space<vmem_shared>> -> memref<32xi32, #tpu.memory_space<vmem_shared>>
    %dma_wait3A_426 = arith.constant 128 : i32
    %dma_wait3A_427 = tpu.memref_slice %arg15[%dma_wait3A_426] : memref<512xi32, #tpu.memory_space<vmem>> -> memref<32xi32, #tpu.memory_space<vmem>>
    %dma_wait3A_428 = tpu.memref_slice %arg22[%dma_wait3A_421, %mul3A_2] : memref<16x512xi32, #tpu.memory_space<vmem_shared>> -> memref<1x32xi32, #tpu.memory_space<vmem_shared>>
    %dma_wait3A_429 = tpu.memref_squeeze %dma_wait3A_428 : memref<1x32xi32, #tpu.memory_space<vmem_shared>> -> memref<32xi32, #tpu.memory_space<vmem_shared>>
    tpu.wait_dma2 semaphore(%arg24 : memref<!tpu.dma_semaphore, #tpu.memory_space<semaphore_mem>>) src(%dma_wait3A_429 : memref<32xi32, #tpu.memory_space<vmem_shared>>) dst(%dma_wait3A_427 : memref<32xi32, #tpu.memory_space<vmem>>)
    %dma_wait3A_430 = arith.constant 4 : i32
    %dma_wait3A_431 = arith.constant 128 : i32
    %dma_wait3A_432 = tpu.memref_slice %arg16[%dma_wait3A_431] : memref<512xi32, #tpu.memory_space<vmem>> -> memref<32xi32, #tpu.memory_space<vmem>>
    %dma_wait3A_433 = tpu.memref_slice %arg23[%dma_wait3A_430, %mul3A_2] : memref<16x512xi32, #tpu.memory_space<vmem_shared>> -> memref<1x32xi32, #tpu.memory_space<vmem_shared>>
    %dma_wait3A_434 = tpu.memref_squeeze %dma_wait3A_433 : memref<1x32xi32, #tpu.memory_space<vmem_shared>> -> memref<32xi32, #tpu.memory_space<vmem_shared>>
    %dma_wait3A_435 = arith.constant 128 : i32
    %dma_wait3A_436 = tpu.memref_slice %arg16[%dma_wait3A_435] : memref<512xi32, #tpu.memory_space<vmem>> -> memref<32xi32, #tpu.memory_space<vmem>>
    %dma_wait3A_437 = tpu.memref_slice %arg23[%dma_wait3A_430, %mul3A_2] : memref<16x512xi32, #tpu.memory_space<vmem_shared>> -> memref<1x32xi32, #tpu.memory_space<vmem_shared>>
    %dma_wait3A_438 = tpu.memref_squeeze %dma_wait3A_437 : memref<1x32xi32, #tpu.memory_space<vmem_shared>> -> memref<32xi32, #tpu.memory_space<vmem_shared>>
    tpu.wait_dma2 semaphore(%arg24 : memref<!tpu.dma_semaphore, #tpu.memory_space<semaphore_mem>>) src(%dma_wait3A_438 : memref<32xi32, #tpu.memory_space<vmem_shared>>) dst(%dma_wait3A_436 : memref<32xi32, #tpu.memory_space<vmem>>)
    %dma_wait3A_439 = arith.constant 5 : i32
    %dma_wait3A_440 = arith.constant 160 : i32
    %dma_wait3A_441 = tpu.memref_slice %arg15[%dma_wait3A_440] : memref<512xi32, #tpu.memory_space<vmem>> -> memref<32xi32, #tpu.memory_space<vmem>>
    %dma_wait3A_442 = tpu.memref_slice %arg22[%dma_wait3A_439, %mul3A_2] : memref<16x512xi32, #tpu.memory_space<vmem_shared>> -> memref<1x32xi32, #tpu.memory_space<vmem_shared>>
    %dma_wait3A_443 = tpu.memref_squeeze %dma_wait3A_442 : memref<1x32xi32, #tpu.memory_space<vmem_shared>> -> memref<32xi32, #tpu.memory_space<vmem_shared>>
    %dma_wait3A_444 = arith.constant 160 : i32
    %dma_wait3A_445 = tpu.memref_slice %arg15[%dma_wait3A_444] : memref<512xi32, #tpu.memory_space<vmem>> -> memref<32xi32, #tpu.memory_space<vmem>>
    %dma_wait3A_446 = tpu.memref_slice %arg22[%dma_wait3A_439, %mul3A_2] : memref<16x512xi32, #tpu.memory_space<vmem_shared>> -> memref<1x32xi32, #tpu.memory_space<vmem_shared>>
    %dma_wait3A_447 = tpu.memref_squeeze %dma_wait3A_446 : memref<1x32xi32, #tpu.memory_space<vmem_shared>> -> memref<32xi32, #tpu.memory_space<vmem_shared>>
    tpu.wait_dma2 semaphore(%arg24 : memref<!tpu.dma_semaphore, #tpu.memory_space<semaphore_mem>>) src(%dma_wait3A_447 : memref<32xi32, #tpu.memory_space<vmem_shared>>) dst(%dma_wait3A_445 : memref<32xi32, #tpu.memory_space<vmem>>)
    %dma_wait3A_448 = arith.constant 5 : i32
    %dma_wait3A_449 = arith.constant 160 : i32
    %dma_wait3A_450 = tpu.memref_slice %arg16[%dma_wait3A_449] : memref<512xi32, #tpu.memory_space<vmem>> -> memref<32xi32, #tpu.memory_space<vmem>>
    %dma_wait3A_451 = tpu.memref_slice %arg23[%dma_wait3A_448, %mul3A_2] : memref<16x512xi32, #tpu.memory_space<vmem_shared>> -> memref<1x32xi32, #tpu.memory_space<vmem_shared>>
    %dma_wait3A_452 = tpu.memref_squeeze %dma_wait3A_451 : memref<1x32xi32, #tpu.memory_space<vmem_shared>> -> memref<32xi32, #tpu.memory_space<vmem_shared>>
    %dma_wait3A_453 = arith.constant 160 : i32
    %dma_wait3A_454 = tpu.memref_slice %arg16[%dma_wait3A_453] : memref<512xi32, #tpu.memory_space<vmem>> -> memref<32xi32, #tpu.memory_space<vmem>>
    %dma_wait3A_455 = tpu.memref_slice %arg23[%dma_wait3A_448, %mul3A_2] : memref<16x512xi32, #tpu.memory_space<vmem_shared>> -> memref<1x32xi32, #tpu.memory_space<vmem_shared>>
    %dma_wait3A_456 = tpu.memref_squeeze %dma_wait3A_455 : memref<1x32xi32, #tpu.memory_space<vmem_shared>> -> memref<32xi32, #tpu.memory_space<vmem_shared>>
    tpu.wait_dma2 semaphore(%arg24 : memref<!tpu.dma_semaphore, #tpu.memory_space<semaphore_mem>>) src(%dma_wait3A_456 : memref<32xi32, #tpu.memory_space<vmem_shared>>) dst(%dma_wait3A_454 : memref<32xi32, #tpu.memory_space<vmem>>)
    %dma_wait3A_457 = arith.constant 6 : i32
    %dma_wait3A_458 = arith.constant 192 : i32
    %dma_wait3A_459 = tpu.memref_slice %arg15[%dma_wait3A_458] : memref<512xi32, #tpu.memory_space<vmem>> -> memref<32xi32, #tpu.memory_space<vmem>>
    %dma_wait3A_460 = tpu.memref_slice %arg22[%dma_wait3A_457, %mul3A_2] : memref<16x512xi32, #tpu.memory_space<vmem_shared>> -> memref<1x32xi32, #tpu.memory_space<vmem_shared>>
    %dma_wait3A_461 = tpu.memref_squeeze %dma_wait3A_460 : memref<1x32xi32, #tpu.memory_space<vmem_shared>> -> memref<32xi32, #tpu.memory_space<vmem_shared>>
    %dma_wait3A_462 = arith.constant 192 : i32
    %dma_wait3A_463 = tpu.memref_slice %arg15[%dma_wait3A_462] : memref<512xi32, #tpu.memory_space<vmem>> -> memref<32xi32, #tpu.memory_space<vmem>>
    %dma_wait3A_464 = tpu.memref_slice %arg22[%dma_wait3A_457, %mul3A_2] : memref<16x512xi32, #tpu.memory_space<vmem_shared>> -> memref<1x32xi32, #tpu.memory_space<vmem_shared>>
    %dma_wait3A_465 = tpu.memref_squeeze %dma_wait3A_464 : memref<1x32xi32, #tpu.memory_space<vmem_shared>> -> memref<32xi32, #tpu.memory_space<vmem_shared>>
    tpu.wait_dma2 semaphore(%arg24 : memref<!tpu.dma_semaphore, #tpu.memory_space<semaphore_mem>>) src(%dma_wait3A_465 : memref<32xi32, #tpu.memory_space<vmem_shared>>) dst(%dma_wait3A_463 : memref<32xi32, #tpu.memory_space<vmem>>)
    %dma_wait3A_466 = arith.constant 6 : i32
    %dma_wait3A_467 = arith.constant 192 : i32
    %dma_wait3A_468 = tpu.memref_slice %arg16[%dma_wait3A_467] : memref<512xi32, #tpu.memory_space<vmem>> -> memref<32xi32, #tpu.memory_space<vmem>>
    %dma_wait3A_469 = tpu.memref_slice %arg23[%dma_wait3A_466, %mul3A_2] : memref<16x512xi32, #tpu.memory_space<vmem_shared>> -> memref<1x32xi32, #tpu.memory_space<vmem_shared>>
    %dma_wait3A_470 = tpu.memref_squeeze %dma_wait3A_469 : memref<1x32xi32, #tpu.memory_space<vmem_shared>> -> memref<32xi32, #tpu.memory_space<vmem_shared>>
    %dma_wait3A_471 = arith.constant 192 : i32
    %dma_wait3A_472 = tpu.memref_slice %arg16[%dma_wait3A_471] : memref<512xi32, #tpu.memory_space<vmem>> -> memref<32xi32, #tpu.memory_space<vmem>>
    %dma_wait3A_473 = tpu.memref_slice %arg23[%dma_wait3A_466, %mul3A_2] : memref<16x512xi32, #tpu.memory_space<vmem_shared>> -> memref<1x32xi32, #tpu.memory_space<vmem_shared>>
    %dma_wait3A_474 = tpu.memref_squeeze %dma_wait3A_473 : memref<1x32xi32, #tpu.memory_space<vmem_shared>> -> memref<32xi32, #tpu.memory_space<vmem_shared>>
    tpu.wait_dma2 semaphore(%arg24 : memref<!tpu.dma_semaphore, #tpu.memory_space<semaphore_mem>>) src(%dma_wait3A_474 : memref<32xi32, #tpu.memory_space<vmem_shared>>) dst(%dma_wait3A_472 : memref<32xi32, #tpu.memory_space<vmem>>)
    %dma_wait3A_475 = arith.constant 7 : i32
    %dma_wait3A_476 = arith.constant 224 : i32
    %dma_wait3A_477 = tpu.memref_slice %arg15[%dma_wait3A_476] : memref<512xi32, #tpu.memory_space<vmem>> -> memref<32xi32, #tpu.memory_space<vmem>>
    %dma_wait3A_478 = tpu.memref_slice %arg22[%dma_wait3A_475, %mul3A_2] : memref<16x512xi32, #tpu.memory_space<vmem_shared>> -> memref<1x32xi32, #tpu.memory_space<vmem_shared>>
    %dma_wait3A_479 = tpu.memref_squeeze %dma_wait3A_478 : memref<1x32xi32, #tpu.memory_space<vmem_shared>> -> memref<32xi32, #tpu.memory_space<vmem_shared>>
    %dma_wait3A_480 = arith.constant 224 : i32
    %dma_wait3A_481 = tpu.memref_slice %arg15[%dma_wait3A_480] : memref<512xi32, #tpu.memory_space<vmem>> -> memref<32xi32, #tpu.memory_space<vmem>>
    %dma_wait3A_482 = tpu.memref_slice %arg22[%dma_wait3A_475, %mul3A_2] : memref<16x512xi32, #tpu.memory_space<vmem_shared>> -> memref<1x32xi32, #tpu.memory_space<vmem_shared>>
    %dma_wait3A_483 = tpu.memref_squeeze %dma_wait3A_482 : memref<1x32xi32, #tpu.memory_space<vmem_shared>> -> memref<32xi32, #tpu.memory_space<vmem_shared>>
    tpu.wait_dma2 semaphore(%arg24 : memref<!tpu.dma_semaphore, #tpu.memory_space<semaphore_mem>>) src(%dma_wait3A_483 : memref<32xi32, #tpu.memory_space<vmem_shared>>) dst(%dma_wait3A_481 : memref<32xi32, #tpu.memory_space<vmem>>)
    %dma_wait3A_484 = arith.constant 7 : i32
    %dma_wait3A_485 = arith.constant 224 : i32
    %dma_wait3A_486 = tpu.memref_slice %arg16[%dma_wait3A_485] : memref<512xi32, #tpu.memory_space<vmem>> -> memref<32xi32, #tpu.memory_space<vmem>>
    %dma_wait3A_487 = tpu.memref_slice %arg23[%dma_wait3A_484, %mul3A_2] : memref<16x512xi32, #tpu.memory_space<vmem_shared>> -> memref<1x32xi32, #tpu.memory_space<vmem_shared>>
    %dma_wait3A_488 = tpu.memref_squeeze %dma_wait3A_487 : memref<1x32xi32, #tpu.memory_space<vmem_shared>> -> memref<32xi32, #tpu.memory_space<vmem_shared>>
    %dma_wait3A_489 = arith.constant 224 : i32
    %dma_wait3A_490 = tpu.memref_slice %arg16[%dma_wait3A_489] : memref<512xi32, #tpu.memory_space<vmem>> -> memref<32xi32, #tpu.memory_space<vmem>>
    %dma_wait3A_491 = tpu.memref_slice %arg23[%dma_wait3A_484, %mul3A_2] : memref<16x512xi32, #tpu.memory_space<vmem_shared>> -> memref<1x32xi32, #tpu.memory_space<vmem_shared>>
    %dma_wait3A_492 = tpu.memref_squeeze %dma_wait3A_491 : memref<1x32xi32, #tpu.memory_space<vmem_shared>> -> memref<32xi32, #tpu.memory_space<vmem_shared>>
    tpu.wait_dma2 semaphore(%arg24 : memref<!tpu.dma_semaphore, #tpu.memory_space<semaphore_mem>>) src(%dma_wait3A_492 : memref<32xi32, #tpu.memory_space<vmem_shared>>) dst(%dma_wait3A_490 : memref<32xi32, #tpu.memory_space<vmem>>)
    %dma_wait3A_493 = arith.constant 8 : i32
    %dma_wait3A_494 = arith.constant 256 : i32
    %dma_wait3A_495 = tpu.memref_slice %arg15[%dma_wait3A_494] : memref<512xi32, #tpu.memory_space<vmem>> -> memref<32xi32, #tpu.memory_space<vmem>>
    %dma_wait3A_496 = tpu.memref_slice %arg22[%dma_wait3A_493, %mul3A_2] : memref<16x512xi32, #tpu.memory_space<vmem_shared>> -> memref<1x32xi32, #tpu.memory_space<vmem_shared>>
    %dma_wait3A_497 = tpu.memref_squeeze %dma_wait3A_496 : memref<1x32xi32, #tpu.memory_space<vmem_shared>> -> memref<32xi32, #tpu.memory_space<vmem_shared>>
    %dma_wait3A_498 = arith.constant 256 : i32
    %dma_wait3A_499 = tpu.memref_slice %arg15[%dma_wait3A_498] : memref<512xi32, #tpu.memory_space<vmem>> -> memref<32xi32, #tpu.memory_space<vmem>>
    %dma_wait3A_500 = tpu.memref_slice %arg22[%dma_wait3A_493, %mul3A_2] : memref<16x512xi32, #tpu.memory_space<vmem_shared>> -> memref<1x32xi32, #tpu.memory_space<vmem_shared>>
    %dma_wait3A_501 = tpu.memref_squeeze %dma_wait3A_500 : memref<1x32xi32, #tpu.memory_space<vmem_shared>> -> memref<32xi32, #tpu.memory_space<vmem_shared>>
    tpu.wait_dma2 semaphore(%arg24 : memref<!tpu.dma_semaphore, #tpu.memory_space<semaphore_mem>>) src(%dma_wait3A_501 : memref<32xi32, #tpu.memory_space<vmem_shared>>) dst(%dma_wait3A_499 : memref<32xi32, #tpu.memory_space<vmem>>)
    %dma_wait3A_502 = arith.constant 8 : i32
    %dma_wait3A_503 = arith.constant 256 : i32
    %dma_wait3A_504 = tpu.memref_slice %arg16[%dma_wait3A_503] : memref<512xi32, #tpu.memory_space<vmem>> -> memref<32xi32, #tpu.memory_space<vmem>>
    %dma_wait3A_505 = tpu.memref_slice %arg23[%dma_wait3A_502, %mul3A_2] : memref<16x512xi32, #tpu.memory_space<vmem_shared>> -> memref<1x32xi32, #tpu.memory_space<vmem_shared>>
    %dma_wait3A_506 = tpu.memref_squeeze %dma_wait3A_505 : memref<1x32xi32, #tpu.memory_space<vmem_shared>> -> memref<32xi32, #tpu.memory_space<vmem_shared>>
    %dma_wait3A_507 = arith.constant 256 : i32
    %dma_wait3A_508 = tpu.memref_slice %arg16[%dma_wait3A_507] : memref<512xi32, #tpu.memory_space<vmem>> -> memref<32xi32, #tpu.memory_space<vmem>>
    %dma_wait3A_509 = tpu.memref_slice %arg23[%dma_wait3A_502, %mul3A_2] : memref<16x512xi32, #tpu.memory_space<vmem_shared>> -> memref<1x32xi32, #tpu.memory_space<vmem_shared>>
    %dma_wait3A_510 = tpu.memref_squeeze %dma_wait3A_509 : memref<1x32xi32, #tpu.memory_space<vmem_shared>> -> memref<32xi32, #tpu.memory_space<vmem_shared>>
    tpu.wait_dma2 semaphore(%arg24 : memref<!tpu.dma_semaphore, #tpu.memory_space<semaphore_mem>>) src(%dma_wait3A_510 : memref<32xi32, #tpu.memory_space<vmem_shared>>) dst(%dma_wait3A_508 : memref<32xi32, #tpu.memory_space<vmem>>)
    %dma_wait3A_511 = arith.constant 9 : i32
    %dma_wait3A_512 = arith.constant 288 : i32
    %dma_wait3A_513 = tpu.memref_slice %arg15[%dma_wait3A_512] : memref<512xi32, #tpu.memory_space<vmem>> -> memref<32xi32, #tpu.memory_space<vmem>>
    %dma_wait3A_514 = tpu.memref_slice %arg22[%dma_wait3A_511, %mul3A_2] : memref<16x512xi32, #tpu.memory_space<vmem_shared>> -> memref<1x32xi32, #tpu.memory_space<vmem_shared>>
    %dma_wait3A_515 = tpu.memref_squeeze %dma_wait3A_514 : memref<1x32xi32, #tpu.memory_space<vmem_shared>> -> memref<32xi32, #tpu.memory_space<vmem_shared>>
    %dma_wait3A_516 = arith.constant 288 : i32
    %dma_wait3A_517 = tpu.memref_slice %arg15[%dma_wait3A_516] : memref<512xi32, #tpu.memory_space<vmem>> -> memref<32xi32, #tpu.memory_space<vmem>>
    %dma_wait3A_518 = tpu.memref_slice %arg22[%dma_wait3A_511, %mul3A_2] : memref<16x512xi32, #tpu.memory_space<vmem_shared>> -> memref<1x32xi32, #tpu.memory_space<vmem_shared>>
    %dma_wait3A_519 = tpu.memref_squeeze %dma_wait3A_518 : memref<1x32xi32, #tpu.memory_space<vmem_shared>> -> memref<32xi32, #tpu.memory_space<vmem_shared>>
    tpu.wait_dma2 semaphore(%arg24 : memref<!tpu.dma_semaphore, #tpu.memory_space<semaphore_mem>>) src(%dma_wait3A_519 : memref<32xi32, #tpu.memory_space<vmem_shared>>) dst(%dma_wait3A_517 : memref<32xi32, #tpu.memory_space<vmem>>)
    %dma_wait3A_520 = arith.constant 9 : i32
    %dma_wait3A_521 = arith.constant 288 : i32
    %dma_wait3A_522 = tpu.memref_slice %arg16[%dma_wait3A_521] : memref<512xi32, #tpu.memory_space<vmem>> -> memref<32xi32, #tpu.memory_space<vmem>>
    %dma_wait3A_523 = tpu.memref_slice %arg23[%dma_wait3A_520, %mul3A_2] : memref<16x512xi32, #tpu.memory_space<vmem_shared>> -> memref<1x32xi32, #tpu.memory_space<vmem_shared>>
    %dma_wait3A_524 = tpu.memref_squeeze %dma_wait3A_523 : memref<1x32xi32, #tpu.memory_space<vmem_shared>> -> memref<32xi32, #tpu.memory_space<vmem_shared>>
    %dma_wait3A_525 = arith.constant 288 : i32
    %dma_wait3A_526 = tpu.memref_slice %arg16[%dma_wait3A_525] : memref<512xi32, #tpu.memory_space<vmem>> -> memref<32xi32, #tpu.memory_space<vmem>>
    %dma_wait3A_527 = tpu.memref_slice %arg23[%dma_wait3A_520, %mul3A_2] : memref<16x512xi32, #tpu.memory_space<vmem_shared>> -> memref<1x32xi32, #tpu.memory_space<vmem_shared>>
    %dma_wait3A_528 = tpu.memref_squeeze %dma_wait3A_527 : memref<1x32xi32, #tpu.memory_space<vmem_shared>> -> memref<32xi32, #tpu.memory_space<vmem_shared>>
    tpu.wait_dma2 semaphore(%arg24 : memref<!tpu.dma_semaphore, #tpu.memory_space<semaphore_mem>>) src(%dma_wait3A_528 : memref<32xi32, #tpu.memory_space<vmem_shared>>) dst(%dma_wait3A_526 : memref<32xi32, #tpu.memory_space<vmem>>)
    %dma_wait3A_529 = arith.constant 10 : i32
    %dma_wait3A_530 = arith.constant 320 : i32
    %dma_wait3A_531 = tpu.memref_slice %arg15[%dma_wait3A_530] : memref<512xi32, #tpu.memory_space<vmem>> -> memref<32xi32, #tpu.memory_space<vmem>>
    %dma_wait3A_532 = tpu.memref_slice %arg22[%dma_wait3A_529, %mul3A_2] : memref<16x512xi32, #tpu.memory_space<vmem_shared>> -> memref<1x32xi32, #tpu.memory_space<vmem_shared>>
    %dma_wait3A_533 = tpu.memref_squeeze %dma_wait3A_532 : memref<1x32xi32, #tpu.memory_space<vmem_shared>> -> memref<32xi32, #tpu.memory_space<vmem_shared>>
    %dma_wait3A_534 = arith.constant 320 : i32
    %dma_wait3A_535 = tpu.memref_slice %arg15[%dma_wait3A_534] : memref<512xi32, #tpu.memory_space<vmem>> -> memref<32xi32, #tpu.memory_space<vmem>>
    %dma_wait3A_536 = tpu.memref_slice %arg22[%dma_wait3A_529, %mul3A_2] : memref<16x512xi32, #tpu.memory_space<vmem_shared>> -> memref<1x32xi32, #tpu.memory_space<vmem_shared>>
    %dma_wait3A_537 = tpu.memref_squeeze %dma_wait3A_536 : memref<1x32xi32, #tpu.memory_space<vmem_shared>> -> memref<32xi32, #tpu.memory_space<vmem_shared>>
    tpu.wait_dma2 semaphore(%arg24 : memref<!tpu.dma_semaphore, #tpu.memory_space<semaphore_mem>>) src(%dma_wait3A_537 : memref<32xi32, #tpu.memory_space<vmem_shared>>) dst(%dma_wait3A_535 : memref<32xi32, #tpu.memory_space<vmem>>)
    %dma_wait3A_538 = arith.constant 10 : i32
    %dma_wait3A_539 = arith.constant 320 : i32
    %dma_wait3A_540 = tpu.memref_slice %arg16[%dma_wait3A_539] : memref<512xi32, #tpu.memory_space<vmem>> -> memref<32xi32, #tpu.memory_space<vmem>>
    %dma_wait3A_541 = tpu.memref_slice %arg23[%dma_wait3A_538, %mul3A_2] : memref<16x512xi32, #tpu.memory_space<vmem_shared>> -> memref<1x32xi32, #tpu.memory_space<vmem_shared>>
    %dma_wait3A_542 = tpu.memref_squeeze %dma_wait3A_541 : memref<1x32xi32, #tpu.memory_space<vmem_shared>> -> memref<32xi32, #tpu.memory_space<vmem_shared>>
    %dma_wait3A_543 = arith.constant 320 : i32
    %dma_wait3A_544 = tpu.memref_slice %arg16[%dma_wait3A_543] : memref<512xi32, #tpu.memory_space<vmem>> -> memref<32xi32, #tpu.memory_space<vmem>>
    %dma_wait3A_545 = tpu.memref_slice %arg23[%dma_wait3A_538, %mul3A_2] : memref<16x512xi32, #tpu.memory_space<vmem_shared>> -> memref<1x32xi32, #tpu.memory_space<vmem_shared>>
    %dma_wait3A_546 = tpu.memref_squeeze %dma_wait3A_545 : memref<1x32xi32, #tpu.memory_space<vmem_shared>> -> memref<32xi32, #tpu.memory_space<vmem_shared>>
    tpu.wait_dma2 semaphore(%arg24 : memref<!tpu.dma_semaphore, #tpu.memory_space<semaphore_mem>>) src(%dma_wait3A_546 : memref<32xi32, #tpu.memory_space<vmem_shared>>) dst(%dma_wait3A_544 : memref<32xi32, #tpu.memory_space<vmem>>)
    %dma_wait3A_547 = arith.constant 11 : i32
    %dma_wait3A_548 = arith.constant 352 : i32
    %dma_wait3A_549 = tpu.memref_slice %arg15[%dma_wait3A_548] : memref<512xi32, #tpu.memory_space<vmem>> -> memref<32xi32, #tpu.memory_space<vmem>>
    %dma_wait3A_550 = tpu.memref_slice %arg22[%dma_wait3A_547, %mul3A_2] : memref<16x512xi32, #tpu.memory_space<vmem_shared>> -> memref<1x32xi32, #tpu.memory_space<vmem_shared>>
    %dma_wait3A_551 = tpu.memref_squeeze %dma_wait3A_550 : memref<1x32xi32, #tpu.memory_space<vmem_shared>> -> memref<32xi32, #tpu.memory_space<vmem_shared>>
    %dma_wait3A_552 = arith.constant 352 : i32
    %dma_wait3A_553 = tpu.memref_slice %arg15[%dma_wait3A_552] : memref<512xi32, #tpu.memory_space<vmem>> -> memref<32xi32, #tpu.memory_space<vmem>>
    %dma_wait3A_554 = tpu.memref_slice %arg22[%dma_wait3A_547, %mul3A_2] : memref<16x512xi32, #tpu.memory_space<vmem_shared>> -> memref<1x32xi32, #tpu.memory_space<vmem_shared>>
    %dma_wait3A_555 = tpu.memref_squeeze %dma_wait3A_554 : memref<1x32xi32, #tpu.memory_space<vmem_shared>> -> memref<32xi32, #tpu.memory_space<vmem_shared>>
    tpu.wait_dma2 semaphore(%arg24 : memref<!tpu.dma_semaphore, #tpu.memory_space<semaphore_mem>>) src(%dma_wait3A_555 : memref<32xi32, #tpu.memory_space<vmem_shared>>) dst(%dma_wait3A_553 : memref<32xi32, #tpu.memory_space<vmem>>)
    %dma_wait3A_556 = arith.constant 11 : i32
    %dma_wait3A_557 = arith.constant 352 : i32
    %dma_wait3A_558 = tpu.memref_slice %arg16[%dma_wait3A_557] : memref<512xi32, #tpu.memory_space<vmem>> -> memref<32xi32, #tpu.memory_space<vmem>>
    %dma_wait3A_559 = tpu.memref_slice %arg23[%dma_wait3A_556, %mul3A_2] : memref<16x512xi32, #tpu.memory_space<vmem_shared>> -> memref<1x32xi32, #tpu.memory_space<vmem_shared>>
    %dma_wait3A_560 = tpu.memref_squeeze %dma_wait3A_559 : memref<1x32xi32, #tpu.memory_space<vmem_shared>> -> memref<32xi32, #tpu.memory_space<vmem_shared>>
    %dma_wait3A_561 = arith.constant 352 : i32
    %dma_wait3A_562 = tpu.memref_slice %arg16[%dma_wait3A_561] : memref<512xi32, #tpu.memory_space<vmem>> -> memref<32xi32, #tpu.memory_space<vmem>>
    %dma_wait3A_563 = tpu.memref_slice %arg23[%dma_wait3A_556, %mul3A_2] : memref<16x512xi32, #tpu.memory_space<vmem_shared>> -> memref<1x32xi32, #tpu.memory_space<vmem_shared>>
    %dma_wait3A_564 = tpu.memref_squeeze %dma_wait3A_563 : memref<1x32xi32, #tpu.memory_space<vmem_shared>> -> memref<32xi32, #tpu.memory_space<vmem_shared>>
    tpu.wait_dma2 semaphore(%arg24 : memref<!tpu.dma_semaphore, #tpu.memory_space<semaphore_mem>>) src(%dma_wait3A_564 : memref<32xi32, #tpu.memory_space<vmem_shared>>) dst(%dma_wait3A_562 : memref<32xi32, #tpu.memory_space<vmem>>)
    %dma_wait3A_565 = arith.constant 12 : i32
    %dma_wait3A_566 = arith.constant 384 : i32
    %dma_wait3A_567 = tpu.memref_slice %arg15[%dma_wait3A_566] : memref<512xi32, #tpu.memory_space<vmem>> -> memref<32xi32, #tpu.memory_space<vmem>>
    %dma_wait3A_568 = tpu.memref_slice %arg22[%dma_wait3A_565, %mul3A_2] : memref<16x512xi32, #tpu.memory_space<vmem_shared>> -> memref<1x32xi32, #tpu.memory_space<vmem_shared>>
    %dma_wait3A_569 = tpu.memref_squeeze %dma_wait3A_568 : memref<1x32xi32, #tpu.memory_space<vmem_shared>> -> memref<32xi32, #tpu.memory_space<vmem_shared>>
    %dma_wait3A_570 = arith.constant 384 : i32
    %dma_wait3A_571 = tpu.memref_slice %arg15[%dma_wait3A_570] : memref<512xi32, #tpu.memory_space<vmem>> -> memref<32xi32, #tpu.memory_space<vmem>>
    %dma_wait3A_572 = tpu.memref_slice %arg22[%dma_wait3A_565, %mul3A_2] : memref<16x512xi32, #tpu.memory_space<vmem_shared>> -> memref<1x32xi32, #tpu.memory_space<vmem_shared>>
    %dma_wait3A_573 = tpu.memref_squeeze %dma_wait3A_572 : memref<1x32xi32, #tpu.memory_space<vmem_shared>> -> memref<32xi32, #tpu.memory_space<vmem_shared>>
    tpu.wait_dma2 semaphore(%arg24 : memref<!tpu.dma_semaphore, #tpu.memory_space<semaphore_mem>>) src(%dma_wait3A_573 : memref<32xi32, #tpu.memory_space<vmem_shared>>) dst(%dma_wait3A_571 : memref<32xi32, #tpu.memory_space<vmem>>)
    %dma_wait3A_574 = arith.constant 12 : i32
    %dma_wait3A_575 = arith.constant 384 : i32
    %dma_wait3A_576 = tpu.memref_slice %arg16[%dma_wait3A_575] : memref<512xi32, #tpu.memory_space<vmem>> -> memref<32xi32, #tpu.memory_space<vmem>>
    %dma_wait3A_577 = tpu.memref_slice %arg23[%dma_wait3A_574, %mul3A_2] : memref<16x512xi32, #tpu.memory_space<vmem_shared>> -> memref<1x32xi32, #tpu.memory_space<vmem_shared>>
    %dma_wait3A_578 = tpu.memref_squeeze %dma_wait3A_577 : memref<1x32xi32, #tpu.memory_space<vmem_shared>> -> memref<32xi32, #tpu.memory_space<vmem_shared>>
    %dma_wait3A_579 = arith.constant 384 : i32
    %dma_wait3A_580 = tpu.memref_slice %arg16[%dma_wait3A_579] : memref<512xi32, #tpu.memory_space<vmem>> -> memref<32xi32, #tpu.memory_space<vmem>>
    %dma_wait3A_581 = tpu.memref_slice %arg23[%dma_wait3A_574, %mul3A_2] : memref<16x512xi32, #tpu.memory_space<vmem_shared>> -> memref<1x32xi32, #tpu.memory_space<vmem_shared>>
    %dma_wait3A_582 = tpu.memref_squeeze %dma_wait3A_581 : memref<1x32xi32, #tpu.memory_space<vmem_shared>> -> memref<32xi32, #tpu.memory_space<vmem_shared>>
    tpu.wait_dma2 semaphore(%arg24 : memref<!tpu.dma_semaphore, #tpu.memory_space<semaphore_mem>>) src(%dma_wait3A_582 : memref<32xi32, #tpu.memory_space<vmem_shared>>) dst(%dma_wait3A_580 : memref<32xi32, #tpu.memory_space<vmem>>)
    %dma_wait3A_583 = arith.constant 13 : i32
    %dma_wait3A_584 = arith.constant 416 : i32
    %dma_wait3A_585 = tpu.memref_slice %arg15[%dma_wait3A_584] : memref<512xi32, #tpu.memory_space<vmem>> -> memref<32xi32, #tpu.memory_space<vmem>>
    %dma_wait3A_586 = tpu.memref_slice %arg22[%dma_wait3A_583, %mul3A_2] : memref<16x512xi32, #tpu.memory_space<vmem_shared>> -> memref<1x32xi32, #tpu.memory_space<vmem_shared>>
    %dma_wait3A_587 = tpu.memref_squeeze %dma_wait3A_586 : memref<1x32xi32, #tpu.memory_space<vmem_shared>> -> memref<32xi32, #tpu.memory_space<vmem_shared>>
    %dma_wait3A_588 = arith.constant 416 : i32
    %dma_wait3A_589 = tpu.memref_slice %arg15[%dma_wait3A_588] : memref<512xi32, #tpu.memory_space<vmem>> -> memref<32xi32, #tpu.memory_space<vmem>>
    %dma_wait3A_590 = tpu.memref_slice %arg22[%dma_wait3A_583, %mul3A_2] : memref<16x512xi32, #tpu.memory_space<vmem_shared>> -> memref<1x32xi32, #tpu.memory_space<vmem_shared>>
    %dma_wait3A_591 = tpu.memref_squeeze %dma_wait3A_590 : memref<1x32xi32, #tpu.memory_space<vmem_shared>> -> memref<32xi32, #tpu.memory_space<vmem_shared>>
    tpu.wait_dma2 semaphore(%arg24 : memref<!tpu.dma_semaphore, #tpu.memory_space<semaphore_mem>>) src(%dma_wait3A_591 : memref<32xi32, #tpu.memory_space<vmem_shared>>) dst(%dma_wait3A_589 : memref<32xi32, #tpu.memory_space<vmem>>)
    %dma_wait3A_592 = arith.constant 13 : i32
    %dma_wait3A_593 = arith.constant 416 : i32
    %dma_wait3A_594 = tpu.memref_slice %arg16[%dma_wait3A_593] : memref<512xi32, #tpu.memory_space<vmem>> -> memref<32xi32, #tpu.memory_space<vmem>>
    %dma_wait3A_595 = tpu.memref_slice %arg23[%dma_wait3A_592, %mul3A_2] : memref<16x512xi32, #tpu.memory_space<vmem_shared>> -> memref<1x32xi32, #tpu.memory_space<vmem_shared>>
    %dma_wait3A_596 = tpu.memref_squeeze %dma_wait3A_595 : memref<1x32xi32, #tpu.memory_space<vmem_shared>> -> memref<32xi32, #tpu.memory_space<vmem_shared>>
    %dma_wait3A_597 = arith.constant 416 : i32
    %dma_wait3A_598 = tpu.memref_slice %arg16[%dma_wait3A_597] : memref<512xi32, #tpu.memory_space<vmem>> -> memref<32xi32, #tpu.memory_space<vmem>>
    %dma_wait3A_599 = tpu.memref_slice %arg23[%dma_wait3A_592, %mul3A_2] : memref<16x512xi32, #tpu.memory_space<vmem_shared>> -> memref<1x32xi32, #tpu.memory_space<vmem_shared>>
    %dma_wait3A_600 = tpu.memref_squeeze %dma_wait3A_599 : memref<1x32xi32, #tpu.memory_space<vmem_shared>> -> memref<32xi32, #tpu.memory_space<vmem_shared>>
    tpu.wait_dma2 semaphore(%arg24 : memref<!tpu.dma_semaphore, #tpu.memory_space<semaphore_mem>>) src(%dma_wait3A_600 : memref<32xi32, #tpu.memory_space<vmem_shared>>) dst(%dma_wait3A_598 : memref<32xi32, #tpu.memory_space<vmem>>)
    %dma_wait3A_601 = arith.constant 14 : i32
    %dma_wait3A_602 = arith.constant 448 : i32
    %dma_wait3A_603 = tpu.memref_slice %arg15[%dma_wait3A_602] : memref<512xi32, #tpu.memory_space<vmem>> -> memref<32xi32, #tpu.memory_space<vmem>>
    %dma_wait3A_604 = tpu.memref_slice %arg22[%dma_wait3A_601, %mul3A_2] : memref<16x512xi32, #tpu.memory_space<vmem_shared>> -> memref<1x32xi32, #tpu.memory_space<vmem_shared>>
    %dma_wait3A_605 = tpu.memref_squeeze %dma_wait3A_604 : memref<1x32xi32, #tpu.memory_space<vmem_shared>> -> memref<32xi32, #tpu.memory_space<vmem_shared>>
    %dma_wait3A_606 = arith.constant 448 : i32
    %dma_wait3A_607 = tpu.memref_slice %arg15[%dma_wait3A_606] : memref<512xi32, #tpu.memory_space<vmem>> -> memref<32xi32, #tpu.memory_space<vmem>>
    %dma_wait3A_608 = tpu.memref_slice %arg22[%dma_wait3A_601, %mul3A_2] : memref<16x512xi32, #tpu.memory_space<vmem_shared>> -> memref<1x32xi32, #tpu.memory_space<vmem_shared>>
    %dma_wait3A_609 = tpu.memref_squeeze %dma_wait3A_608 : memref<1x32xi32, #tpu.memory_space<vmem_shared>> -> memref<32xi32, #tpu.memory_space<vmem_shared>>
    tpu.wait_dma2 semaphore(%arg24 : memref<!tpu.dma_semaphore, #tpu.memory_space<semaphore_mem>>) src(%dma_wait3A_609 : memref<32xi32, #tpu.memory_space<vmem_shared>>) dst(%dma_wait3A_607 : memref<32xi32, #tpu.memory_space<vmem>>)
    %dma_wait3A_610 = arith.constant 14 : i32
    %dma_wait3A_611 = arith.constant 448 : i32
    %dma_wait3A_612 = tpu.memref_slice %arg16[%dma_wait3A_611] : memref<512xi32, #tpu.memory_space<vmem>> -> memref<32xi32, #tpu.memory_space<vmem>>
    %dma_wait3A_613 = tpu.memref_slice %arg23[%dma_wait3A_610, %mul3A_2] : memref<16x512xi32, #tpu.memory_space<vmem_shared>> -> memref<1x32xi32, #tpu.memory_space<vmem_shared>>
    %dma_wait3A_614 = tpu.memref_squeeze %dma_wait3A_613 : memref<1x32xi32, #tpu.memory_space<vmem_shared>> -> memref<32xi32, #tpu.memory_space<vmem_shared>>
    %dma_wait3A_615 = arith.constant 448 : i32
    %dma_wait3A_616 = tpu.memref_slice %arg16[%dma_wait3A_615] : memref<512xi32, #tpu.memory_space<vmem>> -> memref<32xi32, #tpu.memory_space<vmem>>
    %dma_wait3A_617 = tpu.memref_slice %arg23[%dma_wait3A_610, %mul3A_2] : memref<16x512xi32, #tpu.memory_space<vmem_shared>> -> memref<1x32xi32, #tpu.memory_space<vmem_shared>>
    %dma_wait3A_618 = tpu.memref_squeeze %dma_wait3A_617 : memref<1x32xi32, #tpu.memory_space<vmem_shared>> -> memref<32xi32, #tpu.memory_space<vmem_shared>>
    tpu.wait_dma2 semaphore(%arg24 : memref<!tpu.dma_semaphore, #tpu.memory_space<semaphore_mem>>) src(%dma_wait3A_618 : memref<32xi32, #tpu.memory_space<vmem_shared>>) dst(%dma_wait3A_616 : memref<32xi32, #tpu.memory_space<vmem>>)
    %dma_wait3A_619 = arith.constant 15 : i32
    %dma_wait3A_620 = arith.constant 480 : i32
    %dma_wait3A_621 = tpu.memref_slice %arg15[%dma_wait3A_620] : memref<512xi32, #tpu.memory_space<vmem>> -> memref<32xi32, #tpu.memory_space<vmem>>
    %dma_wait3A_622 = tpu.memref_slice %arg22[%dma_wait3A_619, %mul3A_2] : memref<16x512xi32, #tpu.memory_space<vmem_shared>> -> memref<1x32xi32, #tpu.memory_space<vmem_shared>>
    %dma_wait3A_623 = tpu.memref_squeeze %dma_wait3A_622 : memref<1x32xi32, #tpu.memory_space<vmem_shared>> -> memref<32xi32, #tpu.memory_space<vmem_shared>>
    %dma_wait3A_624 = arith.constant 480 : i32
    %dma_wait3A_625 = tpu.memref_slice %arg15[%dma_wait3A_624] : memref<512xi32, #tpu.memory_space<vmem>> -> memref<32xi32, #tpu.memory_space<vmem>>
    %dma_wait3A_626 = tpu.memref_slice %arg22[%dma_wait3A_619, %mul3A_2] : memref<16x512xi32, #tpu.memory_space<vmem_shared>> -> memref<1x32xi32, #tpu.memory_space<vmem_shared>>
    %dma_wait3A_627 = tpu.memref_squeeze %dma_wait3A_626 : memref<1x32xi32, #tpu.memory_space<vmem_shared>> -> memref<32xi32, #tpu.memory_space<vmem_shared>>
    tpu.wait_dma2 semaphore(%arg24 : memref<!tpu.dma_semaphore, #tpu.memory_space<semaphore_mem>>) src(%dma_wait3A_627 : memref<32xi32, #tpu.memory_space<vmem_shared>>) dst(%dma_wait3A_625 : memref<32xi32, #tpu.memory_space<vmem>>)
    %dma_wait3A_628 = arith.constant 15 : i32
    %dma_wait3A_629 = arith.constant 480 : i32
    %dma_wait3A_630 = tpu.memref_slice %arg16[%dma_wait3A_629] : memref<512xi32, #tpu.memory_space<vmem>> -> memref<32xi32, #tpu.memory_space<vmem>>
    %dma_wait3A_631 = tpu.memref_slice %arg23[%dma_wait3A_628, %mul3A_2] : memref<16x512xi32, #tpu.memory_space<vmem_shared>> -> memref<1x32xi32, #tpu.memory_space<vmem_shared>>
    %dma_wait3A_632 = tpu.memref_squeeze %dma_wait3A_631 : memref<1x32xi32, #tpu.memory_space<vmem_shared>> -> memref<32xi32, #tpu.memory_space<vmem_shared>>
    %dma_wait3A_633 = arith.constant 480 : i32
    %dma_wait3A_634 = tpu.memref_slice %arg16[%dma_wait3A_633] : memref<512xi32, #tpu.memory_space<vmem>> -> memref<32xi32, #tpu.memory_space<vmem>>
    %dma_wait3A_635 = tpu.memref_slice %arg23[%dma_wait3A_628, %mul3A_2] : memref<16x512xi32, #tpu.memory_space<vmem_shared>> -> memref<1x32xi32, #tpu.memory_space<vmem_shared>>
    %dma_wait3A_636 = tpu.memref_squeeze %dma_wait3A_635 : memref<1x32xi32, #tpu.memory_space<vmem_shared>> -> memref<32xi32, #tpu.memory_space<vmem_shared>>
    tpu.wait_dma2 semaphore(%arg24 : memref<!tpu.dma_semaphore, #tpu.memory_space<semaphore_mem>>) src(%dma_wait3A_636 : memref<32xi32, #tpu.memory_space<vmem_shared>>) dst(%dma_wait3A_634 : memref<32xi32, #tpu.memory_space<vmem>>)
    %broadcast_in_dim3A_637 = arith.constant 0 : i32
    %broadcast_in_dim3A_638 = vector.broadcast %broadcast_in_dim3A_637 : i32 to vector<16xi32>
    %scan3A_639 = arith.constant 0 : i32
    %scan3A_640 = arith.constant 16 : i32
    %scan3A_641 = arith.addi %scan3A_639, %scan3A_640 : i32
    %scan3A_642 = arith.constant 1 : i32
    %scan3A_643:4 = scf.for %scan3A_2111 = %scan3A_639 to %scan3A_641 step %scan3A_642 iter_args(%scan3A_2112 = %broadcast_in_dim3A_12, %scan3A_2113 = %broadcast_in_dim3A_638, %scan3A_2114 = %broadcast_in_dim3A_12, %scan3A_2115 = %broadcast_in_dim3A_638) -> (vector<16xi32>, vector<16xi32>, vector<16xi32>, vector<16xi32>)  : i32 {
      %mul3A_2116 = arith.constant 32 : i32
      %mul3A_2117 = arith.muli %scan3A_2111, %mul3A_2116 : i32
      %get3A_2118 = arith.index_cast %mul3A_2117 : i32 to index
      %get3A_2119 = tpu.vector_load %arg15[%get3A_2118] {strides = array<i32>} : memref<512xi32, #tpu.memory_space<vmem>>, vector<16xi32>,
      %mul3A_2120 = arith.constant 32 : i32
      %mul3A_2121 = arith.muli %scan3A_2111, %mul3A_2120 : i32
      %get3A_2122 = arith.index_cast %mul3A_2121 : i32 to index
      %get3A_2123 = tpu.vector_load %arg16[%get3A_2122] {strides = array<i32>} : memref<512xi32, #tpu.memory_space<vmem>>, vector<16xi32>,
      %mul3A_2124 = arith.constant 32 : i32
      %mul3A_2125 = arith.muli %scan3A_2111, %mul3A_2124 : i32
      %add3A_2126 = arith.constant 16 : i32
      %add3A_2127 = arith.addi %mul3A_2125, %add3A_2126 : i32
      %get3A_2128 = arith.index_cast %add3A_2127 : i32 to index
      %get3A_2129 = tpu.vector_load %arg15[%get3A_2128] {strides = array<i32>} : memref<512xi32, #tpu.memory_space<vmem>>, vector<16xi32>,
      %mul3A_2130 = arith.constant 32 : i32
      %mul3A_2131 = arith.muli %scan3A_2111, %mul3A_2130 : i32
      %add3A_2132 = arith.constant 16 : i32
      %add3A_2133 = arith.addi %mul3A_2131, %add3A_2132 : i32
      %get3A_2134 = arith.index_cast %add3A_2133 : i32 to index
      %get3A_2135 = tpu.vector_load %arg16[%get3A_2134] {strides = array<i32>} : memref<512xi32, #tpu.memory_space<vmem>>, vector<16xi32>,
      %gt3A = arith.cmpi sgt, %get3A_2119, %scan3A_2112 : vector<16xi32>
      %gt3A_2136 = arith.cmpi sgt, %get3A_2129, %scan3A_2114 : vector<16xi32>
      %select_n3A = arith.select %gt3A, %get3A_2119, %scan3A_2112 : vector<16xi1>, vector<16xi32>
      %select_n3A_2137 = arith.select %gt3A, %get3A_2123, %scan3A_2113 : vector<16xi1>, vector<16xi32>
      %select_n3A_2138 = arith.select %gt3A_2136, %get3A_2129, %scan3A_2114 : vector<16xi1>, vector<16xi32>
      %select_n3A_2139 = arith.select %gt3A_2136, %get3A_2135, %scan3A_2115 : vector<16xi1>, vector<16xi32>
      scf.yield %select_n3A, %select_n3A_2137, %select_n3A_2138, %select_n3A_2139 : vector<16xi32>, vector<16xi32>, vector<16xi32>, vector<16xi32>
    }
    %scan3A_644 = arith.constant 16 : i32
    %shift_right_arithmetic3A = arith.constant 8 : i32
    %shift_right_arithmetic3A_645 = vector.broadcast %shift_right_arithmetic3A : i32 to vector<16xi32>
    %shift_right_arithmetic3A_646 = arith.shrsi %scan3A_643#1, %shift_right_arithmetic3A_645 : vector<16xi32>
    %swap3A = arith.constant 0 : index
    %swap3A_647 = tpu.vector_load %arg17[%swap3A] {strides = array<i32>} : memref<32xi32, #tpu.memory_space<vmem>>, vector<16xi32>,
    tpu.vector_store %arg17[%swap3A], %shift_right_arithmetic3A_646 {strides = array<i32>} : memref<32xi32, #tpu.memory_space<vmem>>, vector<16xi32>,
    %shift_right_arithmetic3A_648 = arith.constant 4 : i32
    %shift_right_arithmetic3A_649 = vector.broadcast %shift_right_arithmetic3A_648 : i32 to vector<16xi32>
    %shift_right_arithmetic3A_650 = arith.shrsi %scan3A_643#1, %shift_right_arithmetic3A_649 : vector<16xi32>
    %and3A = arith.constant 15 : i32
    %and3A_651 = vector.broadcast %and3A : i32 to vector<16xi32>
    %and3A_652 = arith.andi %shift_right_arithmetic3A_650, %and3A_651 : vector<16xi32>
    %swap3A_653 = arith.constant 0 : index
    %swap3A_654 = tpu.vector_load %arg18[%swap3A_653] {strides = array<i32>} : memref<32xi32, #tpu.memory_space<vmem>>, vector<16xi32>,
    tpu.vector_store %arg18[%swap3A_653], %and3A_652 {strides = array<i32>} : memref<32xi32, #tpu.memory_space<vmem>>, vector<16xi32>,
    %and3A_655 = arith.constant 15 : i32
    %and3A_656 = vector.broadcast %and3A_655 : i32 to vector<16xi32>
    %and3A_657 = arith.andi %scan3A_643#1, %and3A_656 : vector<16xi32>
    %shift_right_arithmetic3A_658 = arith.constant 8 : i32
    %shift_right_arithmetic3A_659 = vector.broadcast %shift_right_arithmetic3A_658 : i32 to vector<16xi32>
    %shift_right_arithmetic3A_660 = arith.shrsi %scan3A_643#3, %shift_right_arithmetic3A_659 : vector<16xi32>
    %swap3A_661 = arith.constant 16 : index
    %swap3A_662 = tpu.vector_load %arg17[%swap3A_661] {strides = array<i32>} : memref<32xi32, #tpu.memory_space<vmem>>, vector<16xi32>,
    tpu.vector_store %arg17[%swap3A_661], %shift_right_arithmetic3A_660 {strides = array<i32>} : memref<32xi32, #tpu.memory_space<vmem>>, vector<16xi32>,
    %shift_right_arithmetic3A_663 = arith.constant 4 : i32
    %shift_right_arithmetic3A_664 = vector.broadcast %shift_right_arithmetic3A_663 : i32 to vector<16xi32>
    %shift_right_arithmetic3A_665 = arith.shrsi %scan3A_643#3, %shift_right_arithmetic3A_664 : vector<16xi32>
    %and3A_666 = arith.constant 15 : i32
    %and3A_667 = vector.broadcast %and3A_666 : i32 to vector<16xi32>
    %and3A_668 = arith.andi %shift_right_arithmetic3A_665, %and3A_667 : vector<16xi32>
    %swap3A_669 = arith.constant 16 : index
    %swap3A_670 = tpu.vector_load %arg18[%swap3A_669] {strides = array<i32>} : memref<32xi32, #tpu.memory_space<vmem>>, vector<16xi32>,
    tpu.vector_store %arg18[%swap3A_669], %and3A_668 {strides = array<i32>} : memref<32xi32, #tpu.memory_space<vmem>>, vector<16xi32>,
    %and3A_671 = arith.constant 15 : i32
    %and3A_672 = vector.broadcast %and3A_671 : i32 to vector<16xi32>
    %and3A_673 = arith.andi %scan3A_643#3, %and3A_672 : vector<16xi32>
    %dma_start3A_674 = tpu.memref_slice %arg7[%add3A] : memref<1024xi32, #tpu.memory_space<hbm>> -> memref<32xi32, #tpu.memory_space<hbm>>
    %dma_start3A_675 = tpu.memref_slice %arg7[%add3A] : memref<1024xi32, #tpu.memory_space<hbm>> -> memref<32xi32, #tpu.memory_space<hbm>>
    tpu.enqueue_dma source(%arg17 : memref<32xi32, #tpu.memory_space<vmem>>) target(%dma_start3A_675 : memref<32xi32, #tpu.memory_space<hbm>>) target_semaphore(%arg24 : memref<!tpu.dma_semaphore, #tpu.memory_space<semaphore_mem>>)
    %dma_start3A_676 = tpu.memref_slice %arg8[%add3A] : memref<1024xi32, #tpu.memory_space<hbm>> -> memref<32xi32, #tpu.memory_space<hbm>>
    %dma_start3A_677 = tpu.memref_slice %arg8[%add3A] : memref<1024xi32, #tpu.memory_space<hbm>> -> memref<32xi32, #tpu.memory_space<hbm>>
    tpu.enqueue_dma source(%arg18 : memref<32xi32, #tpu.memory_space<vmem>>) target(%dma_start3A_677 : memref<32xi32, #tpu.memory_space<hbm>>) target_semaphore(%arg24 : memref<!tpu.dma_semaphore, #tpu.memory_space<semaphore_mem>>)
    %get3A = arith.constant 0 : index
    %get3A_678 = tpu.vector_load %arg19[%get3A] {strides = array<i32>} : memref<32xi32, #tpu.memory_space<vmem>>, vector<16xi32>,
    %get3A_679 = arith.constant 16 : index
    %get3A_680 = tpu.vector_load %arg19[%get3A_679] {strides = array<i32>} : memref<32xi32, #tpu.memory_space<vmem>>, vector<16xi32>,
    %and3A_681 = arith.constant -128 : i32
    %and3A_682 = vector.broadcast %and3A_681 : i32 to vector<16xi32>
    %and3A_683 = arith.andi %get3A_678, %and3A_682 : vector<16xi32>
    %and3A_684 = arith.constant -128 : i32
    %and3A_685 = vector.broadcast %and3A_684 : i32 to vector<16xi32>
    %and3A_686 = arith.andi %get3A_680, %and3A_685 : vector<16xi32>
    %and3A_687 = arith.constant 127 : i32
    %and3A_688 = vector.broadcast %and3A_687 : i32 to vector<16xi32>
    %and3A_689 = arith.andi %get3A_678, %and3A_688 : vector<16xi32>
    %and3A_690 = arith.constant 127 : i32
    %and3A_691 = vector.broadcast %and3A_690 : i32 to vector<16xi32>
    %and3A_692 = arith.andi %get3A_680, %and3A_691 : vector<16xi32>
    %slice3A = vector.extract_strided_slice %and3A_657 {offsets = [0], sizes = [1], strides = [1]} : vector<16xi32> to vector<1xi32>
    %squeeze3A = vector.extract %slice3A[0] : i32 from vector<1xi32>
    %slice3A_693 = vector.extract_strided_slice %and3A_683 {offsets = [0], sizes = [1], strides = [1]} : vector<16xi32> to vector<1xi32>
    %squeeze3A_694 = vector.extract %slice3A_693[0] : i32 from vector<1xi32>
    %multiple_of3A = tpu.assume_multiple %squeeze3A_694, 128 : i32
    %add3A_695 = arith.constant 1 : i32
    %add3A_696 = arith.addi %squeeze3A, %add3A_695 : i32
    %dma_start3A_697 = arith.constant 0 : i32
    %dma_start3A_698 = arith.constant 0 : i32
    %dma_start3A_699 = arith.constant 0 : i32
    %dma_start3A_700 = tpu.memref_slice %arg20[%dma_start3A_697, %dma_start3A_698, %dma_start3A_699] : memref<32x16x128xf32, #tpu.memory_space<vmem>> -> memref<1x16x128xf32, #tpu.memory_space<vmem>>
    %dma_start3A_701 = tpu.memref_squeeze %dma_start3A_700 : memref<1x16x128xf32, #tpu.memory_space<vmem>> -> memref<16x128xf32, #tpu.memory_space<vmem>>
    %dma_start3A_702 = arith.constant 0 : i32
    %dma_start3A_703 = tpu.memref_slice %arg6[%add3A_696, %dma_start3A_702, %multiple_of3A] : memref<17x16x100000xf32, #tpu.memory_space<hbm>> -> memref<1x16x128xf32, #tpu.memory_space<hbm>>
    %dma_start3A_704 = tpu.memref_squeeze %dma_start3A_703 : memref<1x16x128xf32, #tpu.memory_space<hbm>> -> memref<16x128xf32, #tpu.memory_space<hbm>>
    %dma_start3A_705 = arith.constant 0 : i32
    %dma_start3A_706 = arith.constant 0 : i32
    %dma_start3A_707 = tpu.memref_slice %arg20[%dma_start3A_697, %dma_start3A_705, %dma_start3A_706] : memref<32x16x128xf32, #tpu.memory_space<vmem>> -> memref<1x16x128xf32, #tpu.memory_space<vmem>>
    %dma_start3A_708 = tpu.memref_squeeze %dma_start3A_707 : memref<1x16x128xf32, #tpu.memory_space<vmem>> -> memref<16x128xf32, #tpu.memory_space<vmem>>
    %dma_start3A_709 = arith.constant 0 : i32
    %dma_start3A_710 = tpu.memref_slice %arg6[%add3A_696, %dma_start3A_709, %multiple_of3A] : memref<17x16x100000xf32, #tpu.memory_space<hbm>> -> memref<1x16x128xf32, #tpu.memory_space<hbm>>
    %dma_start3A_711 = tpu.memref_squeeze %dma_start3A_710 : memref<1x16x128xf32, #tpu.memory_space<hbm>> -> memref<16x128xf32, #tpu.memory_space<hbm>>
    tpu.enqueue_dma source(%dma_start3A_711 : memref<16x128xf32, #tpu.memory_space<hbm>>) target(%dma_start3A_708 : memref<16x128xf32, #tpu.memory_space<vmem>>) target_semaphore(%arg24 : memref<!tpu.dma_semaphore, #tpu.memory_space<semaphore_mem>>)
    %slice3A_712 = vector.extract_strided_slice %and3A_657 {offsets = [1], sizes = [1], strides = [1]} : vector<16xi32> to vector<1xi32>
    %squeeze3A_713 = vector.extract %slice3A_712[0] : i32 from vector<1xi32>
    %slice3A_714 = vector.extract_strided_slice %and3A_683 {offsets = [1], sizes = [1], strides = [1]} : vector<16xi32> to vector<1xi32>
    %squeeze3A_715 = vector.extract %slice3A_714[0] : i32 from vector<1xi32>
    %multiple_of3A_716 = tpu.assume_multiple %squeeze3A_715, 128 : i32
    %add3A_717 = arith.constant 1 : i32
    %add3A_718 = arith.addi %squeeze3A_713, %add3A_717 : i32
    %dma_start3A_719 = arith.constant 1 : i32
    %dma_start3A_720 = arith.constant 0 : i32
    %dma_start3A_721 = arith.constant 0 : i32
    %dma_start3A_722 = tpu.memref_slice %arg20[%dma_start3A_719, %dma_start3A_720, %dma_start3A_721] : memref<32x16x128xf32, #tpu.memory_space<vmem>> -> memref<1x16x128xf32, #tpu.memory_space<vmem>>
    %dma_start3A_723 = tpu.memref_squeeze %dma_start3A_722 : memref<1x16x128xf32, #tpu.memory_space<vmem>> -> memref<16x128xf32, #tpu.memory_space<vmem>>
    %dma_start3A_724 = arith.constant 0 : i32
    %dma_start3A_725 = tpu.memref_slice %arg6[%add3A_718, %dma_start3A_724, %multiple_of3A_716] : memref<17x16x100000xf32, #tpu.memory_space<hbm>> -> memref<1x16x128xf32, #tpu.memory_space<hbm>>
    %dma_start3A_726 = tpu.memref_squeeze %dma_start3A_725 : memref<1x16x128xf32, #tpu.memory_space<hbm>> -> memref<16x128xf32, #tpu.memory_space<hbm>>
    %dma_start3A_727 = arith.constant 0 : i32
    %dma_start3A_728 = arith.constant 0 : i32
    %dma_start3A_729 = tpu.memref_slice %arg20[%dma_start3A_719, %dma_start3A_727, %dma_start3A_728] : memref<32x16x128xf32, #tpu.memory_space<vmem>> -> memref<1x16x128xf32, #tpu.memory_space<vmem>>
    %dma_start3A_730 = tpu.memref_squeeze %dma_start3A_729 : memref<1x16x128xf32, #tpu.memory_space<vmem>> -> memref<16x128xf32, #tpu.memory_space<vmem>>
    %dma_start3A_731 = arith.constant 0 : i32
    %dma_start3A_732 = tpu.memref_slice %arg6[%add3A_718, %dma_start3A_731, %multiple_of3A_716] : memref<17x16x100000xf32, #tpu.memory_space<hbm>> -> memref<1x16x128xf32, #tpu.memory_space<hbm>>
    %dma_start3A_733 = tpu.memref_squeeze %dma_start3A_732 : memref<1x16x128xf32, #tpu.memory_space<hbm>> -> memref<16x128xf32, #tpu.memory_space<hbm>>
    tpu.enqueue_dma source(%dma_start3A_733 : memref<16x128xf32, #tpu.memory_space<hbm>>) target(%dma_start3A_730 : memref<16x128xf32, #tpu.memory_space<vmem>>) target_semaphore(%arg24 : memref<!tpu.dma_semaphore, #tpu.memory_space<semaphore_mem>>)
    %slice3A_734 = vector.extract_strided_slice %and3A_657 {offsets = [2], sizes = [1], strides = [1]} : vector<16xi32> to vector<1xi32>
    %squeeze3A_735 = vector.extract %slice3A_734[0] : i32 from vector<1xi32>
    %slice3A_736 = vector.extract_strided_slice %and3A_683 {offsets = [2], sizes = [1], strides = [1]} : vector<16xi32> to vector<1xi32>
    %squeeze3A_737 = vector.extract %slice3A_736[0] : i32 from vector<1xi32>
    %multiple_of3A_738 = tpu.assume_multiple %squeeze3A_737, 128 : i32
    %add3A_739 = arith.constant 1 : i32
    %add3A_740 = arith.addi %squeeze3A_735, %add3A_739 : i32
    %dma_start3A_741 = arith.constant 2 : i32
    %dma_start3A_742 = arith.constant 0 : i32
    %dma_start3A_743 = arith.constant 0 : i32
    %dma_start3A_744 = tpu.memref_slice %arg20[%dma_start3A_741, %dma_start3A_742, %dma_start3A_743] : memref<32x16x128xf32, #tpu.memory_space<vmem>> -> memref<1x16x128xf32, #tpu.memory_space<vmem>>
    %dma_start3A_745 = tpu.memref_squeeze %dma_start3A_744 : memref<1x16x128xf32, #tpu.memory_space<vmem>> -> memref<16x128xf32, #tpu.memory_space<vmem>>
    %dma_start3A_746 = arith.constant 0 : i32
    %dma_start3A_747 = tpu.memref_slice %arg6[%add3A_740, %dma_start3A_746, %multiple_of3A_738] : memref<17x16x100000xf32, #tpu.memory_space<hbm>> -> memref<1x16x128xf32, #tpu.memory_space<hbm>>
    %dma_start3A_748 = tpu.memref_squeeze %dma_start3A_747 : memref<1x16x128xf32, #tpu.memory_space<hbm>> -> memref<16x128xf32, #tpu.memory_space<hbm>>
    %dma_start3A_749 = arith.constant 0 : i32
    %dma_start3A_750 = arith.constant 0 : i32
    %dma_start3A_751 = tpu.memref_slice %arg20[%dma_start3A_741, %dma_start3A_749, %dma_start3A_750] : memref<32x16x128xf32, #tpu.memory_space<vmem>> -> memref<1x16x128xf32, #tpu.memory_space<vmem>>
    %dma_start3A_752 = tpu.memref_squeeze %dma_start3A_751 : memref<1x16x128xf32, #tpu.memory_space<vmem>> -> memref<16x128xf32, #tpu.memory_space<vmem>>
    %dma_start3A_753 = arith.constant 0 : i32
    %dma_start3A_754 = tpu.memref_slice %arg6[%add3A_740, %dma_start3A_753, %multiple_of3A_738] : memref<17x16x100000xf32, #tpu.memory_space<hbm>> -> memref<1x16x128xf32, #tpu.memory_space<hbm>>
    %dma_start3A_755 = tpu.memref_squeeze %dma_start3A_754 : memref<1x16x128xf32, #tpu.memory_space<hbm>> -> memref<16x128xf32, #tpu.memory_space<hbm>>
    tpu.enqueue_dma source(%dma_start3A_755 : memref<16x128xf32, #tpu.memory_space<hbm>>) target(%dma_start3A_752 : memref<16x128xf32, #tpu.memory_space<vmem>>) target_semaphore(%arg24 : memref<!tpu.dma_semaphore, #tpu.memory_space<semaphore_mem>>)
    %slice3A_756 = vector.extract_strided_slice %and3A_657 {offsets = [3], sizes = [1], strides = [1]} : vector<16xi32> to vector<1xi32>
    %squeeze3A_757 = vector.extract %slice3A_756[0] : i32 from vector<1xi32>
    %slice3A_758 = vector.extract_strided_slice %and3A_683 {offsets = [3], sizes = [1], strides = [1]} : vector<16xi32> to vector<1xi32>
    %squeeze3A_759 = vector.extract %slice3A_758[0] : i32 from vector<1xi32>
    %multiple_of3A_760 = tpu.assume_multiple %squeeze3A_759, 128 : i32
    %add3A_761 = arith.constant 1 : i32
    %add3A_762 = arith.addi %squeeze3A_757, %add3A_761 : i32
    %dma_start3A_763 = arith.constant 3 : i32
    %dma_start3A_764 = arith.constant 0 : i32
    %dma_start3A_765 = arith.constant 0 : i32
    %dma_start3A_766 = tpu.memref_slice %arg20[%dma_start3A_763, %dma_start3A_764, %dma_start3A_765] : memref<32x16x128xf32, #tpu.memory_space<vmem>> -> memref<1x16x128xf32, #tpu.memory_space<vmem>>
    %dma_start3A_767 = tpu.memref_squeeze %dma_start3A_766 : memref<1x16x128xf32, #tpu.memory_space<vmem>> -> memref<16x128xf32, #tpu.memory_space<vmem>>
    %dma_start3A_768 = arith.constant 0 : i32
    %dma_start3A_769 = tpu.memref_slice %arg6[%add3A_762, %dma_start3A_768, %multiple_of3A_760] : memref<17x16x100000xf32, #tpu.memory_space<hbm>> -> memref<1x16x128xf32, #tpu.memory_space<hbm>>
    %dma_start3A_770 = tpu.memref_squeeze %dma_start3A_769 : memref<1x16x128xf32, #tpu.memory_space<hbm>> -> memref<16x128xf32, #tpu.memory_space<hbm>>
    %dma_start3A_771 = arith.constant 0 : i32
    %dma_start3A_772 = arith.constant 0 : i32
    %dma_start3A_773 = tpu.memref_slice %arg20[%dma_start3A_763, %dma_start3A_771, %dma_start3A_772] : memref<32x16x128xf32, #tpu.memory_space<vmem>> -> memref<1x16x128xf32, #tpu.memory_space<vmem>>
    %dma_start3A_774 = tpu.memref_squeeze %dma_start3A_773 : memref<1x16x128xf32, #tpu.memory_space<vmem>> -> memref<16x128xf32, #tpu.memory_space<vmem>>
    %dma_start3A_775 = arith.constant 0 : i32
    %dma_start3A_776 = tpu.memref_slice %arg6[%add3A_762, %dma_start3A_775, %multiple_of3A_760] : memref<17x16x100000xf32, #tpu.memory_space<hbm>> -> memref<1x16x128xf32, #tpu.memory_space<hbm>>
    %dma_start3A_777 = tpu.memref_squeeze %dma_start3A_776 : memref<1x16x128xf32, #tpu.memory_space<hbm>> -> memref<16x128xf32, #tpu.memory_space<hbm>>
    tpu.enqueue_dma source(%dma_start3A_777 : memref<16x128xf32, #tpu.memory_space<hbm>>) target(%dma_start3A_774 : memref<16x128xf32, #tpu.memory_space<vmem>>) target_semaphore(%arg24 : memref<!tpu.dma_semaphore, #tpu.memory_space<semaphore_mem>>)
    %slice3A_778 = vector.extract_strided_slice %and3A_657 {offsets = [4], sizes = [1], strides = [1]} : vector<16xi32> to vector<1xi32>
    %squeeze3A_779 = vector.extract %slice3A_778[0] : i32 from vector<1xi32>
    %slice3A_780 = vector.extract_strided_slice %and3A_683 {offsets = [4], sizes = [1], strides = [1]} : vector<16xi32> to vector<1xi32>
    %squeeze3A_781 = vector.extract %slice3A_780[0] : i32 from vector<1xi32>
    %multiple_of3A_782 = tpu.assume_multiple %squeeze3A_781, 128 : i32
    %add3A_783 = arith.constant 1 : i32
    %add3A_784 = arith.addi %squeeze3A_779, %add3A_783 : i32
    %dma_start3A_785 = arith.constant 4 : i32
    %dma_start3A_786 = arith.constant 0 : i32
    %dma_start3A_787 = arith.constant 0 : i32
    %dma_start3A_788 = tpu.memref_slice %arg20[%dma_start3A_785, %dma_start3A_786, %dma_start3A_787] : memref<32x16x128xf32, #tpu.memory_space<vmem>> -> memref<1x16x128xf32, #tpu.memory_space<vmem>>
    %dma_start3A_789 = tpu.memref_squeeze %dma_start3A_788 : memref<1x16x128xf32, #tpu.memory_space<vmem>> -> memref<16x128xf32, #tpu.memory_space<vmem>>
    %dma_start3A_790 = arith.constant 0 : i32
    %dma_start3A_791 = tpu.memref_slice %arg6[%add3A_784, %dma_start3A_790, %multiple_of3A_782] : memref<17x16x100000xf32, #tpu.memory_space<hbm>> -> memref<1x16x128xf32, #tpu.memory_space<hbm>>
    %dma_start3A_792 = tpu.memref_squeeze %dma_start3A_791 : memref<1x16x128xf32, #tpu.memory_space<hbm>> -> memref<16x128xf32, #tpu.memory_space<hbm>>
    %dma_start3A_793 = arith.constant 0 : i32
    %dma_start3A_794 = arith.constant 0 : i32
    %dma_start3A_795 = tpu.memref_slice %arg20[%dma_start3A_785, %dma_start3A_793, %dma_start3A_794] : memref<32x16x128xf32, #tpu.memory_space<vmem>> -> memref<1x16x128xf32, #tpu.memory_space<vmem>>
    %dma_start3A_796 = tpu.memref_squeeze %dma_start3A_795 : memref<1x16x128xf32, #tpu.memory_space<vmem>> -> memref<16x128xf32, #tpu.memory_space<vmem>>
    %dma_start3A_797 = arith.constant 0 : i32
    %dma_start3A_798 = tpu.memref_slice %arg6[%add3A_784, %dma_start3A_797, %multiple_of3A_782] : memref<17x16x100000xf32, #tpu.memory_space<hbm>> -> memref<1x16x128xf32, #tpu.memory_space<hbm>>
    %dma_start3A_799 = tpu.memref_squeeze %dma_start3A_798 : memref<1x16x128xf32, #tpu.memory_space<hbm>> -> memref<16x128xf32, #tpu.memory_space<hbm>>
    tpu.enqueue_dma source(%dma_start3A_799 : memref<16x128xf32, #tpu.memory_space<hbm>>) target(%dma_start3A_796 : memref<16x128xf32, #tpu.memory_space<vmem>>) target_semaphore(%arg24 : memref<!tpu.dma_semaphore, #tpu.memory_space<semaphore_mem>>)
    %slice3A_800 = vector.extract_strided_slice %and3A_657 {offsets = [5], sizes = [1], strides = [1]} : vector<16xi32> to vector<1xi32>
    %squeeze3A_801 = vector.extract %slice3A_800[0] : i32 from vector<1xi32>
    %slice3A_802 = vector.extract_strided_slice %and3A_683 {offsets = [5], sizes = [1], strides = [1]} : vector<16xi32> to vector<1xi32>
    %squeeze3A_803 = vector.extract %slice3A_802[0] : i32 from vector<1xi32>
    %multiple_of3A_804 = tpu.assume_multiple %squeeze3A_803, 128 : i32
    %add3A_805 = arith.constant 1 : i32
    %add3A_806 = arith.addi %squeeze3A_801, %add3A_805 : i32
    %dma_start3A_807 = arith.constant 5 : i32
    %dma_start3A_808 = arith.constant 0 : i32
    %dma_start3A_809 = arith.constant 0 : i32
    %dma_start3A_810 = tpu.memref_slice %arg20[%dma_start3A_807, %dma_start3A_808, %dma_start3A_809] : memref<32x16x128xf32, #tpu.memory_space<vmem>> -> memref<1x16x128xf32, #tpu.memory_space<vmem>>
    %dma_start3A_811 = tpu.memref_squeeze %dma_start3A_810 : memref<1x16x128xf32, #tpu.memory_space<vmem>> -> memref<16x128xf32, #tpu.memory_space<vmem>>
    %dma_start3A_812 = arith.constant 0 : i32
    %dma_start3A_813 = tpu.memref_slice %arg6[%add3A_806, %dma_start3A_812, %multiple_of3A_804] : memref<17x16x100000xf32, #tpu.memory_space<hbm>> -> memref<1x16x128xf32, #tpu.memory_space<hbm>>
    %dma_start3A_814 = tpu.memref_squeeze %dma_start3A_813 : memref<1x16x128xf32, #tpu.memory_space<hbm>> -> memref<16x128xf32, #tpu.memory_space<hbm>>
    %dma_start3A_815 = arith.constant 0 : i32
    %dma_start3A_816 = arith.constant 0 : i32
    %dma_start3A_817 = tpu.memref_slice %arg20[%dma_start3A_807, %dma_start3A_815, %dma_start3A_816] : memref<32x16x128xf32, #tpu.memory_space<vmem>> -> memref<1x16x128xf32, #tpu.memory_space<vmem>>
    %dma_start3A_818 = tpu.memref_squeeze %dma_start3A_817 : memref<1x16x128xf32, #tpu.memory_space<vmem>> -> memref<16x128xf32, #tpu.memory_space<vmem>>
    %dma_start3A_819 = arith.constant 0 : i32
    %dma_start3A_820 = tpu.memref_slice %arg6[%add3A_806, %dma_start3A_819, %multiple_of3A_804] : memref<17x16x100000xf32, #tpu.memory_space<hbm>> -> memref<1x16x128xf32, #tpu.memory_space<hbm>>
    %dma_start3A_821 = tpu.memref_squeeze %dma_start3A_820 : memref<1x16x128xf32, #tpu.memory_space<hbm>> -> memref<16x128xf32, #tpu.memory_space<hbm>>
    tpu.enqueue_dma source(%dma_start3A_821 : memref<16x128xf32, #tpu.memory_space<hbm>>) target(%dma_start3A_818 : memref<16x128xf32, #tpu.memory_space<vmem>>) target_semaphore(%arg24 : memref<!tpu.dma_semaphore, #tpu.memory_space<semaphore_mem>>)
    %slice3A_822 = vector.extract_strided_slice %and3A_657 {offsets = [6], sizes = [1], strides = [1]} : vector<16xi32> to vector<1xi32>
    %squeeze3A_823 = vector.extract %slice3A_822[0] : i32 from vector<1xi32>
    %slice3A_824 = vector.extract_strided_slice %and3A_683 {offsets = [6], sizes = [1], strides = [1]} : vector<16xi32> to vector<1xi32>
    %squeeze3A_825 = vector.extract %slice3A_824[0] : i32 from vector<1xi32>
    %multiple_of3A_826 = tpu.assume_multiple %squeeze3A_825, 128 : i32
    %add3A_827 = arith.constant 1 : i32
    %add3A_828 = arith.addi %squeeze3A_823, %add3A_827 : i32
    %dma_start3A_829 = arith.constant 6 : i32
    %dma_start3A_830 = arith.constant 0 : i32
    %dma_start3A_831 = arith.constant 0 : i32
    %dma_start3A_832 = tpu.memref_slice %arg20[%dma_start3A_829, %dma_start3A_830, %dma_start3A_831] : memref<32x16x128xf32, #tpu.memory_space<vmem>> -> memref<1x16x128xf32, #tpu.memory_space<vmem>>
    %dma_start3A_833 = tpu.memref_squeeze %dma_start3A_832 : memref<1x16x128xf32, #tpu.memory_space<vmem>> -> memref<16x128xf32, #tpu.memory_space<vmem>>
    %dma_start3A_834 = arith.constant 0 : i32
    %dma_start3A_835 = tpu.memref_slice %arg6[%add3A_828, %dma_start3A_834, %multiple_of3A_826] : memref<17x16x100000xf32, #tpu.memory_space<hbm>> -> memref<1x16x128xf32, #tpu.memory_space<hbm>>
    %dma_start3A_836 = tpu.memref_squeeze %dma_start3A_835 : memref<1x16x128xf32, #tpu.memory_space<hbm>> -> memref<16x128xf32, #tpu.memory_space<hbm>>
    %dma_start3A_837 = arith.constant 0 : i32
    %dma_start3A_838 = arith.constant 0 : i32
    %dma_start3A_839 = tpu.memref_slice %arg20[%dma_start3A_829, %dma_start3A_837, %dma_start3A_838] : memref<32x16x128xf32, #tpu.memory_space<vmem>> -> memref<1x16x128xf32, #tpu.memory_space<vmem>>
    %dma_start3A_840 = tpu.memref_squeeze %dma_start3A_839 : memref<1x16x128xf32, #tpu.memory_space<vmem>> -> memref<16x128xf32, #tpu.memory_space<vmem>>
    %dma_start3A_841 = arith.constant 0 : i32
    %dma_start3A_842 = tpu.memref_slice %arg6[%add3A_828, %dma_start3A_841, %multiple_of3A_826] : memref<17x16x100000xf32, #tpu.memory_space<hbm>> -> memref<1x16x128xf32, #tpu.memory_space<hbm>>
    %dma_start3A_843 = tpu.memref_squeeze %dma_start3A_842 : memref<1x16x128xf32, #tpu.memory_space<hbm>> -> memref<16x128xf32, #tpu.memory_space<hbm>>
    tpu.enqueue_dma source(%dma_start3A_843 : memref<16x128xf32, #tpu.memory_space<hbm>>) target(%dma_start3A_840 : memref<16x128xf32, #tpu.memory_space<vmem>>) target_semaphore(%arg24 : memref<!tpu.dma_semaphore, #tpu.memory_space<semaphore_mem>>)
    %slice3A_844 = vector.extract_strided_slice %and3A_657 {offsets = [7], sizes = [1], strides = [1]} : vector<16xi32> to vector<1xi32>
    %squeeze3A_845 = vector.extract %slice3A_844[0] : i32 from vector<1xi32>
    %slice3A_846 = vector.extract_strided_slice %and3A_683 {offsets = [7], sizes = [1], strides = [1]} : vector<16xi32> to vector<1xi32>
    %squeeze3A_847 = vector.extract %slice3A_846[0] : i32 from vector<1xi32>
    %multiple_of3A_848 = tpu.assume_multiple %squeeze3A_847, 128 : i32
    %add3A_849 = arith.constant 1 : i32
    %add3A_850 = arith.addi %squeeze3A_845, %add3A_849 : i32
    %dma_start3A_851 = arith.constant 7 : i32
    %dma_start3A_852 = arith.constant 0 : i32
    %dma_start3A_853 = arith.constant 0 : i32
    %dma_start3A_854 = tpu.memref_slice %arg20[%dma_start3A_851, %dma_start3A_852, %dma_start3A_853] : memref<32x16x128xf32, #tpu.memory_space<vmem>> -> memref<1x16x128xf32, #tpu.memory_space<vmem>>
    %dma_start3A_855 = tpu.memref_squeeze %dma_start3A_854 : memref<1x16x128xf32, #tpu.memory_space<vmem>> -> memref<16x128xf32, #tpu.memory_space<vmem>>
    %dma_start3A_856 = arith.constant 0 : i32
    %dma_start3A_857 = tpu.memref_slice %arg6[%add3A_850, %dma_start3A_856, %multiple_of3A_848] : memref<17x16x100000xf32, #tpu.memory_space<hbm>> -> memref<1x16x128xf32, #tpu.memory_space<hbm>>
    %dma_start3A_858 = tpu.memref_squeeze %dma_start3A_857 : memref<1x16x128xf32, #tpu.memory_space<hbm>> -> memref<16x128xf32, #tpu.memory_space<hbm>>
    %dma_start3A_859 = arith.constant 0 : i32
    %dma_start3A_860 = arith.constant 0 : i32
    %dma_start3A_861 = tpu.memref_slice %arg20[%dma_start3A_851, %dma_start3A_859, %dma_start3A_860] : memref<32x16x128xf32, #tpu.memory_space<vmem>> -> memref<1x16x128xf32, #tpu.memory_space<vmem>>
    %dma_start3A_862 = tpu.memref_squeeze %dma_start3A_861 : memref<1x16x128xf32, #tpu.memory_space<vmem>> -> memref<16x128xf32, #tpu.memory_space<vmem>>
    %dma_start3A_863 = arith.constant 0 : i32
    %dma_start3A_864 = tpu.memref_slice %arg6[%add3A_850, %dma_start3A_863, %multiple_of3A_848] : memref<17x16x100000xf32, #tpu.memory_space<hbm>> -> memref<1x16x128xf32, #tpu.memory_space<hbm>>
    %dma_start3A_865 = tpu.memref_squeeze %dma_start3A_864 : memref<1x16x128xf32, #tpu.memory_space<hbm>> -> memref<16x128xf32, #tpu.memory_space<hbm>>
    tpu.enqueue_dma source(%dma_start3A_865 : memref<16x128xf32, #tpu.memory_space<hbm>>) target(%dma_start3A_862 : memref<16x128xf32, #tpu.memory_space<vmem>>) target_semaphore(%arg24 : memref<!tpu.dma_semaphore, #tpu.memory_space<semaphore_mem>>)
    %slice3A_866 = vector.extract_strided_slice %and3A_657 {offsets = [8], sizes = [1], strides = [1]} : vector<16xi32> to vector<1xi32>
    %squeeze3A_867 = vector.extract %slice3A_866[0] : i32 from vector<1xi32>
    %slice3A_868 = vector.extract_strided_slice %and3A_683 {offsets = [8], sizes = [1], strides = [1]} : vector<16xi32> to vector<1xi32>
    %squeeze3A_869 = vector.extract %slice3A_868[0] : i32 from vector<1xi32>
    %multiple_of3A_870 = tpu.assume_multiple %squeeze3A_869, 128 : i32
    %add3A_871 = arith.constant 1 : i32
    %add3A_872 = arith.addi %squeeze3A_867, %add3A_871 : i32
    %dma_start3A_873 = arith.constant 8 : i32
    %dma_start3A_874 = arith.constant 0 : i32
    %dma_start3A_875 = arith.constant 0 : i32
    %dma_start3A_876 = tpu.memref_slice %arg20[%dma_start3A_873, %dma_start3A_874, %dma_start3A_875] : memref<32x16x128xf32, #tpu.memory_space<vmem>> -> memref<1x16x128xf32, #tpu.memory_space<vmem>>
    %dma_start3A_877 = tpu.memref_squeeze %dma_start3A_876 : memref<1x16x128xf32, #tpu.memory_space<vmem>> -> memref<16x128xf32, #tpu.memory_space<vmem>>
    %dma_start3A_878 = arith.constant 0 : i32
    %dma_start3A_879 = tpu.memref_slice %arg6[%add3A_872, %dma_start3A_878, %multiple_of3A_870] : memref<17x16x100000xf32, #tpu.memory_space<hbm>> -> memref<1x16x128xf32, #tpu.memory_space<hbm>>
    %dma_start3A_880 = tpu.memref_squeeze %dma_start3A_879 : memref<1x16x128xf32, #tpu.memory_space<hbm>> -> memref<16x128xf32, #tpu.memory_space<hbm>>
    %dma_start3A_881 = arith.constant 0 : i32
    %dma_start3A_882 = arith.constant 0 : i32
    %dma_start3A_883 = tpu.memref_slice %arg20[%dma_start3A_873, %dma_start3A_881, %dma_start3A_882] : memref<32x16x128xf32, #tpu.memory_space<vmem>> -> memref<1x16x128xf32, #tpu.memory_space<vmem>>
    %dma_start3A_884 = tpu.memref_squeeze %dma_start3A_883 : memref<1x16x128xf32, #tpu.memory_space<vmem>> -> memref<16x128xf32, #tpu.memory_space<vmem>>
    %dma_start3A_885 = arith.constant 0 : i32
    %dma_start3A_886 = tpu.memref_slice %arg6[%add3A_872, %dma_start3A_885, %multiple_of3A_870] : memref<17x16x100000xf32, #tpu.memory_space<hbm>> -> memref<1x16x128xf32, #tpu.memory_space<hbm>>
    %dma_start3A_887 = tpu.memref_squeeze %dma_start3A_886 : memref<1x16x128xf32, #tpu.memory_space<hbm>> -> memref<16x128xf32, #tpu.memory_space<hbm>>
    tpu.enqueue_dma source(%dma_start3A_887 : memref<16x128xf32, #tpu.memory_space<hbm>>) target(%dma_start3A_884 : memref<16x128xf32, #tpu.memory_space<vmem>>) target_semaphore(%arg24 : memref<!tpu.dma_semaphore, #tpu.memory_space<semaphore_mem>>)
    %slice3A_888 = vector.extract_strided_slice %and3A_657 {offsets = [9], sizes = [1], strides = [1]} : vector<16xi32> to vector<1xi32>
    %squeeze3A_889 = vector.extract %slice3A_888[0] : i32 from vector<1xi32>
    %slice3A_890 = vector.extract_strided_slice %and3A_683 {offsets = [9], sizes = [1], strides = [1]} : vector<16xi32> to vector<1xi32>
    %squeeze3A_891 = vector.extract %slice3A_890[0] : i32 from vector<1xi32>
    %multiple_of3A_892 = tpu.assume_multiple %squeeze3A_891, 128 : i32
    %add3A_893 = arith.constant 1 : i32
    %add3A_894 = arith.addi %squeeze3A_889, %add3A_893 : i32
    %dma_start3A_895 = arith.constant 9 : i32
    %dma_start3A_896 = arith.constant 0 : i32
    %dma_start3A_897 = arith.constant 0 : i32
    %dma_start3A_898 = tpu.memref_slice %arg20[%dma_start3A_895, %dma_start3A_896, %dma_start3A_897] : memref<32x16x128xf32, #tpu.memory_space<vmem>> -> memref<1x16x128xf32, #tpu.memory_space<vmem>>
    %dma_start3A_899 = tpu.memref_squeeze %dma_start3A_898 : memref<1x16x128xf32, #tpu.memory_space<vmem>> -> memref<16x128xf32, #tpu.memory_space<vmem>>
    %dma_start3A_900 = arith.constant 0 : i32
    %dma_start3A_901 = tpu.memref_slice %arg6[%add3A_894, %dma_start3A_900, %multiple_of3A_892] : memref<17x16x100000xf32, #tpu.memory_space<hbm>> -> memref<1x16x128xf32, #tpu.memory_space<hbm>>
    %dma_start3A_902 = tpu.memref_squeeze %dma_start3A_901 : memref<1x16x128xf32, #tpu.memory_space<hbm>> -> memref<16x128xf32, #tpu.memory_space<hbm>>
    %dma_start3A_903 = arith.constant 0 : i32
    %dma_start3A_904 = arith.constant 0 : i32
    %dma_start3A_905 = tpu.memref_slice %arg20[%dma_start3A_895, %dma_start3A_903, %dma_start3A_904] : memref<32x16x128xf32, #tpu.memory_space<vmem>> -> memref<1x16x128xf32, #tpu.memory_space<vmem>>
    %dma_start3A_906 = tpu.memref_squeeze %dma_start3A_905 : memref<1x16x128xf32, #tpu.memory_space<vmem>> -> memref<16x128xf32, #tpu.memory_space<vmem>>
    %dma_start3A_907 = arith.constant 0 : i32
    %dma_start3A_908 = tpu.memref_slice %arg6[%add3A_894, %dma_start3A_907, %multiple_of3A_892] : memref<17x16x100000xf32, #tpu.memory_space<hbm>> -> memref<1x16x128xf32, #tpu.memory_space<hbm>>
    %dma_start3A_909 = tpu.memref_squeeze %dma_start3A_908 : memref<1x16x128xf32, #tpu.memory_space<hbm>> -> memref<16x128xf32, #tpu.memory_space<hbm>>
    tpu.enqueue_dma source(%dma_start3A_909 : memref<16x128xf32, #tpu.memory_space<hbm>>) target(%dma_start3A_906 : memref<16x128xf32, #tpu.memory_space<vmem>>) target_semaphore(%arg24 : memref<!tpu.dma_semaphore, #tpu.memory_space<semaphore_mem>>)
    %slice3A_910 = vector.extract_strided_slice %and3A_657 {offsets = [10], sizes = [1], strides = [1]} : vector<16xi32> to vector<1xi32>
    %squeeze3A_911 = vector.extract %slice3A_910[0] : i32 from vector<1xi32>
    %slice3A_912 = vector.extract_strided_slice %and3A_683 {offsets = [10], sizes = [1], strides = [1]} : vector<16xi32> to vector<1xi32>
    %squeeze3A_913 = vector.extract %slice3A_912[0] : i32 from vector<1xi32>
    %multiple_of3A_914 = tpu.assume_multiple %squeeze3A_913, 128 : i32
    %add3A_915 = arith.constant 1 : i32
    %add3A_916 = arith.addi %squeeze3A_911, %add3A_915 : i32
    %dma_start3A_917 = arith.constant 10 : i32
    %dma_start3A_918 = arith.constant 0 : i32
    %dma_start3A_919 = arith.constant 0 : i32
    %dma_start3A_920 = tpu.memref_slice %arg20[%dma_start3A_917, %dma_start3A_918, %dma_start3A_919] : memref<32x16x128xf32, #tpu.memory_space<vmem>> -> memref<1x16x128xf32, #tpu.memory_space<vmem>>
    %dma_start3A_921 = tpu.memref_squeeze %dma_start3A_920 : memref<1x16x128xf32, #tpu.memory_space<vmem>> -> memref<16x128xf32, #tpu.memory_space<vmem>>
    %dma_start3A_922 = arith.constant 0 : i32
    %dma_start3A_923 = tpu.memref_slice %arg6[%add3A_916, %dma_start3A_922, %multiple_of3A_914] : memref<17x16x100000xf32, #tpu.memory_space<hbm>> -> memref<1x16x128xf32, #tpu.memory_space<hbm>>
    %dma_start3A_924 = tpu.memref_squeeze %dma_start3A_923 : memref<1x16x128xf32, #tpu.memory_space<hbm>> -> memref<16x128xf32, #tpu.memory_space<hbm>>
    %dma_start3A_925 = arith.constant 0 : i32
    %dma_start3A_926 = arith.constant 0 : i32
    %dma_start3A_927 = tpu.memref_slice %arg20[%dma_start3A_917, %dma_start3A_925, %dma_start3A_926] : memref<32x16x128xf32, #tpu.memory_space<vmem>> -> memref<1x16x128xf32, #tpu.memory_space<vmem>>
    %dma_start3A_928 = tpu.memref_squeeze %dma_start3A_927 : memref<1x16x128xf32, #tpu.memory_space<vmem>> -> memref<16x128xf32, #tpu.memory_space<vmem>>
    %dma_start3A_929 = arith.constant 0 : i32
    %dma_start3A_930 = tpu.memref_slice %arg6[%add3A_916, %dma_start3A_929, %multiple_of3A_914] : memref<17x16x100000xf32, #tpu.memory_space<hbm>> -> memref<1x16x128xf32, #tpu.memory_space<hbm>>
    %dma_start3A_931 = tpu.memref_squeeze %dma_start3A_930 : memref<1x16x128xf32, #tpu.memory_space<hbm>> -> memref<16x128xf32, #tpu.memory_space<hbm>>
    tpu.enqueue_dma source(%dma_start3A_931 : memref<16x128xf32, #tpu.memory_space<hbm>>) target(%dma_start3A_928 : memref<16x128xf32, #tpu.memory_space<vmem>>) target_semaphore(%arg24 : memref<!tpu.dma_semaphore, #tpu.memory_space<semaphore_mem>>)
    %slice3A_932 = vector.extract_strided_slice %and3A_657 {offsets = [11], sizes = [1], strides = [1]} : vector<16xi32> to vector<1xi32>
    %squeeze3A_933 = vector.extract %slice3A_932[0] : i32 from vector<1xi32>
    %slice3A_934 = vector.extract_strided_slice %and3A_683 {offsets = [11], sizes = [1], strides = [1]} : vector<16xi32> to vector<1xi32>
    %squeeze3A_935 = vector.extract %slice3A_934[0] : i32 from vector<1xi32>
    %multiple_of3A_936 = tpu.assume_multiple %squeeze3A_935, 128 : i32
    %add3A_937 = arith.constant 1 : i32
    %add3A_938 = arith.addi %squeeze3A_933, %add3A_937 : i32
    %dma_start3A_939 = arith.constant 11 : i32
    %dma_start3A_940 = arith.constant 0 : i32
    %dma_start3A_941 = arith.constant 0 : i32
    %dma_start3A_942 = tpu.memref_slice %arg20[%dma_start3A_939, %dma_start3A_940, %dma_start3A_941] : memref<32x16x128xf32, #tpu.memory_space<vmem>> -> memref<1x16x128xf32, #tpu.memory_space<vmem>>
    %dma_start3A_943 = tpu.memref_squeeze %dma_start3A_942 : memref<1x16x128xf32, #tpu.memory_space<vmem>> -> memref<16x128xf32, #tpu.memory_space<vmem>>
    %dma_start3A_944 = arith.constant 0 : i32
    %dma_start3A_945 = tpu.memref_slice %arg6[%add3A_938, %dma_start3A_944, %multiple_of3A_936] : memref<17x16x100000xf32, #tpu.memory_space<hbm>> -> memref<1x16x128xf32, #tpu.memory_space<hbm>>
    %dma_start3A_946 = tpu.memref_squeeze %dma_start3A_945 : memref<1x16x128xf32, #tpu.memory_space<hbm>> -> memref<16x128xf32, #tpu.memory_space<hbm>>
    %dma_start3A_947 = arith.constant 0 : i32
    %dma_start3A_948 = arith.constant 0 : i32
    %dma_start3A_949 = tpu.memref_slice %arg20[%dma_start3A_939, %dma_start3A_947, %dma_start3A_948] : memref<32x16x128xf32, #tpu.memory_space<vmem>> -> memref<1x16x128xf32, #tpu.memory_space<vmem>>
    %dma_start3A_950 = tpu.memref_squeeze %dma_start3A_949 : memref<1x16x128xf32, #tpu.memory_space<vmem>> -> memref<16x128xf32, #tpu.memory_space<vmem>>
    %dma_start3A_951 = arith.constant 0 : i32
    %dma_start3A_952 = tpu.memref_slice %arg6[%add3A_938, %dma_start3A_951, %multiple_of3A_936] : memref<17x16x100000xf32, #tpu.memory_space<hbm>> -> memref<1x16x128xf32, #tpu.memory_space<hbm>>
    %dma_start3A_953 = tpu.memref_squeeze %dma_start3A_952 : memref<1x16x128xf32, #tpu.memory_space<hbm>> -> memref<16x128xf32, #tpu.memory_space<hbm>>
    tpu.enqueue_dma source(%dma_start3A_953 : memref<16x128xf32, #tpu.memory_space<hbm>>) target(%dma_start3A_950 : memref<16x128xf32, #tpu.memory_space<vmem>>) target_semaphore(%arg24 : memref<!tpu.dma_semaphore, #tpu.memory_space<semaphore_mem>>)
    %slice3A_954 = vector.extract_strided_slice %and3A_657 {offsets = [12], sizes = [1], strides = [1]} : vector<16xi32> to vector<1xi32>
    %squeeze3A_955 = vector.extract %slice3A_954[0] : i32 from vector<1xi32>
    %slice3A_956 = vector.extract_strided_slice %and3A_683 {offsets = [12], sizes = [1], strides = [1]} : vector<16xi32> to vector<1xi32>
    %squeeze3A_957 = vector.extract %slice3A_956[0] : i32 from vector<1xi32>
    %multiple_of3A_958 = tpu.assume_multiple %squeeze3A_957, 128 : i32
    %add3A_959 = arith.constant 1 : i32
    %add3A_960 = arith.addi %squeeze3A_955, %add3A_959 : i32
    %dma_start3A_961 = arith.constant 12 : i32
    %dma_start3A_962 = arith.constant 0 : i32
    %dma_start3A_963 = arith.constant 0 : i32
    %dma_start3A_964 = tpu.memref_slice %arg20[%dma_start3A_961, %dma_start3A_962, %dma_start3A_963] : memref<32x16x128xf32, #tpu.memory_space<vmem>> -> memref<1x16x128xf32, #tpu.memory_space<vmem>>
    %dma_start3A_965 = tpu.memref_squeeze %dma_start3A_964 : memref<1x16x128xf32, #tpu.memory_space<vmem>> -> memref<16x128xf32, #tpu.memory_space<vmem>>
    %dma_start3A_966 = arith.constant 0 : i32
    %dma_start3A_967 = tpu.memref_slice %arg6[%add3A_960, %dma_start3A_966, %multiple_of3A_958] : memref<17x16x100000xf32, #tpu.memory_space<hbm>> -> memref<1x16x128xf32, #tpu.memory_space<hbm>>
    %dma_start3A_968 = tpu.memref_squeeze %dma_start3A_967 : memref<1x16x128xf32, #tpu.memory_space<hbm>> -> memref<16x128xf32, #tpu.memory_space<hbm>>
    %dma_start3A_969 = arith.constant 0 : i32
    %dma_start3A_970 = arith.constant 0 : i32
    %dma_start3A_971 = tpu.memref_slice %arg20[%dma_start3A_961, %dma_start3A_969, %dma_start3A_970] : memref<32x16x128xf32, #tpu.memory_space<vmem>> -> memref<1x16x128xf32, #tpu.memory_space<vmem>>
    %dma_start3A_972 = tpu.memref_squeeze %dma_start3A_971 : memref<1x16x128xf32, #tpu.memory_space<vmem>> -> memref<16x128xf32, #tpu.memory_space<vmem>>
    %dma_start3A_973 = arith.constant 0 : i32
    %dma_start3A_974 = tpu.memref_slice %arg6[%add3A_960, %dma_start3A_973, %multiple_of3A_958] : memref<17x16x100000xf32, #tpu.memory_space<hbm>> -> memref<1x16x128xf32, #tpu.memory_space<hbm>>
    %dma_start3A_975 = tpu.memref_squeeze %dma_start3A_974 : memref<1x16x128xf32, #tpu.memory_space<hbm>> -> memref<16x128xf32, #tpu.memory_space<hbm>>
    tpu.enqueue_dma source(%dma_start3A_975 : memref<16x128xf32, #tpu.memory_space<hbm>>) target(%dma_start3A_972 : memref<16x128xf32, #tpu.memory_space<vmem>>) target_semaphore(%arg24 : memref<!tpu.dma_semaphore, #tpu.memory_space<semaphore_mem>>)
    %slice3A_976 = vector.extract_strided_slice %and3A_657 {offsets = [13], sizes = [1], strides = [1]} : vector<16xi32> to vector<1xi32>
    %squeeze3A_977 = vector.extract %slice3A_976[0] : i32 from vector<1xi32>
    %slice3A_978 = vector.extract_strided_slice %and3A_683 {offsets = [13], sizes = [1], strides = [1]} : vector<16xi32> to vector<1xi32>
    %squeeze3A_979 = vector.extract %slice3A_978[0] : i32 from vector<1xi32>
    %multiple_of3A_980 = tpu.assume_multiple %squeeze3A_979, 128 : i32
    %add3A_981 = arith.constant 1 : i32
    %add3A_982 = arith.addi %squeeze3A_977, %add3A_981 : i32
    %dma_start3A_983 = arith.constant 13 : i32
    %dma_start3A_984 = arith.constant 0 : i32
    %dma_start3A_985 = arith.constant 0 : i32
    %dma_start3A_986 = tpu.memref_slice %arg20[%dma_start3A_983, %dma_start3A_984, %dma_start3A_985] : memref<32x16x128xf32, #tpu.memory_space<vmem>> -> memref<1x16x128xf32, #tpu.memory_space<vmem>>
    %dma_start3A_987 = tpu.memref_squeeze %dma_start3A_986 : memref<1x16x128xf32, #tpu.memory_space<vmem>> -> memref<16x128xf32, #tpu.memory_space<vmem>>
    %dma_start3A_988 = arith.constant 0 : i32
    %dma_start3A_989 = tpu.memref_slice %arg6[%add3A_982, %dma_start3A_988, %multiple_of3A_980] : memref<17x16x100000xf32, #tpu.memory_space<hbm>> -> memref<1x16x128xf32, #tpu.memory_space<hbm>>
    %dma_start3A_990 = tpu.memref_squeeze %dma_start3A_989 : memref<1x16x128xf32, #tpu.memory_space<hbm>> -> memref<16x128xf32, #tpu.memory_space<hbm>>
    %dma_start3A_991 = arith.constant 0 : i32
    %dma_start3A_992 = arith.constant 0 : i32
    %dma_start3A_993 = tpu.memref_slice %arg20[%dma_start3A_983, %dma_start3A_991, %dma_start3A_992] : memref<32x16x128xf32, #tpu.memory_space<vmem>> -> memref<1x16x128xf32, #tpu.memory_space<vmem>>
    %dma_start3A_994 = tpu.memref_squeeze %dma_start3A_993 : memref<1x16x128xf32, #tpu.memory_space<vmem>> -> memref<16x128xf32, #tpu.memory_space<vmem>>
    %dma_start3A_995 = arith.constant 0 : i32
    %dma_start3A_996 = tpu.memref_slice %arg6[%add3A_982, %dma_start3A_995, %multiple_of3A_980] : memref<17x16x100000xf32, #tpu.memory_space<hbm>> -> memref<1x16x128xf32, #tpu.memory_space<hbm>>
    %dma_start3A_997 = tpu.memref_squeeze %dma_start3A_996 : memref<1x16x128xf32, #tpu.memory_space<hbm>> -> memref<16x128xf32, #tpu.memory_space<hbm>>
    tpu.enqueue_dma source(%dma_start3A_997 : memref<16x128xf32, #tpu.memory_space<hbm>>) target(%dma_start3A_994 : memref<16x128xf32, #tpu.memory_space<vmem>>) target_semaphore(%arg24 : memref<!tpu.dma_semaphore, #tpu.memory_space<semaphore_mem>>)
    %slice3A_998 = vector.extract_strided_slice %and3A_657 {offsets = [14], sizes = [1], strides = [1]} : vector<16xi32> to vector<1xi32>
    %squeeze3A_999 = vector.extract %slice3A_998[0] : i32 from vector<1xi32>
    %slice3A_1000 = vector.extract_strided_slice %and3A_683 {offsets = [14], sizes = [1], strides = [1]} : vector<16xi32> to vector<1xi32>
    %squeeze3A_1001 = vector.extract %slice3A_1000[0] : i32 from vector<1xi32>
    %multiple_of3A_1002 = tpu.assume_multiple %squeeze3A_1001, 128 : i32
    %add3A_1003 = arith.constant 1 : i32
    %add3A_1004 = arith.addi %squeeze3A_999, %add3A_1003 : i32
    %dma_start3A_1005 = arith.constant 14 : i32
    %dma_start3A_1006 = arith.constant 0 : i32
    %dma_start3A_1007 = arith.constant 0 : i32
    %dma_start3A_1008 = tpu.memref_slice %arg20[%dma_start3A_1005, %dma_start3A_1006, %dma_start3A_1007] : memref<32x16x128xf32, #tpu.memory_space<vmem>> -> memref<1x16x128xf32, #tpu.memory_space<vmem>>
    %dma_start3A_1009 = tpu.memref_squeeze %dma_start3A_1008 : memref<1x16x128xf32, #tpu.memory_space<vmem>> -> memref<16x128xf32, #tpu.memory_space<vmem>>
    %dma_start3A_1010 = arith.constant 0 : i32
    %dma_start3A_1011 = tpu.memref_slice %arg6[%add3A_1004, %dma_start3A_1010, %multiple_of3A_1002] : memref<17x16x100000xf32, #tpu.memory_space<hbm>> -> memref<1x16x128xf32, #tpu.memory_space<hbm>>
    %dma_start3A_1012 = tpu.memref_squeeze %dma_start3A_1011 : memref<1x16x128xf32, #tpu.memory_space<hbm>> -> memref<16x128xf32, #tpu.memory_space<hbm>>
    %dma_start3A_1013 = arith.constant 0 : i32
    %dma_start3A_1014 = arith.constant 0 : i32
    %dma_start3A_1015 = tpu.memref_slice %arg20[%dma_start3A_1005, %dma_start3A_1013, %dma_start3A_1014] : memref<32x16x128xf32, #tpu.memory_space<vmem>> -> memref<1x16x128xf32, #tpu.memory_space<vmem>>
    %dma_start3A_1016 = tpu.memref_squeeze %dma_start3A_1015 : memref<1x16x128xf32, #tpu.memory_space<vmem>> -> memref<16x128xf32, #tpu.memory_space<vmem>>
    %dma_start3A_1017 = arith.constant 0 : i32
    %dma_start3A_1018 = tpu.memref_slice %arg6[%add3A_1004, %dma_start3A_1017, %multiple_of3A_1002] : memref<17x16x100000xf32, #tpu.memory_space<hbm>> -> memref<1x16x128xf32, #tpu.memory_space<hbm>>
    %dma_start3A_1019 = tpu.memref_squeeze %dma_start3A_1018 : memref<1x16x128xf32, #tpu.memory_space<hbm>> -> memref<16x128xf32, #tpu.memory_space<hbm>>
    tpu.enqueue_dma source(%dma_start3A_1019 : memref<16x128xf32, #tpu.memory_space<hbm>>) target(%dma_start3A_1016 : memref<16x128xf32, #tpu.memory_space<vmem>>) target_semaphore(%arg24 : memref<!tpu.dma_semaphore, #tpu.memory_space<semaphore_mem>>)
    %slice3A_1020 = vector.extract_strided_slice %and3A_657 {offsets = [15], sizes = [1], strides = [1]} : vector<16xi32> to vector<1xi32>
    %squeeze3A_1021 = vector.extract %slice3A_1020[0] : i32 from vector<1xi32>
    %slice3A_1022 = vector.extract_strided_slice %and3A_683 {offsets = [15], sizes = [1], strides = [1]} : vector<16xi32> to vector<1xi32>
    %squeeze3A_1023 = vector.extract %slice3A_1022[0] : i32 from vector<1xi32>
    %multiple_of3A_1024 = tpu.assume_multiple %squeeze3A_1023, 128 : i32
    %add3A_1025 = arith.constant 1 : i32
    %add3A_1026 = arith.addi %squeeze3A_1021, %add3A_1025 : i32
    %dma_start3A_1027 = arith.constant 15 : i32
    %dma_start3A_1028 = arith.constant 0 : i32
    %dma_start3A_1029 = arith.constant 0 : i32
    %dma_start3A_1030 = tpu.memref_slice %arg20[%dma_start3A_1027, %dma_start3A_1028, %dma_start3A_1029] : memref<32x16x128xf32, #tpu.memory_space<vmem>> -> memref<1x16x128xf32, #tpu.memory_space<vmem>>
    %dma_start3A_1031 = tpu.memref_squeeze %dma_start3A_1030 : memref<1x16x128xf32, #tpu.memory_space<vmem>> -> memref<16x128xf32, #tpu.memory_space<vmem>>
    %dma_start3A_1032 = arith.constant 0 : i32
    %dma_start3A_1033 = tpu.memref_slice %arg6[%add3A_1026, %dma_start3A_1032, %multiple_of3A_1024] : memref<17x16x100000xf32, #tpu.memory_space<hbm>> -> memref<1x16x128xf32, #tpu.memory_space<hbm>>
    %dma_start3A_1034 = tpu.memref_squeeze %dma_start3A_1033 : memref<1x16x128xf32, #tpu.memory_space<hbm>> -> memref<16x128xf32, #tpu.memory_space<hbm>>
    %dma_start3A_1035 = arith.constant 0 : i32
    %dma_start3A_1036 = arith.constant 0 : i32
    %dma_start3A_1037 = tpu.memref_slice %arg20[%dma_start3A_1027, %dma_start3A_1035, %dma_start3A_1036] : memref<32x16x128xf32, #tpu.memory_space<vmem>> -> memref<1x16x128xf32, #tpu.memory_space<vmem>>
    %dma_start3A_1038 = tpu.memref_squeeze %dma_start3A_1037 : memref<1x16x128xf32, #tpu.memory_space<vmem>> -> memref<16x128xf32, #tpu.memory_space<vmem>>
    %dma_start3A_1039 = arith.constant 0 : i32
    %dma_start3A_1040 = tpu.memref_slice %arg6[%add3A_1026, %dma_start3A_1039, %multiple_of3A_1024] : memref<17x16x100000xf32, #tpu.memory_space<hbm>> -> memref<1x16x128xf32, #tpu.memory_space<hbm>>
    %dma_start3A_1041 = tpu.memref_squeeze %dma_start3A_1040 : memref<1x16x128xf32, #tpu.memory_space<hbm>> -> memref<16x128xf32, #tpu.memory_space<hbm>>
    tpu.enqueue_dma source(%dma_start3A_1041 : memref<16x128xf32, #tpu.memory_space<hbm>>) target(%dma_start3A_1038 : memref<16x128xf32, #tpu.memory_space<vmem>>) target_semaphore(%arg24 : memref<!tpu.dma_semaphore, #tpu.memory_space<semaphore_mem>>)
    %slice3A_1042 = vector.extract_strided_slice %and3A_673 {offsets = [0], sizes = [1], strides = [1]} : vector<16xi32> to vector<1xi32>
    %squeeze3A_1043 = vector.extract %slice3A_1042[0] : i32 from vector<1xi32>
    %slice3A_1044 = vector.extract_strided_slice %and3A_686 {offsets = [0], sizes = [1], strides = [1]} : vector<16xi32> to vector<1xi32>
    %squeeze3A_1045 = vector.extract %slice3A_1044[0] : i32 from vector<1xi32>
    %multiple_of3A_1046 = tpu.assume_multiple %squeeze3A_1045, 128 : i32
    %add3A_1047 = arith.constant 1 : i32
    %add3A_1048 = arith.addi %squeeze3A_1043, %add3A_1047 : i32
    %dma_start3A_1049 = arith.constant 16 : i32
    %dma_start3A_1050 = arith.constant 0 : i32
    %dma_start3A_1051 = arith.constant 0 : i32
    %dma_start3A_1052 = tpu.memref_slice %arg20[%dma_start3A_1049, %dma_start3A_1050, %dma_start3A_1051] : memref<32x16x128xf32, #tpu.memory_space<vmem>> -> memref<1x16x128xf32, #tpu.memory_space<vmem>>
    %dma_start3A_1053 = tpu.memref_squeeze %dma_start3A_1052 : memref<1x16x128xf32, #tpu.memory_space<vmem>> -> memref<16x128xf32, #tpu.memory_space<vmem>>
    %dma_start3A_1054 = arith.constant 0 : i32
    %dma_start3A_1055 = tpu.memref_slice %arg6[%add3A_1048, %dma_start3A_1054, %multiple_of3A_1046] : memref<17x16x100000xf32, #tpu.memory_space<hbm>> -> memref<1x16x128xf32, #tpu.memory_space<hbm>>
    %dma_start3A_1056 = tpu.memref_squeeze %dma_start3A_1055 : memref<1x16x128xf32, #tpu.memory_space<hbm>> -> memref<16x128xf32, #tpu.memory_space<hbm>>
    %dma_start3A_1057 = arith.constant 0 : i32
    %dma_start3A_1058 = arith.constant 0 : i32
    %dma_start3A_1059 = tpu.memref_slice %arg20[%dma_start3A_1049, %dma_start3A_1057, %dma_start3A_1058] : memref<32x16x128xf32, #tpu.memory_space<vmem>> -> memref<1x16x128xf32, #tpu.memory_space<vmem>>
    %dma_start3A_1060 = tpu.memref_squeeze %dma_start3A_1059 : memref<1x16x128xf32, #tpu.memory_space<vmem>> -> memref<16x128xf32, #tpu.memory_space<vmem>>
    %dma_start3A_1061 = arith.constant 0 : i32
    %dma_start3A_1062 = tpu.memref_slice %arg6[%add3A_1048, %dma_start3A_1061, %multiple_of3A_1046] : memref<17x16x100000xf32, #tpu.memory_space<hbm>> -> memref<1x16x128xf32, #tpu.memory_space<hbm>>
    %dma_start3A_1063 = tpu.memref_squeeze %dma_start3A_1062 : memref<1x16x128xf32, #tpu.memory_space<hbm>> -> memref<16x128xf32, #tpu.memory_space<hbm>>
    tpu.enqueue_dma source(%dma_start3A_1063 : memref<16x128xf32, #tpu.memory_space<hbm>>) target(%dma_start3A_1060 : memref<16x128xf32, #tpu.memory_space<vmem>>) target_semaphore(%arg24 : memref<!tpu.dma_semaphore, #tpu.memory_space<semaphore_mem>>)
    %slice3A_1064 = vector.extract_strided_slice %and3A_673 {offsets = [1], sizes = [1], strides = [1]} : vector<16xi32> to vector<1xi32>
    %squeeze3A_1065 = vector.extract %slice3A_1064[0] : i32 from vector<1xi32>
    %slice3A_1066 = vector.extract_strided_slice %and3A_686 {offsets = [1], sizes = [1], strides = [1]} : vector<16xi32> to vector<1xi32>
    %squeeze3A_1067 = vector.extract %slice3A_1066[0] : i32 from vector<1xi32>
    %multiple_of3A_1068 = tpu.assume_multiple %squeeze3A_1067, 128 : i32
    %add3A_1069 = arith.constant 1 : i32
    %add3A_1070 = arith.addi %squeeze3A_1065, %add3A_1069 : i32
    %dma_start3A_1071 = arith.constant 17 : i32
    %dma_start3A_1072 = arith.constant 0 : i32
    %dma_start3A_1073 = arith.constant 0 : i32
    %dma_start3A_1074 = tpu.memref_slice %arg20[%dma_start3A_1071, %dma_start3A_1072, %dma_start3A_1073] : memref<32x16x128xf32, #tpu.memory_space<vmem>> -> memref<1x16x128xf32, #tpu.memory_space<vmem>>
    %dma_start3A_1075 = tpu.memref_squeeze %dma_start3A_1074 : memref<1x16x128xf32, #tpu.memory_space<vmem>> -> memref<16x128xf32, #tpu.memory_space<vmem>>
    %dma_start3A_1076 = arith.constant 0 : i32
    %dma_start3A_1077 = tpu.memref_slice %arg6[%add3A_1070, %dma_start3A_1076, %multiple_of3A_1068] : memref<17x16x100000xf32, #tpu.memory_space<hbm>> -> memref<1x16x128xf32, #tpu.memory_space<hbm>>
    %dma_start3A_1078 = tpu.memref_squeeze %dma_start3A_1077 : memref<1x16x128xf32, #tpu.memory_space<hbm>> -> memref<16x128xf32, #tpu.memory_space<hbm>>
    %dma_start3A_1079 = arith.constant 0 : i32
    %dma_start3A_1080 = arith.constant 0 : i32
    %dma_start3A_1081 = tpu.memref_slice %arg20[%dma_start3A_1071, %dma_start3A_1079, %dma_start3A_1080] : memref<32x16x128xf32, #tpu.memory_space<vmem>> -> memref<1x16x128xf32, #tpu.memory_space<vmem>>
    %dma_start3A_1082 = tpu.memref_squeeze %dma_start3A_1081 : memref<1x16x128xf32, #tpu.memory_space<vmem>> -> memref<16x128xf32, #tpu.memory_space<vmem>>
    %dma_start3A_1083 = arith.constant 0 : i32
    %dma_start3A_1084 = tpu.memref_slice %arg6[%add3A_1070, %dma_start3A_1083, %multiple_of3A_1068] : memref<17x16x100000xf32, #tpu.memory_space<hbm>> -> memref<1x16x128xf32, #tpu.memory_space<hbm>>
    %dma_start3A_1085 = tpu.memref_squeeze %dma_start3A_1084 : memref<1x16x128xf32, #tpu.memory_space<hbm>> -> memref<16x128xf32, #tpu.memory_space<hbm>>
    tpu.enqueue_dma source(%dma_start3A_1085 : memref<16x128xf32, #tpu.memory_space<hbm>>) target(%dma_start3A_1082 : memref<16x128xf32, #tpu.memory_space<vmem>>) target_semaphore(%arg24 : memref<!tpu.dma_semaphore, #tpu.memory_space<semaphore_mem>>)
    %slice3A_1086 = vector.extract_strided_slice %and3A_673 {offsets = [2], sizes = [1], strides = [1]} : vector<16xi32> to vector<1xi32>
    %squeeze3A_1087 = vector.extract %slice3A_1086[0] : i32 from vector<1xi32>
    %slice3A_1088 = vector.extract_strided_slice %and3A_686 {offsets = [2], sizes = [1], strides = [1]} : vector<16xi32> to vector<1xi32>
    %squeeze3A_1089 = vector.extract %slice3A_1088[0] : i32 from vector<1xi32>
    %multiple_of3A_1090 = tpu.assume_multiple %squeeze3A_1089, 128 : i32
    %add3A_1091 = arith.constant 1 : i32
    %add3A_1092 = arith.addi %squeeze3A_1087, %add3A_1091 : i32
    %dma_start3A_1093 = arith.constant 18 : i32
    %dma_start3A_1094 = arith.constant 0 : i32
    %dma_start3A_1095 = arith.constant 0 : i32
    %dma_start3A_1096 = tpu.memref_slice %arg20[%dma_start3A_1093, %dma_start3A_1094, %dma_start3A_1095] : memref<32x16x128xf32, #tpu.memory_space<vmem>> -> memref<1x16x128xf32, #tpu.memory_space<vmem>>
    %dma_start3A_1097 = tpu.memref_squeeze %dma_start3A_1096 : memref<1x16x128xf32, #tpu.memory_space<vmem>> -> memref<16x128xf32, #tpu.memory_space<vmem>>
    %dma_start3A_1098 = arith.constant 0 : i32
    %dma_start3A_1099 = tpu.memref_slice %arg6[%add3A_1092, %dma_start3A_1098, %multiple_of3A_1090] : memref<17x16x100000xf32, #tpu.memory_space<hbm>> -> memref<1x16x128xf32, #tpu.memory_space<hbm>>
    %dma_start3A_1100 = tpu.memref_squeeze %dma_start3A_1099 : memref<1x16x128xf32, #tpu.memory_space<hbm>> -> memref<16x128xf32, #tpu.memory_space<hbm>>
    %dma_start3A_1101 = arith.constant 0 : i32
    %dma_start3A_1102 = arith.constant 0 : i32
    %dma_start3A_1103 = tpu.memref_slice %arg20[%dma_start3A_1093, %dma_start3A_1101, %dma_start3A_1102] : memref<32x16x128xf32, #tpu.memory_space<vmem>> -> memref<1x16x128xf32, #tpu.memory_space<vmem>>
    %dma_start3A_1104 = tpu.memref_squeeze %dma_start3A_1103 : memref<1x16x128xf32, #tpu.memory_space<vmem>> -> memref<16x128xf32, #tpu.memory_space<vmem>>
    %dma_start3A_1105 = arith.constant 0 : i32
    %dma_start3A_1106 = tpu.memref_slice %arg6[%add3A_1092, %dma_start3A_1105, %multiple_of3A_1090] : memref<17x16x100000xf32, #tpu.memory_space<hbm>> -> memref<1x16x128xf32, #tpu.memory_space<hbm>>
    %dma_start3A_1107 = tpu.memref_squeeze %dma_start3A_1106 : memref<1x16x128xf32, #tpu.memory_space<hbm>> -> memref<16x128xf32, #tpu.memory_space<hbm>>
    tpu.enqueue_dma source(%dma_start3A_1107 : memref<16x128xf32, #tpu.memory_space<hbm>>) target(%dma_start3A_1104 : memref<16x128xf32, #tpu.memory_space<vmem>>) target_semaphore(%arg24 : memref<!tpu.dma_semaphore, #tpu.memory_space<semaphore_mem>>)
    %slice3A_1108 = vector.extract_strided_slice %and3A_673 {offsets = [3], sizes = [1], strides = [1]} : vector<16xi32> to vector<1xi32>
    %squeeze3A_1109 = vector.extract %slice3A_1108[0] : i32 from vector<1xi32>
    %slice3A_1110 = vector.extract_strided_slice %and3A_686 {offsets = [3], sizes = [1], strides = [1]} : vector<16xi32> to vector<1xi32>
    %squeeze3A_1111 = vector.extract %slice3A_1110[0] : i32 from vector<1xi32>
    %multiple_of3A_1112 = tpu.assume_multiple %squeeze3A_1111, 128 : i32
    %add3A_1113 = arith.constant 1 : i32
    %add3A_1114 = arith.addi %squeeze3A_1109, %add3A_1113 : i32
    %dma_start3A_1115 = arith.constant 19 : i32
    %dma_start3A_1116 = arith.constant 0 : i32
    %dma_start3A_1117 = arith.constant 0 : i32
    %dma_start3A_1118 = tpu.memref_slice %arg20[%dma_start3A_1115, %dma_start3A_1116, %dma_start3A_1117] : memref<32x16x128xf32, #tpu.memory_space<vmem>> -> memref<1x16x128xf32, #tpu.memory_space<vmem>>
    %dma_start3A_1119 = tpu.memref_squeeze %dma_start3A_1118 : memref<1x16x128xf32, #tpu.memory_space<vmem>> -> memref<16x128xf32, #tpu.memory_space<vmem>>
    %dma_start3A_1120 = arith.constant 0 : i32
    %dma_start3A_1121 = tpu.memref_slice %arg6[%add3A_1114, %dma_start3A_1120, %multiple_of3A_1112] : memref<17x16x100000xf32, #tpu.memory_space<hbm>> -> memref<1x16x128xf32, #tpu.memory_space<hbm>>
    %dma_start3A_1122 = tpu.memref_squeeze %dma_start3A_1121 : memref<1x16x128xf32, #tpu.memory_space<hbm>> -> memref<16x128xf32, #tpu.memory_space<hbm>>
    %dma_start3A_1123 = arith.constant 0 : i32
    %dma_start3A_1124 = arith.constant 0 : i32
    %dma_start3A_1125 = tpu.memref_slice %arg20[%dma_start3A_1115, %dma_start3A_1123, %dma_start3A_1124] : memref<32x16x128xf32, #tpu.memory_space<vmem>> -> memref<1x16x128xf32, #tpu.memory_space<vmem>>
    %dma_start3A_1126 = tpu.memref_squeeze %dma_start3A_1125 : memref<1x16x128xf32, #tpu.memory_space<vmem>> -> memref<16x128xf32, #tpu.memory_space<vmem>>
    %dma_start3A_1127 = arith.constant 0 : i32
    %dma_start3A_1128 = tpu.memref_slice %arg6[%add3A_1114, %dma_start3A_1127, %multiple_of3A_1112] : memref<17x16x100000xf32, #tpu.memory_space<hbm>> -> memref<1x16x128xf32, #tpu.memory_space<hbm>>
    %dma_start3A_1129 = tpu.memref_squeeze %dma_start3A_1128 : memref<1x16x128xf32, #tpu.memory_space<hbm>> -> memref<16x128xf32, #tpu.memory_space<hbm>>
    tpu.enqueue_dma source(%dma_start3A_1129 : memref<16x128xf32, #tpu.memory_space<hbm>>) target(%dma_start3A_1126 : memref<16x128xf32, #tpu.memory_space<vmem>>) target_semaphore(%arg24 : memref<!tpu.dma_semaphore, #tpu.memory_space<semaphore_mem>>)
    %slice3A_1130 = vector.extract_strided_slice %and3A_673 {offsets = [4], sizes = [1], strides = [1]} : vector<16xi32> to vector<1xi32>
    %squeeze3A_1131 = vector.extract %slice3A_1130[0] : i32 from vector<1xi32>
    %slice3A_1132 = vector.extract_strided_slice %and3A_686 {offsets = [4], sizes = [1], strides = [1]} : vector<16xi32> to vector<1xi32>
    %squeeze3A_1133 = vector.extract %slice3A_1132[0] : i32 from vector<1xi32>
    %multiple_of3A_1134 = tpu.assume_multiple %squeeze3A_1133, 128 : i32
    %add3A_1135 = arith.constant 1 : i32
    %add3A_1136 = arith.addi %squeeze3A_1131, %add3A_1135 : i32
    %dma_start3A_1137 = arith.constant 20 : i32
    %dma_start3A_1138 = arith.constant 0 : i32
    %dma_start3A_1139 = arith.constant 0 : i32
    %dma_start3A_1140 = tpu.memref_slice %arg20[%dma_start3A_1137, %dma_start3A_1138, %dma_start3A_1139] : memref<32x16x128xf32, #tpu.memory_space<vmem>> -> memref<1x16x128xf32, #tpu.memory_space<vmem>>
    %dma_start3A_1141 = tpu.memref_squeeze %dma_start3A_1140 : memref<1x16x128xf32, #tpu.memory_space<vmem>> -> memref<16x128xf32, #tpu.memory_space<vmem>>
    %dma_start3A_1142 = arith.constant 0 : i32
    %dma_start3A_1143 = tpu.memref_slice %arg6[%add3A_1136, %dma_start3A_1142, %multiple_of3A_1134] : memref<17x16x100000xf32, #tpu.memory_space<hbm>> -> memref<1x16x128xf32, #tpu.memory_space<hbm>>
    %dma_start3A_1144 = tpu.memref_squeeze %dma_start3A_1143 : memref<1x16x128xf32, #tpu.memory_space<hbm>> -> memref<16x128xf32, #tpu.memory_space<hbm>>
    %dma_start3A_1145 = arith.constant 0 : i32
    %dma_start3A_1146 = arith.constant 0 : i32
    %dma_start3A_1147 = tpu.memref_slice %arg20[%dma_start3A_1137, %dma_start3A_1145, %dma_start3A_1146] : memref<32x16x128xf32, #tpu.memory_space<vmem>> -> memref<1x16x128xf32, #tpu.memory_space<vmem>>
    %dma_start3A_1148 = tpu.memref_squeeze %dma_start3A_1147 : memref<1x16x128xf32, #tpu.memory_space<vmem>> -> memref<16x128xf32, #tpu.memory_space<vmem>>
    %dma_start3A_1149 = arith.constant 0 : i32
    %dma_start3A_1150 = tpu.memref_slice %arg6[%add3A_1136, %dma_start3A_1149, %multiple_of3A_1134] : memref<17x16x100000xf32, #tpu.memory_space<hbm>> -> memref<1x16x128xf32, #tpu.memory_space<hbm>>
    %dma_start3A_1151 = tpu.memref_squeeze %dma_start3A_1150 : memref<1x16x128xf32, #tpu.memory_space<hbm>> -> memref<16x128xf32, #tpu.memory_space<hbm>>
    tpu.enqueue_dma source(%dma_start3A_1151 : memref<16x128xf32, #tpu.memory_space<hbm>>) target(%dma_start3A_1148 : memref<16x128xf32, #tpu.memory_space<vmem>>) target_semaphore(%arg24 : memref<!tpu.dma_semaphore, #tpu.memory_space<semaphore_mem>>)
    %slice3A_1152 = vector.extract_strided_slice %and3A_673 {offsets = [5], sizes = [1], strides = [1]} : vector<16xi32> to vector<1xi32>
    %squeeze3A_1153 = vector.extract %slice3A_1152[0] : i32 from vector<1xi32>
    %slice3A_1154 = vector.extract_strided_slice %and3A_686 {offsets = [5], sizes = [1], strides = [1]} : vector<16xi32> to vector<1xi32>
    %squeeze3A_1155 = vector.extract %slice3A_1154[0] : i32 from vector<1xi32>
    %multiple_of3A_1156 = tpu.assume_multiple %squeeze3A_1155, 128 : i32
    %add3A_1157 = arith.constant 1 : i32
    %add3A_1158 = arith.addi %squeeze3A_1153, %add3A_1157 : i32
    %dma_start3A_1159 = arith.constant 21 : i32
    %dma_start3A_1160 = arith.constant 0 : i32
    %dma_start3A_1161 = arith.constant 0 : i32
    %dma_start3A_1162 = tpu.memref_slice %arg20[%dma_start3A_1159, %dma_start3A_1160, %dma_start3A_1161] : memref<32x16x128xf32, #tpu.memory_space<vmem>> -> memref<1x16x128xf32, #tpu.memory_space<vmem>>
    %dma_start3A_1163 = tpu.memref_squeeze %dma_start3A_1162 : memref<1x16x128xf32, #tpu.memory_space<vmem>> -> memref<16x128xf32, #tpu.memory_space<vmem>>
    %dma_start3A_1164 = arith.constant 0 : i32
    %dma_start3A_1165 = tpu.memref_slice %arg6[%add3A_1158, %dma_start3A_1164, %multiple_of3A_1156] : memref<17x16x100000xf32, #tpu.memory_space<hbm>> -> memref<1x16x128xf32, #tpu.memory_space<hbm>>
    %dma_start3A_1166 = tpu.memref_squeeze %dma_start3A_1165 : memref<1x16x128xf32, #tpu.memory_space<hbm>> -> memref<16x128xf32, #tpu.memory_space<hbm>>
    %dma_start3A_1167 = arith.constant 0 : i32
    %dma_start3A_1168 = arith.constant 0 : i32
    %dma_start3A_1169 = tpu.memref_slice %arg20[%dma_start3A_1159, %dma_start3A_1167, %dma_start3A_1168] : memref<32x16x128xf32, #tpu.memory_space<vmem>> -> memref<1x16x128xf32, #tpu.memory_space<vmem>>
    %dma_start3A_1170 = tpu.memref_squeeze %dma_start3A_1169 : memref<1x16x128xf32, #tpu.memory_space<vmem>> -> memref<16x128xf32, #tpu.memory_space<vmem>>
    %dma_start3A_1171 = arith.constant 0 : i32
    %dma_start3A_1172 = tpu.memref_slice %arg6[%add3A_1158, %dma_start3A_1171, %multiple_of3A_1156] : memref<17x16x100000xf32, #tpu.memory_space<hbm>> -> memref<1x16x128xf32, #tpu.memory_space<hbm>>
    %dma_start3A_1173 = tpu.memref_squeeze %dma_start3A_1172 : memref<1x16x128xf32, #tpu.memory_space<hbm>> -> memref<16x128xf32, #tpu.memory_space<hbm>>
    tpu.enqueue_dma source(%dma_start3A_1173 : memref<16x128xf32, #tpu.memory_space<hbm>>) target(%dma_start3A_1170 : memref<16x128xf32, #tpu.memory_space<vmem>>) target_semaphore(%arg24 : memref<!tpu.dma_semaphore, #tpu.memory_space<semaphore_mem>>)
    %slice3A_1174 = vector.extract_strided_slice %and3A_673 {offsets = [6], sizes = [1], strides = [1]} : vector<16xi32> to vector<1xi32>
    %squeeze3A_1175 = vector.extract %slice3A_1174[0] : i32 from vector<1xi32>
    %slice3A_1176 = vector.extract_strided_slice %and3A_686 {offsets = [6], sizes = [1], strides = [1]} : vector<16xi32> to vector<1xi32>
    %squeeze3A_1177 = vector.extract %slice3A_1176[0] : i32 from vector<1xi32>
    %multiple_of3A_1178 = tpu.assume_multiple %squeeze3A_1177, 128 : i32
    %add3A_1179 = arith.constant 1 : i32
    %add3A_1180 = arith.addi %squeeze3A_1175, %add3A_1179 : i32
    %dma_start3A_1181 = arith.constant 22 : i32
    %dma_start3A_1182 = arith.constant 0 : i32
    %dma_start3A_1183 = arith.constant 0 : i32
    %dma_start3A_1184 = tpu.memref_slice %arg20[%dma_start3A_1181, %dma_start3A_1182, %dma_start3A_1183] : memref<32x16x128xf32, #tpu.memory_space<vmem>> -> memref<1x16x128xf32, #tpu.memory_space<vmem>>
    %dma_start3A_1185 = tpu.memref_squeeze %dma_start3A_1184 : memref<1x16x128xf32, #tpu.memory_space<vmem>> -> memref<16x128xf32, #tpu.memory_space<vmem>>
    %dma_start3A_1186 = arith.constant 0 : i32
    %dma_start3A_1187 = tpu.memref_slice %arg6[%add3A_1180, %dma_start3A_1186, %multiple_of3A_1178] : memref<17x16x100000xf32, #tpu.memory_space<hbm>> -> memref<1x16x128xf32, #tpu.memory_space<hbm>>
    %dma_start3A_1188 = tpu.memref_squeeze %dma_start3A_1187 : memref<1x16x128xf32, #tpu.memory_space<hbm>> -> memref<16x128xf32, #tpu.memory_space<hbm>>
    %dma_start3A_1189 = arith.constant 0 : i32
    %dma_start3A_1190 = arith.constant 0 : i32
    %dma_start3A_1191 = tpu.memref_slice %arg20[%dma_start3A_1181, %dma_start3A_1189, %dma_start3A_1190] : memref<32x16x128xf32, #tpu.memory_space<vmem>> -> memref<1x16x128xf32, #tpu.memory_space<vmem>>
    %dma_start3A_1192 = tpu.memref_squeeze %dma_start3A_1191 : memref<1x16x128xf32, #tpu.memory_space<vmem>> -> memref<16x128xf32, #tpu.memory_space<vmem>>
    %dma_start3A_1193 = arith.constant 0 : i32
    %dma_start3A_1194 = tpu.memref_slice %arg6[%add3A_1180, %dma_start3A_1193, %multiple_of3A_1178] : memref<17x16x100000xf32, #tpu.memory_space<hbm>> -> memref<1x16x128xf32, #tpu.memory_space<hbm>>
    %dma_start3A_1195 = tpu.memref_squeeze %dma_start3A_1194 : memref<1x16x128xf32, #tpu.memory_space<hbm>> -> memref<16x128xf32, #tpu.memory_space<hbm>>
    tpu.enqueue_dma source(%dma_start3A_1195 : memref<16x128xf32, #tpu.memory_space<hbm>>) target(%dma_start3A_1192 : memref<16x128xf32, #tpu.memory_space<vmem>>) target_semaphore(%arg24 : memref<!tpu.dma_semaphore, #tpu.memory_space<semaphore_mem>>)
    %slice3A_1196 = vector.extract_strided_slice %and3A_673 {offsets = [7], sizes = [1], strides = [1]} : vector<16xi32> to vector<1xi32>
    %squeeze3A_1197 = vector.extract %slice3A_1196[0] : i32 from vector<1xi32>
    %slice3A_1198 = vector.extract_strided_slice %and3A_686 {offsets = [7], sizes = [1], strides = [1]} : vector<16xi32> to vector<1xi32>
    %squeeze3A_1199 = vector.extract %slice3A_1198[0] : i32 from vector<1xi32>
    %multiple_of3A_1200 = tpu.assume_multiple %squeeze3A_1199, 128 : i32
    %add3A_1201 = arith.constant 1 : i32
    %add3A_1202 = arith.addi %squeeze3A_1197, %add3A_1201 : i32
    %dma_start3A_1203 = arith.constant 23 : i32
    %dma_start3A_1204 = arith.constant 0 : i32
    %dma_start3A_1205 = arith.constant 0 : i32
    %dma_start3A_1206 = tpu.memref_slice %arg20[%dma_start3A_1203, %dma_start3A_1204, %dma_start3A_1205] : memref<32x16x128xf32, #tpu.memory_space<vmem>> -> memref<1x16x128xf32, #tpu.memory_space<vmem>>
    %dma_start3A_1207 = tpu.memref_squeeze %dma_start3A_1206 : memref<1x16x128xf32, #tpu.memory_space<vmem>> -> memref<16x128xf32, #tpu.memory_space<vmem>>
    %dma_start3A_1208 = arith.constant 0 : i32
    %dma_start3A_1209 = tpu.memref_slice %arg6[%add3A_1202, %dma_start3A_1208, %multiple_of3A_1200] : memref<17x16x100000xf32, #tpu.memory_space<hbm>> -> memref<1x16x128xf32, #tpu.memory_space<hbm>>
    %dma_start3A_1210 = tpu.memref_squeeze %dma_start3A_1209 : memref<1x16x128xf32, #tpu.memory_space<hbm>> -> memref<16x128xf32, #tpu.memory_space<hbm>>
    %dma_start3A_1211 = arith.constant 0 : i32
    %dma_start3A_1212 = arith.constant 0 : i32
    %dma_start3A_1213 = tpu.memref_slice %arg20[%dma_start3A_1203, %dma_start3A_1211, %dma_start3A_1212] : memref<32x16x128xf32, #tpu.memory_space<vmem>> -> memref<1x16x128xf32, #tpu.memory_space<vmem>>
    %dma_start3A_1214 = tpu.memref_squeeze %dma_start3A_1213 : memref<1x16x128xf32, #tpu.memory_space<vmem>> -> memref<16x128xf32, #tpu.memory_space<vmem>>
    %dma_start3A_1215 = arith.constant 0 : i32
    %dma_start3A_1216 = tpu.memref_slice %arg6[%add3A_1202, %dma_start3A_1215, %multiple_of3A_1200] : memref<17x16x100000xf32, #tpu.memory_space<hbm>> -> memref<1x16x128xf32, #tpu.memory_space<hbm>>
    %dma_start3A_1217 = tpu.memref_squeeze %dma_start3A_1216 : memref<1x16x128xf32, #tpu.memory_space<hbm>> -> memref<16x128xf32, #tpu.memory_space<hbm>>
    tpu.enqueue_dma source(%dma_start3A_1217 : memref<16x128xf32, #tpu.memory_space<hbm>>) target(%dma_start3A_1214 : memref<16x128xf32, #tpu.memory_space<vmem>>) target_semaphore(%arg24 : memref<!tpu.dma_semaphore, #tpu.memory_space<semaphore_mem>>)
    %slice3A_1218 = vector.extract_strided_slice %and3A_673 {offsets = [8], sizes = [1], strides = [1]} : vector<16xi32> to vector<1xi32>
    %squeeze3A_1219 = vector.extract %slice3A_1218[0] : i32 from vector<1xi32>
    %slice3A_1220 = vector.extract_strided_slice %and3A_686 {offsets = [8], sizes = [1], strides = [1]} : vector<16xi32> to vector<1xi32>
    %squeeze3A_1221 = vector.extract %slice3A_1220[0] : i32 from vector<1xi32>
    %multiple_of3A_1222 = tpu.assume_multiple %squeeze3A_1221, 128 : i32
    %add3A_1223 = arith.constant 1 : i32
    %add3A_1224 = arith.addi %squeeze3A_1219, %add3A_1223 : i32
    %dma_start3A_1225 = arith.constant 24 : i32
    %dma_start3A_1226 = arith.constant 0 : i32
    %dma_start3A_1227 = arith.constant 0 : i32
    %dma_start3A_1228 = tpu.memref_slice %arg20[%dma_start3A_1225, %dma_start3A_1226, %dma_start3A_1227] : memref<32x16x128xf32, #tpu.memory_space<vmem>> -> memref<1x16x128xf32, #tpu.memory_space<vmem>>
    %dma_start3A_1229 = tpu.memref_squeeze %dma_start3A_1228 : memref<1x16x128xf32, #tpu.memory_space<vmem>> -> memref<16x128xf32, #tpu.memory_space<vmem>>
    %dma_start3A_1230 = arith.constant 0 : i32
    %dma_start3A_1231 = tpu.memref_slice %arg6[%add3A_1224, %dma_start3A_1230, %multiple_of3A_1222] : memref<17x16x100000xf32, #tpu.memory_space<hbm>> -> memref<1x16x128xf32, #tpu.memory_space<hbm>>
    %dma_start3A_1232 = tpu.memref_squeeze %dma_start3A_1231 : memref<1x16x128xf32, #tpu.memory_space<hbm>> -> memref<16x128xf32, #tpu.memory_space<hbm>>
    %dma_start3A_1233 = arith.constant 0 : i32
    %dma_start3A_1234 = arith.constant 0 : i32
    %dma_start3A_1235 = tpu.memref_slice %arg20[%dma_start3A_1225, %dma_start3A_1233, %dma_start3A_1234] : memref<32x16x128xf32, #tpu.memory_space<vmem>> -> memref<1x16x128xf32, #tpu.memory_space<vmem>>
    %dma_start3A_1236 = tpu.memref_squeeze %dma_start3A_1235 : memref<1x16x128xf32, #tpu.memory_space<vmem>> -> memref<16x128xf32, #tpu.memory_space<vmem>>
    %dma_start3A_1237 = arith.constant 0 : i32
    %dma_start3A_1238 = tpu.memref_slice %arg6[%add3A_1224, %dma_start3A_1237, %multiple_of3A_1222] : memref<17x16x100000xf32, #tpu.memory_space<hbm>> -> memref<1x16x128xf32, #tpu.memory_space<hbm>>
    %dma_start3A_1239 = tpu.memref_squeeze %dma_start3A_1238 : memref<1x16x128xf32, #tpu.memory_space<hbm>> -> memref<16x128xf32, #tpu.memory_space<hbm>>
    tpu.enqueue_dma source(%dma_start3A_1239 : memref<16x128xf32, #tpu.memory_space<hbm>>) target(%dma_start3A_1236 : memref<16x128xf32, #tpu.memory_space<vmem>>) target_semaphore(%arg24 : memref<!tpu.dma_semaphore, #tpu.memory_space<semaphore_mem>>)
    %slice3A_1240 = vector.extract_strided_slice %and3A_673 {offsets = [9], sizes = [1], strides = [1]} : vector<16xi32> to vector<1xi32>
    %squeeze3A_1241 = vector.extract %slice3A_1240[0] : i32 from vector<1xi32>
    %slice3A_1242 = vector.extract_strided_slice %and3A_686 {offsets = [9], sizes = [1], strides = [1]} : vector<16xi32> to vector<1xi32>
    %squeeze3A_1243 = vector.extract %slice3A_1242[0] : i32 from vector<1xi32>
    %multiple_of3A_1244 = tpu.assume_multiple %squeeze3A_1243, 128 : i32
    %add3A_1245 = arith.constant 1 : i32
    %add3A_1246 = arith.addi %squeeze3A_1241, %add3A_1245 : i32
    %dma_start3A_1247 = arith.constant 25 : i32
    %dma_start3A_1248 = arith.constant 0 : i32
    %dma_start3A_1249 = arith.constant 0 : i32
    %dma_start3A_1250 = tpu.memref_slice %arg20[%dma_start3A_1247, %dma_start3A_1248, %dma_start3A_1249] : memref<32x16x128xf32, #tpu.memory_space<vmem>> -> memref<1x16x128xf32, #tpu.memory_space<vmem>>
    %dma_start3A_1251 = tpu.memref_squeeze %dma_start3A_1250 : memref<1x16x128xf32, #tpu.memory_space<vmem>> -> memref<16x128xf32, #tpu.memory_space<vmem>>
    %dma_start3A_1252 = arith.constant 0 : i32
    %dma_start3A_1253 = tpu.memref_slice %arg6[%add3A_1246, %dma_start3A_1252, %multiple_of3A_1244] : memref<17x16x100000xf32, #tpu.memory_space<hbm>> -> memref<1x16x128xf32, #tpu.memory_space<hbm>>
    %dma_start3A_1254 = tpu.memref_squeeze %dma_start3A_1253 : memref<1x16x128xf32, #tpu.memory_space<hbm>> -> memref<16x128xf32, #tpu.memory_space<hbm>>
    %dma_start3A_1255 = arith.constant 0 : i32
    %dma_start3A_1256 = arith.constant 0 : i32
    %dma_start3A_1257 = tpu.memref_slice %arg20[%dma_start3A_1247, %dma_start3A_1255, %dma_start3A_1256] : memref<32x16x128xf32, #tpu.memory_space<vmem>> -> memref<1x16x128xf32, #tpu.memory_space<vmem>>
    %dma_start3A_1258 = tpu.memref_squeeze %dma_start3A_1257 : memref<1x16x128xf32, #tpu.memory_space<vmem>> -> memref<16x128xf32, #tpu.memory_space<vmem>>
    %dma_start3A_1259 = arith.constant 0 : i32
    %dma_start3A_1260 = tpu.memref_slice %arg6[%add3A_1246, %dma_start3A_1259, %multiple_of3A_1244] : memref<17x16x100000xf32, #tpu.memory_space<hbm>> -> memref<1x16x128xf32, #tpu.memory_space<hbm>>
    %dma_start3A_1261 = tpu.memref_squeeze %dma_start3A_1260 : memref<1x16x128xf32, #tpu.memory_space<hbm>> -> memref<16x128xf32, #tpu.memory_space<hbm>>
    tpu.enqueue_dma source(%dma_start3A_1261 : memref<16x128xf32, #tpu.memory_space<hbm>>) target(%dma_start3A_1258 : memref<16x128xf32, #tpu.memory_space<vmem>>) target_semaphore(%arg24 : memref<!tpu.dma_semaphore, #tpu.memory_space<semaphore_mem>>)
    %slice3A_1262 = vector.extract_strided_slice %and3A_673 {offsets = [10], sizes = [1], strides = [1]} : vector<16xi32> to vector<1xi32>
    %squeeze3A_1263 = vector.extract %slice3A_1262[0] : i32 from vector<1xi32>
    %slice3A_1264 = vector.extract_strided_slice %and3A_686 {offsets = [10], sizes = [1], strides = [1]} : vector<16xi32> to vector<1xi32>
    %squeeze3A_1265 = vector.extract %slice3A_1264[0] : i32 from vector<1xi32>
    %multiple_of3A_1266 = tpu.assume_multiple %squeeze3A_1265, 128 : i32
    %add3A_1267 = arith.constant 1 : i32
    %add3A_1268 = arith.addi %squeeze3A_1263, %add3A_1267 : i32
    %dma_start3A_1269 = arith.constant 26 : i32
    %dma_start3A_1270 = arith.constant 0 : i32
    %dma_start3A_1271 = arith.constant 0 : i32
    %dma_start3A_1272 = tpu.memref_slice %arg20[%dma_start3A_1269, %dma_start3A_1270, %dma_start3A_1271] : memref<32x16x128xf32, #tpu.memory_space<vmem>> -> memref<1x16x128xf32, #tpu.memory_space<vmem>>
    %dma_start3A_1273 = tpu.memref_squeeze %dma_start3A_1272 : memref<1x16x128xf32, #tpu.memory_space<vmem>> -> memref<16x128xf32, #tpu.memory_space<vmem>>
    %dma_start3A_1274 = arith.constant 0 : i32
    %dma_start3A_1275 = tpu.memref_slice %arg6[%add3A_1268, %dma_start3A_1274, %multiple_of3A_1266] : memref<17x16x100000xf32, #tpu.memory_space<hbm>> -> memref<1x16x128xf32, #tpu.memory_space<hbm>>
    %dma_start3A_1276 = tpu.memref_squeeze %dma_start3A_1275 : memref<1x16x128xf32, #tpu.memory_space<hbm>> -> memref<16x128xf32, #tpu.memory_space<hbm>>
    %dma_start3A_1277 = arith.constant 0 : i32
    %dma_start3A_1278 = arith.constant 0 : i32
    %dma_start3A_1279 = tpu.memref_slice %arg20[%dma_start3A_1269, %dma_start3A_1277, %dma_start3A_1278] : memref<32x16x128xf32, #tpu.memory_space<vmem>> -> memref<1x16x128xf32, #tpu.memory_space<vmem>>
    %dma_start3A_1280 = tpu.memref_squeeze %dma_start3A_1279 : memref<1x16x128xf32, #tpu.memory_space<vmem>> -> memref<16x128xf32, #tpu.memory_space<vmem>>
    %dma_start3A_1281 = arith.constant 0 : i32
    %dma_start3A_1282 = tpu.memref_slice %arg6[%add3A_1268, %dma_start3A_1281, %multiple_of3A_1266] : memref<17x16x100000xf32, #tpu.memory_space<hbm>> -> memref<1x16x128xf32, #tpu.memory_space<hbm>>
    %dma_start3A_1283 = tpu.memref_squeeze %dma_start3A_1282 : memref<1x16x128xf32, #tpu.memory_space<hbm>> -> memref<16x128xf32, #tpu.memory_space<hbm>>
    tpu.enqueue_dma source(%dma_start3A_1283 : memref<16x128xf32, #tpu.memory_space<hbm>>) target(%dma_start3A_1280 : memref<16x128xf32, #tpu.memory_space<vmem>>) target_semaphore(%arg24 : memref<!tpu.dma_semaphore, #tpu.memory_space<semaphore_mem>>)
    %slice3A_1284 = vector.extract_strided_slice %and3A_673 {offsets = [11], sizes = [1], strides = [1]} : vector<16xi32> to vector<1xi32>
    %squeeze3A_1285 = vector.extract %slice3A_1284[0] : i32 from vector<1xi32>
    %slice3A_1286 = vector.extract_strided_slice %and3A_686 {offsets = [11], sizes = [1], strides = [1]} : vector<16xi32> to vector<1xi32>
    %squeeze3A_1287 = vector.extract %slice3A_1286[0] : i32 from vector<1xi32>
    %multiple_of3A_1288 = tpu.assume_multiple %squeeze3A_1287, 128 : i32
    %add3A_1289 = arith.constant 1 : i32
    %add3A_1290 = arith.addi %squeeze3A_1285, %add3A_1289 : i32
    %dma_start3A_1291 = arith.constant 27 : i32
    %dma_start3A_1292 = arith.constant 0 : i32
    %dma_start3A_1293 = arith.constant 0 : i32
    %dma_start3A_1294 = tpu.memref_slice %arg20[%dma_start3A_1291, %dma_start3A_1292, %dma_start3A_1293] : memref<32x16x128xf32, #tpu.memory_space<vmem>> -> memref<1x16x128xf32, #tpu.memory_space<vmem>>
    %dma_start3A_1295 = tpu.memref_squeeze %dma_start3A_1294 : memref<1x16x128xf32, #tpu.memory_space<vmem>> -> memref<16x128xf32, #tpu.memory_space<vmem>>
    %dma_start3A_1296 = arith.constant 0 : i32
    %dma_start3A_1297 = tpu.memref_slice %arg6[%add3A_1290, %dma_start3A_1296, %multiple_of3A_1288] : memref<17x16x100000xf32, #tpu.memory_space<hbm>> -> memref<1x16x128xf32, #tpu.memory_space<hbm>>
    %dma_start3A_1298 = tpu.memref_squeeze %dma_start3A_1297 : memref<1x16x128xf32, #tpu.memory_space<hbm>> -> memref<16x128xf32, #tpu.memory_space<hbm>>
    %dma_start3A_1299 = arith.constant 0 : i32
    %dma_start3A_1300 = arith.constant 0 : i32
    %dma_start3A_1301 = tpu.memref_slice %arg20[%dma_start3A_1291, %dma_start3A_1299, %dma_start3A_1300] : memref<32x16x128xf32, #tpu.memory_space<vmem>> -> memref<1x16x128xf32, #tpu.memory_space<vmem>>
    %dma_start3A_1302 = tpu.memref_squeeze %dma_start3A_1301 : memref<1x16x128xf32, #tpu.memory_space<vmem>> -> memref<16x128xf32, #tpu.memory_space<vmem>>
    %dma_start3A_1303 = arith.constant 0 : i32
    %dma_start3A_1304 = tpu.memref_slice %arg6[%add3A_1290, %dma_start3A_1303, %multiple_of3A_1288] : memref<17x16x100000xf32, #tpu.memory_space<hbm>> -> memref<1x16x128xf32, #tpu.memory_space<hbm>>
    %dma_start3A_1305 = tpu.memref_squeeze %dma_start3A_1304 : memref<1x16x128xf32, #tpu.memory_space<hbm>> -> memref<16x128xf32, #tpu.memory_space<hbm>>
    tpu.enqueue_dma source(%dma_start3A_1305 : memref<16x128xf32, #tpu.memory_space<hbm>>) target(%dma_start3A_1302 : memref<16x128xf32, #tpu.memory_space<vmem>>) target_semaphore(%arg24 : memref<!tpu.dma_semaphore, #tpu.memory_space<semaphore_mem>>)
    %slice3A_1306 = vector.extract_strided_slice %and3A_673 {offsets = [12], sizes = [1], strides = [1]} : vector<16xi32> to vector<1xi32>
    %squeeze3A_1307 = vector.extract %slice3A_1306[0] : i32 from vector<1xi32>
    %slice3A_1308 = vector.extract_strided_slice %and3A_686 {offsets = [12], sizes = [1], strides = [1]} : vector<16xi32> to vector<1xi32>
    %squeeze3A_1309 = vector.extract %slice3A_1308[0] : i32 from vector<1xi32>
    %multiple_of3A_1310 = tpu.assume_multiple %squeeze3A_1309, 128 : i32
    %add3A_1311 = arith.constant 1 : i32
    %add3A_1312 = arith.addi %squeeze3A_1307, %add3A_1311 : i32
    %dma_start3A_1313 = arith.constant 28 : i32
    %dma_start3A_1314 = arith.constant 0 : i32
    %dma_start3A_1315 = arith.constant 0 : i32
    %dma_start3A_1316 = tpu.memref_slice %arg20[%dma_start3A_1313, %dma_start3A_1314, %dma_start3A_1315] : memref<32x16x128xf32, #tpu.memory_space<vmem>> -> memref<1x16x128xf32, #tpu.memory_space<vmem>>
    %dma_start3A_1317 = tpu.memref_squeeze %dma_start3A_1316 : memref<1x16x128xf32, #tpu.memory_space<vmem>> -> memref<16x128xf32, #tpu.memory_space<vmem>>
    %dma_start3A_1318 = arith.constant 0 : i32
    %dma_start3A_1319 = tpu.memref_slice %arg6[%add3A_1312, %dma_start3A_1318, %multiple_of3A_1310] : memref<17x16x100000xf32, #tpu.memory_space<hbm>> -> memref<1x16x128xf32, #tpu.memory_space<hbm>>
    %dma_start3A_1320 = tpu.memref_squeeze %dma_start3A_1319 : memref<1x16x128xf32, #tpu.memory_space<hbm>> -> memref<16x128xf32, #tpu.memory_space<hbm>>
    %dma_start3A_1321 = arith.constant 0 : i32
    %dma_start3A_1322 = arith.constant 0 : i32
    %dma_start3A_1323 = tpu.memref_slice %arg20[%dma_start3A_1313, %dma_start3A_1321, %dma_start3A_1322] : memref<32x16x128xf32, #tpu.memory_space<vmem>> -> memref<1x16x128xf32, #tpu.memory_space<vmem>>
    %dma_start3A_1324 = tpu.memref_squeeze %dma_start3A_1323 : memref<1x16x128xf32, #tpu.memory_space<vmem>> -> memref<16x128xf32, #tpu.memory_space<vmem>>
    %dma_start3A_1325 = arith.constant 0 : i32
    %dma_start3A_1326 = tpu.memref_slice %arg6[%add3A_1312, %dma_start3A_1325, %multiple_of3A_1310] : memref<17x16x100000xf32, #tpu.memory_space<hbm>> -> memref<1x16x128xf32, #tpu.memory_space<hbm>>
    %dma_start3A_1327 = tpu.memref_squeeze %dma_start3A_1326 : memref<1x16x128xf32, #tpu.memory_space<hbm>> -> memref<16x128xf32, #tpu.memory_space<hbm>>
    tpu.enqueue_dma source(%dma_start3A_1327 : memref<16x128xf32, #tpu.memory_space<hbm>>) target(%dma_start3A_1324 : memref<16x128xf32, #tpu.memory_space<vmem>>) target_semaphore(%arg24 : memref<!tpu.dma_semaphore, #tpu.memory_space<semaphore_mem>>)
    %slice3A_1328 = vector.extract_strided_slice %and3A_673 {offsets = [13], sizes = [1], strides = [1]} : vector<16xi32> to vector<1xi32>
    %squeeze3A_1329 = vector.extract %slice3A_1328[0] : i32 from vector<1xi32>
    %slice3A_1330 = vector.extract_strided_slice %and3A_686 {offsets = [13], sizes = [1], strides = [1]} : vector<16xi32> to vector<1xi32>
    %squeeze3A_1331 = vector.extract %slice3A_1330[0] : i32 from vector<1xi32>
    %multiple_of3A_1332 = tpu.assume_multiple %squeeze3A_1331, 128 : i32
    %add3A_1333 = arith.constant 1 : i32
    %add3A_1334 = arith.addi %squeeze3A_1329, %add3A_1333 : i32
    %dma_start3A_1335 = arith.constant 29 : i32
    %dma_start3A_1336 = arith.constant 0 : i32
    %dma_start3A_1337 = arith.constant 0 : i32
    %dma_start3A_1338 = tpu.memref_slice %arg20[%dma_start3A_1335, %dma_start3A_1336, %dma_start3A_1337] : memref<32x16x128xf32, #tpu.memory_space<vmem>> -> memref<1x16x128xf32, #tpu.memory_space<vmem>>
    %dma_start3A_1339 = tpu.memref_squeeze %dma_start3A_1338 : memref<1x16x128xf32, #tpu.memory_space<vmem>> -> memref<16x128xf32, #tpu.memory_space<vmem>>
    %dma_start3A_1340 = arith.constant 0 : i32
    %dma_start3A_1341 = tpu.memref_slice %arg6[%add3A_1334, %dma_start3A_1340, %multiple_of3A_1332] : memref<17x16x100000xf32, #tpu.memory_space<hbm>> -> memref<1x16x128xf32, #tpu.memory_space<hbm>>
    %dma_start3A_1342 = tpu.memref_squeeze %dma_start3A_1341 : memref<1x16x128xf32, #tpu.memory_space<hbm>> -> memref<16x128xf32, #tpu.memory_space<hbm>>
    %dma_start3A_1343 = arith.constant 0 : i32
    %dma_start3A_1344 = arith.constant 0 : i32
    %dma_start3A_1345 = tpu.memref_slice %arg20[%dma_start3A_1335, %dma_start3A_1343, %dma_start3A_1344] : memref<32x16x128xf32, #tpu.memory_space<vmem>> -> memref<1x16x128xf32, #tpu.memory_space<vmem>>
    %dma_start3A_1346 = tpu.memref_squeeze %dma_start3A_1345 : memref<1x16x128xf32, #tpu.memory_space<vmem>> -> memref<16x128xf32, #tpu.memory_space<vmem>>
    %dma_start3A_1347 = arith.constant 0 : i32
    %dma_start3A_1348 = tpu.memref_slice %arg6[%add3A_1334, %dma_start3A_1347, %multiple_of3A_1332] : memref<17x16x100000xf32, #tpu.memory_space<hbm>> -> memref<1x16x128xf32, #tpu.memory_space<hbm>>
    %dma_start3A_1349 = tpu.memref_squeeze %dma_start3A_1348 : memref<1x16x128xf32, #tpu.memory_space<hbm>> -> memref<16x128xf32, #tpu.memory_space<hbm>>
    tpu.enqueue_dma source(%dma_start3A_1349 : memref<16x128xf32, #tpu.memory_space<hbm>>) target(%dma_start3A_1346 : memref<16x128xf32, #tpu.memory_space<vmem>>) target_semaphore(%arg24 : memref<!tpu.dma_semaphore, #tpu.memory_space<semaphore_mem>>)
    %slice3A_1350 = vector.extract_strided_slice %and3A_673 {offsets = [14], sizes = [1], strides = [1]} : vector<16xi32> to vector<1xi32>
    %squeeze3A_1351 = vector.extract %slice3A_1350[0] : i32 from vector<1xi32>
    %slice3A_1352 = vector.extract_strided_slice %and3A_686 {offsets = [14], sizes = [1], strides = [1]} : vector<16xi32> to vector<1xi32>
    %squeeze3A_1353 = vector.extract %slice3A_1352[0] : i32 from vector<1xi32>
    %multiple_of3A_1354 = tpu.assume_multiple %squeeze3A_1353, 128 : i32
    %add3A_1355 = arith.constant 1 : i32
    %add3A_1356 = arith.addi %squeeze3A_1351, %add3A_1355 : i32
    %dma_start3A_1357 = arith.constant 30 : i32
    %dma_start3A_1358 = arith.constant 0 : i32
    %dma_start3A_1359 = arith.constant 0 : i32
    %dma_start3A_1360 = tpu.memref_slice %arg20[%dma_start3A_1357, %dma_start3A_1358, %dma_start3A_1359] : memref<32x16x128xf32, #tpu.memory_space<vmem>> -> memref<1x16x128xf32, #tpu.memory_space<vmem>>
    %dma_start3A_1361 = tpu.memref_squeeze %dma_start3A_1360 : memref<1x16x128xf32, #tpu.memory_space<vmem>> -> memref<16x128xf32, #tpu.memory_space<vmem>>
    %dma_start3A_1362 = arith.constant 0 : i32
    %dma_start3A_1363 = tpu.memref_slice %arg6[%add3A_1356, %dma_start3A_1362, %multiple_of3A_1354] : memref<17x16x100000xf32, #tpu.memory_space<hbm>> -> memref<1x16x128xf32, #tpu.memory_space<hbm>>
    %dma_start3A_1364 = tpu.memref_squeeze %dma_start3A_1363 : memref<1x16x128xf32, #tpu.memory_space<hbm>> -> memref<16x128xf32, #tpu.memory_space<hbm>>
    %dma_start3A_1365 = arith.constant 0 : i32
    %dma_start3A_1366 = arith.constant 0 : i32
    %dma_start3A_1367 = tpu.memref_slice %arg20[%dma_start3A_1357, %dma_start3A_1365, %dma_start3A_1366] : memref<32x16x128xf32, #tpu.memory_space<vmem>> -> memref<1x16x128xf32, #tpu.memory_space<vmem>>
    %dma_start3A_1368 = tpu.memref_squeeze %dma_start3A_1367 : memref<1x16x128xf32, #tpu.memory_space<vmem>> -> memref<16x128xf32, #tpu.memory_space<vmem>>
    %dma_start3A_1369 = arith.constant 0 : i32
    %dma_start3A_1370 = tpu.memref_slice %arg6[%add3A_1356, %dma_start3A_1369, %multiple_of3A_1354] : memref<17x16x100000xf32, #tpu.memory_space<hbm>> -> memref<1x16x128xf32, #tpu.memory_space<hbm>>
    %dma_start3A_1371 = tpu.memref_squeeze %dma_start3A_1370 : memref<1x16x128xf32, #tpu.memory_space<hbm>> -> memref<16x128xf32, #tpu.memory_space<hbm>>
    tpu.enqueue_dma source(%dma_start3A_1371 : memref<16x128xf32, #tpu.memory_space<hbm>>) target(%dma_start3A_1368 : memref<16x128xf32, #tpu.memory_space<vmem>>) target_semaphore(%arg24 : memref<!tpu.dma_semaphore, #tpu.memory_space<semaphore_mem>>)
    %slice3A_1372 = vector.extract_strided_slice %and3A_673 {offsets = [15], sizes = [1], strides = [1]} : vector<16xi32> to vector<1xi32>
    %squeeze3A_1373 = vector.extract %slice3A_1372[0] : i32 from vector<1xi32>
    %slice3A_1374 = vector.extract_strided_slice %and3A_686 {offsets = [15], sizes = [1], strides = [1]} : vector<16xi32> to vector<1xi32>
    %squeeze3A_1375 = vector.extract %slice3A_1374[0] : i32 from vector<1xi32>
    %multiple_of3A_1376 = tpu.assume_multiple %squeeze3A_1375, 128 : i32
    %add3A_1377 = arith.constant 1 : i32
    %add3A_1378 = arith.addi %squeeze3A_1373, %add3A_1377 : i32
    %dma_start3A_1379 = arith.constant 31 : i32
    %dma_start3A_1380 = arith.constant 0 : i32
    %dma_start3A_1381 = arith.constant 0 : i32
    %dma_start3A_1382 = tpu.memref_slice %arg20[%dma_start3A_1379, %dma_start3A_1380, %dma_start3A_1381] : memref<32x16x128xf32, #tpu.memory_space<vmem>> -> memref<1x16x128xf32, #tpu.memory_space<vmem>>
    %dma_start3A_1383 = tpu.memref_squeeze %dma_start3A_1382 : memref<1x16x128xf32, #tpu.memory_space<vmem>> -> memref<16x128xf32, #tpu.memory_space<vmem>>
    %dma_start3A_1384 = arith.constant 0 : i32
    %dma_start3A_1385 = tpu.memref_slice %arg6[%add3A_1378, %dma_start3A_1384, %multiple_of3A_1376] : memref<17x16x100000xf32, #tpu.memory_space<hbm>> -> memref<1x16x128xf32, #tpu.memory_space<hbm>>
    %dma_start3A_1386 = tpu.memref_squeeze %dma_start3A_1385 : memref<1x16x128xf32, #tpu.memory_space<hbm>> -> memref<16x128xf32, #tpu.memory_space<hbm>>
    %dma_start3A_1387 = arith.constant 0 : i32
    %dma_start3A_1388 = arith.constant 0 : i32
    %dma_start3A_1389 = tpu.memref_slice %arg20[%dma_start3A_1379, %dma_start3A_1387, %dma_start3A_1388] : memref<32x16x128xf32, #tpu.memory_space<vmem>> -> memref<1x16x128xf32, #tpu.memory_space<vmem>>
    %dma_start3A_1390 = tpu.memref_squeeze %dma_start3A_1389 : memref<1x16x128xf32, #tpu.memory_space<vmem>> -> memref<16x128xf32, #tpu.memory_space<vmem>>
    %dma_start3A_1391 = arith.constant 0 : i32
    %dma_start3A_1392 = tpu.memref_slice %arg6[%add3A_1378, %dma_start3A_1391, %multiple_of3A_1376] : memref<17x16x100000xf32, #tpu.memory_space<hbm>> -> memref<1x16x128xf32, #tpu.memory_space<hbm>>
    %dma_start3A_1393 = tpu.memref_squeeze %dma_start3A_1392 : memref<1x16x128xf32, #tpu.memory_space<hbm>> -> memref<16x128xf32, #tpu.memory_space<hbm>>
    tpu.enqueue_dma source(%dma_start3A_1393 : memref<16x128xf32, #tpu.memory_space<hbm>>) target(%dma_start3A_1390 : memref<16x128xf32, #tpu.memory_space<vmem>>) target_semaphore(%arg24 : memref<!tpu.dma_semaphore, #tpu.memory_space<semaphore_mem>>)
    %dma_wait3A_1394 = arith.constant 0 : i32
    %dma_wait3A_1395 = arith.constant 0 : i32
    %dma_wait3A_1396 = arith.constant 0 : i32
    %dma_wait3A_1397 = tpu.memref_slice %arg20[%dma_wait3A_1394, %dma_wait3A_1395, %dma_wait3A_1396] : memref<32x16x128xf32, #tpu.memory_space<vmem>> -> memref<1x16x128xf32, #tpu.memory_space<vmem>>
    %dma_wait3A_1398 = tpu.memref_squeeze %dma_wait3A_1397 : memref<1x16x128xf32, #tpu.memory_space<vmem>> -> memref<16x128xf32, #tpu.memory_space<vmem>>
    %dma_wait3A_1399 = arith.constant 0 : i32
    %dma_wait3A_1400 = tpu.memref_slice %arg6[%add3A_696, %dma_wait3A_1399, %multiple_of3A] : memref<17x16x100000xf32, #tpu.memory_space<hbm>> -> memref<1x16x128xf32, #tpu.memory_space<hbm>>
    %dma_wait3A_1401 = tpu.memref_squeeze %dma_wait3A_1400 : memref<1x16x128xf32, #tpu.memory_space<hbm>> -> memref<16x128xf32, #tpu.memory_space<hbm>>
    %dma_wait3A_1402 = arith.constant 0 : i32
    %dma_wait3A_1403 = arith.constant 0 : i32
    %dma_wait3A_1404 = tpu.memref_slice %arg20[%dma_wait3A_1394, %dma_wait3A_1402, %dma_wait3A_1403] : memref<32x16x128xf32, #tpu.memory_space<vmem>> -> memref<1x16x128xf32, #tpu.memory_space<vmem>>
    %dma_wait3A_1405 = tpu.memref_squeeze %dma_wait3A_1404 : memref<1x16x128xf32, #tpu.memory_space<vmem>> -> memref<16x128xf32, #tpu.memory_space<vmem>>
    %dma_wait3A_1406 = arith.constant 0 : i32
    %dma_wait3A_1407 = tpu.memref_slice %arg6[%add3A_696, %dma_wait3A_1406, %multiple_of3A] : memref<17x16x100000xf32, #tpu.memory_space<hbm>> -> memref<1x16x128xf32, #tpu.memory_space<hbm>>
    %dma_wait3A_1408 = tpu.memref_squeeze %dma_wait3A_1407 : memref<1x16x128xf32, #tpu.memory_space<hbm>> -> memref<16x128xf32, #tpu.memory_space<hbm>>
    tpu.wait_dma2 semaphore(%arg24 : memref<!tpu.dma_semaphore, #tpu.memory_space<semaphore_mem>>) src(%dma_wait3A_1408 : memref<16x128xf32, #tpu.memory_space<hbm>>) dst(%dma_wait3A_1405 : memref<16x128xf32, #tpu.memory_space<vmem>>)
    %dma_wait3A_1409 = arith.constant 1 : i32
    %dma_wait3A_1410 = arith.constant 0 : i32
    %dma_wait3A_1411 = arith.constant 0 : i32
    %dma_wait3A_1412 = tpu.memref_slice %arg20[%dma_wait3A_1409, %dma_wait3A_1410, %dma_wait3A_1411] : memref<32x16x128xf32, #tpu.memory_space<vmem>> -> memref<1x16x128xf32, #tpu.memory_space<vmem>>
    %dma_wait3A_1413 = tpu.memref_squeeze %dma_wait3A_1412 : memref<1x16x128xf32, #tpu.memory_space<vmem>> -> memref<16x128xf32, #tpu.memory_space<vmem>>
    %dma_wait3A_1414 = arith.constant 0 : i32
    %dma_wait3A_1415 = tpu.memref_slice %arg6[%add3A_718, %dma_wait3A_1414, %multiple_of3A_716] : memref<17x16x100000xf32, #tpu.memory_space<hbm>> -> memref<1x16x128xf32, #tpu.memory_space<hbm>>
    %dma_wait3A_1416 = tpu.memref_squeeze %dma_wait3A_1415 : memref<1x16x128xf32, #tpu.memory_space<hbm>> -> memref<16x128xf32, #tpu.memory_space<hbm>>
    %dma_wait3A_1417 = arith.constant 0 : i32
    %dma_wait3A_1418 = arith.constant 0 : i32
    %dma_wait3A_1419 = tpu.memref_slice %arg20[%dma_wait3A_1409, %dma_wait3A_1417, %dma_wait3A_1418] : memref<32x16x128xf32, #tpu.memory_space<vmem>> -> memref<1x16x128xf32, #tpu.memory_space<vmem>>
    %dma_wait3A_1420 = tpu.memref_squeeze %dma_wait3A_1419 : memref<1x16x128xf32, #tpu.memory_space<vmem>> -> memref<16x128xf32, #tpu.memory_space<vmem>>
    %dma_wait3A_1421 = arith.constant 0 : i32
    %dma_wait3A_1422 = tpu.memref_slice %arg6[%add3A_718, %dma_wait3A_1421, %multiple_of3A_716] : memref<17x16x100000xf32, #tpu.memory_space<hbm>> -> memref<1x16x128xf32, #tpu.memory_space<hbm>>
    %dma_wait3A_1423 = tpu.memref_squeeze %dma_wait3A_1422 : memref<1x16x128xf32, #tpu.memory_space<hbm>> -> memref<16x128xf32, #tpu.memory_space<hbm>>
    tpu.wait_dma2 semaphore(%arg24 : memref<!tpu.dma_semaphore, #tpu.memory_space<semaphore_mem>>) src(%dma_wait3A_1423 : memref<16x128xf32, #tpu.memory_space<hbm>>) dst(%dma_wait3A_1420 : memref<16x128xf32, #tpu.memory_space<vmem>>)
    %dma_wait3A_1424 = arith.constant 2 : i32
    %dma_wait3A_1425 = arith.constant 0 : i32
    %dma_wait3A_1426 = arith.constant 0 : i32
    %dma_wait3A_1427 = tpu.memref_slice %arg20[%dma_wait3A_1424, %dma_wait3A_1425, %dma_wait3A_1426] : memref<32x16x128xf32, #tpu.memory_space<vmem>> -> memref<1x16x128xf32, #tpu.memory_space<vmem>>
    %dma_wait3A_1428 = tpu.memref_squeeze %dma_wait3A_1427 : memref<1x16x128xf32, #tpu.memory_space<vmem>> -> memref<16x128xf32, #tpu.memory_space<vmem>>
    %dma_wait3A_1429 = arith.constant 0 : i32
    %dma_wait3A_1430 = tpu.memref_slice %arg6[%add3A_740, %dma_wait3A_1429, %multiple_of3A_738] : memref<17x16x100000xf32, #tpu.memory_space<hbm>> -> memref<1x16x128xf32, #tpu.memory_space<hbm>>
    %dma_wait3A_1431 = tpu.memref_squeeze %dma_wait3A_1430 : memref<1x16x128xf32, #tpu.memory_space<hbm>> -> memref<16x128xf32, #tpu.memory_space<hbm>>
    %dma_wait3A_1432 = arith.constant 0 : i32
    %dma_wait3A_1433 = arith.constant 0 : i32
    %dma_wait3A_1434 = tpu.memref_slice %arg20[%dma_wait3A_1424, %dma_wait3A_1432, %dma_wait3A_1433] : memref<32x16x128xf32, #tpu.memory_space<vmem>> -> memref<1x16x128xf32, #tpu.memory_space<vmem>>
    %dma_wait3A_1435 = tpu.memref_squeeze %dma_wait3A_1434 : memref<1x16x128xf32, #tpu.memory_space<vmem>> -> memref<16x128xf32, #tpu.memory_space<vmem>>
    %dma_wait3A_1436 = arith.constant 0 : i32
    %dma_wait3A_1437 = tpu.memref_slice %arg6[%add3A_740, %dma_wait3A_1436, %multiple_of3A_738] : memref<17x16x100000xf32, #tpu.memory_space<hbm>> -> memref<1x16x128xf32, #tpu.memory_space<hbm>>
    %dma_wait3A_1438 = tpu.memref_squeeze %dma_wait3A_1437 : memref<1x16x128xf32, #tpu.memory_space<hbm>> -> memref<16x128xf32, #tpu.memory_space<hbm>>
    tpu.wait_dma2 semaphore(%arg24 : memref<!tpu.dma_semaphore, #tpu.memory_space<semaphore_mem>>) src(%dma_wait3A_1438 : memref<16x128xf32, #tpu.memory_space<hbm>>) dst(%dma_wait3A_1435 : memref<16x128xf32, #tpu.memory_space<vmem>>)
    %dma_wait3A_1439 = arith.constant 3 : i32
    %dma_wait3A_1440 = arith.constant 0 : i32
    %dma_wait3A_1441 = arith.constant 0 : i32
    %dma_wait3A_1442 = tpu.memref_slice %arg20[%dma_wait3A_1439, %dma_wait3A_1440, %dma_wait3A_1441] : memref<32x16x128xf32, #tpu.memory_space<vmem>> -> memref<1x16x128xf32, #tpu.memory_space<vmem>>
    %dma_wait3A_1443 = tpu.memref_squeeze %dma_wait3A_1442 : memref<1x16x128xf32, #tpu.memory_space<vmem>> -> memref<16x128xf32, #tpu.memory_space<vmem>>
    %dma_wait3A_1444 = arith.constant 0 : i32
    %dma_wait3A_1445 = tpu.memref_slice %arg6[%add3A_762, %dma_wait3A_1444, %multiple_of3A_760] : memref<17x16x100000xf32, #tpu.memory_space<hbm>> -> memref<1x16x128xf32, #tpu.memory_space<hbm>>
    %dma_wait3A_1446 = tpu.memref_squeeze %dma_wait3A_1445 : memref<1x16x128xf32, #tpu.memory_space<hbm>> -> memref<16x128xf32, #tpu.memory_space<hbm>>
    %dma_wait3A_1447 = arith.constant 0 : i32
    %dma_wait3A_1448 = arith.constant 0 : i32
    %dma_wait3A_1449 = tpu.memref_slice %arg20[%dma_wait3A_1439, %dma_wait3A_1447, %dma_wait3A_1448] : memref<32x16x128xf32, #tpu.memory_space<vmem>> -> memref<1x16x128xf32, #tpu.memory_space<vmem>>
    %dma_wait3A_1450 = tpu.memref_squeeze %dma_wait3A_1449 : memref<1x16x128xf32, #tpu.memory_space<vmem>> -> memref<16x128xf32, #tpu.memory_space<vmem>>
    %dma_wait3A_1451 = arith.constant 0 : i32
    %dma_wait3A_1452 = tpu.memref_slice %arg6[%add3A_762, %dma_wait3A_1451, %multiple_of3A_760] : memref<17x16x100000xf32, #tpu.memory_space<hbm>> -> memref<1x16x128xf32, #tpu.memory_space<hbm>>
    %dma_wait3A_1453 = tpu.memref_squeeze %dma_wait3A_1452 : memref<1x16x128xf32, #tpu.memory_space<hbm>> -> memref<16x128xf32, #tpu.memory_space<hbm>>
    tpu.wait_dma2 semaphore(%arg24 : memref<!tpu.dma_semaphore, #tpu.memory_space<semaphore_mem>>) src(%dma_wait3A_1453 : memref<16x128xf32, #tpu.memory_space<hbm>>) dst(%dma_wait3A_1450 : memref<16x128xf32, #tpu.memory_space<vmem>>)
    %dma_wait3A_1454 = arith.constant 4 : i32
    %dma_wait3A_1455 = arith.constant 0 : i32
    %dma_wait3A_1456 = arith.constant 0 : i32
    %dma_wait3A_1457 = tpu.memref_slice %arg20[%dma_wait3A_1454, %dma_wait3A_1455, %dma_wait3A_1456] : memref<32x16x128xf32, #tpu.memory_space<vmem>> -> memref<1x16x128xf32, #tpu.memory_space<vmem>>
    %dma_wait3A_1458 = tpu.memref_squeeze %dma_wait3A_1457 : memref<1x16x128xf32, #tpu.memory_space<vmem>> -> memref<16x128xf32, #tpu.memory_space<vmem>>
    %dma_wait3A_1459 = arith.constant 0 : i32
    %dma_wait3A_1460 = tpu.memref_slice %arg6[%add3A_784, %dma_wait3A_1459, %multiple_of3A_782] : memref<17x16x100000xf32, #tpu.memory_space<hbm>> -> memref<1x16x128xf32, #tpu.memory_space<hbm>>
    %dma_wait3A_1461 = tpu.memref_squeeze %dma_wait3A_1460 : memref<1x16x128xf32, #tpu.memory_space<hbm>> -> memref<16x128xf32, #tpu.memory_space<hbm>>
    %dma_wait3A_1462 = arith.constant 0 : i32
    %dma_wait3A_1463 = arith.constant 0 : i32
    %dma_wait3A_1464 = tpu.memref_slice %arg20[%dma_wait3A_1454, %dma_wait3A_1462, %dma_wait3A_1463] : memref<32x16x128xf32, #tpu.memory_space<vmem>> -> memref<1x16x128xf32, #tpu.memory_space<vmem>>
    %dma_wait3A_1465 = tpu.memref_squeeze %dma_wait3A_1464 : memref<1x16x128xf32, #tpu.memory_space<vmem>> -> memref<16x128xf32, #tpu.memory_space<vmem>>
    %dma_wait3A_1466 = arith.constant 0 : i32
    %dma_wait3A_1467 = tpu.memref_slice %arg6[%add3A_784, %dma_wait3A_1466, %multiple_of3A_782] : memref<17x16x100000xf32, #tpu.memory_space<hbm>> -> memref<1x16x128xf32, #tpu.memory_space<hbm>>
    %dma_wait3A_1468 = tpu.memref_squeeze %dma_wait3A_1467 : memref<1x16x128xf32, #tpu.memory_space<hbm>> -> memref<16x128xf32, #tpu.memory_space<hbm>>
    tpu.wait_dma2 semaphore(%arg24 : memref<!tpu.dma_semaphore, #tpu.memory_space<semaphore_mem>>) src(%dma_wait3A_1468 : memref<16x128xf32, #tpu.memory_space<hbm>>) dst(%dma_wait3A_1465 : memref<16x128xf32, #tpu.memory_space<vmem>>)
    %dma_wait3A_1469 = arith.constant 5 : i32
    %dma_wait3A_1470 = arith.constant 0 : i32
    %dma_wait3A_1471 = arith.constant 0 : i32
    %dma_wait3A_1472 = tpu.memref_slice %arg20[%dma_wait3A_1469, %dma_wait3A_1470, %dma_wait3A_1471] : memref<32x16x128xf32, #tpu.memory_space<vmem>> -> memref<1x16x128xf32, #tpu.memory_space<vmem>>
    %dma_wait3A_1473 = tpu.memref_squeeze %dma_wait3A_1472 : memref<1x16x128xf32, #tpu.memory_space<vmem>> -> memref<16x128xf32, #tpu.memory_space<vmem>>
    %dma_wait3A_1474 = arith.constant 0 : i32
    %dma_wait3A_1475 = tpu.memref_slice %arg6[%add3A_806, %dma_wait3A_1474, %multiple_of3A_804] : memref<17x16x100000xf32, #tpu.memory_space<hbm>> -> memref<1x16x128xf32, #tpu.memory_space<hbm>>
    %dma_wait3A_1476 = tpu.memref_squeeze %dma_wait3A_1475 : memref<1x16x128xf32, #tpu.memory_space<hbm>> -> memref<16x128xf32, #tpu.memory_space<hbm>>
    %dma_wait3A_1477 = arith.constant 0 : i32
    %dma_wait3A_1478 = arith.constant 0 : i32
    %dma_wait3A_1479 = tpu.memref_slice %arg20[%dma_wait3A_1469, %dma_wait3A_1477, %dma_wait3A_1478] : memref<32x16x128xf32, #tpu.memory_space<vmem>> -> memref<1x16x128xf32, #tpu.memory_space<vmem>>
    %dma_wait3A_1480 = tpu.memref_squeeze %dma_wait3A_1479 : memref<1x16x128xf32, #tpu.memory_space<vmem>> -> memref<16x128xf32, #tpu.memory_space<vmem>>
    %dma_wait3A_1481 = arith.constant 0 : i32
    %dma_wait3A_1482 = tpu.memref_slice %arg6[%add3A_806, %dma_wait3A_1481, %multiple_of3A_804] : memref<17x16x100000xf32, #tpu.memory_space<hbm>> -> memref<1x16x128xf32, #tpu.memory_space<hbm>>
    %dma_wait3A_1483 = tpu.memref_squeeze %dma_wait3A_1482 : memref<1x16x128xf32, #tpu.memory_space<hbm>> -> memref<16x128xf32, #tpu.memory_space<hbm>>
    tpu.wait_dma2 semaphore(%arg24 : memref<!tpu.dma_semaphore, #tpu.memory_space<semaphore_mem>>) src(%dma_wait3A_1483 : memref<16x128xf32, #tpu.memory_space<hbm>>) dst(%dma_wait3A_1480 : memref<16x128xf32, #tpu.memory_space<vmem>>)
    %dma_wait3A_1484 = arith.constant 6 : i32
    %dma_wait3A_1485 = arith.constant 0 : i32
    %dma_wait3A_1486 = arith.constant 0 : i32
    %dma_wait3A_1487 = tpu.memref_slice %arg20[%dma_wait3A_1484, %dma_wait3A_1485, %dma_wait3A_1486] : memref<32x16x128xf32, #tpu.memory_space<vmem>> -> memref<1x16x128xf32, #tpu.memory_space<vmem>>
    %dma_wait3A_1488 = tpu.memref_squeeze %dma_wait3A_1487 : memref<1x16x128xf32, #tpu.memory_space<vmem>> -> memref<16x128xf32, #tpu.memory_space<vmem>>
    %dma_wait3A_1489 = arith.constant 0 : i32
    %dma_wait3A_1490 = tpu.memref_slice %arg6[%add3A_828, %dma_wait3A_1489, %multiple_of3A_826] : memref<17x16x100000xf32, #tpu.memory_space<hbm>> -> memref<1x16x128xf32, #tpu.memory_space<hbm>>
    %dma_wait3A_1491 = tpu.memref_squeeze %dma_wait3A_1490 : memref<1x16x128xf32, #tpu.memory_space<hbm>> -> memref<16x128xf32, #tpu.memory_space<hbm>>
    %dma_wait3A_1492 = arith.constant 0 : i32
    %dma_wait3A_1493 = arith.constant 0 : i32
    %dma_wait3A_1494 = tpu.memref_slice %arg20[%dma_wait3A_1484, %dma_wait3A_1492, %dma_wait3A_1493] : memref<32x16x128xf32, #tpu.memory_space<vmem>> -> memref<1x16x128xf32, #tpu.memory_space<vmem>>
    %dma_wait3A_1495 = tpu.memref_squeeze %dma_wait3A_1494 : memref<1x16x128xf32, #tpu.memory_space<vmem>> -> memref<16x128xf32, #tpu.memory_space<vmem>>
    %dma_wait3A_1496 = arith.constant 0 : i32
    %dma_wait3A_1497 = tpu.memref_slice %arg6[%add3A_828, %dma_wait3A_1496, %multiple_of3A_826] : memref<17x16x100000xf32, #tpu.memory_space<hbm>> -> memref<1x16x128xf32, #tpu.memory_space<hbm>>
    %dma_wait3A_1498 = tpu.memref_squeeze %dma_wait3A_1497 : memref<1x16x128xf32, #tpu.memory_space<hbm>> -> memref<16x128xf32, #tpu.memory_space<hbm>>
    tpu.wait_dma2 semaphore(%arg24 : memref<!tpu.dma_semaphore, #tpu.memory_space<semaphore_mem>>) src(%dma_wait3A_1498 : memref<16x128xf32, #tpu.memory_space<hbm>>) dst(%dma_wait3A_1495 : memref<16x128xf32, #tpu.memory_space<vmem>>)
    %dma_wait3A_1499 = arith.constant 7 : i32
    %dma_wait3A_1500 = arith.constant 0 : i32
    %dma_wait3A_1501 = arith.constant 0 : i32
    %dma_wait3A_1502 = tpu.memref_slice %arg20[%dma_wait3A_1499, %dma_wait3A_1500, %dma_wait3A_1501] : memref<32x16x128xf32, #tpu.memory_space<vmem>> -> memref<1x16x128xf32, #tpu.memory_space<vmem>>
    %dma_wait3A_1503 = tpu.memref_squeeze %dma_wait3A_1502 : memref<1x16x128xf32, #tpu.memory_space<vmem>> -> memref<16x128xf32, #tpu.memory_space<vmem>>
    %dma_wait3A_1504 = arith.constant 0 : i32
    %dma_wait3A_1505 = tpu.memref_slice %arg6[%add3A_850, %dma_wait3A_1504, %multiple_of3A_848] : memref<17x16x100000xf32, #tpu.memory_space<hbm>> -> memref<1x16x128xf32, #tpu.memory_space<hbm>>
    %dma_wait3A_1506 = tpu.memref_squeeze %dma_wait3A_1505 : memref<1x16x128xf32, #tpu.memory_space<hbm>> -> memref<16x128xf32, #tpu.memory_space<hbm>>
    %dma_wait3A_1507 = arith.constant 0 : i32
    %dma_wait3A_1508 = arith.constant 0 : i32
    %dma_wait3A_1509 = tpu.memref_slice %arg20[%dma_wait3A_1499, %dma_wait3A_1507, %dma_wait3A_1508] : memref<32x16x128xf32, #tpu.memory_space<vmem>> -> memref<1x16x128xf32, #tpu.memory_space<vmem>>
    %dma_wait3A_1510 = tpu.memref_squeeze %dma_wait3A_1509 : memref<1x16x128xf32, #tpu.memory_space<vmem>> -> memref<16x128xf32, #tpu.memory_space<vmem>>
    %dma_wait3A_1511 = arith.constant 0 : i32
    %dma_wait3A_1512 = tpu.memref_slice %arg6[%add3A_850, %dma_wait3A_1511, %multiple_of3A_848] : memref<17x16x100000xf32, #tpu.memory_space<hbm>> -> memref<1x16x128xf32, #tpu.memory_space<hbm>>
    %dma_wait3A_1513 = tpu.memref_squeeze %dma_wait3A_1512 : memref<1x16x128xf32, #tpu.memory_space<hbm>> -> memref<16x128xf32, #tpu.memory_space<hbm>>
    tpu.wait_dma2 semaphore(%arg24 : memref<!tpu.dma_semaphore, #tpu.memory_space<semaphore_mem>>) src(%dma_wait3A_1513 : memref<16x128xf32, #tpu.memory_space<hbm>>) dst(%dma_wait3A_1510 : memref<16x128xf32, #tpu.memory_space<vmem>>)
    %dma_wait3A_1514 = arith.constant 8 : i32
    %dma_wait3A_1515 = arith.constant 0 : i32
    %dma_wait3A_1516 = arith.constant 0 : i32
    %dma_wait3A_1517 = tpu.memref_slice %arg20[%dma_wait3A_1514, %dma_wait3A_1515, %dma_wait3A_1516] : memref<32x16x128xf32, #tpu.memory_space<vmem>> -> memref<1x16x128xf32, #tpu.memory_space<vmem>>
    %dma_wait3A_1518 = tpu.memref_squeeze %dma_wait3A_1517 : memref<1x16x128xf32, #tpu.memory_space<vmem>> -> memref<16x128xf32, #tpu.memory_space<vmem>>
    %dma_wait3A_1519 = arith.constant 0 : i32
    %dma_wait3A_1520 = tpu.memref_slice %arg6[%add3A_872, %dma_wait3A_1519, %multiple_of3A_870] : memref<17x16x100000xf32, #tpu.memory_space<hbm>> -> memref<1x16x128xf32, #tpu.memory_space<hbm>>
    %dma_wait3A_1521 = tpu.memref_squeeze %dma_wait3A_1520 : memref<1x16x128xf32, #tpu.memory_space<hbm>> -> memref<16x128xf32, #tpu.memory_space<hbm>>
    %dma_wait3A_1522 = arith.constant 0 : i32
    %dma_wait3A_1523 = arith.constant 0 : i32
    %dma_wait3A_1524 = tpu.memref_slice %arg20[%dma_wait3A_1514, %dma_wait3A_1522, %dma_wait3A_1523] : memref<32x16x128xf32, #tpu.memory_space<vmem>> -> memref<1x16x128xf32, #tpu.memory_space<vmem>>
    %dma_wait3A_1525 = tpu.memref_squeeze %dma_wait3A_1524 : memref<1x16x128xf32, #tpu.memory_space<vmem>> -> memref<16x128xf32, #tpu.memory_space<vmem>>
    %dma_wait3A_1526 = arith.constant 0 : i32
    %dma_wait3A_1527 = tpu.memref_slice %arg6[%add3A_872, %dma_wait3A_1526, %multiple_of3A_870] : memref<17x16x100000xf32, #tpu.memory_space<hbm>> -> memref<1x16x128xf32, #tpu.memory_space<hbm>>
    %dma_wait3A_1528 = tpu.memref_squeeze %dma_wait3A_1527 : memref<1x16x128xf32, #tpu.memory_space<hbm>> -> memref<16x128xf32, #tpu.memory_space<hbm>>
    tpu.wait_dma2 semaphore(%arg24 : memref<!tpu.dma_semaphore, #tpu.memory_space<semaphore_mem>>) src(%dma_wait3A_1528 : memref<16x128xf32, #tpu.memory_space<hbm>>) dst(%dma_wait3A_1525 : memref<16x128xf32, #tpu.memory_space<vmem>>)
    %dma_wait3A_1529 = arith.constant 9 : i32
    %dma_wait3A_1530 = arith.constant 0 : i32
    %dma_wait3A_1531 = arith.constant 0 : i32
    %dma_wait3A_1532 = tpu.memref_slice %arg20[%dma_wait3A_1529, %dma_wait3A_1530, %dma_wait3A_1531] : memref<32x16x128xf32, #tpu.memory_space<vmem>> -> memref<1x16x128xf32, #tpu.memory_space<vmem>>
    %dma_wait3A_1533 = tpu.memref_squeeze %dma_wait3A_1532 : memref<1x16x128xf32, #tpu.memory_space<vmem>> -> memref<16x128xf32, #tpu.memory_space<vmem>>
    %dma_wait3A_1534 = arith.constant 0 : i32
    %dma_wait3A_1535 = tpu.memref_slice %arg6[%add3A_894, %dma_wait3A_1534, %multiple_of3A_892] : memref<17x16x100000xf32, #tpu.memory_space<hbm>> -> memref<1x16x128xf32, #tpu.memory_space<hbm>>
    %dma_wait3A_1536 = tpu.memref_squeeze %dma_wait3A_1535 : memref<1x16x128xf32, #tpu.memory_space<hbm>> -> memref<16x128xf32, #tpu.memory_space<hbm>>
    %dma_wait3A_1537 = arith.constant 0 : i32
    %dma_wait3A_1538 = arith.constant 0 : i32
    %dma_wait3A_1539 = tpu.memref_slice %arg20[%dma_wait3A_1529, %dma_wait3A_1537, %dma_wait3A_1538] : memref<32x16x128xf32, #tpu.memory_space<vmem>> -> memref<1x16x128xf32, #tpu.memory_space<vmem>>
    %dma_wait3A_1540 = tpu.memref_squeeze %dma_wait3A_1539 : memref<1x16x128xf32, #tpu.memory_space<vmem>> -> memref<16x128xf32, #tpu.memory_space<vmem>>
    %dma_wait3A_1541 = arith.constant 0 : i32
    %dma_wait3A_1542 = tpu.memref_slice %arg6[%add3A_894, %dma_wait3A_1541, %multiple_of3A_892] : memref<17x16x100000xf32, #tpu.memory_space<hbm>> -> memref<1x16x128xf32, #tpu.memory_space<hbm>>
    %dma_wait3A_1543 = tpu.memref_squeeze %dma_wait3A_1542 : memref<1x16x128xf32, #tpu.memory_space<hbm>> -> memref<16x128xf32, #tpu.memory_space<hbm>>
    tpu.wait_dma2 semaphore(%arg24 : memref<!tpu.dma_semaphore, #tpu.memory_space<semaphore_mem>>) src(%dma_wait3A_1543 : memref<16x128xf32, #tpu.memory_space<hbm>>) dst(%dma_wait3A_1540 : memref<16x128xf32, #tpu.memory_space<vmem>>)
    %dma_wait3A_1544 = arith.constant 10 : i32
    %dma_wait3A_1545 = arith.constant 0 : i32
    %dma_wait3A_1546 = arith.constant 0 : i32
    %dma_wait3A_1547 = tpu.memref_slice %arg20[%dma_wait3A_1544, %dma_wait3A_1545, %dma_wait3A_1546] : memref<32x16x128xf32, #tpu.memory_space<vmem>> -> memref<1x16x128xf32, #tpu.memory_space<vmem>>
    %dma_wait3A_1548 = tpu.memref_squeeze %dma_wait3A_1547 : memref<1x16x128xf32, #tpu.memory_space<vmem>> -> memref<16x128xf32, #tpu.memory_space<vmem>>
    %dma_wait3A_1549 = arith.constant 0 : i32
    %dma_wait3A_1550 = tpu.memref_slice %arg6[%add3A_916, %dma_wait3A_1549, %multiple_of3A_914] : memref<17x16x100000xf32, #tpu.memory_space<hbm>> -> memref<1x16x128xf32, #tpu.memory_space<hbm>>
    %dma_wait3A_1551 = tpu.memref_squeeze %dma_wait3A_1550 : memref<1x16x128xf32, #tpu.memory_space<hbm>> -> memref<16x128xf32, #tpu.memory_space<hbm>>
    %dma_wait3A_1552 = arith.constant 0 : i32
    %dma_wait3A_1553 = arith.constant 0 : i32
    %dma_wait3A_1554 = tpu.memref_slice %arg20[%dma_wait3A_1544, %dma_wait3A_1552, %dma_wait3A_1553] : memref<32x16x128xf32, #tpu.memory_space<vmem>> -> memref<1x16x128xf32, #tpu.memory_space<vmem>>
    %dma_wait3A_1555 = tpu.memref_squeeze %dma_wait3A_1554 : memref<1x16x128xf32, #tpu.memory_space<vmem>> -> memref<16x128xf32, #tpu.memory_space<vmem>>
    %dma_wait3A_1556 = arith.constant 0 : i32
    %dma_wait3A_1557 = tpu.memref_slice %arg6[%add3A_916, %dma_wait3A_1556, %multiple_of3A_914] : memref<17x16x100000xf32, #tpu.memory_space<hbm>> -> memref<1x16x128xf32, #tpu.memory_space<hbm>>
    %dma_wait3A_1558 = tpu.memref_squeeze %dma_wait3A_1557 : memref<1x16x128xf32, #tpu.memory_space<hbm>> -> memref<16x128xf32, #tpu.memory_space<hbm>>
    tpu.wait_dma2 semaphore(%arg24 : memref<!tpu.dma_semaphore, #tpu.memory_space<semaphore_mem>>) src(%dma_wait3A_1558 : memref<16x128xf32, #tpu.memory_space<hbm>>) dst(%dma_wait3A_1555 : memref<16x128xf32, #tpu.memory_space<vmem>>)
    %dma_wait3A_1559 = arith.constant 11 : i32
    %dma_wait3A_1560 = arith.constant 0 : i32
    %dma_wait3A_1561 = arith.constant 0 : i32
    %dma_wait3A_1562 = tpu.memref_slice %arg20[%dma_wait3A_1559, %dma_wait3A_1560, %dma_wait3A_1561] : memref<32x16x128xf32, #tpu.memory_space<vmem>> -> memref<1x16x128xf32, #tpu.memory_space<vmem>>
    %dma_wait3A_1563 = tpu.memref_squeeze %dma_wait3A_1562 : memref<1x16x128xf32, #tpu.memory_space<vmem>> -> memref<16x128xf32, #tpu.memory_space<vmem>>
    %dma_wait3A_1564 = arith.constant 0 : i32
    %dma_wait3A_1565 = tpu.memref_slice %arg6[%add3A_938, %dma_wait3A_1564, %multiple_of3A_936] : memref<17x16x100000xf32, #tpu.memory_space<hbm>> -> memref<1x16x128xf32, #tpu.memory_space<hbm>>
    %dma_wait3A_1566 = tpu.memref_squeeze %dma_wait3A_1565 : memref<1x16x128xf32, #tpu.memory_space<hbm>> -> memref<16x128xf32, #tpu.memory_space<hbm>>
    %dma_wait3A_1567 = arith.constant 0 : i32
    %dma_wait3A_1568 = arith.constant 0 : i32
    %dma_wait3A_1569 = tpu.memref_slice %arg20[%dma_wait3A_1559, %dma_wait3A_1567, %dma_wait3A_1568] : memref<32x16x128xf32, #tpu.memory_space<vmem>> -> memref<1x16x128xf32, #tpu.memory_space<vmem>>
    %dma_wait3A_1570 = tpu.memref_squeeze %dma_wait3A_1569 : memref<1x16x128xf32, #tpu.memory_space<vmem>> -> memref<16x128xf32, #tpu.memory_space<vmem>>
    %dma_wait3A_1571 = arith.constant 0 : i32
    %dma_wait3A_1572 = tpu.memref_slice %arg6[%add3A_938, %dma_wait3A_1571, %multiple_of3A_936] : memref<17x16x100000xf32, #tpu.memory_space<hbm>> -> memref<1x16x128xf32, #tpu.memory_space<hbm>>
    %dma_wait3A_1573 = tpu.memref_squeeze %dma_wait3A_1572 : memref<1x16x128xf32, #tpu.memory_space<hbm>> -> memref<16x128xf32, #tpu.memory_space<hbm>>
    tpu.wait_dma2 semaphore(%arg24 : memref<!tpu.dma_semaphore, #tpu.memory_space<semaphore_mem>>) src(%dma_wait3A_1573 : memref<16x128xf32, #tpu.memory_space<hbm>>) dst(%dma_wait3A_1570 : memref<16x128xf32, #tpu.memory_space<vmem>>)
    %dma_wait3A_1574 = arith.constant 12 : i32
    %dma_wait3A_1575 = arith.constant 0 : i32
    %dma_wait3A_1576 = arith.constant 0 : i32
    %dma_wait3A_1577 = tpu.memref_slice %arg20[%dma_wait3A_1574, %dma_wait3A_1575, %dma_wait3A_1576] : memref<32x16x128xf32, #tpu.memory_space<vmem>> -> memref<1x16x128xf32, #tpu.memory_space<vmem>>
    %dma_wait3A_1578 = tpu.memref_squeeze %dma_wait3A_1577 : memref<1x16x128xf32, #tpu.memory_space<vmem>> -> memref<16x128xf32, #tpu.memory_space<vmem>>
    %dma_wait3A_1579 = arith.constant 0 : i32
    %dma_wait3A_1580 = tpu.memref_slice %arg6[%add3A_960, %dma_wait3A_1579, %multiple_of3A_958] : memref<17x16x100000xf32, #tpu.memory_space<hbm>> -> memref<1x16x128xf32, #tpu.memory_space<hbm>>
    %dma_wait3A_1581 = tpu.memref_squeeze %dma_wait3A_1580 : memref<1x16x128xf32, #tpu.memory_space<hbm>> -> memref<16x128xf32, #tpu.memory_space<hbm>>
    %dma_wait3A_1582 = arith.constant 0 : i32
    %dma_wait3A_1583 = arith.constant 0 : i32
    %dma_wait3A_1584 = tpu.memref_slice %arg20[%dma_wait3A_1574, %dma_wait3A_1582, %dma_wait3A_1583] : memref<32x16x128xf32, #tpu.memory_space<vmem>> -> memref<1x16x128xf32, #tpu.memory_space<vmem>>
    %dma_wait3A_1585 = tpu.memref_squeeze %dma_wait3A_1584 : memref<1x16x128xf32, #tpu.memory_space<vmem>> -> memref<16x128xf32, #tpu.memory_space<vmem>>
    %dma_wait3A_1586 = arith.constant 0 : i32
    %dma_wait3A_1587 = tpu.memref_slice %arg6[%add3A_960, %dma_wait3A_1586, %multiple_of3A_958] : memref<17x16x100000xf32, #tpu.memory_space<hbm>> -> memref<1x16x128xf32, #tpu.memory_space<hbm>>
    %dma_wait3A_1588 = tpu.memref_squeeze %dma_wait3A_1587 : memref<1x16x128xf32, #tpu.memory_space<hbm>> -> memref<16x128xf32, #tpu.memory_space<hbm>>
    tpu.wait_dma2 semaphore(%arg24 : memref<!tpu.dma_semaphore, #tpu.memory_space<semaphore_mem>>) src(%dma_wait3A_1588 : memref<16x128xf32, #tpu.memory_space<hbm>>) dst(%dma_wait3A_1585 : memref<16x128xf32, #tpu.memory_space<vmem>>)
    %dma_wait3A_1589 = arith.constant 13 : i32
    %dma_wait3A_1590 = arith.constant 0 : i32
    %dma_wait3A_1591 = arith.constant 0 : i32
    %dma_wait3A_1592 = tpu.memref_slice %arg20[%dma_wait3A_1589, %dma_wait3A_1590, %dma_wait3A_1591] : memref<32x16x128xf32, #tpu.memory_space<vmem>> -> memref<1x16x128xf32, #tpu.memory_space<vmem>>
    %dma_wait3A_1593 = tpu.memref_squeeze %dma_wait3A_1592 : memref<1x16x128xf32, #tpu.memory_space<vmem>> -> memref<16x128xf32, #tpu.memory_space<vmem>>
    %dma_wait3A_1594 = arith.constant 0 : i32
    %dma_wait3A_1595 = tpu.memref_slice %arg6[%add3A_982, %dma_wait3A_1594, %multiple_of3A_980] : memref<17x16x100000xf32, #tpu.memory_space<hbm>> -> memref<1x16x128xf32, #tpu.memory_space<hbm>>
    %dma_wait3A_1596 = tpu.memref_squeeze %dma_wait3A_1595 : memref<1x16x128xf32, #tpu.memory_space<hbm>> -> memref<16x128xf32, #tpu.memory_space<hbm>>
    %dma_wait3A_1597 = arith.constant 0 : i32
    %dma_wait3A_1598 = arith.constant 0 : i32
    %dma_wait3A_1599 = tpu.memref_slice %arg20[%dma_wait3A_1589, %dma_wait3A_1597, %dma_wait3A_1598] : memref<32x16x128xf32, #tpu.memory_space<vmem>> -> memref<1x16x128xf32, #tpu.memory_space<vmem>>
    %dma_wait3A_1600 = tpu.memref_squeeze %dma_wait3A_1599 : memref<1x16x128xf32, #tpu.memory_space<vmem>> -> memref<16x128xf32, #tpu.memory_space<vmem>>
    %dma_wait3A_1601 = arith.constant 0 : i32
    %dma_wait3A_1602 = tpu.memref_slice %arg6[%add3A_982, %dma_wait3A_1601, %multiple_of3A_980] : memref<17x16x100000xf32, #tpu.memory_space<hbm>> -> memref<1x16x128xf32, #tpu.memory_space<hbm>>
    %dma_wait3A_1603 = tpu.memref_squeeze %dma_wait3A_1602 : memref<1x16x128xf32, #tpu.memory_space<hbm>> -> memref<16x128xf32, #tpu.memory_space<hbm>>
    tpu.wait_dma2 semaphore(%arg24 : memref<!tpu.dma_semaphore, #tpu.memory_space<semaphore_mem>>) src(%dma_wait3A_1603 : memref<16x128xf32, #tpu.memory_space<hbm>>) dst(%dma_wait3A_1600 : memref<16x128xf32, #tpu.memory_space<vmem>>)
    %dma_wait3A_1604 = arith.constant 14 : i32
    %dma_wait3A_1605 = arith.constant 0 : i32
    %dma_wait3A_1606 = arith.constant 0 : i32
    %dma_wait3A_1607 = tpu.memref_slice %arg20[%dma_wait3A_1604, %dma_wait3A_1605, %dma_wait3A_1606] : memref<32x16x128xf32, #tpu.memory_space<vmem>> -> memref<1x16x128xf32, #tpu.memory_space<vmem>>
    %dma_wait3A_1608 = tpu.memref_squeeze %dma_wait3A_1607 : memref<1x16x128xf32, #tpu.memory_space<vmem>> -> memref<16x128xf32, #tpu.memory_space<vmem>>
    %dma_wait3A_1609 = arith.constant 0 : i32
    %dma_wait3A_1610 = tpu.memref_slice %arg6[%add3A_1004, %dma_wait3A_1609, %multiple_of3A_1002] : memref<17x16x100000xf32, #tpu.memory_space<hbm>> -> memref<1x16x128xf32, #tpu.memory_space<hbm>>
    %dma_wait3A_1611 = tpu.memref_squeeze %dma_wait3A_1610 : memref<1x16x128xf32, #tpu.memory_space<hbm>> -> memref<16x128xf32, #tpu.memory_space<hbm>>
    %dma_wait3A_1612 = arith.constant 0 : i32
    %dma_wait3A_1613 = arith.constant 0 : i32
    %dma_wait3A_1614 = tpu.memref_slice %arg20[%dma_wait3A_1604, %dma_wait3A_1612, %dma_wait3A_1613] : memref<32x16x128xf32, #tpu.memory_space<vmem>> -> memref<1x16x128xf32, #tpu.memory_space<vmem>>
    %dma_wait3A_1615 = tpu.memref_squeeze %dma_wait3A_1614 : memref<1x16x128xf32, #tpu.memory_space<vmem>> -> memref<16x128xf32, #tpu.memory_space<vmem>>
    %dma_wait3A_1616 = arith.constant 0 : i32
    %dma_wait3A_1617 = tpu.memref_slice %arg6[%add3A_1004, %dma_wait3A_1616, %multiple_of3A_1002] : memref<17x16x100000xf32, #tpu.memory_space<hbm>> -> memref<1x16x128xf32, #tpu.memory_space<hbm>>
    %dma_wait3A_1618 = tpu.memref_squeeze %dma_wait3A_1617 : memref<1x16x128xf32, #tpu.memory_space<hbm>> -> memref<16x128xf32, #tpu.memory_space<hbm>>
    tpu.wait_dma2 semaphore(%arg24 : memref<!tpu.dma_semaphore, #tpu.memory_space<semaphore_mem>>) src(%dma_wait3A_1618 : memref<16x128xf32, #tpu.memory_space<hbm>>) dst(%dma_wait3A_1615 : memref<16x128xf32, #tpu.memory_space<vmem>>)
    %dma_wait3A_1619 = arith.constant 15 : i32
    %dma_wait3A_1620 = arith.constant 0 : i32
    %dma_wait3A_1621 = arith.constant 0 : i32
    %dma_wait3A_1622 = tpu.memref_slice %arg20[%dma_wait3A_1619, %dma_wait3A_1620, %dma_wait3A_1621] : memref<32x16x128xf32, #tpu.memory_space<vmem>> -> memref<1x16x128xf32, #tpu.memory_space<vmem>>
    %dma_wait3A_1623 = tpu.memref_squeeze %dma_wait3A_1622 : memref<1x16x128xf32, #tpu.memory_space<vmem>> -> memref<16x128xf32, #tpu.memory_space<vmem>>
    %dma_wait3A_1624 = arith.constant 0 : i32
    %dma_wait3A_1625 = tpu.memref_slice %arg6[%add3A_1026, %dma_wait3A_1624, %multiple_of3A_1024] : memref<17x16x100000xf32, #tpu.memory_space<hbm>> -> memref<1x16x128xf32, #tpu.memory_space<hbm>>
    %dma_wait3A_1626 = tpu.memref_squeeze %dma_wait3A_1625 : memref<1x16x128xf32, #tpu.memory_space<hbm>> -> memref<16x128xf32, #tpu.memory_space<hbm>>
    %dma_wait3A_1627 = arith.constant 0 : i32
    %dma_wait3A_1628 = arith.constant 0 : i32
    %dma_wait3A_1629 = tpu.memref_slice %arg20[%dma_wait3A_1619, %dma_wait3A_1627, %dma_wait3A_1628] : memref<32x16x128xf32, #tpu.memory_space<vmem>> -> memref<1x16x128xf32, #tpu.memory_space<vmem>>
    %dma_wait3A_1630 = tpu.memref_squeeze %dma_wait3A_1629 : memref<1x16x128xf32, #tpu.memory_space<vmem>> -> memref<16x128xf32, #tpu.memory_space<vmem>>
    %dma_wait3A_1631 = arith.constant 0 : i32
    %dma_wait3A_1632 = tpu.memref_slice %arg6[%add3A_1026, %dma_wait3A_1631, %multiple_of3A_1024] : memref<17x16x100000xf32, #tpu.memory_space<hbm>> -> memref<1x16x128xf32, #tpu.memory_space<hbm>>
    %dma_wait3A_1633 = tpu.memref_squeeze %dma_wait3A_1632 : memref<1x16x128xf32, #tpu.memory_space<hbm>> -> memref<16x128xf32, #tpu.memory_space<hbm>>
    tpu.wait_dma2 semaphore(%arg24 : memref<!tpu.dma_semaphore, #tpu.memory_space<semaphore_mem>>) src(%dma_wait3A_1633 : memref<16x128xf32, #tpu.memory_space<hbm>>) dst(%dma_wait3A_1630 : memref<16x128xf32, #tpu.memory_space<vmem>>)
    %dma_wait3A_1634 = arith.constant 16 : i32
    %dma_wait3A_1635 = arith.constant 0 : i32
    %dma_wait3A_1636 = arith.constant 0 : i32
    %dma_wait3A_1637 = tpu.memref_slice %arg20[%dma_wait3A_1634, %dma_wait3A_1635, %dma_wait3A_1636] : memref<32x16x128xf32, #tpu.memory_space<vmem>> -> memref<1x16x128xf32, #tpu.memory_space<vmem>>
    %dma_wait3A_1638 = tpu.memref_squeeze %dma_wait3A_1637 : memref<1x16x128xf32, #tpu.memory_space<vmem>> -> memref<16x128xf32, #tpu.memory_space<vmem>>
    %dma_wait3A_1639 = arith.constant 0 : i32
    %dma_wait3A_1640 = tpu.memref_slice %arg6[%add3A_1048, %dma_wait3A_1639, %multiple_of3A_1046] : memref<17x16x100000xf32, #tpu.memory_space<hbm>> -> memref<1x16x128xf32, #tpu.memory_space<hbm>>
    %dma_wait3A_1641 = tpu.memref_squeeze %dma_wait3A_1640 : memref<1x16x128xf32, #tpu.memory_space<hbm>> -> memref<16x128xf32, #tpu.memory_space<hbm>>
    %dma_wait3A_1642 = arith.constant 0 : i32
    %dma_wait3A_1643 = arith.constant 0 : i32
    %dma_wait3A_1644 = tpu.memref_slice %arg20[%dma_wait3A_1634, %dma_wait3A_1642, %dma_wait3A_1643] : memref<32x16x128xf32, #tpu.memory_space<vmem>> -> memref<1x16x128xf32, #tpu.memory_space<vmem>>
    %dma_wait3A_1645 = tpu.memref_squeeze %dma_wait3A_1644 : memref<1x16x128xf32, #tpu.memory_space<vmem>> -> memref<16x128xf32, #tpu.memory_space<vmem>>
    %dma_wait3A_1646 = arith.constant 0 : i32
    %dma_wait3A_1647 = tpu.memref_slice %arg6[%add3A_1048, %dma_wait3A_1646, %multiple_of3A_1046] : memref<17x16x100000xf32, #tpu.memory_space<hbm>> -> memref<1x16x128xf32, #tpu.memory_space<hbm>>
    %dma_wait3A_1648 = tpu.memref_squeeze %dma_wait3A_1647 : memref<1x16x128xf32, #tpu.memory_space<hbm>> -> memref<16x128xf32, #tpu.memory_space<hbm>>
    tpu.wait_dma2 semaphore(%arg24 : memref<!tpu.dma_semaphore, #tpu.memory_space<semaphore_mem>>) src(%dma_wait3A_1648 : memref<16x128xf32, #tpu.memory_space<hbm>>) dst(%dma_wait3A_1645 : memref<16x128xf32, #tpu.memory_space<vmem>>)
    %dma_wait3A_1649 = arith.constant 17 : i32
    %dma_wait3A_1650 = arith.constant 0 : i32
    %dma_wait3A_1651 = arith.constant 0 : i32
    %dma_wait3A_1652 = tpu.memref_slice %arg20[%dma_wait3A_1649, %dma_wait3A_1650, %dma_wait3A_1651] : memref<32x16x128xf32, #tpu.memory_space<vmem>> -> memref<1x16x128xf32, #tpu.memory_space<vmem>>
    %dma_wait3A_1653 = tpu.memref_squeeze %dma_wait3A_1652 : memref<1x16x128xf32, #tpu.memory_space<vmem>> -> memref<16x128xf32, #tpu.memory_space<vmem>>
    %dma_wait3A_1654 = arith.constant 0 : i32
    %dma_wait3A_1655 = tpu.memref_slice %arg6[%add3A_1070, %dma_wait3A_1654, %multiple_of3A_1068] : memref<17x16x100000xf32, #tpu.memory_space<hbm>> -> memref<1x16x128xf32, #tpu.memory_space<hbm>>
    %dma_wait3A_1656 = tpu.memref_squeeze %dma_wait3A_1655 : memref<1x16x128xf32, #tpu.memory_space<hbm>> -> memref<16x128xf32, #tpu.memory_space<hbm>>
    %dma_wait3A_1657 = arith.constant 0 : i32
    %dma_wait3A_1658 = arith.constant 0 : i32
    %dma_wait3A_1659 = tpu.memref_slice %arg20[%dma_wait3A_1649, %dma_wait3A_1657, %dma_wait3A_1658] : memref<32x16x128xf32, #tpu.memory_space<vmem>> -> memref<1x16x128xf32, #tpu.memory_space<vmem>>
    %dma_wait3A_1660 = tpu.memref_squeeze %dma_wait3A_1659 : memref<1x16x128xf32, #tpu.memory_space<vmem>> -> memref<16x128xf32, #tpu.memory_space<vmem>>
    %dma_wait3A_1661 = arith.constant 0 : i32
    %dma_wait3A_1662 = tpu.memref_slice %arg6[%add3A_1070, %dma_wait3A_1661, %multiple_of3A_1068] : memref<17x16x100000xf32, #tpu.memory_space<hbm>> -> memref<1x16x128xf32, #tpu.memory_space<hbm>>
    %dma_wait3A_1663 = tpu.memref_squeeze %dma_wait3A_1662 : memref<1x16x128xf32, #tpu.memory_space<hbm>> -> memref<16x128xf32, #tpu.memory_space<hbm>>
    tpu.wait_dma2 semaphore(%arg24 : memref<!tpu.dma_semaphore, #tpu.memory_space<semaphore_mem>>) src(%dma_wait3A_1663 : memref<16x128xf32, #tpu.memory_space<hbm>>) dst(%dma_wait3A_1660 : memref<16x128xf32, #tpu.memory_space<vmem>>)
    %dma_wait3A_1664 = arith.constant 18 : i32
    %dma_wait3A_1665 = arith.constant 0 : i32
    %dma_wait3A_1666 = arith.constant 0 : i32
    %dma_wait3A_1667 = tpu.memref_slice %arg20[%dma_wait3A_1664, %dma_wait3A_1665, %dma_wait3A_1666] : memref<32x16x128xf32, #tpu.memory_space<vmem>> -> memref<1x16x128xf32, #tpu.memory_space<vmem>>
    %dma_wait3A_1668 = tpu.memref_squeeze %dma_wait3A_1667 : memref<1x16x128xf32, #tpu.memory_space<vmem>> -> memref<16x128xf32, #tpu.memory_space<vmem>>
    %dma_wait3A_1669 = arith.constant 0 : i32
    %dma_wait3A_1670 = tpu.memref_slice %arg6[%add3A_1092, %dma_wait3A_1669, %multiple_of3A_1090] : memref<17x16x100000xf32, #tpu.memory_space<hbm>> -> memref<1x16x128xf32, #tpu.memory_space<hbm>>
    %dma_wait3A_1671 = tpu.memref_squeeze %dma_wait3A_1670 : memref<1x16x128xf32, #tpu.memory_space<hbm>> -> memref<16x128xf32, #tpu.memory_space<hbm>>
    %dma_wait3A_1672 = arith.constant 0 : i32
    %dma_wait3A_1673 = arith.constant 0 : i32
    %dma_wait3A_1674 = tpu.memref_slice %arg20[%dma_wait3A_1664, %dma_wait3A_1672, %dma_wait3A_1673] : memref<32x16x128xf32, #tpu.memory_space<vmem>> -> memref<1x16x128xf32, #tpu.memory_space<vmem>>
    %dma_wait3A_1675 = tpu.memref_squeeze %dma_wait3A_1674 : memref<1x16x128xf32, #tpu.memory_space<vmem>> -> memref<16x128xf32, #tpu.memory_space<vmem>>
    %dma_wait3A_1676 = arith.constant 0 : i32
    %dma_wait3A_1677 = tpu.memref_slice %arg6[%add3A_1092, %dma_wait3A_1676, %multiple_of3A_1090] : memref<17x16x100000xf32, #tpu.memory_space<hbm>> -> memref<1x16x128xf32, #tpu.memory_space<hbm>>
    %dma_wait3A_1678 = tpu.memref_squeeze %dma_wait3A_1677 : memref<1x16x128xf32, #tpu.memory_space<hbm>> -> memref<16x128xf32, #tpu.memory_space<hbm>>
    tpu.wait_dma2 semaphore(%arg24 : memref<!tpu.dma_semaphore, #tpu.memory_space<semaphore_mem>>) src(%dma_wait3A_1678 : memref<16x128xf32, #tpu.memory_space<hbm>>) dst(%dma_wait3A_1675 : memref<16x128xf32, #tpu.memory_space<vmem>>)
    %dma_wait3A_1679 = arith.constant 19 : i32
    %dma_wait3A_1680 = arith.constant 0 : i32
    %dma_wait3A_1681 = arith.constant 0 : i32
    %dma_wait3A_1682 = tpu.memref_slice %arg20[%dma_wait3A_1679, %dma_wait3A_1680, %dma_wait3A_1681] : memref<32x16x128xf32, #tpu.memory_space<vmem>> -> memref<1x16x128xf32, #tpu.memory_space<vmem>>
    %dma_wait3A_1683 = tpu.memref_squeeze %dma_wait3A_1682 : memref<1x16x128xf32, #tpu.memory_space<vmem>> -> memref<16x128xf32, #tpu.memory_space<vmem>>
    %dma_wait3A_1684 = arith.constant 0 : i32
    %dma_wait3A_1685 = tpu.memref_slice %arg6[%add3A_1114, %dma_wait3A_1684, %multiple_of3A_1112] : memref<17x16x100000xf32, #tpu.memory_space<hbm>> -> memref<1x16x128xf32, #tpu.memory_space<hbm>>
    %dma_wait3A_1686 = tpu.memref_squeeze %dma_wait3A_1685 : memref<1x16x128xf32, #tpu.memory_space<hbm>> -> memref<16x128xf32, #tpu.memory_space<hbm>>
    %dma_wait3A_1687 = arith.constant 0 : i32
    %dma_wait3A_1688 = arith.constant 0 : i32
    %dma_wait3A_1689 = tpu.memref_slice %arg20[%dma_wait3A_1679, %dma_wait3A_1687, %dma_wait3A_1688] : memref<32x16x128xf32, #tpu.memory_space<vmem>> -> memref<1x16x128xf32, #tpu.memory_space<vmem>>
    %dma_wait3A_1690 = tpu.memref_squeeze %dma_wait3A_1689 : memref<1x16x128xf32, #tpu.memory_space<vmem>> -> memref<16x128xf32, #tpu.memory_space<vmem>>
    %dma_wait3A_1691 = arith.constant 0 : i32
    %dma_wait3A_1692 = tpu.memref_slice %arg6[%add3A_1114, %dma_wait3A_1691, %multiple_of3A_1112] : memref<17x16x100000xf32, #tpu.memory_space<hbm>> -> memref<1x16x128xf32, #tpu.memory_space<hbm>>
    %dma_wait3A_1693 = tpu.memref_squeeze %dma_wait3A_1692 : memref<1x16x128xf32, #tpu.memory_space<hbm>> -> memref<16x128xf32, #tpu.memory_space<hbm>>
    tpu.wait_dma2 semaphore(%arg24 : memref<!tpu.dma_semaphore, #tpu.memory_space<semaphore_mem>>) src(%dma_wait3A_1693 : memref<16x128xf32, #tpu.memory_space<hbm>>) dst(%dma_wait3A_1690 : memref<16x128xf32, #tpu.memory_space<vmem>>)
    %dma_wait3A_1694 = arith.constant 20 : i32
    %dma_wait3A_1695 = arith.constant 0 : i32
    %dma_wait3A_1696 = arith.constant 0 : i32
    %dma_wait3A_1697 = tpu.memref_slice %arg20[%dma_wait3A_1694, %dma_wait3A_1695, %dma_wait3A_1696] : memref<32x16x128xf32, #tpu.memory_space<vmem>> -> memref<1x16x128xf32, #tpu.memory_space<vmem>>
    %dma_wait3A_1698 = tpu.memref_squeeze %dma_wait3A_1697 : memref<1x16x128xf32, #tpu.memory_space<vmem>> -> memref<16x128xf32, #tpu.memory_space<vmem>>
    %dma_wait3A_1699 = arith.constant 0 : i32
    %dma_wait3A_1700 = tpu.memref_slice %arg6[%add3A_1136, %dma_wait3A_1699, %multiple_of3A_1134] : memref<17x16x100000xf32, #tpu.memory_space<hbm>> -> memref<1x16x128xf32, #tpu.memory_space<hbm>>
    %dma_wait3A_1701 = tpu.memref_squeeze %dma_wait3A_1700 : memref<1x16x128xf32, #tpu.memory_space<hbm>> -> memref<16x128xf32, #tpu.memory_space<hbm>>
    %dma_wait3A_1702 = arith.constant 0 : i32
    %dma_wait3A_1703 = arith.constant 0 : i32
    %dma_wait3A_1704 = tpu.memref_slice %arg20[%dma_wait3A_1694, %dma_wait3A_1702, %dma_wait3A_1703] : memref<32x16x128xf32, #tpu.memory_space<vmem>> -> memref<1x16x128xf32, #tpu.memory_space<vmem>>
    %dma_wait3A_1705 = tpu.memref_squeeze %dma_wait3A_1704 : memref<1x16x128xf32, #tpu.memory_space<vmem>> -> memref<16x128xf32, #tpu.memory_space<vmem>>
    %dma_wait3A_1706 = arith.constant 0 : i32
    %dma_wait3A_1707 = tpu.memref_slice %arg6[%add3A_1136, %dma_wait3A_1706, %multiple_of3A_1134] : memref<17x16x100000xf32, #tpu.memory_space<hbm>> -> memref<1x16x128xf32, #tpu.memory_space<hbm>>
    %dma_wait3A_1708 = tpu.memref_squeeze %dma_wait3A_1707 : memref<1x16x128xf32, #tpu.memory_space<hbm>> -> memref<16x128xf32, #tpu.memory_space<hbm>>
    tpu.wait_dma2 semaphore(%arg24 : memref<!tpu.dma_semaphore, #tpu.memory_space<semaphore_mem>>) src(%dma_wait3A_1708 : memref<16x128xf32, #tpu.memory_space<hbm>>) dst(%dma_wait3A_1705 : memref<16x128xf32, #tpu.memory_space<vmem>>)
    %dma_wait3A_1709 = arith.constant 21 : i32
    %dma_wait3A_1710 = arith.constant 0 : i32
    %dma_wait3A_1711 = arith.constant 0 : i32
    %dma_wait3A_1712 = tpu.memref_slice %arg20[%dma_wait3A_1709, %dma_wait3A_1710, %dma_wait3A_1711] : memref<32x16x128xf32, #tpu.memory_space<vmem>> -> memref<1x16x128xf32, #tpu.memory_space<vmem>>
    %dma_wait3A_1713 = tpu.memref_squeeze %dma_wait3A_1712 : memref<1x16x128xf32, #tpu.memory_space<vmem>> -> memref<16x128xf32, #tpu.memory_space<vmem>>
    %dma_wait3A_1714 = arith.constant 0 : i32
    %dma_wait3A_1715 = tpu.memref_slice %arg6[%add3A_1158, %dma_wait3A_1714, %multiple_of3A_1156] : memref<17x16x100000xf32, #tpu.memory_space<hbm>> -> memref<1x16x128xf32, #tpu.memory_space<hbm>>
    %dma_wait3A_1716 = tpu.memref_squeeze %dma_wait3A_1715 : memref<1x16x128xf32, #tpu.memory_space<hbm>> -> memref<16x128xf32, #tpu.memory_space<hbm>>
    %dma_wait3A_1717 = arith.constant 0 : i32
    %dma_wait3A_1718 = arith.constant 0 : i32
    %dma_wait3A_1719 = tpu.memref_slice %arg20[%dma_wait3A_1709, %dma_wait3A_1717, %dma_wait3A_1718] : memref<32x16x128xf32, #tpu.memory_space<vmem>> -> memref<1x16x128xf32, #tpu.memory_space<vmem>>
    %dma_wait3A_1720 = tpu.memref_squeeze %dma_wait3A_1719 : memref<1x16x128xf32, #tpu.memory_space<vmem>> -> memref<16x128xf32, #tpu.memory_space<vmem>>
    %dma_wait3A_1721 = arith.constant 0 : i32
    %dma_wait3A_1722 = tpu.memref_slice %arg6[%add3A_1158, %dma_wait3A_1721, %multiple_of3A_1156] : memref<17x16x100000xf32, #tpu.memory_space<hbm>> -> memref<1x16x128xf32, #tpu.memory_space<hbm>>
    %dma_wait3A_1723 = tpu.memref_squeeze %dma_wait3A_1722 : memref<1x16x128xf32, #tpu.memory_space<hbm>> -> memref<16x128xf32, #tpu.memory_space<hbm>>
    tpu.wait_dma2 semaphore(%arg24 : memref<!tpu.dma_semaphore, #tpu.memory_space<semaphore_mem>>) src(%dma_wait3A_1723 : memref<16x128xf32, #tpu.memory_space<hbm>>) dst(%dma_wait3A_1720 : memref<16x128xf32, #tpu.memory_space<vmem>>)
    %dma_wait3A_1724 = arith.constant 22 : i32
    %dma_wait3A_1725 = arith.constant 0 : i32
    %dma_wait3A_1726 = arith.constant 0 : i32
    %dma_wait3A_1727 = tpu.memref_slice %arg20[%dma_wait3A_1724, %dma_wait3A_1725, %dma_wait3A_1726] : memref<32x16x128xf32, #tpu.memory_space<vmem>> -> memref<1x16x128xf32, #tpu.memory_space<vmem>>
    %dma_wait3A_1728 = tpu.memref_squeeze %dma_wait3A_1727 : memref<1x16x128xf32, #tpu.memory_space<vmem>> -> memref<16x128xf32, #tpu.memory_space<vmem>>
    %dma_wait3A_1729 = arith.constant 0 : i32
    %dma_wait3A_1730 = tpu.memref_slice %arg6[%add3A_1180, %dma_wait3A_1729, %multiple_of3A_1178] : memref<17x16x100000xf32, #tpu.memory_space<hbm>> -> memref<1x16x128xf32, #tpu.memory_space<hbm>>
    %dma_wait3A_1731 = tpu.memref_squeeze %dma_wait3A_1730 : memref<1x16x128xf32, #tpu.memory_space<hbm>> -> memref<16x128xf32, #tpu.memory_space<hbm>>
    %dma_wait3A_1732 = arith.constant 0 : i32
    %dma_wait3A_1733 = arith.constant 0 : i32
    %dma_wait3A_1734 = tpu.memref_slice %arg20[%dma_wait3A_1724, %dma_wait3A_1732, %dma_wait3A_1733] : memref<32x16x128xf32, #tpu.memory_space<vmem>> -> memref<1x16x128xf32, #tpu.memory_space<vmem>>
    %dma_wait3A_1735 = tpu.memref_squeeze %dma_wait3A_1734 : memref<1x16x128xf32, #tpu.memory_space<vmem>> -> memref<16x128xf32, #tpu.memory_space<vmem>>
    %dma_wait3A_1736 = arith.constant 0 : i32
    %dma_wait3A_1737 = tpu.memref_slice %arg6[%add3A_1180, %dma_wait3A_1736, %multiple_of3A_1178] : memref<17x16x100000xf32, #tpu.memory_space<hbm>> -> memref<1x16x128xf32, #tpu.memory_space<hbm>>
    %dma_wait3A_1738 = tpu.memref_squeeze %dma_wait3A_1737 : memref<1x16x128xf32, #tpu.memory_space<hbm>> -> memref<16x128xf32, #tpu.memory_space<hbm>>
    tpu.wait_dma2 semaphore(%arg24 : memref<!tpu.dma_semaphore, #tpu.memory_space<semaphore_mem>>) src(%dma_wait3A_1738 : memref<16x128xf32, #tpu.memory_space<hbm>>) dst(%dma_wait3A_1735 : memref<16x128xf32, #tpu.memory_space<vmem>>)
    %dma_wait3A_1739 = arith.constant 23 : i32
    %dma_wait3A_1740 = arith.constant 0 : i32
    %dma_wait3A_1741 = arith.constant 0 : i32
    %dma_wait3A_1742 = tpu.memref_slice %arg20[%dma_wait3A_1739, %dma_wait3A_1740, %dma_wait3A_1741] : memref<32x16x128xf32, #tpu.memory_space<vmem>> -> memref<1x16x128xf32, #tpu.memory_space<vmem>>
    %dma_wait3A_1743 = tpu.memref_squeeze %dma_wait3A_1742 : memref<1x16x128xf32, #tpu.memory_space<vmem>> -> memref<16x128xf32, #tpu.memory_space<vmem>>
    %dma_wait3A_1744 = arith.constant 0 : i32
    %dma_wait3A_1745 = tpu.memref_slice %arg6[%add3A_1202, %dma_wait3A_1744, %multiple_of3A_1200] : memref<17x16x100000xf32, #tpu.memory_space<hbm>> -> memref<1x16x128xf32, #tpu.memory_space<hbm>>
    %dma_wait3A_1746 = tpu.memref_squeeze %dma_wait3A_1745 : memref<1x16x128xf32, #tpu.memory_space<hbm>> -> memref<16x128xf32, #tpu.memory_space<hbm>>
    %dma_wait3A_1747 = arith.constant 0 : i32
    %dma_wait3A_1748 = arith.constant 0 : i32
    %dma_wait3A_1749 = tpu.memref_slice %arg20[%dma_wait3A_1739, %dma_wait3A_1747, %dma_wait3A_1748] : memref<32x16x128xf32, #tpu.memory_space<vmem>> -> memref<1x16x128xf32, #tpu.memory_space<vmem>>
    %dma_wait3A_1750 = tpu.memref_squeeze %dma_wait3A_1749 : memref<1x16x128xf32, #tpu.memory_space<vmem>> -> memref<16x128xf32, #tpu.memory_space<vmem>>
    %dma_wait3A_1751 = arith.constant 0 : i32
    %dma_wait3A_1752 = tpu.memref_slice %arg6[%add3A_1202, %dma_wait3A_1751, %multiple_of3A_1200] : memref<17x16x100000xf32, #tpu.memory_space<hbm>> -> memref<1x16x128xf32, #tpu.memory_space<hbm>>
    %dma_wait3A_1753 = tpu.memref_squeeze %dma_wait3A_1752 : memref<1x16x128xf32, #tpu.memory_space<hbm>> -> memref<16x128xf32, #tpu.memory_space<hbm>>
    tpu.wait_dma2 semaphore(%arg24 : memref<!tpu.dma_semaphore, #tpu.memory_space<semaphore_mem>>) src(%dma_wait3A_1753 : memref<16x128xf32, #tpu.memory_space<hbm>>) dst(%dma_wait3A_1750 : memref<16x128xf32, #tpu.memory_space<vmem>>)
    %dma_wait3A_1754 = arith.constant 24 : i32
    %dma_wait3A_1755 = arith.constant 0 : i32
    %dma_wait3A_1756 = arith.constant 0 : i32
    %dma_wait3A_1757 = tpu.memref_slice %arg20[%dma_wait3A_1754, %dma_wait3A_1755, %dma_wait3A_1756] : memref<32x16x128xf32, #tpu.memory_space<vmem>> -> memref<1x16x128xf32, #tpu.memory_space<vmem>>
    %dma_wait3A_1758 = tpu.memref_squeeze %dma_wait3A_1757 : memref<1x16x128xf32, #tpu.memory_space<vmem>> -> memref<16x128xf32, #tpu.memory_space<vmem>>
    %dma_wait3A_1759 = arith.constant 0 : i32
    %dma_wait3A_1760 = tpu.memref_slice %arg6[%add3A_1224, %dma_wait3A_1759, %multiple_of3A_1222] : memref<17x16x100000xf32, #tpu.memory_space<hbm>> -> memref<1x16x128xf32, #tpu.memory_space<hbm>>
    %dma_wait3A_1761 = tpu.memref_squeeze %dma_wait3A_1760 : memref<1x16x128xf32, #tpu.memory_space<hbm>> -> memref<16x128xf32, #tpu.memory_space<hbm>>
    %dma_wait3A_1762 = arith.constant 0 : i32
    %dma_wait3A_1763 = arith.constant 0 : i32
    %dma_wait3A_1764 = tpu.memref_slice %arg20[%dma_wait3A_1754, %dma_wait3A_1762, %dma_wait3A_1763] : memref<32x16x128xf32, #tpu.memory_space<vmem>> -> memref<1x16x128xf32, #tpu.memory_space<vmem>>
    %dma_wait3A_1765 = tpu.memref_squeeze %dma_wait3A_1764 : memref<1x16x128xf32, #tpu.memory_space<vmem>> -> memref<16x128xf32, #tpu.memory_space<vmem>>
    %dma_wait3A_1766 = arith.constant 0 : i32
    %dma_wait3A_1767 = tpu.memref_slice %arg6[%add3A_1224, %dma_wait3A_1766, %multiple_of3A_1222] : memref<17x16x100000xf32, #tpu.memory_space<hbm>> -> memref<1x16x128xf32, #tpu.memory_space<hbm>>
    %dma_wait3A_1768 = tpu.memref_squeeze %dma_wait3A_1767 : memref<1x16x128xf32, #tpu.memory_space<hbm>> -> memref<16x128xf32, #tpu.memory_space<hbm>>
    tpu.wait_dma2 semaphore(%arg24 : memref<!tpu.dma_semaphore, #tpu.memory_space<semaphore_mem>>) src(%dma_wait3A_1768 : memref<16x128xf32, #tpu.memory_space<hbm>>) dst(%dma_wait3A_1765 : memref<16x128xf32, #tpu.memory_space<vmem>>)
    %dma_wait3A_1769 = arith.constant 25 : i32
    %dma_wait3A_1770 = arith.constant 0 : i32
    %dma_wait3A_1771 = arith.constant 0 : i32
    %dma_wait3A_1772 = tpu.memref_slice %arg20[%dma_wait3A_1769, %dma_wait3A_1770, %dma_wait3A_1771] : memref<32x16x128xf32, #tpu.memory_space<vmem>> -> memref<1x16x128xf32, #tpu.memory_space<vmem>>
    %dma_wait3A_1773 = tpu.memref_squeeze %dma_wait3A_1772 : memref<1x16x128xf32, #tpu.memory_space<vmem>> -> memref<16x128xf32, #tpu.memory_space<vmem>>
    %dma_wait3A_1774 = arith.constant 0 : i32
    %dma_wait3A_1775 = tpu.memref_slice %arg6[%add3A_1246, %dma_wait3A_1774, %multiple_of3A_1244] : memref<17x16x100000xf32, #tpu.memory_space<hbm>> -> memref<1x16x128xf32, #tpu.memory_space<hbm>>
    %dma_wait3A_1776 = tpu.memref_squeeze %dma_wait3A_1775 : memref<1x16x128xf32, #tpu.memory_space<hbm>> -> memref<16x128xf32, #tpu.memory_space<hbm>>
    %dma_wait3A_1777 = arith.constant 0 : i32
    %dma_wait3A_1778 = arith.constant 0 : i32
    %dma_wait3A_1779 = tpu.memref_slice %arg20[%dma_wait3A_1769, %dma_wait3A_1777, %dma_wait3A_1778] : memref<32x16x128xf32, #tpu.memory_space<vmem>> -> memref<1x16x128xf32, #tpu.memory_space<vmem>>
    %dma_wait3A_1780 = tpu.memref_squeeze %dma_wait3A_1779 : memref<1x16x128xf32, #tpu.memory_space<vmem>> -> memref<16x128xf32, #tpu.memory_space<vmem>>
    %dma_wait3A_1781 = arith.constant 0 : i32
    %dma_wait3A_1782 = tpu.memref_slice %arg6[%add3A_1246, %dma_wait3A_1781, %multiple_of3A_1244] : memref<17x16x100000xf32, #tpu.memory_space<hbm>> -> memref<1x16x128xf32, #tpu.memory_space<hbm>>
    %dma_wait3A_1783 = tpu.memref_squeeze %dma_wait3A_1782 : memref<1x16x128xf32, #tpu.memory_space<hbm>> -> memref<16x128xf32, #tpu.memory_space<hbm>>
    tpu.wait_dma2 semaphore(%arg24 : memref<!tpu.dma_semaphore, #tpu.memory_space<semaphore_mem>>) src(%dma_wait3A_1783 : memref<16x128xf32, #tpu.memory_space<hbm>>) dst(%dma_wait3A_1780 : memref<16x128xf32, #tpu.memory_space<vmem>>)
    %dma_wait3A_1784 = arith.constant 26 : i32
    %dma_wait3A_1785 = arith.constant 0 : i32
    %dma_wait3A_1786 = arith.constant 0 : i32
    %dma_wait3A_1787 = tpu.memref_slice %arg20[%dma_wait3A_1784, %dma_wait3A_1785, %dma_wait3A_1786] : memref<32x16x128xf32, #tpu.memory_space<vmem>> -> memref<1x16x128xf32, #tpu.memory_space<vmem>>
    %dma_wait3A_1788 = tpu.memref_squeeze %dma_wait3A_1787 : memref<1x16x128xf32, #tpu.memory_space<vmem>> -> memref<16x128xf32, #tpu.memory_space<vmem>>
    %dma_wait3A_1789 = arith.constant 0 : i32
    %dma_wait3A_1790 = tpu.memref_slice %arg6[%add3A_1268, %dma_wait3A_1789, %multiple_of3A_1266] : memref<17x16x100000xf32, #tpu.memory_space<hbm>> -> memref<1x16x128xf32, #tpu.memory_space<hbm>>
    %dma_wait3A_1791 = tpu.memref_squeeze %dma_wait3A_1790 : memref<1x16x128xf32, #tpu.memory_space<hbm>> -> memref<16x128xf32, #tpu.memory_space<hbm>>
    %dma_wait3A_1792 = arith.constant 0 : i32
    %dma_wait3A_1793 = arith.constant 0 : i32
    %dma_wait3A_1794 = tpu.memref_slice %arg20[%dma_wait3A_1784, %dma_wait3A_1792, %dma_wait3A_1793] : memref<32x16x128xf32, #tpu.memory_space<vmem>> -> memref<1x16x128xf32, #tpu.memory_space<vmem>>
    %dma_wait3A_1795 = tpu.memref_squeeze %dma_wait3A_1794 : memref<1x16x128xf32, #tpu.memory_space<vmem>> -> memref<16x128xf32, #tpu.memory_space<vmem>>
    %dma_wait3A_1796 = arith.constant 0 : i32
    %dma_wait3A_1797 = tpu.memref_slice %arg6[%add3A_1268, %dma_wait3A_1796, %multiple_of3A_1266] : memref<17x16x100000xf32, #tpu.memory_space<hbm>> -> memref<1x16x128xf32, #tpu.memory_space<hbm>>
    %dma_wait3A_1798 = tpu.memref_squeeze %dma_wait3A_1797 : memref<1x16x128xf32, #tpu.memory_space<hbm>> -> memref<16x128xf32, #tpu.memory_space<hbm>>
    tpu.wait_dma2 semaphore(%arg24 : memref<!tpu.dma_semaphore, #tpu.memory_space<semaphore_mem>>) src(%dma_wait3A_1798 : memref<16x128xf32, #tpu.memory_space<hbm>>) dst(%dma_wait3A_1795 : memref<16x128xf32, #tpu.memory_space<vmem>>)
    %dma_wait3A_1799 = arith.constant 27 : i32
    %dma_wait3A_1800 = arith.constant 0 : i32
    %dma_wait3A_1801 = arith.constant 0 : i32
    %dma_wait3A_1802 = tpu.memref_slice %arg20[%dma_wait3A_1799, %dma_wait3A_1800, %dma_wait3A_1801] : memref<32x16x128xf32, #tpu.memory_space<vmem>> -> memref<1x16x128xf32, #tpu.memory_space<vmem>>
    %dma_wait3A_1803 = tpu.memref_squeeze %dma_wait3A_1802 : memref<1x16x128xf32, #tpu.memory_space<vmem>> -> memref<16x128xf32, #tpu.memory_space<vmem>>
    %dma_wait3A_1804 = arith.constant 0 : i32
    %dma_wait3A_1805 = tpu.memref_slice %arg6[%add3A_1290, %dma_wait3A_1804, %multiple_of3A_1288] : memref<17x16x100000xf32, #tpu.memory_space<hbm>> -> memref<1x16x128xf32, #tpu.memory_space<hbm>>
    %dma_wait3A_1806 = tpu.memref_squeeze %dma_wait3A_1805 : memref<1x16x128xf32, #tpu.memory_space<hbm>> -> memref<16x128xf32, #tpu.memory_space<hbm>>
    %dma_wait3A_1807 = arith.constant 0 : i32
    %dma_wait3A_1808 = arith.constant 0 : i32
    %dma_wait3A_1809 = tpu.memref_slice %arg20[%dma_wait3A_1799, %dma_wait3A_1807, %dma_wait3A_1808] : memref<32x16x128xf32, #tpu.memory_space<vmem>> -> memref<1x16x128xf32, #tpu.memory_space<vmem>>
    %dma_wait3A_1810 = tpu.memref_squeeze %dma_wait3A_1809 : memref<1x16x128xf32, #tpu.memory_space<vmem>> -> memref<16x128xf32, #tpu.memory_space<vmem>>
    %dma_wait3A_1811 = arith.constant 0 : i32
    %dma_wait3A_1812 = tpu.memref_slice %arg6[%add3A_1290, %dma_wait3A_1811, %multiple_of3A_1288] : memref<17x16x100000xf32, #tpu.memory_space<hbm>> -> memref<1x16x128xf32, #tpu.memory_space<hbm>>
    %dma_wait3A_1813 = tpu.memref_squeeze %dma_wait3A_1812 : memref<1x16x128xf32, #tpu.memory_space<hbm>> -> memref<16x128xf32, #tpu.memory_space<hbm>>
    tpu.wait_dma2 semaphore(%arg24 : memref<!tpu.dma_semaphore, #tpu.memory_space<semaphore_mem>>) src(%dma_wait3A_1813 : memref<16x128xf32, #tpu.memory_space<hbm>>) dst(%dma_wait3A_1810 : memref<16x128xf32, #tpu.memory_space<vmem>>)
    %dma_wait3A_1814 = arith.constant 28 : i32
    %dma_wait3A_1815 = arith.constant 0 : i32
    %dma_wait3A_1816 = arith.constant 0 : i32
    %dma_wait3A_1817 = tpu.memref_slice %arg20[%dma_wait3A_1814, %dma_wait3A_1815, %dma_wait3A_1816] : memref<32x16x128xf32, #tpu.memory_space<vmem>> -> memref<1x16x128xf32, #tpu.memory_space<vmem>>
    %dma_wait3A_1818 = tpu.memref_squeeze %dma_wait3A_1817 : memref<1x16x128xf32, #tpu.memory_space<vmem>> -> memref<16x128xf32, #tpu.memory_space<vmem>>
    %dma_wait3A_1819 = arith.constant 0 : i32
    %dma_wait3A_1820 = tpu.memref_slice %arg6[%add3A_1312, %dma_wait3A_1819, %multiple_of3A_1310] : memref<17x16x100000xf32, #tpu.memory_space<hbm>> -> memref<1x16x128xf32, #tpu.memory_space<hbm>>
    %dma_wait3A_1821 = tpu.memref_squeeze %dma_wait3A_1820 : memref<1x16x128xf32, #tpu.memory_space<hbm>> -> memref<16x128xf32, #tpu.memory_space<hbm>>
    %dma_wait3A_1822 = arith.constant 0 : i32
    %dma_wait3A_1823 = arith.constant 0 : i32
    %dma_wait3A_1824 = tpu.memref_slice %arg20[%dma_wait3A_1814, %dma_wait3A_1822, %dma_wait3A_1823] : memref<32x16x128xf32, #tpu.memory_space<vmem>> -> memref<1x16x128xf32, #tpu.memory_space<vmem>>
    %dma_wait3A_1825 = tpu.memref_squeeze %dma_wait3A_1824 : memref<1x16x128xf32, #tpu.memory_space<vmem>> -> memref<16x128xf32, #tpu.memory_space<vmem>>
    %dma_wait3A_1826 = arith.constant 0 : i32
    %dma_wait3A_1827 = tpu.memref_slice %arg6[%add3A_1312, %dma_wait3A_1826, %multiple_of3A_1310] : memref<17x16x100000xf32, #tpu.memory_space<hbm>> -> memref<1x16x128xf32, #tpu.memory_space<hbm>>
    %dma_wait3A_1828 = tpu.memref_squeeze %dma_wait3A_1827 : memref<1x16x128xf32, #tpu.memory_space<hbm>> -> memref<16x128xf32, #tpu.memory_space<hbm>>
    tpu.wait_dma2 semaphore(%arg24 : memref<!tpu.dma_semaphore, #tpu.memory_space<semaphore_mem>>) src(%dma_wait3A_1828 : memref<16x128xf32, #tpu.memory_space<hbm>>) dst(%dma_wait3A_1825 : memref<16x128xf32, #tpu.memory_space<vmem>>)
    %dma_wait3A_1829 = arith.constant 29 : i32
    %dma_wait3A_1830 = arith.constant 0 : i32
    %dma_wait3A_1831 = arith.constant 0 : i32
    %dma_wait3A_1832 = tpu.memref_slice %arg20[%dma_wait3A_1829, %dma_wait3A_1830, %dma_wait3A_1831] : memref<32x16x128xf32, #tpu.memory_space<vmem>> -> memref<1x16x128xf32, #tpu.memory_space<vmem>>
    %dma_wait3A_1833 = tpu.memref_squeeze %dma_wait3A_1832 : memref<1x16x128xf32, #tpu.memory_space<vmem>> -> memref<16x128xf32, #tpu.memory_space<vmem>>
    %dma_wait3A_1834 = arith.constant 0 : i32
    %dma_wait3A_1835 = tpu.memref_slice %arg6[%add3A_1334, %dma_wait3A_1834, %multiple_of3A_1332] : memref<17x16x100000xf32, #tpu.memory_space<hbm>> -> memref<1x16x128xf32, #tpu.memory_space<hbm>>
    %dma_wait3A_1836 = tpu.memref_squeeze %dma_wait3A_1835 : memref<1x16x128xf32, #tpu.memory_space<hbm>> -> memref<16x128xf32, #tpu.memory_space<hbm>>
    %dma_wait3A_1837 = arith.constant 0 : i32
    %dma_wait3A_1838 = arith.constant 0 : i32
    %dma_wait3A_1839 = tpu.memref_slice %arg20[%dma_wait3A_1829, %dma_wait3A_1837, %dma_wait3A_1838] : memref<32x16x128xf32, #tpu.memory_space<vmem>> -> memref<1x16x128xf32, #tpu.memory_space<vmem>>
    %dma_wait3A_1840 = tpu.memref_squeeze %dma_wait3A_1839 : memref<1x16x128xf32, #tpu.memory_space<vmem>> -> memref<16x128xf32, #tpu.memory_space<vmem>>
    %dma_wait3A_1841 = arith.constant 0 : i32
    %dma_wait3A_1842 = tpu.memref_slice %arg6[%add3A_1334, %dma_wait3A_1841, %multiple_of3A_1332] : memref<17x16x100000xf32, #tpu.memory_space<hbm>> -> memref<1x16x128xf32, #tpu.memory_space<hbm>>
    %dma_wait3A_1843 = tpu.memref_squeeze %dma_wait3A_1842 : memref<1x16x128xf32, #tpu.memory_space<hbm>> -> memref<16x128xf32, #tpu.memory_space<hbm>>
    tpu.wait_dma2 semaphore(%arg24 : memref<!tpu.dma_semaphore, #tpu.memory_space<semaphore_mem>>) src(%dma_wait3A_1843 : memref<16x128xf32, #tpu.memory_space<hbm>>) dst(%dma_wait3A_1840 : memref<16x128xf32, #tpu.memory_space<vmem>>)
    %dma_wait3A_1844 = arith.constant 30 : i32
    %dma_wait3A_1845 = arith.constant 0 : i32
    %dma_wait3A_1846 = arith.constant 0 : i32
    %dma_wait3A_1847 = tpu.memref_slice %arg20[%dma_wait3A_1844, %dma_wait3A_1845, %dma_wait3A_1846] : memref<32x16x128xf32, #tpu.memory_space<vmem>> -> memref<1x16x128xf32, #tpu.memory_space<vmem>>
    %dma_wait3A_1848 = tpu.memref_squeeze %dma_wait3A_1847 : memref<1x16x128xf32, #tpu.memory_space<vmem>> -> memref<16x128xf32, #tpu.memory_space<vmem>>
    %dma_wait3A_1849 = arith.constant 0 : i32
    %dma_wait3A_1850 = tpu.memref_slice %arg6[%add3A_1356, %dma_wait3A_1849, %multiple_of3A_1354] : memref<17x16x100000xf32, #tpu.memory_space<hbm>> -> memref<1x16x128xf32, #tpu.memory_space<hbm>>
    %dma_wait3A_1851 = tpu.memref_squeeze %dma_wait3A_1850 : memref<1x16x128xf32, #tpu.memory_space<hbm>> -> memref<16x128xf32, #tpu.memory_space<hbm>>
    %dma_wait3A_1852 = arith.constant 0 : i32
    %dma_wait3A_1853 = arith.constant 0 : i32
    %dma_wait3A_1854 = tpu.memref_slice %arg20[%dma_wait3A_1844, %dma_wait3A_1852, %dma_wait3A_1853] : memref<32x16x128xf32, #tpu.memory_space<vmem>> -> memref<1x16x128xf32, #tpu.memory_space<vmem>>
    %dma_wait3A_1855 = tpu.memref_squeeze %dma_wait3A_1854 : memref<1x16x128xf32, #tpu.memory_space<vmem>> -> memref<16x128xf32, #tpu.memory_space<vmem>>
    %dma_wait3A_1856 = arith.constant 0 : i32
    %dma_wait3A_1857 = tpu.memref_slice %arg6[%add3A_1356, %dma_wait3A_1856, %multiple_of3A_1354] : memref<17x16x100000xf32, #tpu.memory_space<hbm>> -> memref<1x16x128xf32, #tpu.memory_space<hbm>>
    %dma_wait3A_1858 = tpu.memref_squeeze %dma_wait3A_1857 : memref<1x16x128xf32, #tpu.memory_space<hbm>> -> memref<16x128xf32, #tpu.memory_space<hbm>>
    tpu.wait_dma2 semaphore(%arg24 : memref<!tpu.dma_semaphore, #tpu.memory_space<semaphore_mem>>) src(%dma_wait3A_1858 : memref<16x128xf32, #tpu.memory_space<hbm>>) dst(%dma_wait3A_1855 : memref<16x128xf32, #tpu.memory_space<vmem>>)
    %dma_wait3A_1859 = arith.constant 31 : i32
    %dma_wait3A_1860 = arith.constant 0 : i32
    %dma_wait3A_1861 = arith.constant 0 : i32
    %dma_wait3A_1862 = tpu.memref_slice %arg20[%dma_wait3A_1859, %dma_wait3A_1860, %dma_wait3A_1861] : memref<32x16x128xf32, #tpu.memory_space<vmem>> -> memref<1x16x128xf32, #tpu.memory_space<vmem>>
    %dma_wait3A_1863 = tpu.memref_squeeze %dma_wait3A_1862 : memref<1x16x128xf32, #tpu.memory_space<vmem>> -> memref<16x128xf32, #tpu.memory_space<vmem>>
    %dma_wait3A_1864 = arith.constant 0 : i32
    %dma_wait3A_1865 = tpu.memref_slice %arg6[%add3A_1378, %dma_wait3A_1864, %multiple_of3A_1376] : memref<17x16x100000xf32, #tpu.memory_space<hbm>> -> memref<1x16x128xf32, #tpu.memory_space<hbm>>
    %dma_wait3A_1866 = tpu.memref_squeeze %dma_wait3A_1865 : memref<1x16x128xf32, #tpu.memory_space<hbm>> -> memref<16x128xf32, #tpu.memory_space<hbm>>
    %dma_wait3A_1867 = arith.constant 0 : i32
    %dma_wait3A_1868 = arith.constant 0 : i32
    %dma_wait3A_1869 = tpu.memref_slice %arg20[%dma_wait3A_1859, %dma_wait3A_1867, %dma_wait3A_1868] : memref<32x16x128xf32, #tpu.memory_space<vmem>> -> memref<1x16x128xf32, #tpu.memory_space<vmem>>
    %dma_wait3A_1870 = tpu.memref_squeeze %dma_wait3A_1869 : memref<1x16x128xf32, #tpu.memory_space<vmem>> -> memref<16x128xf32, #tpu.memory_space<vmem>>
    %dma_wait3A_1871 = arith.constant 0 : i32
    %dma_wait3A_1872 = tpu.memref_slice %arg6[%add3A_1378, %dma_wait3A_1871, %multiple_of3A_1376] : memref<17x16x100000xf32, #tpu.memory_space<hbm>> -> memref<1x16x128xf32, #tpu.memory_space<hbm>>
    %dma_wait3A_1873 = tpu.memref_squeeze %dma_wait3A_1872 : memref<1x16x128xf32, #tpu.memory_space<hbm>> -> memref<16x128xf32, #tpu.memory_space<hbm>>
    tpu.wait_dma2 semaphore(%arg24 : memref<!tpu.dma_semaphore, #tpu.memory_space<semaphore_mem>>) src(%dma_wait3A_1873 : memref<16x128xf32, #tpu.memory_space<hbm>>) dst(%dma_wait3A_1870 : memref<16x128xf32, #tpu.memory_space<vmem>>)
    %broadcast_in_dim3A_1874 = arith.constant 0 : i32
    %broadcast_in_dim3A_1875 = vector.broadcast %broadcast_in_dim3A_1874 : i32 to vector<16xi32>
    %scan3A_1876 = arith.constant 0 : i32
    %scan3A_1877 = arith.constant 0 : i32
    %scan3A_1878 = arith.constant 16 : i32
    %scan3A_1879 = arith.addi %scan3A_1877, %scan3A_1878 : i32
    %scan3A_1880 = arith.constant 1 : i32
    %scan3A_1881 = scf.for %scan3A_2111 = %scan3A_1877 to %scan3A_1879 step %scan3A_1880 iter_args(%scan3A_2112 = %scan3A_1876) -> (i32)  : i32 {
      %add3A_2113 = arith.constant 0 : i32
      %add3A_2114 = vector.broadcast %add3A_2113 : i32 to vector<16xi32>
      %add3A_2115 = arith.addi %iota3A, %add3A_2114 : vector<16xi32>
      %add3A_2116 = vector.broadcast %scan3A_2111 : i32 to vector<16xi32>
      %add3A_2117 = arith.addi %broadcast_in_dim3A_1875, %add3A_2116 : vector<16xi32>
      %gather3A = tpu.vector_load_idx %arg20[%add3A_2115, %add3A_2117, %and3A_689] : memref<32x16x128xf32, #tpu.memory_space<vmem>>[vector<16xi32>, vector<16xi32>, vector<16xi32>], vector<16xf32>,
      %mul3A_2118 = arith.constant 32 : i32
      %mul3A_2119 = arith.muli %scan3A_2111, %mul3A_2118 : i32
      %add3A_2120 = arith.constant 0 : i32
      %add3A_2121 = arith.addi %mul3A_2119, %add3A_2120 : i32
      %swap3A_2122 = arith.index_cast %add3A_2121 : i32 to index
      %swap3A_2123 = tpu.vector_load %arg21[%swap3A_2122] {strides = array<i32>} : memref<512xf32, #tpu.memory_space<vmem>>, vector<16xf32>,
      tpu.vector_store %arg21[%swap3A_2122], %gather3A {strides = array<i32>} : memref<512xf32, #tpu.memory_space<vmem>>, vector<16xf32>,
      %add3A_2124 = arith.constant 16 : i32
      %add3A_2125 = vector.broadcast %add3A_2124 : i32 to vector<16xi32>
      %add3A_2126 = arith.addi %iota3A, %add3A_2125 : vector<16xi32>
      %add3A_2127 = vector.broadcast %scan3A_2111 : i32 to vector<16xi32>
      %add3A_2128 = arith.addi %broadcast_in_dim3A_1875, %add3A_2127 : vector<16xi32>
      %gather3A_2129 = tpu.vector_load_idx %arg20[%add3A_2126, %add3A_2128, %and3A_692] : memref<32x16x128xf32, #tpu.memory_space<vmem>>[vector<16xi32>, vector<16xi32>, vector<16xi32>], vector<16xf32>,
      %mul3A_2130 = arith.constant 32 : i32
      %mul3A_2131 = arith.muli %scan3A_2111, %mul3A_2130 : i32
      %add3A_2132 = arith.constant 16 : i32
      %add3A_2133 = arith.addi %mul3A_2131, %add3A_2132 : i32
      %swap3A_2134 = arith.index_cast %add3A_2133 : i32 to index
      %swap3A_2135 = tpu.vector_load %arg21[%swap3A_2134] {strides = array<i32>} : memref<512xf32, #tpu.memory_space<vmem>>, vector<16xf32>,
      tpu.vector_store %arg21[%swap3A_2134], %gather3A_2129 {strides = array<i32>} : memref<512xf32, #tpu.memory_space<vmem>>, vector<16xf32>,
      %scan3A_2136 = arith.constant 0 : i32
      scf.yield %scan3A_2136 : i32
    }
    %scan3A_1882 = arith.constant 16 : i32
    %add3A_1883 = arith.constant 0 : i32
    %add3A_1884 = arith.addi %add3A_1883, %add3A : i32
    %dma_start3A_1885 = arith.constant 0 : i32
    %dma_start3A_1886 = tpu.memref_slice %arg21[%dma_start3A_1885] : memref<512xf32, #tpu.memory_space<vmem>> -> memref<32xf32, #tpu.memory_space<vmem>>
    %dma_start3A_1887 = tpu.memref_slice %arg9[%add3A_1884] : memref<16384xf32, #tpu.memory_space<hbm>> -> memref<32xf32, #tpu.memory_space<hbm>>
    %dma_start3A_1888 = tpu.memref_slice %arg9[%add3A_1884] : memref<16384xf32, #tpu.memory_space<hbm>> -> memref<32xf32, #tpu.memory_space<hbm>>
    %dma_start3A_1889 = arith.constant 0 : i32
    %dma_start3A_1890 = tpu.memref_slice %arg21[%dma_start3A_1889] : memref<512xf32, #tpu.memory_space<vmem>> -> memref<32xf32, #tpu.memory_space<vmem>>
    tpu.enqueue_dma source(%dma_start3A_1890 : memref<32xf32, #tpu.memory_space<vmem>>) target(%dma_start3A_1888 : memref<32xf32, #tpu.memory_space<hbm>>) target_semaphore(%arg24 : memref<!tpu.dma_semaphore, #tpu.memory_space<semaphore_mem>>)
    %add3A_1891 = arith.constant 1024 : i32
    %add3A_1892 = arith.addi %add3A_1891, %add3A : i32
    %dma_start3A_1893 = arith.constant 32 : i32
    %dma_start3A_1894 = tpu.memref_slice %arg21[%dma_start3A_1893] : memref<512xf32, #tpu.memory_space<vmem>> -> memref<32xf32, #tpu.memory_space<vmem>>
    %dma_start3A_1895 = tpu.memref_slice %arg9[%add3A_1892] : memref<16384xf32, #tpu.memory_space<hbm>> -> memref<32xf32, #tpu.memory_space<hbm>>
    %dma_start3A_1896 = tpu.memref_slice %arg9[%add3A_1892] : memref<16384xf32, #tpu.memory_space<hbm>> -> memref<32xf32, #tpu.memory_space<hbm>>
    %dma_start3A_1897 = arith.constant 32 : i32
    %dma_start3A_1898 = tpu.memref_slice %arg21[%dma_start3A_1897] : memref<512xf32, #tpu.memory_space<vmem>> -> memref<32xf32, #tpu.memory_space<vmem>>
    tpu.enqueue_dma source(%dma_start3A_1898 : memref<32xf32, #tpu.memory_space<vmem>>) target(%dma_start3A_1896 : memref<32xf32, #tpu.memory_space<hbm>>) target_semaphore(%arg24 : memref<!tpu.dma_semaphore, #tpu.memory_space<semaphore_mem>>)
    %add3A_1899 = arith.constant 2048 : i32
    %add3A_1900 = arith.addi %add3A_1899, %add3A : i32
    %dma_start3A_1901 = arith.constant 64 : i32
    %dma_start3A_1902 = tpu.memref_slice %arg21[%dma_start3A_1901] : memref<512xf32, #tpu.memory_space<vmem>> -> memref<32xf32, #tpu.memory_space<vmem>>
    %dma_start3A_1903 = tpu.memref_slice %arg9[%add3A_1900] : memref<16384xf32, #tpu.memory_space<hbm>> -> memref<32xf32, #tpu.memory_space<hbm>>
    %dma_start3A_1904 = tpu.memref_slice %arg9[%add3A_1900] : memref<16384xf32, #tpu.memory_space<hbm>> -> memref<32xf32, #tpu.memory_space<hbm>>
    %dma_start3A_1905 = arith.constant 64 : i32
    %dma_start3A_1906 = tpu.memref_slice %arg21[%dma_start3A_1905] : memref<512xf32, #tpu.memory_space<vmem>> -> memref<32xf32, #tpu.memory_space<vmem>>
    tpu.enqueue_dma source(%dma_start3A_1906 : memref<32xf32, #tpu.memory_space<vmem>>) target(%dma_start3A_1904 : memref<32xf32, #tpu.memory_space<hbm>>) target_semaphore(%arg24 : memref<!tpu.dma_semaphore, #tpu.memory_space<semaphore_mem>>)
    %add3A_1907 = arith.constant 3072 : i32
    %add3A_1908 = arith.addi %add3A_1907, %add3A : i32
    %dma_start3A_1909 = arith.constant 96 : i32
    %dma_start3A_1910 = tpu.memref_slice %arg21[%dma_start3A_1909] : memref<512xf32, #tpu.memory_space<vmem>> -> memref<32xf32, #tpu.memory_space<vmem>>
    %dma_start3A_1911 = tpu.memref_slice %arg9[%add3A_1908] : memref<16384xf32, #tpu.memory_space<hbm>> -> memref<32xf32, #tpu.memory_space<hbm>>
    %dma_start3A_1912 = tpu.memref_slice %arg9[%add3A_1908] : memref<16384xf32, #tpu.memory_space<hbm>> -> memref<32xf32, #tpu.memory_space<hbm>>
    %dma_start3A_1913 = arith.constant 96 : i32
    %dma_start3A_1914 = tpu.memref_slice %arg21[%dma_start3A_1913] : memref<512xf32, #tpu.memory_space<vmem>> -> memref<32xf32, #tpu.memory_space<vmem>>
    tpu.enqueue_dma source(%dma_start3A_1914 : memref<32xf32, #tpu.memory_space<vmem>>) target(%dma_start3A_1912 : memref<32xf32, #tpu.memory_space<hbm>>) target_semaphore(%arg24 : memref<!tpu.dma_semaphore, #tpu.memory_space<semaphore_mem>>)
    %add3A_1915 = arith.constant 4096 : i32
    %add3A_1916 = arith.addi %add3A_1915, %add3A : i32
    %dma_start3A_1917 = arith.constant 128 : i32
    %dma_start3A_1918 = tpu.memref_slice %arg21[%dma_start3A_1917] : memref<512xf32, #tpu.memory_space<vmem>> -> memref<32xf32, #tpu.memory_space<vmem>>
    %dma_start3A_1919 = tpu.memref_slice %arg9[%add3A_1916] : memref<16384xf32, #tpu.memory_space<hbm>> -> memref<32xf32, #tpu.memory_space<hbm>>
    %dma_start3A_1920 = tpu.memref_slice %arg9[%add3A_1916] : memref<16384xf32, #tpu.memory_space<hbm>> -> memref<32xf32, #tpu.memory_space<hbm>>
    %dma_start3A_1921 = arith.constant 128 : i32
    %dma_start3A_1922 = tpu.memref_slice %arg21[%dma_start3A_1921] : memref<512xf32, #tpu.memory_space<vmem>> -> memref<32xf32, #tpu.memory_space<vmem>>
    tpu.enqueue_dma source(%dma_start3A_1922 : memref<32xf32, #tpu.memory_space<vmem>>) target(%dma_start3A_1920 : memref<32xf32, #tpu.memory_space<hbm>>) target_semaphore(%arg24 : memref<!tpu.dma_semaphore, #tpu.memory_space<semaphore_mem>>)
    %add3A_1923 = arith.constant 5120 : i32
    %add3A_1924 = arith.addi %add3A_1923, %add3A : i32
    %dma_start3A_1925 = arith.constant 160 : i32
    %dma_start3A_1926 = tpu.memref_slice %arg21[%dma_start3A_1925] : memref<512xf32, #tpu.memory_space<vmem>> -> memref<32xf32, #tpu.memory_space<vmem>>
    %dma_start3A_1927 = tpu.memref_slice %arg9[%add3A_1924] : memref<16384xf32, #tpu.memory_space<hbm>> -> memref<32xf32, #tpu.memory_space<hbm>>
    %dma_start3A_1928 = tpu.memref_slice %arg9[%add3A_1924] : memref<16384xf32, #tpu.memory_space<hbm>> -> memref<32xf32, #tpu.memory_space<hbm>>
    %dma_start3A_1929 = arith.constant 160 : i32
    %dma_start3A_1930 = tpu.memref_slice %arg21[%dma_start3A_1929] : memref<512xf32, #tpu.memory_space<vmem>> -> memref<32xf32, #tpu.memory_space<vmem>>
    tpu.enqueue_dma source(%dma_start3A_1930 : memref<32xf32, #tpu.memory_space<vmem>>) target(%dma_start3A_1928 : memref<32xf32, #tpu.memory_space<hbm>>) target_semaphore(%arg24 : memref<!tpu.dma_semaphore, #tpu.memory_space<semaphore_mem>>)
    %add3A_1931 = arith.constant 6144 : i32
    %add3A_1932 = arith.addi %add3A_1931, %add3A : i32
    %dma_start3A_1933 = arith.constant 192 : i32
    %dma_start3A_1934 = tpu.memref_slice %arg21[%dma_start3A_1933] : memref<512xf32, #tpu.memory_space<vmem>> -> memref<32xf32, #tpu.memory_space<vmem>>
    %dma_start3A_1935 = tpu.memref_slice %arg9[%add3A_1932] : memref<16384xf32, #tpu.memory_space<hbm>> -> memref<32xf32, #tpu.memory_space<hbm>>
    %dma_start3A_1936 = tpu.memref_slice %arg9[%add3A_1932] : memref<16384xf32, #tpu.memory_space<hbm>> -> memref<32xf32, #tpu.memory_space<hbm>>
    %dma_start3A_1937 = arith.constant 192 : i32
    %dma_start3A_1938 = tpu.memref_slice %arg21[%dma_start3A_1937] : memref<512xf32, #tpu.memory_space<vmem>> -> memref<32xf32, #tpu.memory_space<vmem>>
    tpu.enqueue_dma source(%dma_start3A_1938 : memref<32xf32, #tpu.memory_space<vmem>>) target(%dma_start3A_1936 : memref<32xf32, #tpu.memory_space<hbm>>) target_semaphore(%arg24 : memref<!tpu.dma_semaphore, #tpu.memory_space<semaphore_mem>>)
    %add3A_1939 = arith.constant 7168 : i32
    %add3A_1940 = arith.addi %add3A_1939, %add3A : i32
    %dma_start3A_1941 = arith.constant 224 : i32
    %dma_start3A_1942 = tpu.memref_slice %arg21[%dma_start3A_1941] : memref<512xf32, #tpu.memory_space<vmem>> -> memref<32xf32, #tpu.memory_space<vmem>>
    %dma_start3A_1943 = tpu.memref_slice %arg9[%add3A_1940] : memref<16384xf32, #tpu.memory_space<hbm>> -> memref<32xf32, #tpu.memory_space<hbm>>
    %dma_start3A_1944 = tpu.memref_slice %arg9[%add3A_1940] : memref<16384xf32, #tpu.memory_space<hbm>> -> memref<32xf32, #tpu.memory_space<hbm>>
    %dma_start3A_1945 = arith.constant 224 : i32
    %dma_start3A_1946 = tpu.memref_slice %arg21[%dma_start3A_1945] : memref<512xf32, #tpu.memory_space<vmem>> -> memref<32xf32, #tpu.memory_space<vmem>>
    tpu.enqueue_dma source(%dma_start3A_1946 : memref<32xf32, #tpu.memory_space<vmem>>) target(%dma_start3A_1944 : memref<32xf32, #tpu.memory_space<hbm>>) target_semaphore(%arg24 : memref<!tpu.dma_semaphore, #tpu.memory_space<semaphore_mem>>)
    %add3A_1947 = arith.constant 8192 : i32
    %add3A_1948 = arith.addi %add3A_1947, %add3A : i32
    %dma_start3A_1949 = arith.constant 256 : i32
    %dma_start3A_1950 = tpu.memref_slice %arg21[%dma_start3A_1949] : memref<512xf32, #tpu.memory_space<vmem>> -> memref<32xf32, #tpu.memory_space<vmem>>
    %dma_start3A_1951 = tpu.memref_slice %arg9[%add3A_1948] : memref<16384xf32, #tpu.memory_space<hbm>> -> memref<32xf32, #tpu.memory_space<hbm>>
    %dma_start3A_1952 = tpu.memref_slice %arg9[%add3A_1948] : memref<16384xf32, #tpu.memory_space<hbm>> -> memref<32xf32, #tpu.memory_space<hbm>>
    %dma_start3A_1953 = arith.constant 256 : i32
    %dma_start3A_1954 = tpu.memref_slice %arg21[%dma_start3A_1953] : memref<512xf32, #tpu.memory_space<vmem>> -> memref<32xf32, #tpu.memory_space<vmem>>
    tpu.enqueue_dma source(%dma_start3A_1954 : memref<32xf32, #tpu.memory_space<vmem>>) target(%dma_start3A_1952 : memref<32xf32, #tpu.memory_space<hbm>>) target_semaphore(%arg24 : memref<!tpu.dma_semaphore, #tpu.memory_space<semaphore_mem>>)
    %add3A_1955 = arith.constant 9216 : i32
    %add3A_1956 = arith.addi %add3A_1955, %add3A : i32
    %dma_start3A_1957 = arith.constant 288 : i32
    %dma_start3A_1958 = tpu.memref_slice %arg21[%dma_start3A_1957] : memref<512xf32, #tpu.memory_space<vmem>> -> memref<32xf32, #tpu.memory_space<vmem>>
    %dma_start3A_1959 = tpu.memref_slice %arg9[%add3A_1956] : memref<16384xf32, #tpu.memory_space<hbm>> -> memref<32xf32, #tpu.memory_space<hbm>>
    %dma_start3A_1960 = tpu.memref_slice %arg9[%add3A_1956] : memref<16384xf32, #tpu.memory_space<hbm>> -> memref<32xf32, #tpu.memory_space<hbm>>
    %dma_start3A_1961 = arith.constant 288 : i32
    %dma_start3A_1962 = tpu.memref_slice %arg21[%dma_start3A_1961] : memref<512xf32, #tpu.memory_space<vmem>> -> memref<32xf32, #tpu.memory_space<vmem>>
    tpu.enqueue_dma source(%dma_start3A_1962 : memref<32xf32, #tpu.memory_space<vmem>>) target(%dma_start3A_1960 : memref<32xf32, #tpu.memory_space<hbm>>) target_semaphore(%arg24 : memref<!tpu.dma_semaphore, #tpu.memory_space<semaphore_mem>>)
    %add3A_1963 = arith.constant 10240 : i32
    %add3A_1964 = arith.addi %add3A_1963, %add3A : i32
    %dma_start3A_1965 = arith.constant 320 : i32
    %dma_start3A_1966 = tpu.memref_slice %arg21[%dma_start3A_1965] : memref<512xf32, #tpu.memory_space<vmem>> -> memref<32xf32, #tpu.memory_space<vmem>>
    %dma_start3A_1967 = tpu.memref_slice %arg9[%add3A_1964] : memref<16384xf32, #tpu.memory_space<hbm>> -> memref<32xf32, #tpu.memory_space<hbm>>
    %dma_start3A_1968 = tpu.memref_slice %arg9[%add3A_1964] : memref<16384xf32, #tpu.memory_space<hbm>> -> memref<32xf32, #tpu.memory_space<hbm>>
    %dma_start3A_1969 = arith.constant 320 : i32
    %dma_start3A_1970 = tpu.memref_slice %arg21[%dma_start3A_1969] : memref<512xf32, #tpu.memory_space<vmem>> -> memref<32xf32, #tpu.memory_space<vmem>>
    tpu.enqueue_dma source(%dma_start3A_1970 : memref<32xf32, #tpu.memory_space<vmem>>) target(%dma_start3A_1968 : memref<32xf32, #tpu.memory_space<hbm>>) target_semaphore(%arg24 : memref<!tpu.dma_semaphore, #tpu.memory_space<semaphore_mem>>)
    %add3A_1971 = arith.constant 11264 : i32
    %add3A_1972 = arith.addi %add3A_1971, %add3A : i32
    %dma_start3A_1973 = arith.constant 352 : i32
    %dma_start3A_1974 = tpu.memref_slice %arg21[%dma_start3A_1973] : memref<512xf32, #tpu.memory_space<vmem>> -> memref<32xf32, #tpu.memory_space<vmem>>
    %dma_start3A_1975 = tpu.memref_slice %arg9[%add3A_1972] : memref<16384xf32, #tpu.memory_space<hbm>> -> memref<32xf32, #tpu.memory_space<hbm>>
    %dma_start3A_1976 = tpu.memref_slice %arg9[%add3A_1972] : memref<16384xf32, #tpu.memory_space<hbm>> -> memref<32xf32, #tpu.memory_space<hbm>>
    %dma_start3A_1977 = arith.constant 352 : i32
    %dma_start3A_1978 = tpu.memref_slice %arg21[%dma_start3A_1977] : memref<512xf32, #tpu.memory_space<vmem>> -> memref<32xf32, #tpu.memory_space<vmem>>
    tpu.enqueue_dma source(%dma_start3A_1978 : memref<32xf32, #tpu.memory_space<vmem>>) target(%dma_start3A_1976 : memref<32xf32, #tpu.memory_space<hbm>>) target_semaphore(%arg24 : memref<!tpu.dma_semaphore, #tpu.memory_space<semaphore_mem>>)
    %add3A_1979 = arith.constant 12288 : i32
    %add3A_1980 = arith.addi %add3A_1979, %add3A : i32
    %dma_start3A_1981 = arith.constant 384 : i32
    %dma_start3A_1982 = tpu.memref_slice %arg21[%dma_start3A_1981] : memref<512xf32, #tpu.memory_space<vmem>> -> memref<32xf32, #tpu.memory_space<vmem>>
    %dma_start3A_1983 = tpu.memref_slice %arg9[%add3A_1980] : memref<16384xf32, #tpu.memory_space<hbm>> -> memref<32xf32, #tpu.memory_space<hbm>>
    %dma_start3A_1984 = tpu.memref_slice %arg9[%add3A_1980] : memref<16384xf32, #tpu.memory_space<hbm>> -> memref<32xf32, #tpu.memory_space<hbm>>
    %dma_start3A_1985 = arith.constant 384 : i32
    %dma_start3A_1986 = tpu.memref_slice %arg21[%dma_start3A_1985] : memref<512xf32, #tpu.memory_space<vmem>> -> memref<32xf32, #tpu.memory_space<vmem>>
    tpu.enqueue_dma source(%dma_start3A_1986 : memref<32xf32, #tpu.memory_space<vmem>>) target(%dma_start3A_1984 : memref<32xf32, #tpu.memory_space<hbm>>) target_semaphore(%arg24 : memref<!tpu.dma_semaphore, #tpu.memory_space<semaphore_mem>>)
    %add3A_1987 = arith.constant 13312 : i32
    %add3A_1988 = arith.addi %add3A_1987, %add3A : i32
    %dma_start3A_1989 = arith.constant 416 : i32
    %dma_start3A_1990 = tpu.memref_slice %arg21[%dma_start3A_1989] : memref<512xf32, #tpu.memory_space<vmem>> -> memref<32xf32, #tpu.memory_space<vmem>>
    %dma_start3A_1991 = tpu.memref_slice %arg9[%add3A_1988] : memref<16384xf32, #tpu.memory_space<hbm>> -> memref<32xf32, #tpu.memory_space<hbm>>
    %dma_start3A_1992 = tpu.memref_slice %arg9[%add3A_1988] : memref<16384xf32, #tpu.memory_space<hbm>> -> memref<32xf32, #tpu.memory_space<hbm>>
    %dma_start3A_1993 = arith.constant 416 : i32
    %dma_start3A_1994 = tpu.memref_slice %arg21[%dma_start3A_1993] : memref<512xf32, #tpu.memory_space<vmem>> -> memref<32xf32, #tpu.memory_space<vmem>>
    tpu.enqueue_dma source(%dma_start3A_1994 : memref<32xf32, #tpu.memory_space<vmem>>) target(%dma_start3A_1992 : memref<32xf32, #tpu.memory_space<hbm>>) target_semaphore(%arg24 : memref<!tpu.dma_semaphore, #tpu.memory_space<semaphore_mem>>)
    %add3A_1995 = arith.constant 14336 : i32
    %add3A_1996 = arith.addi %add3A_1995, %add3A : i32
    %dma_start3A_1997 = arith.constant 448 : i32
    %dma_start3A_1998 = tpu.memref_slice %arg21[%dma_start3A_1997] : memref<512xf32, #tpu.memory_space<vmem>> -> memref<32xf32, #tpu.memory_space<vmem>>
    %dma_start3A_1999 = tpu.memref_slice %arg9[%add3A_1996] : memref<16384xf32, #tpu.memory_space<hbm>> -> memref<32xf32, #tpu.memory_space<hbm>>
    %dma_start3A_2000 = tpu.memref_slice %arg9[%add3A_1996] : memref<16384xf32, #tpu.memory_space<hbm>> -> memref<32xf32, #tpu.memory_space<hbm>>
    %dma_start3A_2001 = arith.constant 448 : i32
    %dma_start3A_2002 = tpu.memref_slice %arg21[%dma_start3A_2001] : memref<512xf32, #tpu.memory_space<vmem>> -> memref<32xf32, #tpu.memory_space<vmem>>
    tpu.enqueue_dma source(%dma_start3A_2002 : memref<32xf32, #tpu.memory_space<vmem>>) target(%dma_start3A_2000 : memref<32xf32, #tpu.memory_space<hbm>>) target_semaphore(%arg24 : memref<!tpu.dma_semaphore, #tpu.memory_space<semaphore_mem>>)
    %add3A_2003 = arith.constant 15360 : i32
    %add3A_2004 = arith.addi %add3A_2003, %add3A : i32
    %dma_start3A_2005 = arith.constant 480 : i32
    %dma_start3A_2006 = tpu.memref_slice %arg21[%dma_start3A_2005] : memref<512xf32, #tpu.memory_space<vmem>> -> memref<32xf32, #tpu.memory_space<vmem>>
    %dma_start3A_2007 = tpu.memref_slice %arg9[%add3A_2004] : memref<16384xf32, #tpu.memory_space<hbm>> -> memref<32xf32, #tpu.memory_space<hbm>>
    %dma_start3A_2008 = tpu.memref_slice %arg9[%add3A_2004] : memref<16384xf32, #tpu.memory_space<hbm>> -> memref<32xf32, #tpu.memory_space<hbm>>
    %dma_start3A_2009 = arith.constant 480 : i32
    %dma_start3A_2010 = tpu.memref_slice %arg21[%dma_start3A_2009] : memref<512xf32, #tpu.memory_space<vmem>> -> memref<32xf32, #tpu.memory_space<vmem>>
    tpu.enqueue_dma source(%dma_start3A_2010 : memref<32xf32, #tpu.memory_space<vmem>>) target(%dma_start3A_2008 : memref<32xf32, #tpu.memory_space<hbm>>) target_semaphore(%arg24 : memref<!tpu.dma_semaphore, #tpu.memory_space<semaphore_mem>>)
    %dma_wait3A_2011 = tpu.memref_slice %arg7[%add3A] : memref<1024xi32, #tpu.memory_space<hbm>> -> memref<32xi32, #tpu.memory_space<hbm>>
    %dma_wait3A_2012 = tpu.memref_slice %arg7[%add3A] : memref<1024xi32, #tpu.memory_space<hbm>> -> memref<32xi32, #tpu.memory_space<hbm>>
    tpu.wait_dma2 semaphore(%arg24 : memref<!tpu.dma_semaphore, #tpu.memory_space<semaphore_mem>>) src(%arg17 : memref<32xi32, #tpu.memory_space<vmem>>) dst(%dma_wait3A_2012 : memref<32xi32, #tpu.memory_space<hbm>>)
    %dma_wait3A_2013 = tpu.memref_slice %arg8[%add3A] : memref<1024xi32, #tpu.memory_space<hbm>> -> memref<32xi32, #tpu.memory_space<hbm>>
    %dma_wait3A_2014 = tpu.memref_slice %arg8[%add3A] : memref<1024xi32, #tpu.memory_space<hbm>> -> memref<32xi32, #tpu.memory_space<hbm>>
    tpu.wait_dma2 semaphore(%arg24 : memref<!tpu.dma_semaphore, #tpu.memory_space<semaphore_mem>>) src(%arg18 : memref<32xi32, #tpu.memory_space<vmem>>) dst(%dma_wait3A_2014 : memref<32xi32, #tpu.memory_space<hbm>>)
    %dma_wait3A_2015 = arith.constant 0 : i32
    %dma_wait3A_2016 = tpu.memref_slice %arg21[%dma_wait3A_2015] : memref<512xf32, #tpu.memory_space<vmem>> -> memref<32xf32, #tpu.memory_space<vmem>>
    %dma_wait3A_2017 = tpu.memref_slice %arg9[%add3A_1884] : memref<16384xf32, #tpu.memory_space<hbm>> -> memref<32xf32, #tpu.memory_space<hbm>>
    %dma_wait3A_2018 = tpu.memref_slice %arg9[%add3A_1884] : memref<16384xf32, #tpu.memory_space<hbm>> -> memref<32xf32, #tpu.memory_space<hbm>>
    %dma_wait3A_2019 = arith.constant 0 : i32
    %dma_wait3A_2020 = tpu.memref_slice %arg21[%dma_wait3A_2019] : memref<512xf32, #tpu.memory_space<vmem>> -> memref<32xf32, #tpu.memory_space<vmem>>
    tpu.wait_dma2 semaphore(%arg24 : memref<!tpu.dma_semaphore, #tpu.memory_space<semaphore_mem>>) src(%dma_wait3A_2020 : memref<32xf32, #tpu.memory_space<vmem>>) dst(%dma_wait3A_2018 : memref<32xf32, #tpu.memory_space<hbm>>)
    %dma_wait3A_2021 = arith.constant 32 : i32
    %dma_wait3A_2022 = tpu.memref_slice %arg21[%dma_wait3A_2021] : memref<512xf32, #tpu.memory_space<vmem>> -> memref<32xf32, #tpu.memory_space<vmem>>
    %dma_wait3A_2023 = tpu.memref_slice %arg9[%add3A_1892] : memref<16384xf32, #tpu.memory_space<hbm>> -> memref<32xf32, #tpu.memory_space<hbm>>
    %dma_wait3A_2024 = tpu.memref_slice %arg9[%add3A_1892] : memref<16384xf32, #tpu.memory_space<hbm>> -> memref<32xf32, #tpu.memory_space<hbm>>
    %dma_wait3A_2025 = arith.constant 32 : i32
    %dma_wait3A_2026 = tpu.memref_slice %arg21[%dma_wait3A_2025] : memref<512xf32, #tpu.memory_space<vmem>> -> memref<32xf32, #tpu.memory_space<vmem>>
    tpu.wait_dma2 semaphore(%arg24 : memref<!tpu.dma_semaphore, #tpu.memory_space<semaphore_mem>>) src(%dma_wait3A_2026 : memref<32xf32, #tpu.memory_space<vmem>>) dst(%dma_wait3A_2024 : memref<32xf32, #tpu.memory_space<hbm>>)
    %dma_wait3A_2027 = arith.constant 64 : i32
    %dma_wait3A_2028 = tpu.memref_slice %arg21[%dma_wait3A_2027] : memref<512xf32, #tpu.memory_space<vmem>> -> memref<32xf32, #tpu.memory_space<vmem>>
    %dma_wait3A_2029 = tpu.memref_slice %arg9[%add3A_1900] : memref<16384xf32, #tpu.memory_space<hbm>> -> memref<32xf32, #tpu.memory_space<hbm>>
    %dma_wait3A_2030 = tpu.memref_slice %arg9[%add3A_1900] : memref<16384xf32, #tpu.memory_space<hbm>> -> memref<32xf32, #tpu.memory_space<hbm>>
    %dma_wait3A_2031 = arith.constant 64 : i32
    %dma_wait3A_2032 = tpu.memref_slice %arg21[%dma_wait3A_2031] : memref<512xf32, #tpu.memory_space<vmem>> -> memref<32xf32, #tpu.memory_space<vmem>>
    tpu.wait_dma2 semaphore(%arg24 : memref<!tpu.dma_semaphore, #tpu.memory_space<semaphore_mem>>) src(%dma_wait3A_2032 : memref<32xf32, #tpu.memory_space<vmem>>) dst(%dma_wait3A_2030 : memref<32xf32, #tpu.memory_space<hbm>>)
    %dma_wait3A_2033 = arith.constant 96 : i32
    %dma_wait3A_2034 = tpu.memref_slice %arg21[%dma_wait3A_2033] : memref<512xf32, #tpu.memory_space<vmem>> -> memref<32xf32, #tpu.memory_space<vmem>>
    %dma_wait3A_2035 = tpu.memref_slice %arg9[%add3A_1908] : memref<16384xf32, #tpu.memory_space<hbm>> -> memref<32xf32, #tpu.memory_space<hbm>>
    %dma_wait3A_2036 = tpu.memref_slice %arg9[%add3A_1908] : memref<16384xf32, #tpu.memory_space<hbm>> -> memref<32xf32, #tpu.memory_space<hbm>>
    %dma_wait3A_2037 = arith.constant 96 : i32
    %dma_wait3A_2038 = tpu.memref_slice %arg21[%dma_wait3A_2037] : memref<512xf32, #tpu.memory_space<vmem>> -> memref<32xf32, #tpu.memory_space<vmem>>
    tpu.wait_dma2 semaphore(%arg24 : memref<!tpu.dma_semaphore, #tpu.memory_space<semaphore_mem>>) src(%dma_wait3A_2038 : memref<32xf32, #tpu.memory_space<vmem>>) dst(%dma_wait3A_2036 : memref<32xf32, #tpu.memory_space<hbm>>)
    %dma_wait3A_2039 = arith.constant 128 : i32
    %dma_wait3A_2040 = tpu.memref_slice %arg21[%dma_wait3A_2039] : memref<512xf32, #tpu.memory_space<vmem>> -> memref<32xf32, #tpu.memory_space<vmem>>
    %dma_wait3A_2041 = tpu.memref_slice %arg9[%add3A_1916] : memref<16384xf32, #tpu.memory_space<hbm>> -> memref<32xf32, #tpu.memory_space<hbm>>
    %dma_wait3A_2042 = tpu.memref_slice %arg9[%add3A_1916] : memref<16384xf32, #tpu.memory_space<hbm>> -> memref<32xf32, #tpu.memory_space<hbm>>
    %dma_wait3A_2043 = arith.constant 128 : i32
    %dma_wait3A_2044 = tpu.memref_slice %arg21[%dma_wait3A_2043] : memref<512xf32, #tpu.memory_space<vmem>> -> memref<32xf32, #tpu.memory_space<vmem>>
    tpu.wait_dma2 semaphore(%arg24 : memref<!tpu.dma_semaphore, #tpu.memory_space<semaphore_mem>>) src(%dma_wait3A_2044 : memref<32xf32, #tpu.memory_space<vmem>>) dst(%dma_wait3A_2042 : memref<32xf32, #tpu.memory_space<hbm>>)
    %dma_wait3A_2045 = arith.constant 160 : i32
    %dma_wait3A_2046 = tpu.memref_slice %arg21[%dma_wait3A_2045] : memref<512xf32, #tpu.memory_space<vmem>> -> memref<32xf32, #tpu.memory_space<vmem>>
    %dma_wait3A_2047 = tpu.memref_slice %arg9[%add3A_1924] : memref<16384xf32, #tpu.memory_space<hbm>> -> memref<32xf32, #tpu.memory_space<hbm>>
    %dma_wait3A_2048 = tpu.memref_slice %arg9[%add3A_1924] : memref<16384xf32, #tpu.memory_space<hbm>> -> memref<32xf32, #tpu.memory_space<hbm>>
    %dma_wait3A_2049 = arith.constant 160 : i32
    %dma_wait3A_2050 = tpu.memref_slice %arg21[%dma_wait3A_2049] : memref<512xf32, #tpu.memory_space<vmem>> -> memref<32xf32, #tpu.memory_space<vmem>>
    tpu.wait_dma2 semaphore(%arg24 : memref<!tpu.dma_semaphore, #tpu.memory_space<semaphore_mem>>) src(%dma_wait3A_2050 : memref<32xf32, #tpu.memory_space<vmem>>) dst(%dma_wait3A_2048 : memref<32xf32, #tpu.memory_space<hbm>>)
    %dma_wait3A_2051 = arith.constant 192 : i32
    %dma_wait3A_2052 = tpu.memref_slice %arg21[%dma_wait3A_2051] : memref<512xf32, #tpu.memory_space<vmem>> -> memref<32xf32, #tpu.memory_space<vmem>>
    %dma_wait3A_2053 = tpu.memref_slice %arg9[%add3A_1932] : memref<16384xf32, #tpu.memory_space<hbm>> -> memref<32xf32, #tpu.memory_space<hbm>>
    %dma_wait3A_2054 = tpu.memref_slice %arg9[%add3A_1932] : memref<16384xf32, #tpu.memory_space<hbm>> -> memref<32xf32, #tpu.memory_space<hbm>>
    %dma_wait3A_2055 = arith.constant 192 : i32
    %dma_wait3A_2056 = tpu.memref_slice %arg21[%dma_wait3A_2055] : memref<512xf32, #tpu.memory_space<vmem>> -> memref<32xf32, #tpu.memory_space<vmem>>
    tpu.wait_dma2 semaphore(%arg24 : memref<!tpu.dma_semaphore, #tpu.memory_space<semaphore_mem>>) src(%dma_wait3A_2056 : memref<32xf32, #tpu.memory_space<vmem>>) dst(%dma_wait3A_2054 : memref<32xf32, #tpu.memory_space<hbm>>)
    %dma_wait3A_2057 = arith.constant 224 : i32
    %dma_wait3A_2058 = tpu.memref_slice %arg21[%dma_wait3A_2057] : memref<512xf32, #tpu.memory_space<vmem>> -> memref<32xf32, #tpu.memory_space<vmem>>
    %dma_wait3A_2059 = tpu.memref_slice %arg9[%add3A_1940] : memref<16384xf32, #tpu.memory_space<hbm>> -> memref<32xf32, #tpu.memory_space<hbm>>
    %dma_wait3A_2060 = tpu.memref_slice %arg9[%add3A_1940] : memref<16384xf32, #tpu.memory_space<hbm>> -> memref<32xf32, #tpu.memory_space<hbm>>
    %dma_wait3A_2061 = arith.constant 224 : i32
    %dma_wait3A_2062 = tpu.memref_slice %arg21[%dma_wait3A_2061] : memref<512xf32, #tpu.memory_space<vmem>> -> memref<32xf32, #tpu.memory_space<vmem>>
    tpu.wait_dma2 semaphore(%arg24 : memref<!tpu.dma_semaphore, #tpu.memory_space<semaphore_mem>>) src(%dma_wait3A_2062 : memref<32xf32, #tpu.memory_space<vmem>>) dst(%dma_wait3A_2060 : memref<32xf32, #tpu.memory_space<hbm>>)
    %dma_wait3A_2063 = arith.constant 256 : i32
    %dma_wait3A_2064 = tpu.memref_slice %arg21[%dma_wait3A_2063] : memref<512xf32, #tpu.memory_space<vmem>> -> memref<32xf32, #tpu.memory_space<vmem>>
    %dma_wait3A_2065 = tpu.memref_slice %arg9[%add3A_1948] : memref<16384xf32, #tpu.memory_space<hbm>> -> memref<32xf32, #tpu.memory_space<hbm>>
    %dma_wait3A_2066 = tpu.memref_slice %arg9[%add3A_1948] : memref<16384xf32, #tpu.memory_space<hbm>> -> memref<32xf32, #tpu.memory_space<hbm>>
    %dma_wait3A_2067 = arith.constant 256 : i32
    %dma_wait3A_2068 = tpu.memref_slice %arg21[%dma_wait3A_2067] : memref<512xf32, #tpu.memory_space<vmem>> -> memref<32xf32, #tpu.memory_space<vmem>>
    tpu.wait_dma2 semaphore(%arg24 : memref<!tpu.dma_semaphore, #tpu.memory_space<semaphore_mem>>) src(%dma_wait3A_2068 : memref<32xf32, #tpu.memory_space<vmem>>) dst(%dma_wait3A_2066 : memref<32xf32, #tpu.memory_space<hbm>>)
    %dma_wait3A_2069 = arith.constant 288 : i32
    %dma_wait3A_2070 = tpu.memref_slice %arg21[%dma_wait3A_2069] : memref<512xf32, #tpu.memory_space<vmem>> -> memref<32xf32, #tpu.memory_space<vmem>>
    %dma_wait3A_2071 = tpu.memref_slice %arg9[%add3A_1956] : memref<16384xf32, #tpu.memory_space<hbm>> -> memref<32xf32, #tpu.memory_space<hbm>>
    %dma_wait3A_2072 = tpu.memref_slice %arg9[%add3A_1956] : memref<16384xf32, #tpu.memory_space<hbm>> -> memref<32xf32, #tpu.memory_space<hbm>>
    %dma_wait3A_2073 = arith.constant 288 : i32
    %dma_wait3A_2074 = tpu.memref_slice %arg21[%dma_wait3A_2073] : memref<512xf32, #tpu.memory_space<vmem>> -> memref<32xf32, #tpu.memory_space<vmem>>
    tpu.wait_dma2 semaphore(%arg24 : memref<!tpu.dma_semaphore, #tpu.memory_space<semaphore_mem>>) src(%dma_wait3A_2074 : memref<32xf32, #tpu.memory_space<vmem>>) dst(%dma_wait3A_2072 : memref<32xf32, #tpu.memory_space<hbm>>)
    %dma_wait3A_2075 = arith.constant 320 : i32
    %dma_wait3A_2076 = tpu.memref_slice %arg21[%dma_wait3A_2075] : memref<512xf32, #tpu.memory_space<vmem>> -> memref<32xf32, #tpu.memory_space<vmem>>
    %dma_wait3A_2077 = tpu.memref_slice %arg9[%add3A_1964] : memref<16384xf32, #tpu.memory_space<hbm>> -> memref<32xf32, #tpu.memory_space<hbm>>
    %dma_wait3A_2078 = tpu.memref_slice %arg9[%add3A_1964] : memref<16384xf32, #tpu.memory_space<hbm>> -> memref<32xf32, #tpu.memory_space<hbm>>
    %dma_wait3A_2079 = arith.constant 320 : i32
    %dma_wait3A_2080 = tpu.memref_slice %arg21[%dma_wait3A_2079] : memref<512xf32, #tpu.memory_space<vmem>> -> memref<32xf32, #tpu.memory_space<vmem>>
    tpu.wait_dma2 semaphore(%arg24 : memref<!tpu.dma_semaphore, #tpu.memory_space<semaphore_mem>>) src(%dma_wait3A_2080 : memref<32xf32, #tpu.memory_space<vmem>>) dst(%dma_wait3A_2078 : memref<32xf32, #tpu.memory_space<hbm>>)
    %dma_wait3A_2081 = arith.constant 352 : i32
    %dma_wait3A_2082 = tpu.memref_slice %arg21[%dma_wait3A_2081] : memref<512xf32, #tpu.memory_space<vmem>> -> memref<32xf32, #tpu.memory_space<vmem>>
    %dma_wait3A_2083 = tpu.memref_slice %arg9[%add3A_1972] : memref<16384xf32, #tpu.memory_space<hbm>> -> memref<32xf32, #tpu.memory_space<hbm>>
    %dma_wait3A_2084 = tpu.memref_slice %arg9[%add3A_1972] : memref<16384xf32, #tpu.memory_space<hbm>> -> memref<32xf32, #tpu.memory_space<hbm>>
    %dma_wait3A_2085 = arith.constant 352 : i32
    %dma_wait3A_2086 = tpu.memref_slice %arg21[%dma_wait3A_2085] : memref<512xf32, #tpu.memory_space<vmem>> -> memref<32xf32, #tpu.memory_space<vmem>>
    tpu.wait_dma2 semaphore(%arg24 : memref<!tpu.dma_semaphore, #tpu.memory_space<semaphore_mem>>) src(%dma_wait3A_2086 : memref<32xf32, #tpu.memory_space<vmem>>) dst(%dma_wait3A_2084 : memref<32xf32, #tpu.memory_space<hbm>>)
    %dma_wait3A_2087 = arith.constant 384 : i32
    %dma_wait3A_2088 = tpu.memref_slice %arg21[%dma_wait3A_2087] : memref<512xf32, #tpu.memory_space<vmem>> -> memref<32xf32, #tpu.memory_space<vmem>>
    %dma_wait3A_2089 = tpu.memref_slice %arg9[%add3A_1980] : memref<16384xf32, #tpu.memory_space<hbm>> -> memref<32xf32, #tpu.memory_space<hbm>>
    %dma_wait3A_2090 = tpu.memref_slice %arg9[%add3A_1980] : memref<16384xf32, #tpu.memory_space<hbm>> -> memref<32xf32, #tpu.memory_space<hbm>>
    %dma_wait3A_2091 = arith.constant 384 : i32
    %dma_wait3A_2092 = tpu.memref_slice %arg21[%dma_wait3A_2091] : memref<512xf32, #tpu.memory_space<vmem>> -> memref<32xf32, #tpu.memory_space<vmem>>
    tpu.wait_dma2 semaphore(%arg24 : memref<!tpu.dma_semaphore, #tpu.memory_space<semaphore_mem>>) src(%dma_wait3A_2092 : memref<32xf32, #tpu.memory_space<vmem>>) dst(%dma_wait3A_2090 : memref<32xf32, #tpu.memory_space<hbm>>)
    %dma_wait3A_2093 = arith.constant 416 : i32
    %dma_wait3A_2094 = tpu.memref_slice %arg21[%dma_wait3A_2093] : memref<512xf32, #tpu.memory_space<vmem>> -> memref<32xf32, #tpu.memory_space<vmem>>
    %dma_wait3A_2095 = tpu.memref_slice %arg9[%add3A_1988] : memref<16384xf32, #tpu.memory_space<hbm>> -> memref<32xf32, #tpu.memory_space<hbm>>
    %dma_wait3A_2096 = tpu.memref_slice %arg9[%add3A_1988] : memref<16384xf32, #tpu.memory_space<hbm>> -> memref<32xf32, #tpu.memory_space<hbm>>
    %dma_wait3A_2097 = arith.constant 416 : i32
    %dma_wait3A_2098 = tpu.memref_slice %arg21[%dma_wait3A_2097] : memref<512xf32, #tpu.memory_space<vmem>> -> memref<32xf32, #tpu.memory_space<vmem>>
    tpu.wait_dma2 semaphore(%arg24 : memref<!tpu.dma_semaphore, #tpu.memory_space<semaphore_mem>>) src(%dma_wait3A_2098 : memref<32xf32, #tpu.memory_space<vmem>>) dst(%dma_wait3A_2096 : memref<32xf32, #tpu.memory_space<hbm>>)
    %dma_wait3A_2099 = arith.constant 448 : i32
    %dma_wait3A_2100 = tpu.memref_slice %arg21[%dma_wait3A_2099] : memref<512xf32, #tpu.memory_space<vmem>> -> memref<32xf32, #tpu.memory_space<vmem>>
    %dma_wait3A_2101 = tpu.memref_slice %arg9[%add3A_1996] : memref<16384xf32, #tpu.memory_space<hbm>> -> memref<32xf32, #tpu.memory_space<hbm>>
    %dma_wait3A_2102 = tpu.memref_slice %arg9[%add3A_1996] : memref<16384xf32, #tpu.memory_space<hbm>> -> memref<32xf32, #tpu.memory_space<hbm>>
    %dma_wait3A_2103 = arith.constant 448 : i32
    %dma_wait3A_2104 = tpu.memref_slice %arg21[%dma_wait3A_2103] : memref<512xf32, #tpu.memory_space<vmem>> -> memref<32xf32, #tpu.memory_space<vmem>>
    tpu.wait_dma2 semaphore(%arg24 : memref<!tpu.dma_semaphore, #tpu.memory_space<semaphore_mem>>) src(%dma_wait3A_2104 : memref<32xf32, #tpu.memory_space<vmem>>) dst(%dma_wait3A_2102 : memref<32xf32, #tpu.memory_space<hbm>>)
    %dma_wait3A_2105 = arith.constant 480 : i32
    %dma_wait3A_2106 = tpu.memref_slice %arg21[%dma_wait3A_2105] : memref<512xf32, #tpu.memory_space<vmem>> -> memref<32xf32, #tpu.memory_space<vmem>>
    %dma_wait3A_2107 = tpu.memref_slice %arg9[%add3A_2004] : memref<16384xf32, #tpu.memory_space<hbm>> -> memref<32xf32, #tpu.memory_space<hbm>>
    %dma_wait3A_2108 = tpu.memref_slice %arg9[%add3A_2004] : memref<16384xf32, #tpu.memory_space<hbm>> -> memref<32xf32, #tpu.memory_space<hbm>>
    %dma_wait3A_2109 = arith.constant 480 : i32
    %dma_wait3A_2110 = tpu.memref_slice %arg21[%dma_wait3A_2109] : memref<512xf32, #tpu.memory_space<vmem>> -> memref<32xf32, #tpu.memory_space<vmem>>
    tpu.wait_dma2 semaphore(%arg24 : memref<!tpu.dma_semaphore, #tpu.memory_space<semaphore_mem>>) src(%dma_wait3A_2110 : memref<32xf32, #tpu.memory_space<vmem>>) dst(%dma_wait3A_2108 : memref<32xf32, #tpu.memory_space<hbm>>)
    return
  }
}

</mosaic_0001>

<sc_bundles>
// kernel: kernel.3.cloned.1.call-start
scs
__scs_entry_jumppad:
0x0: {  	(pc) =	sbr.rel $0x88, $3  }
0x1: {  	(tag) =	ssettag $0x0;
	lr =	simm.s32 $0x1  }
0x2: {  	[smem:$0x3F9C] =	sst lr;
	_ =	strace $0xD0000000  }
0x3: {  	_ = 	snop  }
0x4: {  	_ = 	snop  }
0x5: {  	_ = 	snop  }
0x6: {  	_ = 	snop  }
0x7: {  	_ = 	snop  }
__scs_overlays_trampoline_lowered:
0x8: {  	[smem:$0x3FAB] =	sst s0  }
0x9: {  	[smem:$0x3FAC] =	sst s1  }
0xa: {  	[smem:$0x3FAD] =	sst s2  }
0xb: {  	[smem:$0x3FAE] =	sst s3  }
0xc: {  	[smem:$0x3FAF] =	sst s4  }
0xd: {  	[smem:$0x3FB0] =	sst s5  }
0xe: {  	[smem:$0x3FB1] =	sst s6  }
0xf: {  	[smem:$0x3FB2] =	sst s7  }
0x10: {  	[smem:$0x3FB3] =	sst s8  }
0x11: {  	[smem:$0x3FB4] =	sst s9;
	s0 =	simm.s32 @!p0 $0x0  }
0x12: {  	s1 =	sld [smem:$0x3F9A];
	s0 =	simm.s32 @p0 $0x1  }
0x13: {  	[smem:$0x3FB5] =	sst s0;
	s0 =	simm.s32 @!p1 $0x0  }
0x14: {  	s2 =	sld [smem:$0x3F99];
	s0 =	simm.s32 @p1 $0x1  }
0x15: {  	[smem:$0x3FB6] =	sst s0;
	s0 =	simm.s32 @!p2 $0x0  }
0x16: {  	s3 =	sld [smem:$0x3FDB];
	s0 =	simm.s32 @p2 $0x1  }
0x17: {  	s4 =	simm.s32 $0x1BF5;
	[smem:$0x3FB8] =	sst s0  }
0x18: {  	s0 =	sld [smem:$0x3F9B];
	_ =	swait.ge [sflag:s4], $0x0  }
0x19: {  	s7 =	sld [smem:$0x3F9C]  }
0x1a: {  	s8 =	sadd.s32 $0xFFFFE003, lr  }
0x1b: {  	s9 =	sadd.s32 $0xFFFFFEF7, lr;
	s5 =	simm.s32 $0xFFFFFFFF;
	p2 =	slt.u32 s8, $0xFFFFF086  }
0x1c: {  	p1 =	slt.u32 s9, $0xF7A;
	s5 =	simm.s32 @!p2 $0x0  }
0x1d: {  	s5 =	simm.s32 @p1 $0x1;
	p0 =	seq.s32 s7, s2  }
0x1e: {  	s7 =	smul.u32 @!p0 $0xF7A, s2;
	p2 =	seq.s32 @!p0 s5, $0x0  }
0x1f: {  	s9 =	smul.u32 $0xF7A, s1;
	s8 =	simm.s32 @!p0 $0x1BF5;
	p2 =	por !p2, p0  }
0x20: {  	[sflag:s8] =	ssyncset.s32 @!p0 $0xFFFFF086;
	s6 =	sadd.s32 @!p0 s3, s7;
	s7 =	simm.s32 @!p0 $0x108  }
0x21: {  	s3 =	sadd.s32 s3, s9;
	s6 =	sadd.s32 @!p0 $0x88, s6;
	s7 =	simm.s32 @p2 $0x1082  }
0x22: {  	[simem:s7], [sflag:s8] =	dma.local @!p0 [hbm:s6], $0xF7A  }
0x23: {  	s9 =	sor.u32 $0xD0000000, s2;
	s6 =	simm.s32 $0x108;
	_ =	swait.ge @!p0 [sflag:s8], $0x0  }
0x24: {  	s3 =	sadd.s32 $0x88, s3;
	s6 =	simm.s32 @!p1 $0x1082;
	[sflag:s4] =	ssyncset.s32 $0xFFFFF086  }
0x25: {  	[simem:s6], [sflag:s4] =	dma.local [hbm:s3], $0xF7A  }
0x26: {  	[smem:$0x3F9C] =	sst s1;
	(tag) =	ssettag s2;
	_ =	strace s9  }
0x27: {  	s1 =	sld [smem:$0x3FAC]  }
0x28: {  	s2 =	sld [smem:$0x3FAD]  }
0x29: {  	s4 =	sld [smem:$0x3FAF]  }
0x2a: {  	p0 =	seq.s32 s5, $0x0;
	s5 =	sld [smem:$0x3FB0]  }
0x2b: {  	s6 =	sld [smem:$0x3FB1]  }
0x2c: {  	s7 =	sld [smem:$0x3FB2]  }
0x2d: {  	s3 =	simm.s32 $0x108;
	s8 =	sld [smem:$0x3FB3]  }
0x2e: {  	s3 =	simm.s32 @!p0 $0x1082;
	s9 =	sld [smem:$0x3FB4]  }
0x2f: {  	lr =	sadd.s32 s0, s3;
	s0 =	sld [smem:$0x3FAB]  }
0x30: {  	s3 =	sld [smem:$0x3FAE]  }
0x31: {  	[smem:$0x3FB7] =	sst s10  }
0x32: {  	s10 =	sld [smem:$0x3FB5];
	_ =	sdelay $0x3  }
0x33: {  	p0 =	seq.s32 s10, $0x1;
	s10 =	sld [smem:$0x3FB7];
	_ =	sdelay $0x3  }
0x34: {  	[smem:$0x3FB7] =	sst s10  }
0x35: {  	s10 =	sld [smem:$0x3FB6];
	_ =	sdelay $0x3  }
0x36: {  	p1 =	seq.s32 s10, $0x1;
	s10 =	sld [smem:$0x3FB7];
	_ =	sdelay $0x3  }
0x37: {  	[smem:$0x3FB7] =	sst s10  }
0x38: {  	s10 =	sld [smem:$0x3FB8]  }
0x39: {  	_ = 	snop;
	(pc) =	sbr.ind lr, $3  }
0x3a: {  	_ = 	snop  }
0x3b: {  	_ = 	snop  }
0x3c: {  	p2 =	seq.s32 s10, $0x1;
	s10 =	sld [smem:$0x3FB7]  }
0x3d: {  	_ =	shalt  }
0x3e: {  	_ =	shalt  }
0x3f: {  	_ =	shalt  }
0x40: {  	_ =	shalt  }
0x41: {  	_ =	shalt  }
0x42: {  	_ =	shalt  }
0x43: {  	_ =	shalt  }
0x44: {  	_ =	shalt  }
0x45: {  	_ =	shalt  }
0x46: {  	_ =	shalt  }
0x47: {  	_ =	shalt  }
0x48: {  	_ =	shalt  }
0x49: {  	_ =	shalt  }
0x4a: {  	_ =	shalt  }
0x4b: {  	_ =	shalt  }
0x4c: {  	_ =	shalt  }
0x4d: {  	_ =	shalt  }
0x4e: {  	_ =	shalt  }
0x4f: {  	_ =	shalt  }
0x50: {  	_ =	shalt  }
0x51: {  	_ =	shalt  }
0x52: {  	_ =	shalt  }
0x53: {  	_ =	shalt  }
0x54: {  	_ =	shalt  }
0x55: {  	_ =	shalt  }
0x56: {  	_ =	shalt  }
0x57: {  	_ =	shalt  }
0x58: {  	_ =	shalt  }
0x59: {  	_ =	shalt  }
0x5a: {  	_ =	shalt  }
0x5b: {  	_ =	shalt  }
0x5c: {  	_ =	shalt  }
0x5d: {  	_ =	shalt  }
0x5e: {  	_ =	shalt  }
0x5f: {  	_ =	shalt  }
0x60: {  	_ =	shalt  }
0x61: {  	_ =	shalt  }
0x62: {  	_ =	shalt  }
0x63: {  	_ =	shalt  }
0x64: {  	_ =	shalt  }
0x65: {  	_ =	shalt  }
0x66: {  	_ =	shalt  }
0x67: {  	_ =	shalt  }
0x68: {  	_ =	shalt  }
0x69: {  	_ =	shalt  }
0x6a: {  	_ =	shalt  }
0x6b: {  	_ =	shalt  }
0x6c: {  	_ =	shalt  }
0x6d: {  	_ =	shalt  }
0x6e: {  	_ =	shalt  }
0x6f: {  	_ =	shalt  }
0x70: {  	_ =	shalt  }
0x71: {  	_ =	shalt  }
0x72: {  	_ =	shalt  }
0x73: {  	_ =	shalt  }
0x74: {  	_ =	shalt  }
0x75: {  	_ =	shalt  }
0x76: {  	_ =	shalt  }
0x77: {  	_ =	shalt  }
0x78: {  	_ =	shalt  }
0x79: {  	_ =	shalt  }
0x7a: {  	_ =	shalt  }
0x7b: {  	_ =	shalt  }
0x7c: {  	_ =	shalt  }
0x7d: {  	_ =	shalt  }
0x7e: {  	_ =	shalt  }
0x7f: {  	_ =	shalt  }
0x80: {  	_ =	shalt  }
0x81: {  	_ =	shalt  }
0x82: {  	_ =	shalt  }
0x83: {  	_ =	shalt  }
0x84: {  	_ =	shalt  }
0x85: {  	_ =	shalt  }
0x86: {  	_ =	shalt  }
0x87: {  	_ =	shalt  }
.Lfunc_end0:
.L_simem_size_0:
called_computation_lowered:
.L_overlay_start_0:
0x88: {  	s2 =	sld [smem:$0x3FD9]  }
0x89: {  	s3 =	sld [smem:$0x3FFE];
	_ =	sdelay $0x1  }
0x8a: {  	s1 =	srdreg.scid  }
0x8b: {  	s0 =	sand.u32 $0x1, s1  }
0x8c: {  	s14 =	sshll.u32 s0, $0xA;
	s2 =	sadd.s32 s3, s2  }
0x8d: {  	s2 =	sadd.s32 s2, s14  }
0x8e: {  	[smem:$0x3FC3] =	sst s2  }
0x8f: {  	_ = 	snop  }
0x90: {  	s2 =	sld [smem:$0x3FC9]  }
0x91: {  	s15 =	sld [smem:$0x3FC8]  }
0x92: {  	s4 =	sld [smem:$0x3FD0]  }
0x93: {  	s5 =	sld [smem:$0x3FC7]  }
0x94: {  	s6 =	sld [smem:$0x3FC6]  }
0x95: {  	s8 =	simm.s32 $0xA;
	s9 =	simm.s32 $0x10;
	s7 =	sld [smem:$0x3FC5]  }
0x96: {  	[smem:s9], [sflag:s8] =	dma.local [hbm:s4], $0x1  }
0x97: {  	_ =	swait.eq [sflag:s8], $0x1  }
0x98: {  	[sflag:s8] =	ssyncset.done $0x0  }
0x99: {  	s16 =	sld [smem:$0x10];
	[sflag:s8] =	ssyncadd.s32 $0xFFFFFFFF  }
0x9a: {  	s17 =	sld [smem:$0x11];
	(tm) =	ssettm $0x1  }
0x9b: {  	s18 =	sld [smem:$0x3FFB];
	_ =	sdelay $0x3  }
0x9c: {  	_ =	strace s18  }
0x9d: {  	s9 =	sld [smem:$0x3FFC];
	_ =	sdelay $0x3  }
0x9e: {  	_ =	strace s9  }
0x9f: {  	s9 =	sld [smem:$0x3FFD];
	_ =	sdelay $0x3  }
0xa0: {  	_ =	strace s9  }
0xa1: {  	_ =	strace $0x8FFFFFFF  }
0xa2: {  	s19 =	sld [smem:$0x3FDB];
	_ =	sdelay $0x1  }
0xa3: {  	s10 =	simm.s32 $_scs_section_size  }
0xa4: {  	s11 =	simm.s32 $_size__tile_overlayer_lowered;
	s12 =	simm.s32 $_tile_overlayer_lowered  }
0xa5: {  	s22 =	simm.s32 $0x1BFF;
	s21 =	sshll.u32 s12, $0x1;
	s9 =	sadd.s32 s10, s19  }
0xa6: {  	s13 =	simm.s32 $0x0;
	s20 =	sshll.u32 s11, $0x1;
	s11 =	sadd.s32 s21, s9  }
0xa7: {  	[timem:s13], [sflag:s22] =	dma.local [hbm:s11], s20  }
0xa8: {  	_ =	swait.ge [sflag:s22], s20  }
0xa9: {  	s10 =	ssub.s32 $0x0, s20;
	[sflag:s22] =	ssyncset.done $0x0  }
0xaa: {  	[sflag:s22] =	ssyncadd.s32 s10;
	_ =	sdelay $0x1  }
0xab: {  	s23 =	simm.s32 $0x1B8B  }
0xac: {  	_ =	swait.ge [sflag:s23], $0x1  }
0xad: {  	[sflag:s23] =	ssyncset.done $0x0  }
0xae: {  	s25 =	simm.s32 $0x1B8E;
	s24 =	sld [smem:$0x3FFE];
	[sflag:s23] =	ssyncadd.s32 $0xFFFFFFFF  }
0xaf: {  	s26 =	simm.s32 $execute0_lowered;
	[smem:$0x3FD2] =	sst s25  }
0xb0: {  	s11 =	sshll.u32 s26, $0x1;
	_ =	strace $0x80000046;
	[dreg:$0x1] =	wrdreg $0xFFFFFFFF  }
0xb1: {  	s28 =	simm.s32 $_size_execute0_lowered;
	s9 =	sadd.s32 s9, s11;
	[dreg:$0x0] =	wrdreg $0x0  }
0xb2: {  	s11 =	sshll.u32 s28, $0x1;
	[dreg:$0x2] =	wrdreg s9  }
0xb3: {  	[dreg:$0x3] =	wrdreg s11  }
0xb4: {  	[dreg:$0x4] =	wrdreg $0xC0  }
0xb5: {  	_ =	task [dreg:s13], $0x5FFFF  }
0xb6: {  	[dreg:$0x1] =	wrdreg $0xFFFFFFFF  }
0xb7: {  	[dreg:$0x0] =	wrdreg $0x60  }
0xb8: {  	[dreg:$0x2] =	wrdreg s15  }
0xb9: {  	[dreg:$0x3] =	wrdreg s7  }
0xba: {  	[dreg:$0x4] =	wrdreg s6  }
0xbb: {  	[dreg:$0x5] =	wrdreg s5  }
0xbc: {  	[dreg:$0x6] =	wrdreg s2  }
0xbd: {  	[dreg:$0x7] =	wrdreg s16  }
0xbe: {  	[dreg:$0x8] =	wrdreg s17  }
0xbf: {  	[dreg:$0x9] =	wrdreg s24  }
0xc0: {  	[dreg:$0xa] =	wrdreg $0x153800  }
0xc1: {  	[dreg:$0xb] =	wrdreg $0x155800  }
0xc2: {  	[dreg:$0xc] =	wrdreg $0x9  }
0xc3: {  	_ =	task.clear_ibuf [dreg:s13], $0xDFFFF;
	_ =	strace $0x90000046  }
0xc4: {  	s29 =	simm.s32 $0x9;
	_ =	strace $0x80000048  }
0xc5: {  	_ =	swait.ge [sflag:s29], $0x1  }
0xc6: {  	[sflag:s29] =	ssyncadd.s32 $0xFFFFFFFF  }
0xc7: {  	_ =	strace $0x90000048  }
0xc8: {  	_ =	sfence  }
0xc9: {  	s30 =	sld [smem:$0x0];
	_ =	sdelay $0x2  }
0xca: {  	s31 =	sshll.u32 s1, $0xD;
	s1 =	sshrl.u32 s1, $0x2  }
0xcb: {  	s3 =	sand.u32 $0x4000, s31;
	s1 =	sadd.s32 s1, s30  }
0xcc: {  	s0 =	sor.u32 s3, s0;
	s1 =	sshll.u32 s1, $0x11  }
0xcd: {  	s0 =	sor.u32 s1, s0  }
0xce: {  	s0 =	sadd.s32 $0x8F2B, s0  }
0xcf: {  	[sflag:s0] =	ssyncadd.remote.s32 $0x1  }
0xd0: {  	_ =	sfence.sel $0xFFFF  }
0xd1: {  	[dreg:$0x0] =	wrdreg $0xFFFFFFFF;
	(pc) =	sbr.abs _section_cstart, $3  }
0xd2: {  	[dreg:$0x1] =	wrdreg $0xFFFFFFFF  }
0xd3: {  	_ =	task.clear_ibuf [dreg:s13], $0x2FFFF;
	_ =	strace $0x9FFFFFFF  }
0xd4: {  	(tm) =	ssettm $0x7FFFFFFF  }
0xd5: {  	_ =	shalt  }
tec
execute0_lowered:
.L_overlay_start_1:
0x0: {  	(tag) =	ssettag $0x1  }
0x1: {  	s5 =	rddreg [dreg:$0x0]  }
0x2: {  	s6 =	rddreg [dreg:$0x1]  }
0x3: {  	s7 =	rddreg [dreg:$0x2]  }
0x4: {  	s2 =	rddreg [dreg:$0x8]  }
0x5: {  	s3 =	rddreg [dreg:$0x9];
	s1 =	simm.s32 $0x0;
	s13 =	stileid.u32  }
0x6: {  	[smem:$0x7FF] =	sst s1;
	s8 =	sshll.u32 s13, $0x5;
	s30 =	sshll.u32 s13, $0x7  }
0x7: {  	s12 =	sshll.u32 s13, $0x9;
	s5 =	sadd.s32 s5, s30;
	s11 =	sadd.s32 s6, s30  }
0x8: {  	s14 =	sand.u32 $0x380, s30;
	s15 =	sand.u32 $0x60, s8;
	[dreg:$0xb] =	wrdreg s5  }
0x9: {  	[dreg:$0xc] =	wrdreg s11;
	s5 =	sand.u32 $0x1000, s12;
	s11 =	sshll.u32 s13, $0x8  }
0xa: {  	s7 =	sadd.s32 s7, s30;
	s5 =	sor.u32 s14, s5;
	s12 =	sand.u32 $0xC00, s11  }
0xb: {  	[dreg:$0xd] =	wrdreg s7;
	s16 =	sadd.s32 s5, s2;
	s7 =	sor.u32 s15, s12  }
0xc: {  	s5 =	sadd.s32 s5, s3;
	s30 =	sor.u32 s12, s8;
	[dreg:$0xe] =	wrdreg s16  }
0xd: {  	[dreg:$0xf] =	wrdreg s5;
	s17 =	sor.u32 $0x80, s7;
	s12 =	sadd.s32 s7, s2  }
0xe: {  	s14 =	sadd.s32 s17, s2;
	[smem:$0x7F0] =	sst s12  }
0xf: {  	s18 =	sor.u32 $0x100, s7;
	s5 =	sadd.s32 s17, s3;
	[dreg:$0x10] =	wrdreg s14  }
0x10: {  	s19 =	sadd.s32 s18, s2;
	[dreg:$0x11] =	wrdreg s5  }
0x11: {  	s21 =	sor.u32 $0x180, s7;
	s20 =	sadd.s32 s18, s3;
	[dreg:$0x12] =	wrdreg s19  }
0x12: {  	s22 =	sor.u32 $0x200, s7;
	s23 =	sadd.s32 s21, s2;
	[dreg:$0x13] =	wrdreg s20  }
0x13: {  	s6 =	sor.u32 s11, s15;
	s24 =	sadd.s32 s22, s2;
	[dreg:$0x14] =	wrdreg s23  }
0x14: {  	s15 =	sor.u32 $0x300, s6;
	s25 =	sadd.s32 s22, s3;
	[dreg:$0x16] =	wrdreg s24  }
0x15: {  	s16 =	sor.u32 $0x380, s6;
	s17 =	sadd.s32 s15, s2;
	[dreg:$0x17] =	wrdreg s25  }
0x16: {  	s0 =	srdreg.scid;
	s18 =	sadd.s32 s16, s2;
	[dreg:$0x1a] =	wrdreg s17  }
0x17: {  	s9 =	sand.u32 $0x1, s0;
	[dreg:$0x1c] =	wrdreg s18  }
0x18: {  	s26 =	sor.u32 $0x280, s7;
	s5 =	sadd.s32 s21, s3;
	s17 =	rddreg [dreg:$0x3]  }
0x19: {  	s4 =	sshll.u32 s9, $0x9;
	s14 =	sadd.s32 s26, s2;
	[dreg:$0x15] =	wrdreg s5  }
0x1a: {  	s4 =	sor.u32 s8, s4;
	s19 =	sadd.s32 s16, s3;
	[dreg:$0x18] =	wrdreg s14  }
0x1b: {  	s20 =	sor.u32 $0x1000, s7;
	s5 =	sadd.s32 s26, s3;
	[dreg:$0x1d] =	wrdreg s19  }
0x1c: {  	s21 =	sor.u32 $0x1080, s7;
	s22 =	sadd.s32 s20, s2;
	[dreg:$0x19] =	wrdreg s5  }
0x1d: {  	s8 =	sor.u32 s11, s8;
	s23 =	sadd.s32 s21, s2;
	[dreg:$0x1e] =	wrdreg s22  }
0x1e: {  	s25 =	sor.u32 $0x1180, s30;
	s24 =	sadd.s32 s21, s3;
	[smem:$0x7EA] =	sst s23  }
0x1f: {  	s6 =	sor.u32 $0x1300, s6;
	s11 =	sadd.s32 s25, s2;
	[smem:$0x7EB] =	sst s24  }
0x20: {  	s21 =	sadd.s32 s6, s2;
	[smem:$0x7EE] =	sst s11  }
0x21: {  	s6 =	sadd.s32 s6, s3;
	[smem:$0x7F6] =	sst s21  }
0x22: {  	s31 =	simm.s32 $0x400;
	s0 =	ssub.s32 $0x2, s9;
	[smem:$0x7F7] =	sst s6  }
0x23: {  	v0 =	vmov s9;
	s9 =	simm.s32 $0x0;
	s10 =	sshrl.u32 s0, $0x1;
	s22 =	rddreg [dreg:$0x6]  }
0x24: {  	s26 =	sor.u32 $0x1100, s7;
	s5 =	sadd.s32 s15, s3;
	s24 =	rddreg [dreg:$0x7]  }
0x25: {  	s0 =	ssub.s32 s0, s10;
	s30 =	sadd.s32 s26, s2;
	[dreg:$0x1b] =	wrdreg s5  }
0x26: {  	s29 =	smax.u32 s0, $0x1;
	s10 =	sadd.s32 s26, s3;
	[smem:$0x7EC] =	sst s30  }
0x27: {  	s14 =	sor.u32 $0x1200, s7;
	s15 =	sadd.s32 s7, s3;
	[smem:$0x7ED] =	sst s10  }
0x28: {  	s0 =	simm.s32 $0x1;
	s16 =	sadd.s32 s14, s2;
	[smem:$0x7F1] =	sst s15  }
0x29: {  	s19 =	sor.u32 $0x1380, s8;
	s8 =	simm.s32 $0x5180;
	[smem:$0x7F2] =	sst s16  }
0x2a: {  	s7 =	sor.u32 $0x1280, s7;
	s5 =	sadd.s32 s20, s3;
	s20 =	rddreg [dreg:$0x5]  }
0x2b: {  	s23 =	sshrl.u32 s4, $0x3;
	s18 =	sadd.s32 s7, s2;
	[dreg:$0x1f] =	wrdreg s5  }
0x2c: {  	s6 =	simm.s32 $0x2;
	s7 =	sadd.s32 s7, s3;
	[smem:$0x7F4] =	sst s18  }
0x2d: {  	s2 =	sadd.s32 s19, s2;
	s4 =	sadd.s32 s23, s24;
	[smem:$0x7F5] =	sst s7  }
0x2e: {  	s30 =	sshll.u32 s13, $0xA;
	s5 =	sadd.s32 s25, s3;
	[smem:$0x7F8] =	sst s2  }
0x2f: {  	s25 =	sadd.s32 s20, s23;
	s2 =	sadd.s32 s22, s23;
	s26 =	sadd.s32 $0x800, s4  }
0x30: {  	s15 =	sadd.s32 $0x900, s4;
	s16 =	sadd.s32 $0x980, s4;
	s18 =	sadd.s32 $0xB00, s4  }
0x31: {  	s20 =	sadd.s32 $0xC00, s4;
	s21 =	sadd.s32 $0xC80, s4;
	s22 =	sadd.s32 $0xD00, s4  }
0x32: {  	s24 =	sadd.s32 $0xE00, s4;
	s28 =	sadd.s32 $0xF80, s4;
	[smem:$0x7EF] =	sst s5  }
0x33: {  	s11 =	sor.u32 $0x10, s30;
	s7 =	simm.s32 $0xC3800;
	[smem:$0x7FB] =	sst s25  }
0x34: {  	s5 =	sadd.s32 s14, s3;
	s3 =	sadd.s32 s19, s3;
	[smem:$0x7FC] =	sst s2  }
0x35: {  	s14 =	sadd.s32 $0x880, s4;
	s19 =	sadd.s32 $0xB80, s4;
	[smem:$0x7F3] =	sst s5  }
0x36: {  	s25 =	sadd.s32 $0xE80, s4;
	s2 =	simm.s32 $0xC00;
	[smem:$0x7F9] =	sst s3  }
0x37: {  	v2 =	vlaneseq.u32;
	s5 =	sadd.s32 s17, s23;
	s17 =	sadd.s32 $0xA00, s4;
	s23 =	sadd.s32 $0xD80, s4  }
0x38: {  	v3 =	vadd.s32 $0x2A, v2;
	s3 =	simm.s32 $0x2C00;
	[smem:$0x7FA] =	sst s5;
	s5 =	sadd.s32 $0xA80, s4  }
0x39: {  	v1 =	vimm.s32 $0xFFFFFFFF;
	v4 =	vmul.u32 $0x100, v2;
	v5 =	vmul.u32 $0x200, v2;
	_ =	strace $0x80000047;
	[smem:$0x7FD] =	sst s26;
	s26 =	sadd.s32 $0xF00, s4  }
.LBB2_1:
0x3a: {  	s10 =	rddreg [dreg:$0xb]  }
0x3b: {  	s30 =	rddreg [dreg:$0xc]  }
0x3c: {  	[tilespmem:s1], [sflag:$0x1] =	stream.linear.gather [hbm4b:s10+s1], $0x400, $0x38;
	[tilespmem:$0x15780] =	vst v63  }
0x3d: {  	s4 =	rddreg [dreg:$0xd]  }
0x3e: {  	[tilespmem:s31], [sflag:$0x1] =	stream.linear.gather [hbm4b:s30+s1], $0x400, $0x38;
	[tilespmem:$0x15780] =	vst v63  }
0x3f: {  	s12 =	simm.s32 $0x800;
	s13 =	sld [smem:$0x7FA]  }
0x40: {  	[tilespmem:s12], [sflag:$0x1] =	stream.linear.gather [hbm4b:s4+s1], $0x400, $0x38;
	[tilespmem:$0x15780] =	vst v63  }
0x41: {  	s10 =	simm.s32 $0x0;
	s30 =	simm.s32 $0x5100;
	s12 =	simm.s32 $0x200  }
0x42: {  	[tilespmem:s30], [sflag:$0x1] =	stream.linear.gather [hbm4b:s13+s1], $0x20, $0x38;
	[tilespmem:$0x15780] =	vst v63  }
.LBB2_2:
0x43: {  	p0 =	sne.s32 s12, $0x7E00;
	[tilespmem:s10+$0xC70] =	vst v1  }
0x44: {  	[tilespmem:s10+$0xC00] =	vst v1  }
0x45: {  	[tilespmem:s10+$0xC10] =	vst v1  }
.Ltmp0:
0x46: {  	[tilespmem:s10+$0xC20] =	vst v1;
	(pc) =	sbr.rel @p0 .LBB2_2-.Ltmp0, $4  }
0x47: {  	[tilespmem:s10+$0xC30] =	vst v1  }
0x48: {  	[tilespmem:s10+$0xC40] =	vst v1  }
0x49: {  	[tilespmem:s10+$0xC50] =	vst v1  }
0x4a: {  	[tilespmem:s10+$0xC60] =	vst v1;
	s10 =	sshra.s32 s12, $0x2;
	s12 =	sadd.s32 $0x200, s12  }
0x4b: {  	[tilespmem:s10+$0xC70] =	vst v1  }
0x4c: {  	[tilespmem:s10+$0xC00] =	vst v1  }
0x4d: {  	[tilespmem:s10+$0xC10] =	vst v1  }
0x4e: {  	[tilespmem:s10+$0xC20] =	vst v1  }
0x4f: {  	[tilespmem:s10+$0xC30] =	vst v1  }
0x50: {  	[tilespmem:s10+$0xC40] =	vst v1  }
0x51: {  	[tilespmem:s10+$0xC50] =	vst v1  }
0x52: {  	[tilespmem:s10+$0xC60] =	vst v1  }
0x53: {  	_ =	swait.ge [sflag:s0], $0x400  }
0x54: {  	[sflag:s0] =	ssyncset.done $0x0  }
0x55: {  	[sflag:s0] =	ssyncadd.s32 $0xFFFFFC00  }
0x56: {  	_ =	swait.ge [sflag:s0], $0x400  }
0x57: {  	[sflag:s0] =	ssyncset.done $0x0  }
0x58: {  	[sflag:s0] =	ssyncadd.s32 $0xFFFFFC00  }
0x59: {  	_ =	swait.ge [sflag:s0], $0x400  }
0x5a: {  	[sflag:s0] =	ssyncset.done $0x0  }
0x5b: {  	[sflag:s0] =	ssyncadd.s32 $0xFFFFFC00  }
0x5c: {  	_ =	swait.ge [sflag:s0], $0x20  }
0x5d: {  	[sflag:s0] =	ssyncset.done $0x0  }
0x5e: {  	s10 =	simm.s32 $0x0;
	s30 =	smov.u32 s11;
	[sflag:s0] =	ssyncadd.s32 $0xFFFFFFE0  }
.LBB2_4:
0x5f: {  	s12 =	sshra.s32 s10, $0x2  }
0x60: {  	v6 =	vld [tilespmem:s12+$0x0];
	_ =	sdelay $0x4  }
0x61: {  	s13 =	sadd.s32 $0xFFFFFFF0, s30;
	v7 =	vshll.u32 v6, $0xE  }
0x62: {  	v7 =	vadd.s32 s13, v7  }
0x63: {  	v7 =	vadd.s32 v3, v7  }
0x64: {  	v8 =	vshrl.u32 v7, $0x13;
	v9 =	vshll.u32 v7, $0xD  }
0x65: {  	v8 =	vor.u32 v8, v9  }
0x66: {  	v8 =	vxor.u32 v7, v8  }
0x67: {  	v22 =	vshrl.u32 v8, $0x11;
	v10 =	vshll.u32 v8, $0xF  }
0x68: {  	v7 =	vadd.s32 v7, v8;
	v23 =	vor.u32 v22, v10  }
0x69: {  	v8 =	vxor.u32 v7, v23  }
0x6a: {  	v24 =	vshrl.u32 v8, $0x6;
	v25 =	vshll.u32 v8, $0x1A  }
0x6b: {  	v7 =	vadd.s32 v7, v8;
	v26 =	vor.u32 v24, v25  }
0x6c: {  	v8 =	vxor.u32 v7, v26  }
0x6d: {  	v27 =	vshrl.u32 v8, $0x1A;
	v28 =	vshll.u32 v8, $0x6  }
0x6e: {  	v7 =	vadd.s32 v7, v8;
	v29 =	vor.u32 v27, v28  }
0x6f: {  	v8 =	vxor.u32 v7, v29  }
0x70: {  	v8 =	vadd.s32 $0x1BD11BF1, v8  }
0x71: {  	v7 =	vadd.s32 v8, v7;
	v30 =	vshrl.u32 v8, $0xF;
	v8 =	vshll.u32 v8, $0x11  }
0x72: {  	v7 =	vadd.s32 $0x2A, v7;
	v8 =	vor.u32 v30, v8  }
0x73: {  	v8 =	vxor.u32 v7, v8  }
0x74: {  	v31 =	vshrl.u32 v8, $0x3;
	v32 =	vshll.u32 v8, $0x1D  }
0x75: {  	v7 =	vadd.s32 v7, v8;
	v33 =	vor.u32 v31, v32  }
0x76: {  	v8 =	vxor.u32 v7, v33  }
0x77: {  	v34 =	vshrl.u32 v8, $0x10;
	v35 =	vshll.u32 v8, $0x10  }
0x78: {  	v8 =	vadd.s32 v7, v8;
	v7 =	vor.u32 v34, v35  }
0x79: {  	v9 =	vxor.u32 v8, v7;
	v7 =	vld [tilespmem:s12+$0x10]  }
0x7a: {  	v36 =	vshrl.u32 v9, $0x8;
	v11 =	vshll.u32 v9, $0x18  }
0x7b: {  	v8 =	vadd.s32 v8, v9;
	v37 =	vor.u32 v36, v11  }
0x7c: {  	v9 =	vxor.u32 v8, v37  }
0x7d: {  	v9 =	vadd.s32 $0x2, v9  }
0x7e: {  	v8 =	vadd.s32 v9, v8;
	v38 =	vshll.u32 v7, $0xE  }
0x7f: {  	v39 =	vshrl.u32 v9, $0x13;
	v9 =	vshll.u32 v9, $0xD;
	v10 =	vadd.s32 s30, v38  }
0x80: {  	v8 =	vadd.s32 $0x1BD11BF0, v8;
	v9 =	vor.u32 v39, v9;
	v10 =	vadd.s32 v3, v10  }
0x81: {  	v9 =	vxor.u32 v8, v9;
	v40 =	vshrl.u32 v10, $0x13;
	v12 =	vshll.u32 v10, $0xD  }
0x82: {  	v13 =	vshrl.u32 v9, $0x11;
	v14 =	vshll.u32 v9, $0xF;
	v11 =	vor.u32 v40, v12  }
0x83: {  	v8 =	vadd.s32 v8, v9;
	v41 =	vor.u32 v13, v14;
	v11 =	vxor.u32 v10, v11  }
0x84: {  	v9 =	vxor.u32 v8, v41;
	v42 =	vshrl.u32 v11, $0x11  }
0x85: {  	v43 =	vshll.u32 v11, $0xF;
	v8 =	vadd.s32 v8, v9;
	v10 =	vadd.s32 v10, v11  }
0x86: {  	v45 =	vshrl.u32 v9, $0x6;
	v9 =	vshll.u32 v9, $0x1A;
	v44 =	vor.u32 v42, v43  }
0x87: {  	v9 =	vor.u32 v45, v9;
	v11 =	vxor.u32 v10, v44  }
0x88: {  	v9 =	vxor.u32 v8, v9;
	v46 =	vshrl.u32 v11, $0x6;
	v47 =	vshll.u32 v11, $0x1A  }
0x89: {  	v10 =	vadd.s32 v10, v11;
	v8 =	vadd.s32 v8, v9;
	v48 =	vor.u32 v46, v47  }
0x8a: {  	v49 =	vshrl.u32 v9, $0x1A;
	v9 =	vshll.u32 v9, $0x6;
	v11 =	vxor.u32 v10, v48  }
0x8b: {  	v9 =	vor.u32 v49, v9;
	v50 =	vshrl.u32 v11, $0x1A;
	v51 =	vshll.u32 v11, $0x6  }
0x8c: {  	v9 =	vxor.u32 v8, v9;
	v10 =	vadd.s32 v10, v11;
	v52 =	vor.u32 v50, v51  }
0x8d: {  	v9 =	vadd.s32 $0x2D, v9;
	v11 =	vxor.u32 v10, v52  }
0x8e: {  	v8 =	vadd.s32 v8, v9;
	v54 =	vshrl.u32 v9, $0xF;
	v11 =	vadd.s32 $0x1BD11BF1, v11  }
0x8f: {  	v10 =	vadd.s32 v11, v10;
	v53 =	vshrl.u32 v11, $0xF;
	v11 =	vshll.u32 v11, $0x11  }
0x90: {  	v9 =	vshll.u32 v9, $0x11;
	v10 =	vadd.s32 $0x2A, v10;
	v11 =	vor.u32 v53, v11  }
0x91: {  	v9 =	vor.u32 v54, v9;
	v11 =	vxor.u32 v10, v11  }
0x92: {  	v9 =	vxor.u32 v8, v9;
	v55 =	vshrl.u32 v11, $0x3;
	v56 =	vshll.u32 v11, $0x1D  }
0x93: {  	v8 =	vadd.s32 v8, v9;
	v10 =	vadd.s32 v10, v11;
	v57 =	vor.u32 v55, v56  }
0x94: {  	v58 =	vshrl.u32 v9, $0x3;
	v9 =	vshll.u32 v9, $0x1D;
	v11 =	vxor.u32 v10, v57  }
0x95: {  	v9 =	vor.u32 v58, v9;
	v59 =	vshrl.u32 v11, $0x10;
	v60 =	vshll.u32 v11, $0x10  }
0x96: {  	v9 =	vxor.u32 v8, v9;
	v10 =	vadd.s32 v10, v11;
	v61 =	vor.u32 v59, v60  }
0x97: {  	v62 =	vshrl.u32 v9, $0x10;
	v15 =	vshll.u32 v9, $0x10;
	v11 =	vxor.u32 v10, v61  }
0x98: {  	v8 =	vadd.s32 v8, v9;
	v63 =	vshrl.u32 v11, $0x8;
	v18 =	vshll.u32 v11, $0x18  }
0x99: {  	v20 =	vor.u32 v62, v15;
	v10 =	vadd.s32 v10, v11;
	v19 =	vor.u32 v63, v18  }
0x9a: {  	v9 =	vxor.u32 v8, v20;
	v11 =	vxor.u32 v10, v19  }
0x9b: {  	v8 =	vadd.s32 v8, v9;
	v22 =	vshrl.u32 v9, $0x8;
	v11 =	vadd.s32 $0x2, v11  }
0x9c: {  	v10 =	vadd.s32 v11, v10;
	v21 =	vshrl.u32 v11, $0x13;
	v11 =	vshll.u32 v11, $0xD  }
0x9d: {  	v9 =	vshll.u32 v9, $0x18;
	v10 =	vadd.s32 $0x1BD11BF0, v10;
	v11 =	vor.u32 v21, v11  }
0x9e: {  	v9 =	vor.u32 v22, v9;
	v11 =	vxor.u32 v10, v11  }
0x9f: {  	v9 =	vxor.u32 v8, v9;
	v23 =	vshrl.u32 v11, $0x11;
	v24 =	vshll.u32 v11, $0xF  }
0xa0: {  	v9 =	vadd.s32 $0x1BD11BF4, v9;
	v10 =	vadd.s32 v10, v11;
	v25 =	vor.u32 v23, v24  }
0xa1: {  	v41 =	vand.u32 $0x1FF, v6;
	v8 =	vadd.s32 v9, v8;
	v11 =	vxor.u32 v10, v25  }
0xa2: {  	v29 =	vshrl.u32 v9, $0x13;
	v26 =	vshrl.u32 v11, $0x6;
	v27 =	vshll.u32 v11, $0x1A  }
0xa3: {  	v9 =	vshll.u32 v9, $0xD;
	v10 =	vadd.s32 v10, v11;
	v28 =	vor.u32 v26, v27  }
0xa4: {  	v8 =	vadd.s32 $0x2A, v8;
	v9 =	vor.u32 v29, v9;
	v11 =	vxor.u32 v10, v28  }
0xa5: {  	v9 =	vxor.u32 v8, v9;
	v30 =	vshrl.u32 v11, $0x1A;
	v31 =	vshll.u32 v11, $0x6  }
0xa6: {  	v8 =	vadd.s32 v8, v9;
	v10 =	vadd.s32 v10, v11;
	v32 =	vor.u32 v30, v31  }
0xa7: {  	v33 =	vshrl.u32 v9, $0x11;
	v9 =	vshll.u32 v9, $0xF;
	v11 =	vxor.u32 v10, v32  }
0xa8: {  	v12 =	vor.u32 v5, v41;
	v9 =	vor.u32 v33, v9;
	v11 =	vadd.s32 $0x2D, v11  }
0xa9: {  	v9 =	vxor.u32 v8, v9;
	v34 =	vshrl.u32 v11, $0xF;
	v35 =	vshll.u32 v11, $0x11  }
0xaa: {  	v8 =	vadd.s32 v8, v9;
	v10 =	vadd.s32 v10, v11;
	v36 =	vor.u32 v34, v35  }
0xab: {  	v37 =	vshrl.u32 v9, $0x6;
	v9 =	vshll.u32 v9, $0x1A;
	v11 =	vxor.u32 v10, v36  }
0xac: {  	v9 =	vor.u32 v37, v9;
	v38 =	vshrl.u32 v11, $0x3;
	v39 =	vshll.u32 v11, $0x1D  }
0xad: {  	v9 =	vxor.u32 v8, v9;
	v10 =	vadd.s32 v10, v11;
	v40 =	vor.u32 v38, v39  }
0xae: {  	v8 =	vadd.s32 v8, v9;
	v45 =	vshrl.u32 v9, $0x1A;
	v11 =	vxor.u32 v10, v40  }
0xaf: {  	v9 =	vshll.u32 v9, $0x6;
	v42 =	vshrl.u32 v11, $0x10;
	v43 =	vshll.u32 v11, $0x10  }
0xb0: {  	v9 =	vor.u32 v45, v9;
	v10 =	vadd.s32 v10, v11;
	v44 =	vor.u32 v42, v43  }
0xb1: {  	v9 =	vxor.u32 v8, v9;
	v11 =	vxor.u32 v10, v44  }
0xb2: {  	v49 =	vld.idx.msk [tilespmem:v12+s2+$0x0], $0xffff;
	v8 =	vadd.s32 $0x1BD11BF0, v8;
	v46 =	vshrl.u32 v11, $0x8;
	v47 =	vshll.u32 v11, $0x18  }
0xb3: {  	v9 =	vadd.s32 $0x5, v9;
	v10 =	vadd.s32 v10, v11;
	v48 =	vor.u32 v46, v47  }
0xb4: {  	v6 =	vshra.s32 v6, $0x9;
	v8 =	vxor.u32 v8, v9;
	v11 =	vxor.u32 v10, v48  }
0xb5: {  	vm0 =	veq.s32 v6, v0;
	v8 =	vshrl.u32 v8, $0x9;
	v11 =	vadd.s32 $0x1BD11BF4, v11  }
0xb6: {  	v50 =	vadd.s32 v11, v10;
	v51 =	vshrl.u32 v11, $0x13;
	v11 =	vshll.u32 v11, $0xD  }
0xb7: {  	v52 =	vld [tilespmem:s12+$0x400];
	vm1 =	vgt.s32 v8, v49;
	v9 =	vadd.s32 $0x2A, v50;
	v10 =	vor.u32 v51, v11  }
0xb8: {  	v6 =	vmov s13;
	vm0 =	vmand vm0, vm1;
	v10 =	vxor.u32 v9, v10  }
0xb9: {  	v6 =	vshll.u32 v6, $0x8;
	v53 =	vld [tilespmem:s12+$0x800];
	v54 =	vshrl.u32 v10, $0x11;
	v55 =	vshll.u32 v10, $0xF  }
0xba: {  	v57 =	vand.u32 $0x1FF, v7;
	v9 =	vadd.s32 v9, v10;
	v56 =	vor.u32 v54, v55  }
0xbb: {  	v6 =	vor.u32 v4, v6;
	v13 =	vor.u32 v5, v57;
	v10 =	vxor.u32 v9, v56  }
0xbc: {  	v14 =	vshll.u32 v52, $0x4;
	v58 =	vshrl.u32 v10, $0x6;
	v16 =	vshll.u32 v10, $0x1A  }
0xbd: {  	v17 =	vld [tilespmem:s12+$0x410];
	v6 =	vor.u32 v6, v14;
	v9 =	vadd.s32 v9, v10;
	v59 =	vor.u32 v58, v16  }
0xbe: {  	v6 =	vor.u32 v53, v6;
	v60 =	vld [tilespmem:s12+$0x810];
	[tilespmem:v12+s2+$0x0] =	vst.idx.msk vm0, v8;
	v61 =	vxor.u32 v9, v59  }
0xbf: {  	[tilespmem:v12+s3+$0x0] =	vst.idx.msk vm0, v6;
	v6 =	vshrl.u32 v61, $0x1A;
	v10 =	vshll.u32 v61, $0x6  }
0xc0: {  	v62 =	vld.idx.msk [tilespmem:v13+s2+$0x0], $0xffff;
	v8 =	vadd.s32 v9, v61;
	v6 =	vor.u32 v6, v10  }
0xc1: {  	v6 =	vxor.u32 v8, v6  }
0xc2: {  	v8 =	vadd.s32 $0x1BD11BF0, v8;
	v6 =	vadd.s32 $0x5, v6  }
0xc3: {  	v6 =	vxor.u32 v8, v6  }
0xc4: {  	v7 =	vshra.s32 v7, $0x9;
	v6 =	vshrl.u32 v6, $0x9  }
0xc5: {  	vm14 =	veq.s32 v7, v0;
	vm15 =	vgt.s32 v6, v62  }
0xc6: {  	vm0 =	vmand vm14, vm15;
	_ =	sdelay $0x1  }
0xc7: {  	p0 =	sne.s32 s10, $0xF80;
	v7 =	vmov s30  }
.Ltmp1:
0xc8: {  	v7 =	vshll.u32 v7, $0x8;
	(pc) =	sbr.rel @p0 .LBB2_4-.Ltmp1, $4  }
0xc9: {  	v7 =	vor.u32 v4, v7;
	v63 =	vshll.u32 v17, $0x4  }
0xca: {  	v7 =	vor.u32 v7, v63  }
0xcb: {  	v7 =	vor.u32 v60, v7;
	[tilespmem:v13+s2+$0x0] =	vst.idx.msk vm0, v6  }
0xcc: {  	s10 =	sadd.s32 $0x80, s10;
	s30 =	sadd.s32 $0x20, s30;
	[tilespmem:v13+s3+$0x0] =	vst.idx.msk vm0, v7  }
0xcd: {  	s10 =	simm.s32 $0xFFFFFE00  }
0xce: {  	v13 =	vld [tilespmem:s10+$0x3200]  }
0xcf: {  	v14 =	vld [tilespmem:s10+$0x2200]  }
0xd0: {  	v15 =	vld [tilespmem:s10+$0x1200]  }
0xd1: {  	v9 =	vld [tilespmem:s10+$0x2000]  }
0xd2: {  	v8 =	vld [tilespmem:s10+$0x4C00]  }
0xd3: {  	v6 =	vld [tilespmem:s10+$0x2C00]  }
0xd4: {  	v7 =	vld [tilespmem:s10+$0x2A00]  }
0xd5: {  	v10 =	vld [tilespmem:s10+$0x3E00]  }
0xd6: {  	v12 =	vld [tilespmem:s10+$0x1E00]  }
0xd7: {  	v19 =	vld [tilespmem:s10+$0x4800]  }
0xd8: {  	v16 =	vld [tilespmem:s10+$0x4200]  }
0xd9: {  	v18 =	vld [tilespmem:s10+$0x1400]  }
0xda: {  	v20 =	vld [tilespmem:s10+$0x2400]  }
0xdb: {  	v21 =	vld [tilespmem:s10+$0x3400]  }
0xdc: {  	v22 =	vld [tilespmem:s10+$0x4400]  }
0xdd: {  	v23 =	vld [tilespmem:s10+$0x1600]  }
0xde: {  	v24 =	vld [tilespmem:s10+$0x2600]  }
0xdf: {  	v25 =	vld [tilespmem:s10+$0x3600];
	vm0 =	veq.s32 v14, v15;
	vm1 =	vlt.s32 v16, v13  }
0xe0: {  	v26 =	vld [tilespmem:s10+$0x4600];
	vm2 =	vgt.s32 v14, v15;
	vm0 =	vmand vm0, vm1  }
0xe1: {  	v27 =	vld [tilespmem:s10+$0x1800];
	vm1 =	vlt.s32 v22, v21;
	vm0 =	vmor vm2, vm0  }
0xe2: {  	v28 =	vld [tilespmem:s10+$0x2800];
	v14 =	vsel vm0, v14, v15;
	v13 =	vsel vm0, v16, v13;
	vm0 =	veq.s32 v20, v18  }
0xe3: {  	v17 =	vld [tilespmem:s10+$0xE00];
	vm2 =	vgt.s32 v20, v18;
	vm0 =	vmand vm0, vm1  }
0xe4: {  	v29 =	vld [tilespmem:s10+$0x3800];
	vm0 =	vmor vm2, vm0  }
0xe5: {  	v11 =	vld [tilespmem:s10+$0x2E00];
	[tilespmem:s10+$0x3200] =	vst v13;
	v13 =	vsel vm0, v22, v21  }
0xe6: {  	v15 =	vld [tilespmem:s10+$0x1000];
	vm1 =	veq.s32 v24, v23;
	[tilespmem:s10+$0x3400] =	vst v13;
	v13 =	vsel vm0, v20, v18;
	vm0 =	vlt.s32 v26, v25  }
0xe7: {  	vm3 =	vgt.s32 v28, v27;
	v16 =	vld [tilespmem:s10+$0x3000];
	vm2 =	vgt.s32 v24, v23;
	vm0 =	vmand vm1, vm0  }
0xe8: {  	vm4 =	veq.s32 v28, v27;
	vm5 =	veq.s32 v12, v17;
	[tilespmem:s10+$0x1200] =	vst v14;
	v18 =	vld [tilespmem:s10+$0x4000];
	vm0 =	vmor vm2, vm0  }
0xe9: {  	v14 =	vld [tilespmem:s10+$0x3C00];
	[tilespmem:s10+$0x1400] =	vst v13;
	v13 =	vsel vm0, v24, v23;
	v20 =	vsel vm0, v26, v25;
	vm0 =	vlt.s32 v19, v29  }
0xea: {  	vm1 =	vgt.s32 v12, v17;
	vm2 =	vlt.s32 v10, v11;
	[tilespmem:s10+$0x1600] =	vst v13;
	v13 =	vld [tilespmem:s10+$0x1A00];
	vm4 =	vmand vm4, vm0  }
0xeb: {  	vm2 =	vmand vm5, vm2;
	[tilespmem:s10+$0x3600] =	vst v20;
	vm0 =	vgt.s32 v9, v15;
	v20 =	vld [tilespmem:s10+$0x1C00];
	vm4 =	vmor vm3, vm4  }
0xec: {  	s13 =	simm.s32 $0xFFFFF840;
	s12 =	simm.s32 $0xFFFFFE00;
	vm3 =	veq.s32 v9, v15;
	v21 =	vsel vm4, v28, v27;
	v22 =	vsel vm4, v19, v29;
	v19 =	vld [tilespmem:s10+$0x3A00]  }
.LBB2_6:
0xed: {  	s30 =	sshra.s32 s13, $0x2;
	p0 =	sne.s32 s13, $0xFFFFFFC0;
	s13 =	sadd.s32 $0x40, s13;
	vm1 =	vmor vm1, vm2;
	vm2 =	vlt.s32 v18, v16;
	[tilespmem:s12+$0x3800] =	vst v22;
	v22 =	vld [tilespmem:s12+$0x4A00]  }
0xee: {  	v23 =	vld [tilespmem:s30+$0x3200];
	v12 =	vsel vm1, v12, v17;
	v10 =	vsel vm1, v10, v11;
	vm1 =	vmand vm3, vm2  }
0xef: {  	vm2 =	vlt.s32 v8, v14;
	v17 =	vld [tilespmem:s30+$0x2200];
	vm0 =	vmor vm0, vm1;
	[tilespmem:s12+$0x1800] =	vst v21;
	vm1 =	vgt.s32 v7, v13  }
0xf0: {  	v21 =	vld [tilespmem:s30+$0x1200];
	[tilespmem:s12+$0x2E00] =	vst v10;
	v10 =	vsel vm0, v9, v15;
	v11 =	vsel vm0, v18, v16;
	vm0 =	veq.s32 v6, v20  }
0xf1: {  	vm3 =	veq.s32 v7, v13;
	vm4 =	vgt.s32 v6, v20;
	v9 =	vld [tilespmem:s30+$0x2000];
	[tilespmem:s12+$0xE00] =	vst v12;
	vm0 =	vmand vm0, vm2  }
0xf2: {  	v15 =	vld [tilespmem:s30+$0x4C00];
	[tilespmem:s12+$0x1000] =	vst v10;
	vm2 =	vlt.s32 v22, v19;
	vm0 =	vmor vm4, vm0  }
0xf3: {  	[tilespmem:s12+$0x3000] =	vst v11;
	vm2 =	vmand vm3, vm2;
	v11 =	vsel vm0, v6, v20;
	v6 =	vld [tilespmem:s30+$0x2C00];
	v8 =	vsel vm0, v8, v14  }
0xf4: {  	v14 =	vld [tilespmem:s30+$0x2A00];
	vm0 =	vmor vm1, vm2;
	[tilespmem:s12+$0x3C00] =	vst v8  }
0xf5: {  	v10 =	vld [tilespmem:s30+$0x3E00];
	v7 =	vsel vm0, v7, v13;
	v13 =	vsel vm0, v22, v19;
	[tilespmem:s12+$0x1C00] =	vst v11  }
0xf6: {  	v11 =	vld [tilespmem:s30+$0x2E00];
	[tilespmem:s12+$0x3A00] =	vst v13  }
0xf7: {  	v12 =	vld [tilespmem:s30+$0x1E00];
	[tilespmem:s12+$0x1A00] =	vst v7;
	v8 =	vmov v15;
	s12 =	smov.u32 s30  }
0xf8: {  	v19 =	vld [tilespmem:s12+$0x4800]  }
0xf9: {  	v13 =	vld [tilespmem:s12+$0x4200];
	v7 =	vmov v14  }
0xfa: {  	v14 =	vld [tilespmem:s12+$0x1400]  }
0xfb: {  	vm0 =	vlt.s32 v10, v11;
	v15 =	vld [tilespmem:s12+$0x2400]  }
0xfc: {  	vm1 =	vgt.s32 v17, v21;
	vm2 =	veq.s32 v17, v21;
	v16 =	vld [tilespmem:s12+$0x3400]  }
0xfd: {  	v18 =	vld [tilespmem:s12+$0x4400]  }
0xfe: {  	vm3 =	vlt.s32 v13, v23;
	v20 =	vld [tilespmem:s12+$0x1600]  }
0xff: {  	vm2 =	vmand vm2, vm3;
	v22 =	vld [tilespmem:s12+$0x2600]  }
0x100: {  	vm1 =	vmor vm1, vm2;
	vm2 =	vgt.s32 v15, v14;
	vm3 =	veq.s32 v15, v14;
	v24 =	vld [tilespmem:s12+$0x3600]  }
0x101: {  	v17 =	vsel vm1, v17, v21;
	v13 =	vsel vm1, v13, v23;
	v21 =	vld [tilespmem:s12+$0x4600]  }
0x102: {  	[tilespmem:s12+$0x1200] =	vst v17;
	vm1 =	vlt.s32 v18, v16;
	v23 =	vld [tilespmem:s12+$0x1800]  }
0x103: {  	[tilespmem:s12+$0x3200] =	vst v13;
	vm1 =	vmand vm3, vm1;
	v25 =	vld [tilespmem:s12+$0x2800]  }
0x104: {  	vm1 =	vmor vm2, vm1;
	vm2 =	vgt.s32 v22, v20;
	vm3 =	veq.s32 v22, v20;
	v26 =	vld [tilespmem:s12+$0x3800]  }
0x105: {  	v17 =	vld [tilespmem:s12+$0xE00];
	v13 =	vsel vm1, v15, v14;
	v14 =	vsel vm1, v18, v16  }
0x106: {  	v15 =	vld [tilespmem:s12+$0x1000];
	[tilespmem:s12+$0x3400] =	vst v14;
	vm1 =	vlt.s32 v21, v24  }
0x107: {  	v16 =	vld [tilespmem:s12+$0x3000];
	[tilespmem:s12+$0x1400] =	vst v13;
	vm1 =	vmand vm3, vm1  }
.Ltmp2:
0x108: {  	v18 =	vld [tilespmem:s12+$0x4000];
	vm1 =	vmor vm2, vm1;
	vm3 =	vgt.s32 v25, v23;
	vm2 =	veq.s32 v25, v23;
	(pc) =	sbr.rel @p0 .LBB2_6-.Ltmp2, $4  }
0x109: {  	v13 =	vsel vm1, v22, v20;
	v20 =	vsel vm1, v21, v24;
	vm4 =	vlt.s32 v19, v26;
	v14 =	vld [tilespmem:s12+$0x3C00]  }
0x10a: {  	vm1 =	vgt.s32 v12, v17;
	vm5 =	veq.s32 v12, v17;
	[tilespmem:s12+$0x1600] =	vst v13;
	vm4 =	vmand vm2, vm4;
	v13 =	vld [tilespmem:s12+$0x1A00]  }
0x10b: {  	vm2 =	vmand vm5, vm0;
	vm0 =	vgt.s32 v9, v15;
	[tilespmem:s12+$0x3600] =	vst v20;
	vm4 =	vmor vm3, vm4;
	v20 =	vld [tilespmem:s12+$0x1C00]  }
0x10c: {  	vm3 =	veq.s32 v9, v15;
	v21 =	vsel vm4, v25, v23;
	v22 =	vsel vm4, v19, v26;
	v19 =	vld [tilespmem:s12+$0x3A00]  }
0x10d: {  	[tilespmem:s12+$0x3800] =	vst v22;
	vm4 =	vlt.s32 v18, v16;
	v22 =	vld [tilespmem:s12+$0x4A00]  }
0x10e: {  	vm1 =	vmor vm1, vm2;
	vm2 =	vmand vm3, vm4  }
0x10f: {  	[tilespmem:s12+$0x1800] =	vst v21;
	v12 =	vsel vm1, v12, v17;
	v10 =	vsel vm1, v10, v11;
	vm0 =	vmor vm0, vm2  }
0x110: {  	vm1 =	vlt.s32 v8, v14;
	[tilespmem:s12+$0x2E00] =	vst v10;
	v9 =	vsel vm0, v9, v15;
	vm2 =	veq.s32 v6, v20  }
0x111: {  	[tilespmem:s12+$0xE00] =	vst v12;
	v10 =	vsel vm0, v18, v16;
	vm0 =	vgt.s32 v6, v20;
	vm1 =	vmand vm2, vm1  }
0x112: {  	vm2 =	veq.s32 v7, v13;
	[tilespmem:s12+$0x1000] =	vst v9;
	vm3 =	vlt.s32 v22, v19;
	vm0 =	vmor vm0, vm1  }
0x113: {  	[tilespmem:s12+$0x3000] =	vst v10;
	vm1 =	vgt.s32 v7, v13;
	vm2 =	vmand vm2, vm3;
	v8 =	vsel vm0, v8, v14  }
0x114: {  	v6 =	vsel vm0, v6, v20;
	vm0 =	vmor vm1, vm2;
	[tilespmem:s12+$0x3C00] =	vst v8  }
0x115: {  	[tilespmem:s12+$0x1C00] =	vst v6;
	v8 =	vsel vm0, v22, v19  }
0x116: {  	v6 =	vsel vm0, v7, v13;
	[tilespmem:s12+$0x3A00] =	vst v8  }
0x117: {  	[tilespmem:s12+$0x1A00] =	vst v6  }
0x118: {  	v7 =	vld [tilespmem:s10+$0x1800]  }
0x119: {  	v6 =	vld [tilespmem:s10+$0x3C00]  }
0x11a: {  	v14 =	vld [tilespmem:s10+$0x3A00]  }
0x11b: {  	v8 =	vld [tilespmem:s10+$0x3800]  }
0x11c: {  	v9 =	vld [tilespmem:s10+$0x1C00]  }
0x11d: {  	v13 =	vld [tilespmem:s10+$0x1600]  }
0x11e: {  	v12 =	vld [tilespmem:s10+$0x1200]  }
0x11f: {  	v15 =	vld [tilespmem:s10+$0x3200]  }
0x120: {  	v17 =	vld [tilespmem:s10+$0x3600]  }
0x121: {  	v19 =	vld [tilespmem:s10+$0x1A00]  }
0x122: {  	v20 =	vld [tilespmem:s10+$0x2E00]  }
0x123: {  	v10 =	vld [tilespmem:s10+$0x1400]  }
0x124: {  	v11 =	vld [tilespmem:s10+$0x3000]  }
0x125: {  	v18 =	vld [tilespmem:s10+$0xE00]  }
0x126: {  	s12 =	simm.s32 $0xFFFFF840;
	v16 =	vld [tilespmem:s10+$0x1000];
	vm1 =	vlt.s32 v14, v15;
	vm2 =	vgt.s32 v19, v12;
	vm3 =	veq.s32 v19, v12  }
.LBB2_8:
0x127: {  	s13 =	sshra.s32 s12, $0x2;
	p0 =	sne.s32 s12, $0xFFFFFFC0;
	s12 =	sadd.s32 $0x40, s12;
	v21 =	vld [tilespmem:s10+$0x3400]  }
0x128: {  	v22 =	vld [tilespmem:s13+$0x1800];
	vm0 =	vgt.s32 v9, v10;
	vm4 =	veq.s32 v9, v10  }
0x129: {  	vm5 =	vlt.s32 v17, v20;
	v23 =	vld [tilespmem:s13+$0x3C00]  }
0x12a: {  	vm1 =	vmand vm3, vm1;
	v24 =	vld [tilespmem:s13+$0x3A00];
	vm6 =	vgt.s32 v13, v18;
	vm7 =	veq.s32 v13, v18  }
0x12b: {  	vm1 =	vmor vm2, vm1;
	v25 =	vld [tilespmem:s13+$0x3800];
	vm3 =	vmand vm7, vm5;
	vm5 =	vlt.s32 v8, v11  }
0x12c: {  	v12 =	vsel vm1, v19, v12;
	v14 =	vsel vm1, v14, v15;
	v26 =	vld [tilespmem:s13+$0x1C00];
	vm2 =	vmor vm6, vm3  }
0x12d: {  	vm1 =	veq.s32 v7, v16;
	vm3 =	vlt.s32 v6, v21;
	v27 =	vld [tilespmem:s13+$0x1600];
	v17 =	vsel vm2, v17, v20;
	[tilespmem:s10+$0x1200] =	vst v12  }
0x12e: {  	vm6 =	vgt.s32 v7, v16;
	vm1 =	vmand vm1, vm5;
	vm3 =	vmand vm4, vm3;
	v12 =	vld [tilespmem:s13+$0x1200];
	[tilespmem:s10+$0x3200] =	vst v14  }
0x12f: {  	v13 =	vsel vm2, v13, v18;
	vm1 =	vmor vm6, vm1;
	vm0 =	vmor vm0, vm3;
	v15 =	vld [tilespmem:s13+$0x3200];
	[tilespmem:s10+$0x2E00] =	vst v17;
	v14 =	vmovc v24  }
0x130: {  	v16 =	vsel vm1, v7, v16;
	v11 =	vsel vm1, v8, v11;
	v10 =	vsel vm0, v9, v10;
	v17 =	vld [tilespmem:s13+$0x3600];
	[tilespmem:s10+$0xE00] =	vst v13  }
0x131: {  	v7 =	vmovc v22;
	v18 =	vsel vm0, v6, v21;
	v6 =	vmovc v23;
	v8 =	vmov v25;
	v19 =	vld [tilespmem:s13+$0x1A00];
	[tilespmem:s10+$0x1400] =	vst v10;
	v9 =	vmov v26  }
.Ltmp3:
0x132: {  	v20 =	vld [tilespmem:s13+$0x2E00];
	[tilespmem:s10+$0x3000] =	vst v11;
	v13 =	vmov v27;
	(pc) =	sbr.rel @p0 .LBB2_8-.Ltmp3, $4  }
0x133: {  	v10 =	vld [tilespmem:s13+$0x1400];
	[tilespmem:s10+$0x3400] =	vst v18  }
0x134: {  	v11 =	vld [tilespmem:s13+$0x3000];
	vm1 =	vlt.s32 v14, v15;
	[tilespmem:s10+$0x1000] =	vst v16;
	s10 =	smov.u32 s13  }
0x135: {  	v18 =	vld [tilespmem:s10+$0xE00]  }
0x136: {  	v16 =	vld [tilespmem:s10+$0x1000];
	vm2 =	vgt.s32 v19, v12;
	vm3 =	veq.s32 v19, v12  }
0x137: {  	_ =	sdelay $0x1  }
0x138: {  	v21 =	vld [tilespmem:s10+$0x3400];
	vm5 =	vlt.s32 v17, v20;
	vm1 =	vmand vm3, vm1;
	vm4 =	veq.s32 v9, v10  }
0x139: {  	vm1 =	vmor vm2, vm1;
	vm11 =	vlt.s32 v8, v11;
	vm6 =	veq.s32 v13, v18  }
0x13a: {  	v12 =	vsel vm1, v19, v12;
	vm10 =	vgt.s32 v13, v18;
	vm5 =	vmand vm6, vm5  }
0x13b: {  	v14 =	vsel vm1, v14, v15;
	[tilespmem:s10+$0x1200] =	vst v12;
	vm13 =	veq.s32 v7, v16;
	vm3 =	vmor vm10, vm5  }
0x13c: {  	[tilespmem:s10+$0x3200] =	vst v14;
	vm14 =	vgt.s32 v7, v16;
	vm2 =	vmand vm13, vm11;
	v15 =	vsel vm3, v17, v20  }
0x13d: {  	vm12 =	vlt.s32 v6, v21;
	v12 =	vsel vm3, v13, v18;
	vm15 =	vmor vm14, vm2;
	[tilespmem:s10+$0x2E00] =	vst v15  }
0x13e: {  	vm0 =	vgt.s32 v9, v10;
	vm1 =	vmand vm4, vm12;
	[tilespmem:s10+$0xE00] =	vst v12;
	v8 =	vsel vm15, v8, v11  }
0x13f: {  	vm0 =	vmor vm0, vm1;
	v7 =	vsel vm15, v7, v16;
	[tilespmem:s10+$0x3000] =	vst v8  }
0x140: {  	v9 =	vsel vm0, v9, v10;
	[tilespmem:s10+$0x1000] =	vst v7  }
0x141: {  	v6 =	vsel vm0, v6, v21;
	[tilespmem:s10+$0x1400] =	vst v9  }
0x142: {  	[tilespmem:s10+$0x3400] =	vst v6;
	s10 =	simm.s32 $0xFFFFFE00  }
0x143: {  	v6 =	vld [tilespmem:s10+$0x3400]  }
0x144: {  	v8 =	vld [tilespmem:s10+$0x1400]  }
0x145: {  	v7 =	vld [tilespmem:s10+$0x3200]  }
0x146: {  	v10 =	vld [tilespmem:s10+$0xE00]  }
0x147: {  	v12 =	vld [tilespmem:s10+$0x1200]  }
0x148: {  	v13 =	vld [tilespmem:s10+$0x2E00]  }
0x149: {  	v9 =	vld [tilespmem:s10+$0x3000]  }
0x14a: {  	s12 =	simm.s32 $0xFFFFF840;
	v11 =	vld [tilespmem:s10+$0x1000]  }
.LBB2_10:
0x14b: {  	_ = 	snop  }
0x14c: {  	p0 =	sne.s32 s12, $0xFFFFFFC0;
	s13 =	smov.u32 s12;
	s12 =	sadd.s32 $0x40, s12  }
0x14d: {  	vm0 =	veq.s32 v12, v10;
	vm1 =	vlt.s32 v7, v13  }
0x14e: {  	s13 =	sshra.s32 s13, $0x2;
	vm2 =	vgt.s32 v12, v10;
	vm0 =	vmand vm0, vm1;
	vm1 =	vlt.s32 v6, v9  }
0x14f: {  	v14 =	vld [tilespmem:s13+$0x3400];
	vm0 =	vmor vm2, vm0;
	vm2 =	vgt.s32 v8, v11;
	vm3 =	veq.s32 v8, v11  }
0x150: {  	v15 =	vld [tilespmem:s13+$0x1400];
	v10 =	vsel vm0, v12, v10;
	v12 =	vsel vm0, v7, v13;
	vm0 =	vmand vm3, vm1  }
0x151: {  	v7 =	vld [tilespmem:s13+$0x3200];
	[tilespmem:s10+$0xE00] =	vst v10;
	vm0 =	vmor vm2, vm0  }
.Ltmp4:
0x152: {  	v10 =	vld [tilespmem:s13+$0xE00];
	[tilespmem:s10+$0x2E00] =	vst v12;
	v8 =	vsel vm0, v8, v11;
	v9 =	vsel vm0, v6, v9;
	(pc) =	sbr.rel @p0 .LBB2_10-.Ltmp4, $4  }
0x153: {  	v12 =	vld [tilespmem:s13+$0x1200];
	[tilespmem:s10+$0x1000] =	vst v8  }
0x154: {  	v13 =	vld [tilespmem:s13+$0x2E00];
	[tilespmem:s10+$0x3000] =	vst v9;
	v6 =	vmov v14;
	s10 =	smov.u32 s13  }
0x155: {  	v9 =	vld [tilespmem:s10+$0x3000];
	v8 =	vmov v15  }
0x156: {  	v11 =	vld [tilespmem:s10+$0x1000]  }
0x157: {  	_ =	sdelay $0x1  }
0x158: {  	vm0 =	veq.s32 v12, v10;
	vm1 =	vlt.s32 v7, v13  }
0x159: {  	vm2 =	vgt.s32 v12, v10;
	vm0 =	vmand vm0, vm1  }
0x15a: {  	vm1 =	vlt.s32 v6, v9;
	vm0 =	vmor vm2, vm0;
	vm2 =	veq.s32 v8, v11  }
0x15b: {  	vm3 =	vgt.s32 v8, v11;
	v10 =	vsel vm0, v12, v10;
	vm1 =	vmand vm2, vm1  }
0x15c: {  	v7 =	vsel vm0, v7, v13;
	[tilespmem:s10+$0xE00] =	vst v10;
	vm0 =	vmor vm3, vm1  }
0x15d: {  	[tilespmem:s10+$0x2E00] =	vst v7;
	v7 =	vsel vm0, v8, v11  }
0x15e: {  	v6 =	vsel vm0, v6, v9;
	[tilespmem:s10+$0x1000] =	vst v7  }
0x15f: {  	[tilespmem:s10+$0x3000] =	vst v6;
	s10 =	simm.s32 $0x0  }
0x160: {  	v6 =	vld [tilespmem:s10+$0x2E00]  }
0x161: {  	v7 =	vld [tilespmem:s10+$0xE00]  }
0x162: {  	v8 =	vld [tilespmem:s10+$0xC00]  }
0x163: {  	v9 =	vld [tilespmem:s10+$0x2C00];
	_ =	sdelay $0x4  }
0x164: {  	s12 =	simm.s32 $0x40;
	vm1 =	veq.s32 v7, v8;
	vm0 =	vgt.s32 v7, v8;
	vm2 =	vlt.s32 v6, v9  }
.LBB2_12:
0x165: {  	p0 =	sne.s32 s12, $0x7C0;
	vm1 =	vmand vm1, vm2;
	s13 =	smov.u32 s12;
	s12 =	sadd.s32 $0x40, s12  }
0x166: {  	s13 =	sshra.s32 s13, $0x2;
	vm0 =	vmor vm0, vm1  }
0x167: {  	v8 =	vsel vm0, v7, v8;
	v9 =	vsel vm0, v6, v9;
	v6 =	vld [tilespmem:s13+$0x2E00]  }
0x168: {  	v7 =	vld [tilespmem:s13+$0xE00];
	[tilespmem:s10+$0xC00] =	vst v8  }
0x169: {  	v8 =	vld [tilespmem:s13+$0xC00];
	[tilespmem:s10+$0x2C00] =	vst v9;
	s10 =	smov.u32 s13  }
0x16a: {  	v9 =	vld [tilespmem:s10+$0x2C00]  }
.Ltmp5:
0x16b: {  	(pc) =	sbr.rel @p0 .LBB2_12-.Ltmp5, $3  }
0x16c: {  	_ =	sdelay $0x1  }
0x16d: {  	vm1 =	veq.s32 v7, v8  }
0x16e: {  	vm0 =	vgt.s32 v7, v8;
	vm2 =	vlt.s32 v6, v9  }
0x16f: {  	vm1 =	vmand vm1, vm2  }
0x170: {  	vm0 =	vmor vm0, vm1  }
0x171: {  	v7 =	vsel vm0, v7, v8  }
0x172: {  	v6 =	vsel vm0, v6, v9;
	[tilespmem:s10+$0xC00] =	vst v7  }
0x173: {  	s13 =	rddreg [dreg:$0xe];
	s4 =	simm.s32 $0x80;
	[tilespmem:s10+$0x2C00] =	vst v6  }
0x174: {  	[spmem:s13] =	stream.strided.scatter [tilespmem:s2], [sflag:$0x2], $0x200, s31, s4, $0x38;
	[tilespmem:$0x15780] =	vst v63  }
0x175: {  	_ =	swait.ge [sflag:s6], $0x200  }
0x176: {  	[sflag:s6] =	ssyncset.done $0x0  }
0x177: {  	s30 =	rddreg [dreg:$0xf];
	[sflag:s6] =	ssyncadd.s32 $0xFFFFFE00  }
0x178: {  	[spmem:s30] =	stream.strided.scatter [tilespmem:s3], [sflag:$0x2], $0x200, s31, s4, $0x38;
	[tilespmem:$0x15780] =	vst v63  }
0x179: {  	_ =	swait.ge [sflag:s6], $0x200  }
0x17a: {  	[sflag:s6] =	ssyncset.done $0x0  }
0x17b: {  	[sflag:s6] =	ssyncadd.s32 $0xFFFFFE00  }
0x17c: {  	[bflag:$0x0] =	sbarrier.arrive $0xFFFF  }
0x17d: {  	s4 =	sld [smem:$0x7F0];
	_ =	sdelay $0x1  }
0x17e: {  	s12 =	simm.s32 $0x4C00  }
0x17f: {  	[tilespmem:s12], [sflag:$0x1] =	stream.linear.gather [spmem:s4], $0x20, $0x38;
	[tilespmem:$0x15780] =	vst v63  }
0x180: {  	s12 =	sld [smem:$0x7F1];
	_ =	sdelay $0x1  }
0x181: {  	s13 =	simm.s32 $0x4E00;
	s30 =	rddreg [dreg:$0x10]  }
0x182: {  	[tilespmem:s13], [sflag:$0x1] =	stream.linear.gather [spmem:s12], $0x20, $0x38;
	[tilespmem:$0x15780] =	vst v63  }
0x183: {  	s4 =	simm.s32 $0x4C20;
	s12 =	rddreg [dreg:$0x11]  }
0x184: {  	[tilespmem:s4], [sflag:$0x1] =	stream.linear.gather [spmem:s30], $0x20, $0x38;
	[tilespmem:$0x15780] =	vst v63  }
0x185: {  	s13 =	simm.s32 $0x4E20;
	s30 =	rddreg [dreg:$0x12]  }
0x186: {  	[tilespmem:s13], [sflag:$0x1] =	stream.linear.gather [spmem:s12], $0x20, $0x38;
	[tilespmem:$0x15780] =	vst v63  }
0x187: {  	s4 =	simm.s32 $0x4C40;
	s12 =	rddreg [dreg:$0x13]  }
0x188: {  	[tilespmem:s4], [sflag:$0x1] =	stream.linear.gather [spmem:s30], $0x20, $0x38;
	[tilespmem:$0x15780] =	vst v63  }
0x189: {  	s13 =	simm.s32 $0x4E40;
	s30 =	rddreg [dreg:$0x14]  }
0x18a: {  	[tilespmem:s13], [sflag:$0x1] =	stream.linear.gather [spmem:s12], $0x20, $0x38;
	[tilespmem:$0x15780] =	vst v63  }
0x18b: {  	s4 =	simm.s32 $0x4C60;
	s12 =	rddreg [dreg:$0x15]  }
0x18c: {  	[tilespmem:s4], [sflag:$0x1] =	stream.linear.gather [spmem:s30], $0x20, $0x38;
	[tilespmem:$0x15780] =	vst v63  }
0x18d: {  	s13 =	simm.s32 $0x4E60;
	s30 =	rddreg [dreg:$0x16]  }
0x18e: {  	[tilespmem:s13], [sflag:$0x1] =	stream.linear.gather [spmem:s12], $0x20, $0x38;
	[tilespmem:$0x15780] =	vst v63  }
0x18f: {  	s4 =	simm.s32 $0x4C80;
	s12 =	rddreg [dreg:$0x17]  }
0x190: {  	[tilespmem:s4], [sflag:$0x1] =	stream.linear.gather [spmem:s30], $0x20, $0x38;
	[tilespmem:$0x15780] =	vst v63  }
0x191: {  	s13 =	simm.s32 $0x4E80;
	s30 =	rddreg [dreg:$0x18]  }
0x192: {  	[tilespmem:s13], [sflag:$0x1] =	stream.linear.gather [spmem:s12], $0x20, $0x38;
	[tilespmem:$0x15780] =	vst v63  }
0x193: {  	s4 =	simm.s32 $0x4CA0;
	s12 =	rddreg [dreg:$0x19]  }
0x194: {  	[tilespmem:s4], [sflag:$0x1] =	stream.linear.gather [spmem:s30], $0x20, $0x38;
	[tilespmem:$0x15780] =	vst v63  }
0x195: {  	s13 =	simm.s32 $0x4EA0;
	s30 =	rddreg [dreg:$0x1a]  }
0x196: {  	[tilespmem:s13], [sflag:$0x1] =	stream.linear.gather [spmem:s12], $0x20, $0x38;
	[tilespmem:$0x15780] =	vst v63  }
0x197: {  	s4 =	simm.s32 $0x4CC0;
	s12 =	rddreg [dreg:$0x1b]  }
0x198: {  	[tilespmem:s4], [sflag:$0x1] =	stream.linear.gather [spmem:s30], $0x20, $0x38;
	[tilespmem:$0x15780] =	vst v63  }
0x199: {  	s13 =	simm.s32 $0x4EC0;
	s30 =	rddreg [dreg:$0x1c]  }
0x19a: {  	[tilespmem:s13], [sflag:$0x1] =	stream.linear.gather [spmem:s12], $0x20, $0x38;
	[tilespmem:$0x15780] =	vst v63  }
0x19b: {  	s4 =	simm.s32 $0x4CE0;
	s12 =	rddreg [dreg:$0x1d]  }
0x19c: {  	[tilespmem:s4], [sflag:$0x1] =	stream.linear.gather [spmem:s30], $0x20, $0x38;
	[tilespmem:$0x15780] =	vst v63  }
0x19d: {  	s13 =	simm.s32 $0x4EE0;
	s30 =	rddreg [dreg:$0x1e]  }
0x19e: {  	[tilespmem:s13], [sflag:$0x1] =	stream.linear.gather [spmem:s12], $0x20, $0x38;
	[tilespmem:$0x15780] =	vst v63  }
0x19f: {  	s4 =	simm.s32 $0x4D00;
	s12 =	rddreg [dreg:$0x1f]  }
0x1a0: {  	[tilespmem:s4], [sflag:$0x1] =	stream.linear.gather [spmem:s30], $0x20, $0x38;
	[tilespmem:$0x15780] =	vst v63  }
0x1a1: {  	s13 =	simm.s32 $0x4F00;
	s30 =	sld [smem:$0x7EA]  }
0x1a2: {  	[tilespmem:s13], [sflag:$0x1] =	stream.linear.gather [spmem:s12], $0x20, $0x38;
	[tilespmem:$0x15780] =	vst v63  }
0x1a3: {  	s4 =	simm.s32 $0x4D20;
	s12 =	sld [smem:$0x7EB]  }
0x1a4: {  	[tilespmem:s4], [sflag:$0x1] =	stream.linear.gather [spmem:s30], $0x20, $0x38;
	[tilespmem:$0x15780] =	vst v63  }
0x1a5: {  	s13 =	simm.s32 $0x4F20;
	s30 =	sld [smem:$0x7EC]  }
0x1a6: {  	[tilespmem:s13], [sflag:$0x1] =	stream.linear.gather [spmem:s12], $0x20, $0x38;
	[tilespmem:$0x15780] =	vst v63  }
0x1a7: {  	s4 =	simm.s32 $0x4D40;
	s12 =	sld [smem:$0x7ED]  }
0x1a8: {  	[tilespmem:s4], [sflag:$0x1] =	stream.linear.gather [spmem:s30], $0x20, $0x38;
	[tilespmem:$0x15780] =	vst v63  }
0x1a9: {  	s13 =	simm.s32 $0x4F40;
	s30 =	sld [smem:$0x7EE]  }
0x1aa: {  	[tilespmem:s13], [sflag:$0x1] =	stream.linear.gather [spmem:s12], $0x20, $0x38;
	[tilespmem:$0x15780] =	vst v63  }
0x1ab: {  	s4 =	simm.s32 $0x4D60;
	s12 =	sld [smem:$0x7EF]  }
0x1ac: {  	[tilespmem:s4], [sflag:$0x1] =	stream.linear.gather [spmem:s30], $0x20, $0x38;
	[tilespmem:$0x15780] =	vst v63  }
0x1ad: {  	s13 =	simm.s32 $0x4F60;
	s30 =	sld [smem:$0x7F2]  }
0x1ae: {  	[tilespmem:s13], [sflag:$0x1] =	stream.linear.gather [spmem:s12], $0x20, $0x38;
	[tilespmem:$0x15780] =	vst v63  }
0x1af: {  	s4 =	simm.s32 $0x4D80;
	s12 =	sld [smem:$0x7F3]  }
0x1b0: {  	[tilespmem:s4], [sflag:$0x1] =	stream.linear.gather [spmem:s30], $0x20, $0x38;
	[tilespmem:$0x15780] =	vst v63  }
0x1b1: {  	s13 =	simm.s32 $0x4F80;
	s30 =	sld [smem:$0x7F4]  }
0x1b2: {  	[tilespmem:s13], [sflag:$0x1] =	stream.linear.gather [spmem:s12], $0x20, $0x38;
	[tilespmem:$0x15780] =	vst v63  }
0x1b3: {  	s4 =	simm.s32 $0x4DA0;
	s12 =	sld [smem:$0x7F5]  }
0x1b4: {  	[tilespmem:s4], [sflag:$0x1] =	stream.linear.gather [spmem:s30], $0x20, $0x38;
	[tilespmem:$0x15780] =	vst v63  }
0x1b5: {  	s13 =	simm.s32 $0x4FA0;
	s30 =	sld [smem:$0x7F6]  }
0x1b6: {  	[tilespmem:s13], [sflag:$0x1] =	stream.linear.gather [spmem:s12], $0x20, $0x38;
	[tilespmem:$0x15780] =	vst v63  }
0x1b7: {  	s4 =	simm.s32 $0x4DC0;
	s12 =	sld [smem:$0x7F7]  }
0x1b8: {  	[tilespmem:s4], [sflag:$0x1] =	stream.linear.gather [spmem:s30], $0x20, $0x38;
	[tilespmem:$0x15780] =	vst v63  }
0x1b9: {  	s13 =	simm.s32 $0x4FC0;
	s30 =	sld [smem:$0x7F8]  }
0x1ba: {  	[tilespmem:s13], [sflag:$0x1] =	stream.linear.gather [spmem:s12], $0x20, $0x38;
	[tilespmem:$0x15780] =	vst v63  }
0x1bb: {  	s4 =	simm.s32 $0x4DE0;
	s12 =	sld [smem:$0x7F9]  }
0x1bc: {  	[tilespmem:s4], [sflag:$0x1] =	stream.linear.gather [spmem:s30], $0x20, $0x38;
	[tilespmem:$0x15780] =	vst v63  }
0x1bd: {  	s13 =	simm.s32 $0x4FE0  }
0x1be: {  	[tilespmem:s13], [sflag:$0x1] =	stream.linear.gather [spmem:s12], $0x20, $0x38;
	[tilespmem:$0x15780] =	vst v63  }
0x1bf: {  	_ =	swait.ge [sflag:s0], $0x20  }
0x1c0: {  	[sflag:s0] =	ssyncset.done $0x0  }
0x1c1: {  	[sflag:s0] =	ssyncadd.s32 $0xFFFFFFE0  }
0x1c2: {  	_ =	swait.ge [sflag:s0], $0x20  }
0x1c3: {  	[sflag:s0] =	ssyncset.done $0x0  }
0x1c4: {  	[sflag:s0] =	ssyncadd.s32 $0xFFFFFFE0  }
0x1c5: {  	_ =	swait.ge [sflag:s0], $0x20  }
0x1c6: {  	[sflag:s0] =	ssyncset.done $0x0  }
0x1c7: {  	[sflag:s0] =	ssyncadd.s32 $0xFFFFFFE0  }
0x1c8: {  	_ =	swait.ge [sflag:s0], $0x20  }
0x1c9: {  	[sflag:s0] =	ssyncset.done $0x0  }
0x1ca: {  	[sflag:s0] =	ssyncadd.s32 $0xFFFFFFE0  }
0x1cb: {  	_ =	swait.ge [sflag:s0], $0x20  }
0x1cc: {  	[sflag:s0] =	ssyncset.done $0x0  }
0x1cd: {  	[sflag:s0] =	ssyncadd.s32 $0xFFFFFFE0  }
0x1ce: {  	_ =	swait.ge [sflag:s0], $0x20  }
0x1cf: {  	[sflag:s0] =	ssyncset.done $0x0  }
0x1d0: {  	[sflag:s0] =	ssyncadd.s32 $0xFFFFFFE0  }
0x1d1: {  	_ =	swait.ge [sflag:s0], $0x20  }
0x1d2: {  	[sflag:s0] =	ssyncset.done $0x0  }
0x1d3: {  	[sflag:s0] =	ssyncadd.s32 $0xFFFFFFE0  }
0x1d4: {  	_ =	swait.ge [sflag:s0], $0x20  }
0x1d5: {  	[sflag:s0] =	ssyncset.done $0x0  }
0x1d6: {  	[sflag:s0] =	ssyncadd.s32 $0xFFFFFFE0  }
0x1d7: {  	_ =	swait.ge [sflag:s0], $0x20  }
0x1d8: {  	[sflag:s0] =	ssyncset.done $0x0  }
0x1d9: {  	[sflag:s0] =	ssyncadd.s32 $0xFFFFFFE0  }
0x1da: {  	_ =	swait.ge [sflag:s0], $0x20  }
0x1db: {  	[sflag:s0] =	ssyncset.done $0x0  }
0x1dc: {  	[sflag:s0] =	ssyncadd.s32 $0xFFFFFFE0  }
0x1dd: {  	_ =	swait.ge [sflag:s0], $0x20  }
0x1de: {  	[sflag:s0] =	ssyncset.done $0x0  }
0x1df: {  	[sflag:s0] =	ssyncadd.s32 $0xFFFFFFE0  }
0x1e0: {  	_ =	swait.ge [sflag:s0], $0x20  }
0x1e1: {  	[sflag:s0] =	ssyncset.done $0x0  }
0x1e2: {  	[sflag:s0] =	ssyncadd.s32 $0xFFFFFFE0  }
0x1e3: {  	_ =	swait.ge [sflag:s0], $0x20  }
0x1e4: {  	[sflag:s0] =	ssyncset.done $0x0  }
0x1e5: {  	[sflag:s0] =	ssyncadd.s32 $0xFFFFFFE0  }
0x1e6: {  	_ =	swait.ge [sflag:s0], $0x20  }
0x1e7: {  	[sflag:s0] =	ssyncset.done $0x0  }
0x1e8: {  	[sflag:s0] =	ssyncadd.s32 $0xFFFFFFE0  }
0x1e9: {  	_ =	swait.ge [sflag:s0], $0x20  }
0x1ea: {  	[sflag:s0] =	ssyncset.done $0x0  }
0x1eb: {  	[sflag:s0] =	ssyncadd.s32 $0xFFFFFFE0  }
0x1ec: {  	_ =	swait.ge [sflag:s0], $0x20  }
0x1ed: {  	[sflag:s0] =	ssyncset.done $0x0  }
0x1ee: {  	[sflag:s0] =	ssyncadd.s32 $0xFFFFFFE0  }
0x1ef: {  	_ =	swait.ge [sflag:s0], $0x20  }
0x1f0: {  	[sflag:s0] =	ssyncset.done $0x0  }
0x1f1: {  	[sflag:s0] =	ssyncadd.s32 $0xFFFFFFE0  }
0x1f2: {  	_ =	swait.ge [sflag:s0], $0x20  }
0x1f3: {  	[sflag:s0] =	ssyncset.done $0x0  }
0x1f4: {  	[sflag:s0] =	ssyncadd.s32 $0xFFFFFFE0  }
0x1f5: {  	_ =	swait.ge [sflag:s0], $0x20  }
0x1f6: {  	[sflag:s0] =	ssyncset.done $0x0  }
0x1f7: {  	[sflag:s0] =	ssyncadd.s32 $0xFFFFFFE0  }
0x1f8: {  	_ =	swait.ge [sflag:s0], $0x20  }
0x1f9: {  	[sflag:s0] =	ssyncset.done $0x0  }
0x1fa: {  	[sflag:s0] =	ssyncadd.s32 $0xFFFFFFE0  }
0x1fb: {  	_ =	swait.ge [sflag:s0], $0x20  }
0x1fc: {  	[sflag:s0] =	ssyncset.done $0x0  }
0x1fd: {  	[sflag:s0] =	ssyncadd.s32 $0xFFFFFFE0  }
0x1fe: {  	_ =	swait.ge [sflag:s0], $0x20  }
0x1ff: {  	[sflag:s0] =	ssyncset.done $0x0  }
0x200: {  	[sflag:s0] =	ssyncadd.s32 $0xFFFFFFE0  }
0x201: {  	_ =	swait.ge [sflag:s0], $0x20  }
0x202: {  	[sflag:s0] =	ssyncset.done $0x0  }
0x203: {  	[sflag:s0] =	ssyncadd.s32 $0xFFFFFFE0  }
0x204: {  	_ =	swait.ge [sflag:s0], $0x20  }
0x205: {  	[sflag:s0] =	ssyncset.done $0x0  }
0x206: {  	[sflag:s0] =	ssyncadd.s32 $0xFFFFFFE0  }
0x207: {  	_ =	swait.ge [sflag:s0], $0x20  }
0x208: {  	[sflag:s0] =	ssyncset.done $0x0  }
0x209: {  	[sflag:s0] =	ssyncadd.s32 $0xFFFFFFE0  }
0x20a: {  	_ =	swait.ge [sflag:s0], $0x20  }
0x20b: {  	[sflag:s0] =	ssyncset.done $0x0  }
0x20c: {  	[sflag:s0] =	ssyncadd.s32 $0xFFFFFFE0  }
0x20d: {  	_ =	swait.ge [sflag:s0], $0x20  }
0x20e: {  	[sflag:s0] =	ssyncset.done $0x0  }
0x20f: {  	[sflag:s0] =	ssyncadd.s32 $0xFFFFFFE0  }
0x210: {  	_ =	swait.ge [sflag:s0], $0x20  }
0x211: {  	[sflag:s0] =	ssyncset.done $0x0  }
0x212: {  	[sflag:s0] =	ssyncadd.s32 $0xFFFFFFE0  }
0x213: {  	_ =	swait.ge [sflag:s0], $0x20  }
0x214: {  	[sflag:s0] =	ssyncset.done $0x0  }
0x215: {  	[sflag:s0] =	ssyncadd.s32 $0xFFFFFFE0  }
0x216: {  	_ =	swait.ge [sflag:s0], $0x20  }
0x217: {  	[sflag:s0] =	ssyncset.done $0x0  }
0x218: {  	[sflag:s0] =	ssyncadd.s32 $0xFFFFFFE0  }
0x219: {  	_ =	swait.ge [sflag:s0], $0x20  }
0x21a: {  	[sflag:s0] =	ssyncset.done $0x0  }
0x21b: {  	[sflag:s0] =	ssyncadd.s32 $0xFFFFFFE0  }
0x21c: {  	_ =	swait.ge [sflag:s0], $0x20  }
0x21d: {  	[sflag:s0] =	ssyncset.done $0x0  }
0x21e: {  	s30 =	simm.s32 $0x0;
	[sflag:s0] =	ssyncadd.s32 $0xFFFFFFE0  }
0x21f: {  	v7 =	vld [tilespmem:s30+$0x4C00]  }
0x220: {  	v6 =	vld [tilespmem:s30+$0x4C10]  }
0x221: {  	v10 =	vimm.s32 $0x0;
	v13 =	vld [tilespmem:s30+$0x4E00]  }
0x222: {  	v12 =	vimm.s32 $0xFFFFFFFF;
	v11 =	vimm.s32 $0x0;
	v8 =	vimm.s32 $0xFFFFFFFF;
	s10 =	simm.s32 $0x80;
	v9 =	vld [tilespmem:s30+$0x4E10]  }
.LBB2_14:
0x223: {  	p0 =	sne.s32 s10, $0x780  }
.Ltmp6:
0x224: {  	s12 =	sshra.s32 s10, $0x2;
	v14 =	vmov v7;
	(pc) =	sbr.rel @p0 .LBB2_14-.Ltmp6, $4  }
0x225: {  	s10 =	sadd.s32 $0x80, s10;
	v7 =	vld [tilespmem:s12+$0x4C00];
	vm0 =	vgt.s32 v14, v8;
	vm1 =	vgt.s32 v6, v12  }
0x226: {  	v8 =	vsel vm0, v14, v8;
	v10 =	vsel vm0, v13, v10;
	v12 =	vsel vm1, v6, v12;
	v6 =	vld [tilespmem:s12+$0x4C10]  }
0x227: {  	v13 =	vld [tilespmem:s12+$0x4E00];
	v11 =	vsel vm1, v9, v11  }
0x228: {  	v9 =	vld [tilespmem:s12+$0x4E10]  }
0x229: {  	_ =	sdelay $0x1  }
0x22a: {  	vm0 =	vgt.s32 v7, v8  }
0x22b: {  	v7 =	vsel vm0, v13, v10  }
0x22c: {  	vm15 =	vgt.s32 v6, v12;
	v6 =	vshra.s32 v7, $0x8;
	v8 =	vshrl.u32 v7, $0x4  }
0x22d: {  	v9 =	vsel vm15, v9, v11;
	[tilespmem:$0x5000] =	vst v6;
	v6 =	vand.u32 $0xF, v8  }
0x22e: {  	s12 =	sld [smem:$0x7FB];
	v8 =	vshrl.u32 v9, $0x4;
	[tilespmem:$0x5080] =	vst v6;
	v6 =	vshra.s32 v9, $0x8  }
0x22f: {  	[tilespmem:$0x5010] =	vst v6;
	v6 =	vand.u32 $0xF, v8  }
0x230: {  	s10 =	simm.s32 $0x0;
	s13 =	simm.s32 $0x5000;
	s30 =	sld [smem:$0x7FC];
	[tilespmem:$0x5090] =	vst v6  }
0x231: {  	[hbm4b:s12+s10] =	stream.linear.scatter [tilespmem:s13], [sflag:$0x1], $0x20, $0x38;
	[tilespmem:$0x15780] =	vst v63  }
0x232: {  	s4 =	simm.s32 $0x5080  }
0x233: {  	[hbm4b:s30+s10] =	stream.linear.scatter [tilespmem:s4], [sflag:$0x1], $0x20, $0x38;
	[tilespmem:$0x15780] =	vst v63  }
0x234: {  	v6 =	vld [tilespmem:$0x5100];
	_ =	sdelay $0x1  }
0x235: {  	v7 =	vand.u32 $0xF, v7  }
0x236: {  	v7 =	vmul.u32 $0x187000, v7;
	_ =	sdelay $0x1  }
0x237: {  	v7 =	vshrl.u32 v7, $0x3;
	s30 =	rddreg [dreg:$0x4];
	v8 =	vand.u32 $0xFFFFFF80, v6  }
0x238: {  	v10 =	vadd.s32 s30, v7;
	(v2sf) =	vpush v8, $0x0  }
0x239: {  	(v2sf) =	vpush v10, $0x1  }
0x23a: {  	(v2sf) =	vpush v10, $0x0  }
0x23b: {  	(v2sf) =	vpush v8, $0x1  }
0x23c: {  	(v2sf) =	vpush v8, $0x2;
	_ =	sdelay $0x1  }
0x23d: {  	(v2sf) =	vpush v10, $0x3;
	_ =	sdelay $0x1  }
0x23e: {  	(v2sf) =	vpush v10, $0x2;
	_ =	sdelay $0x3  }
0x23f: {  	(v2sf) =	vpush v8, $0x3;
	_ =	sdelay $0x1  }
0x240: {  	(v2sf) =	vpush v8, $0x4  }
0x241: {  	s13 =	spop (v2sf)  }
0x242: {  	(v2sf) =	vpush v10, $0x5;
	s12 =	spop (v2sf)  }
0x243: {  	(v2sf) =	vpush v10, $0x4;
	s4 =	spop (v2sf)  }
0x244: {  	(v2sf) =	vpush v8, $0x5;
	s10 =	sadd.s32 s13, s4;
	s4 =	spop (v2sf)  }
0x245: {  	(v2sf) =	vpush v8, $0x6;
	s10 =	sadd.s32 $0x30E00, s10;
	s13 =	sadd.s32 s4, s12;
	s12 =	spop (v2sf)  }
0x246: {  	v7 =	vld [tilespmem:$0x5110];
	[tilespmem:s8], [sflag:$0x1] =	stream.strided.gather [hbm4b:s10+s31], $0x800, s7, s31, $0x38  }
0x247: {  	(v2sf) =	vpush v10, $0x7;
	s4 =	simm.s32 $0x5980;
	s10 =	sadd.s32 $0x30E00, s13;
	s13 =	spop (v2sf)  }
0x248: {  	[tilespmem:s4], [sflag:$0x1] =	stream.strided.gather [hbm4b:s10+s31], $0x800, s7, s31, $0x38;
	[tilespmem:$0x15780] =	vst v63  }
0x249: {  	(v2sf) =	vpush v10, $0x6;
	s4 =	spop (v2sf)  }
0x24a: {  	s10 =	sadd.s32 s12, s4  }
0x24b: {  	s12 =	simm.s32 $0x6180;
	s10 =	sadd.s32 $0x30E00, s10  }
0x24c: {  	[tilespmem:s12], [sflag:$0x1] =	stream.strided.gather [hbm4b:s10+s31], $0x800, s7, s31, $0x38;
	[tilespmem:$0x15780] =	vst v63  }
0x24d: {  	(v2sf) =	vpush v8, $0x7;
	s12 =	spop (v2sf)  }
0x24e: {  	s10 =	sadd.s32 s12, s13  }
0x24f: {  	s4 =	simm.s32 $0x6980;
	(v2sf) =	vpush v8, $0x8;
	s12 =	spop (v2sf);
	s10 =	sadd.s32 $0x30E00, s10  }
0x250: {  	[tilespmem:s4], [sflag:$0x1] =	stream.strided.gather [hbm4b:s10+s31], $0x800, s7, s31, $0x38;
	[tilespmem:$0x15780] =	vst v63  }
0x251: {  	s13 =	spop (v2sf);
	(v2sf) =	vpush v10, $0x9  }
0x252: {  	s4 =	spop (v2sf);
	(v2sf) =	vpush v10, $0x8  }
0x253: {  	s10 =	sadd.s32 s12, s4;
	s12 =	spop (v2sf);
	(v2sf) =	vpush v8, $0x9;
	s4 =	simm.s32 $0x7180  }
0x254: {  	s10 =	sadd.s32 $0x30E00, s10;
	s13 =	sadd.s32 s12, s13;
	s12 =	spop (v2sf);
	(v2sf) =	vpush v8, $0xA  }
0x255: {  	[tilespmem:s4], [sflag:$0x1] =	stream.strided.gather [hbm4b:s10+s31], $0x800, s7, s31, $0x38;
	[tilespmem:$0x15780] =	vst v63  }
0x256: {  	s10 =	sadd.s32 $0x30E00, s13;
	s13 =	spop (v2sf);
	(v2sf) =	vpush v10, $0xB;
	s4 =	simm.s32 $0x7980  }
0x257: {  	[tilespmem:s4], [sflag:$0x1] =	stream.strided.gather [hbm4b:s10+s31], $0x800, s7, s31, $0x38;
	[tilespmem:$0x15780] =	vst v63  }
0x258: {  	s4 =	spop (v2sf);
	(v2sf) =	vpush v10, $0xA  }
0x259: {  	s10 =	sadd.s32 s12, s4  }
0x25a: {  	s12 =	simm.s32 $0x8180;
	s10 =	sadd.s32 $0x30E00, s10  }
0x25b: {  	[tilespmem:s12], [sflag:$0x1] =	stream.strided.gather [hbm4b:s10+s31], $0x800, s7, s31, $0x38;
	[tilespmem:$0x15780] =	vst v63  }
0x25c: {  	s12 =	spop (v2sf);
	(v2sf) =	vpush v8, $0xB  }
0x25d: {  	s10 =	sadd.s32 s12, s13  }
0x25e: {  	s4 =	simm.s32 $0x8980;
	s12 =	spop (v2sf);
	(v2sf) =	vpush v8, $0xC;
	s10 =	sadd.s32 $0x30E00, s10  }
0x25f: {  	[tilespmem:s4], [sflag:$0x1] =	stream.strided.gather [hbm4b:s10+s31], $0x800, s7, s31, $0x38;
	[tilespmem:$0x15780] =	vst v63  }
0x260: {  	s13 =	spop (v2sf);
	(v2sf) =	vpush v10, $0xD  }
0x261: {  	s4 =	spop (v2sf);
	(v2sf) =	vpush v10, $0xC  }
0x262: {  	s10 =	sadd.s32 s12, s4;
	s12 =	spop (v2sf);
	(v2sf) =	vpush v8, $0xD;
	s4 =	simm.s32 $0x9180  }
0x263: {  	s10 =	sadd.s32 $0x30E00, s10;
	s13 =	sadd.s32 s12, s13;
	s12 =	spop (v2sf);
	(v2sf) =	vpush v8, $0xE  }
0x264: {  	[tilespmem:s4], [sflag:$0x1] =	stream.strided.gather [hbm4b:s10+s31], $0x800, s7, s31, $0x38;
	[tilespmem:$0x15780] =	vst v63  }
0x265: {  	s10 =	sadd.s32 $0x30E00, s13;
	s13 =	spop (v2sf);
	(v2sf) =	vpush v10, $0xF;
	s4 =	simm.s32 $0x9980  }
0x266: {  	[tilespmem:s4], [sflag:$0x1] =	stream.strided.gather [hbm4b:s10+s31], $0x800, s7, s31, $0x38;
	[tilespmem:$0x15780] =	vst v63  }
0x267: {  	s4 =	spop (v2sf);
	(v2sf) =	vpush v10, $0xE  }
0x268: {  	s10 =	sadd.s32 s12, s4  }
0x269: {  	v9 =	vand.u32 $0xF, v9;
	s12 =	simm.s32 $0xA180;
	s10 =	sadd.s32 $0x30E00, s10  }
0x26a: {  	v9 =	vmul.u32 $0x187000, v9;
	[tilespmem:s12], [sflag:$0x1] =	stream.strided.gather [hbm4b:s10+s31], $0x800, s7, s31, $0x38;
	[tilespmem:$0x15780] =	vst v63  }
0x26b: {  	s12 =	spop (v2sf);
	(v2sf) =	vpush v8, $0xF  }
0x26c: {  	v10 =	vand.u32 $0xFFFFFF80, v7;
	v8 =	vshrl.u32 v9, $0x3;
	s10 =	sadd.s32 s12, s13  }
0x26d: {  	s12 =	spop (v2sf);
	(v2sf) =	vpush v10, $0x0;
	v8 =	vadd.s32 s30, v8;
	s30 =	simm.s32 $0xA980;
	s10 =	sadd.s32 $0x30E00, s10  }
0x26e: {  	[tilespmem:s30], [sflag:$0x1] =	stream.strided.gather [hbm4b:s10+s31], $0x800, s7, s31, $0x38;
	[tilespmem:$0x15780] =	vst v63  }
0x26f: {  	s13 =	spop (v2sf);
	(v2sf) =	vpush v8, $0x1  }
0x270: {  	s4 =	spop (v2sf);
	(v2sf) =	vpush v8, $0x0  }
0x271: {  	s30 =	simm.s32 $0xB180;
	s10 =	sadd.s32 s12, s4;
	s12 =	spop (v2sf);
	(v2sf) =	vpush v10, $0x1  }
0x272: {  	s10 =	sadd.s32 $0x30E00, s10;
	s13 =	sadd.s32 s12, s13;
	s12 =	spop (v2sf);
	(v2sf) =	vpush v10, $0x2  }
0x273: {  	[tilespmem:s30], [sflag:$0x1] =	stream.strided.gather [hbm4b:s10+s31], $0x800, s7, s31, $0x38;
	[tilespmem:$0x15780] =	vst v63  }
0x274: {  	s10 =	sadd.s32 $0x30E00, s13;
	s13 =	spop (v2sf);
	(v2sf) =	vpush v8, $0x3;
	s30 =	simm.s32 $0xB980  }
0x275: {  	[tilespmem:s30], [sflag:$0x1] =	stream.strided.gather [hbm4b:s10+s31], $0x800, s7, s31, $0x38;
	[tilespmem:$0x15780] =	vst v63  }
0x276: {  	s4 =	spop (v2sf);
	(v2sf) =	vpush v8, $0x2  }
0x277: {  	s10 =	sadd.s32 s12, s4  }
0x278: {  	s30 =	simm.s32 $0xC180;
	s10 =	sadd.s32 $0x30E00, s10  }
0x279: {  	[tilespmem:s30], [sflag:$0x1] =	stream.strided.gather [hbm4b:s10+s31], $0x800, s7, s31, $0x38;
	[tilespmem:$0x15780] =	vst v63  }
0x27a: {  	s12 =	spop (v2sf);
	(v2sf) =	vpush v10, $0x3  }
0x27b: {  	s10 =	sadd.s32 s12, s13  }
0x27c: {  	s30 =	simm.s32 $0xC980;
	s12 =	spop (v2sf);
	(v2sf) =	vpush v10, $0x4;
	s10 =	sadd.s32 $0x30E00, s10  }
0x27d: {  	[tilespmem:s30], [sflag:$0x1] =	stream.strided.gather [hbm4b:s10+s31], $0x800, s7, s31, $0x38;
	[tilespmem:$0x15780] =	vst v63  }
0x27e: {  	s13 =	spop (v2sf);
	(v2sf) =	vpush v8, $0x5  }
0x27f: {  	s4 =	spop (v2sf);
	(v2sf) =	vpush v8, $0x4  }
0x280: {  	s30 =	simm.s32 $0xD180;
	s10 =	sadd.s32 s12, s4;
	s12 =	spop (v2sf);
	(v2sf) =	vpush v10, $0x5  }
0x281: {  	s10 =	sadd.s32 $0x30E00, s10;
	s13 =	sadd.s32 s12, s13;
	s12 =	spop (v2sf);
	(v2sf) =	vpush v10, $0x6  }
0x282: {  	[tilespmem:s30], [sflag:$0x1] =	stream.strided.gather [hbm4b:s10+s31], $0x800, s7, s31, $0x38;
	[tilespmem:$0x15780] =	vst v63  }
0x283: {  	s10 =	sadd.s32 $0x30E00, s13;
	s13 =	spop (v2sf);
	(v2sf) =	vpush v8, $0x7;
	s30 =	simm.s32 $0xD980  }
0x284: {  	[tilespmem:s30], [sflag:$0x1] =	stream.strided.gather [hbm4b:s10+s31], $0x800, s7, s31, $0x38;
	[tilespmem:$0x15780] =	vst v63  }
0x285: {  	s4 =	spop (v2sf);
	(v2sf) =	vpush v8, $0x6  }
0x286: {  	s10 =	sadd.s32 s12, s4  }
0x287: {  	s30 =	simm.s32 $0xE180;
	s10 =	sadd.s32 $0x30E00, s10  }
0x288: {  	[tilespmem:s30], [sflag:$0x1] =	stream.strided.gather [hbm4b:s10+s31], $0x800, s7, s31, $0x38;
	[tilespmem:$0x15780] =	vst v63  }
0x289: {  	s12 =	spop (v2sf);
	(v2sf) =	vpush v10, $0x7  }
0x28a: {  	s10 =	sadd.s32 s12, s13  }
0x28b: {  	s30 =	simm.s32 $0xE980;
	s12 =	spop (v2sf);
	(v2sf) =	vpush v10, $0x8;
	s10 =	sadd.s32 $0x30E00, s10  }
0x28c: {  	[tilespmem:s30], [sflag:$0x1] =	stream.strided.gather [hbm4b:s10+s31], $0x800, s7, s31, $0x38;
	[tilespmem:$0x15780] =	vst v63  }
0x28d: {  	s13 =	spop (v2sf);
	(v2sf) =	vpush v8, $0x9  }
0x28e: {  	s4 =	spop (v2sf);
	(v2sf) =	vpush v8, $0x8  }
0x28f: {  	s30 =	simm.s32 $0xF180;
	s10 =	sadd.s32 s12, s4;
	s12 =	spop (v2sf);
	(v2sf) =	vpush v10, $0x9  }
0x290: {  	s10 =	sadd.s32 $0x30E00, s10;
	s13 =	sadd.s32 s12, s13;
	s12 =	spop (v2sf);
	(v2sf) =	vpush v10, $0xA  }
0x291: {  	[tilespmem:s30], [sflag:$0x1] =	stream.strided.gather [hbm4b:s10+s31], $0x800, s7, s31, $0x38;
	[tilespmem:$0x15780] =	vst v63  }
0x292: {  	s10 =	sadd.s32 $0x30E00, s13;
	s13 =	spop (v2sf);
	(v2sf) =	vpush v8, $0xB;
	s30 =	simm.s32 $0xF980  }
0x293: {  	[tilespmem:s30], [sflag:$0x1] =	stream.strided.gather [hbm4b:s10+s31], $0x800, s7, s31, $0x38;
	[tilespmem:$0x15780] =	vst v63  }
0x294: {  	s4 =	spop (v2sf);
	(v2sf) =	vpush v8, $0xA  }
0x295: {  	s10 =	sadd.s32 s12, s4  }
0x296: {  	s30 =	simm.s32 $0x10180;
	s10 =	sadd.s32 $0x30E00, s10  }
0x297: {  	[tilespmem:s30], [sflag:$0x1] =	stream.strided.gather [hbm4b:s10+s31], $0x800, s7, s31, $0x38;
	[tilespmem:$0x15780] =	vst v63  }
0x298: {  	s12 =	spop (v2sf);
	(v2sf) =	vpush v10, $0xB  }
0x299: {  	s10 =	sadd.s32 s12, s13  }
0x29a: {  	s30 =	simm.s32 $0x10980;
	s12 =	spop (v2sf);
	(v2sf) =	vpush v10, $0xC;
	s10 =	sadd.s32 $0x30E00, s10  }
0x29b: {  	[tilespmem:s30], [sflag:$0x1] =	stream.strided.gather [hbm4b:s10+s31], $0x800, s7, s31, $0x38;
	[tilespmem:$0x15780] =	vst v63  }
0x29c: {  	s13 =	spop (v2sf);
	(v2sf) =	vpush v8, $0xD  }
0x29d: {  	s4 =	spop (v2sf);
	(v2sf) =	vpush v8, $0xC  }
0x29e: {  	s30 =	simm.s32 $0x11180;
	s10 =	sadd.s32 s12, s4;
	s12 =	spop (v2sf)  }
0x29f: {  	(v2sf) =	vpush v10, $0xD;
	s10 =	sadd.s32 $0x30E00, s10;
	s13 =	sadd.s32 s12, s13;
	s12 =	spop (v2sf)  }
0x2a0: {  	[tilespmem:s30], [sflag:$0x1] =	stream.strided.gather [hbm4b:s10+s31], $0x800, s7, s31, $0x38;
	[tilespmem:$0x15780] =	vst v63  }
0x2a1: {  	(v2sf) =	vpush v10, $0xE;
	s10 =	sadd.s32 $0x30E00, s13;
	s13 =	spop (v2sf);
	s30 =	simm.s32 $0x11980  }
0x2a2: {  	(v2sf) =	vpush v8, $0xF;
	[tilespmem:s30], [sflag:$0x1] =	stream.strided.gather [hbm4b:s10+s31], $0x800, s7, s31, $0x38;
	[tilespmem:$0x15780] =	vst v63  }
0x2a3: {  	s4 =	spop (v2sf)  }
0x2a4: {  	(v2sf) =	vpush v8, $0xE;
	s10 =	sadd.s32 s12, s4  }
0x2a5: {  	s30 =	simm.s32 $0x12180;
	s10 =	sadd.s32 $0x30E00, s10  }
0x2a6: {  	[tilespmem:s30], [sflag:$0x1] =	stream.strided.gather [hbm4b:s10+s31], $0x800, s7, s31, $0x38;
	[tilespmem:$0x15780] =	vst v63  }
0x2a7: {  	s4 =	spop (v2sf)  }
0x2a8: {  	(v2sf) =	vpush v10, $0xF;
	s10 =	sadd.s32 s4, s13  }
0x2a9: {  	s30 =	simm.s32 $0x12980;
	s12 =	spop (v2sf);
	s10 =	sadd.s32 $0x30E00, s10  }
0x2aa: {  	[tilespmem:s30], [sflag:$0x1] =	stream.strided.gather [hbm4b:s10+s31], $0x800, s7, s31, $0x38;
	[tilespmem:$0x15780] =	vst v63  }
0x2ab: {  	s13 =	spop (v2sf)  }
0x2ac: {  	s4 =	spop (v2sf)  }
0x2ad: {  	s10 =	sadd.s32 s12, s4  }
0x2ae: {  	s30 =	simm.s32 $0x13180;
	s12 =	spop (v2sf);
	s10 =	sadd.s32 $0x30E00, s10  }
0x2af: {  	[tilespmem:s30], [sflag:$0x1] =	stream.strided.gather [hbm4b:s10+s31], $0x800, s7, s31, $0x38;
	[tilespmem:$0x15780] =	vst v63  }
0x2b0: {  	s12 =	sadd.s32 s12, s13;
	s10 =	spop (v2sf)  }
0x2b1: {  	s12 =	sadd.s32 $0x30E00, s12;
	s30 =	simm.s32 $0x13980;
	s13 =	spop (v2sf)  }
0x2b2: {  	[tilespmem:s30], [sflag:$0x1] =	stream.strided.gather [hbm4b:s12+s31], $0x800, s7, s31, $0x38;
	[tilespmem:$0x15780] =	vst v63  }
0x2b3: {  	s4 =	spop (v2sf)  }
0x2b4: {  	s10 =	sadd.s32 s10, s4  }
0x2b5: {  	s30 =	simm.s32 $0x14180;
	s10 =	sadd.s32 $0x30E00, s10  }
0x2b6: {  	[tilespmem:s30], [sflag:$0x1] =	stream.strided.gather [hbm4b:s10+s31], $0x800, s7, s31, $0x38;
	[tilespmem:$0x15780] =	vst v63  }
0x2b7: {  	s12 =	spop (v2sf)  }
0x2b8: {  	s10 =	sadd.s32 s12, s13  }
0x2b9: {  	s13 =	simm.s32 $0x14980;
	s10 =	sadd.s32 $0x30E00, s10  }
0x2ba: {  	[tilespmem:s13], [sflag:$0x1] =	stream.strided.gather [hbm4b:s10+s31], $0x800, s7, s31, $0x38;
	[tilespmem:$0x15780] =	vst v63  }
0x2bb: {  	_ =	swait.ge [sflag:s0], $0x800  }
0x2bc: {  	[sflag:s0] =	ssyncset.done $0x0  }
0x2bd: {  	[sflag:s0] =	ssyncadd.s32 $0xFFFFF800  }
0x2be: {  	_ =	swait.ge [sflag:s0], $0x800  }
0x2bf: {  	[sflag:s0] =	ssyncset.done $0x0  }
0x2c0: {  	[sflag:s0] =	ssyncadd.s32 $0xFFFFF800  }
0x2c1: {  	_ =	swait.ge [sflag:s0], $0x800  }
0x2c2: {  	[sflag:s0] =	ssyncset.done $0x0  }
0x2c3: {  	[sflag:s0] =	ssyncadd.s32 $0xFFFFF800  }
0x2c4: {  	_ =	swait.ge [sflag:s0], $0x800  }
0x2c5: {  	[sflag:s0] =	ssyncset.done $0x0  }
0x2c6: {  	[sflag:s0] =	ssyncadd.s32 $0xFFFFF800  }
0x2c7: {  	_ =	swait.ge [sflag:s0], $0x800  }
0x2c8: {  	[sflag:s0] =	ssyncset.done $0x0  }
0x2c9: {  	[sflag:s0] =	ssyncadd.s32 $0xFFFFF800  }
0x2ca: {  	_ =	swait.ge [sflag:s0], $0x800  }
0x2cb: {  	[sflag:s0] =	ssyncset.done $0x0  }
0x2cc: {  	[sflag:s0] =	ssyncadd.s32 $0xFFFFF800  }
0x2cd: {  	_ =	swait.ge [sflag:s0], $0x800  }
0x2ce: {  	[sflag:s0] =	ssyncset.done $0x0  }
0x2cf: {  	[sflag:s0] =	ssyncadd.s32 $0xFFFFF800  }
0x2d0: {  	_ =	swait.ge [sflag:s0], $0x800  }
0x2d1: {  	[sflag:s0] =	ssyncset.done $0x0  }
0x2d2: {  	[sflag:s0] =	ssyncadd.s32 $0xFFFFF800  }
0x2d3: {  	_ =	swait.ge [sflag:s0], $0x800  }
0x2d4: {  	[sflag:s0] =	ssyncset.done $0x0  }
0x2d5: {  	[sflag:s0] =	ssyncadd.s32 $0xFFFFF800  }
0x2d6: {  	_ =	swait.ge [sflag:s0], $0x800  }
0x2d7: {  	[sflag:s0] =	ssyncset.done $0x0  }
0x2d8: {  	[sflag:s0] =	ssyncadd.s32 $0xFFFFF800  }
0x2d9: {  	_ =	swait.ge [sflag:s0], $0x800  }
0x2da: {  	[sflag:s0] =	ssyncset.done $0x0  }
0x2db: {  	[sflag:s0] =	ssyncadd.s32 $0xFFFFF800  }
0x2dc: {  	_ =	swait.ge [sflag:s0], $0x800  }
0x2dd: {  	[sflag:s0] =	ssyncset.done $0x0  }
0x2de: {  	[sflag:s0] =	ssyncadd.s32 $0xFFFFF800  }
0x2df: {  	_ =	swait.ge [sflag:s0], $0x800  }
0x2e0: {  	[sflag:s0] =	ssyncset.done $0x0  }
0x2e1: {  	[sflag:s0] =	ssyncadd.s32 $0xFFFFF800  }
0x2e2: {  	_ =	swait.ge [sflag:s0], $0x800  }
0x2e3: {  	[sflag:s0] =	ssyncset.done $0x0  }
0x2e4: {  	[sflag:s0] =	ssyncadd.s32 $0xFFFFF800  }
0x2e5: {  	_ =	swait.ge [sflag:s0], $0x800  }
0x2e6: {  	[sflag:s0] =	ssyncset.done $0x0  }
0x2e7: {  	[sflag:s0] =	ssyncadd.s32 $0xFFFFF800  }
0x2e8: {  	_ =	swait.ge [sflag:s0], $0x800  }
0x2e9: {  	[sflag:s0] =	ssyncset.done $0x0  }
0x2ea: {  	[sflag:s0] =	ssyncadd.s32 $0xFFFFF800  }
0x2eb: {  	_ =	swait.ge [sflag:s0], $0x800  }
0x2ec: {  	[sflag:s0] =	ssyncset.done $0x0  }
0x2ed: {  	[sflag:s0] =	ssyncadd.s32 $0xFFFFF800  }
0x2ee: {  	_ =	swait.ge [sflag:s0], $0x800  }
0x2ef: {  	[sflag:s0] =	ssyncset.done $0x0  }
0x2f0: {  	[sflag:s0] =	ssyncadd.s32 $0xFFFFF800  }
0x2f1: {  	_ =	swait.ge [sflag:s0], $0x800  }
0x2f2: {  	[sflag:s0] =	ssyncset.done $0x0  }
0x2f3: {  	[sflag:s0] =	ssyncadd.s32 $0xFFFFF800  }
0x2f4: {  	_ =	swait.ge [sflag:s0], $0x800  }
0x2f5: {  	[sflag:s0] =	ssyncset.done $0x0  }
0x2f6: {  	[sflag:s0] =	ssyncadd.s32 $0xFFFFF800  }
0x2f7: {  	_ =	swait.ge [sflag:s0], $0x800  }
0x2f8: {  	[sflag:s0] =	ssyncset.done $0x0  }
0x2f9: {  	[sflag:s0] =	ssyncadd.s32 $0xFFFFF800  }
0x2fa: {  	_ =	swait.ge [sflag:s0], $0x800  }
0x2fb: {  	[sflag:s0] =	ssyncset.done $0x0  }
0x2fc: {  	[sflag:s0] =	ssyncadd.s32 $0xFFFFF800  }
0x2fd: {  	_ =	swait.ge [sflag:s0], $0x800  }
0x2fe: {  	[sflag:s0] =	ssyncset.done $0x0  }
0x2ff: {  	[sflag:s0] =	ssyncadd.s32 $0xFFFFF800  }
0x300: {  	_ =	swait.ge [sflag:s0], $0x800  }
0x301: {  	[sflag:s0] =	ssyncset.done $0x0  }
0x302: {  	[sflag:s0] =	ssyncadd.s32 $0xFFFFF800  }
0x303: {  	_ =	swait.ge [sflag:s0], $0x800  }
0x304: {  	[sflag:s0] =	ssyncset.done $0x0  }
0x305: {  	[sflag:s0] =	ssyncadd.s32 $0xFFFFF800  }
0x306: {  	_ =	swait.ge [sflag:s0], $0x800  }
0x307: {  	[sflag:s0] =	ssyncset.done $0x0  }
0x308: {  	[sflag:s0] =	ssyncadd.s32 $0xFFFFF800  }
0x309: {  	_ =	swait.ge [sflag:s0], $0x800  }
0x30a: {  	[sflag:s0] =	ssyncset.done $0x0  }
0x30b: {  	[sflag:s0] =	ssyncadd.s32 $0xFFFFF800  }
0x30c: {  	_ =	swait.ge [sflag:s0], $0x800  }
0x30d: {  	[sflag:s0] =	ssyncset.done $0x0  }
0x30e: {  	[sflag:s0] =	ssyncadd.s32 $0xFFFFF800  }
0x30f: {  	_ =	swait.ge [sflag:s0], $0x800  }
0x310: {  	[sflag:s0] =	ssyncset.done $0x0  }
0x311: {  	[sflag:s0] =	ssyncadd.s32 $0xFFFFF800  }
0x312: {  	_ =	swait.ge [sflag:s0], $0x800  }
0x313: {  	v8 =	vmul.u32 $0x800, v2;
	[sflag:s0] =	ssyncset.done $0x0  }
0x314: {  	v6 =	vand.u32 $0x7F, v6;
	[sflag:s0] =	ssyncadd.s32 $0xFFFFF800  }
0x315: {  	v6 =	vor.u32 v8, v6;
	s30 =	simm.s32 $0x0;
	_ =	swait.ge [sflag:s0], $0x800  }
0x316: {  	v9 =	vor.u32 s30, v6;
	[sflag:s0] =	ssyncset.done $0x0  }
0x317: {  	[sflag:s0] =	ssyncadd.s32 $0xFFFFF800  }
0x318: {  	_ =	swait.ge [sflag:s0], $0x800  }
0x319: {  	[sflag:s0] =	ssyncset.done $0x0  }
0x31a: {  	v7 =	vand.u32 $0x7F, v7;
	v8 =	vor.u32 $0x8000, v8;
	[sflag:s0] =	ssyncadd.s32 $0xFFFFF800  }
0x31b: {  	v7 =	vor.u32 v8, v7;
	v8 =	vld.idx.msk [tilespmem:v9+s8+$0x0], $0xffff  }
0x31c: {  	v9 =	vor.u32 s30, v7;
	_ =	sdelay $0x2  }
0x31d: {  	s10 =	simm.s32 $0x15190  }
0x31e: {  	[tilespmem:s10+$0xFFFFFFF0] =	vst v8  }
0x31f: {  	s12 =	simm.s32 $0x2;
	s13 =	simm.s32 $0x80;
	v8 =	vld.idx.msk [tilespmem:v9+s8+$0x0], $0xffff  }
.LBB2_16:
0x320: {  	p0 =	sne.s32 s12, $0xF;
	v9 =	vor.u32 s13, v6;
	_ =	sdelay $0x3  }
0x321: {  	[tilespmem:s10+$0x0] =	vst v8  }
0x322: {  	v8 =	vld.idx.msk [tilespmem:v9+s8+$0x0], $0xffff;
	_ =	sdelay $0x1  }
0x323: {  	v9 =	vor.u32 s13, v7;
	_ =	sdelay $0x1  }
.Ltmp7:
0x324: {  	(pc) =	sbr.rel @p0 .LBB2_16-.Ltmp7, $4  }
0x325: {  	s10 =	sadd.s32 $0x20, s10  }
0x326: {  	[tilespmem:s10+$0xFFFFFFF0] =	vst v8  }
0x327: {  	v8 =	vld.idx.msk [tilespmem:v9+s8+$0x0], $0xffff  }
0x328: {  	s13 =	sshll.u32 s12, $0x7;
	s12 =	sadd.s32 $0x1, s12  }
0x329: {  	v6 =	vor.u32 s13, v6;
	_ =	sdelay $0x3  }
0x32a: {  	[tilespmem:s10+$0x0] =	vst v8  }
0x32b: {  	v6 =	vld.idx.msk [tilespmem:v6+s8+$0x0], $0xffff  }
0x32c: {  	v7 =	vor.u32 s13, v7;
	_ =	sdelay $0x2  }
0x32d: {  	s13 =	sadd.s32 $0x20, s10  }
0x32e: {  	[tilespmem:s13+$0xFFFFFFF0] =	vst v6  }
0x32f: {  	v6 =	vld.idx.msk [tilespmem:v7+s8+$0x0], $0xffff;
	_ =	sdelay $0x2  }
0x330: {  	s30 =	sld [smem:$0x7FD];
	_ =	sdelay $0x1  }
0x331: {  	s4 =	simm.s32 $0x15180;
	[tilespmem:s13+$0x0] =	vst v6  }
0x332: {  	[hbm4b:s30+s1] =	stream.linear.scatter [tilespmem:s4], [sflag:$0x1], $0x20, $0x38;
	[tilespmem:$0x15780] =	vst v63  }
0x333: {  	s12 =	simm.s32 $0x151A0  }
0x334: {  	[hbm4b:s14+s1] =	stream.linear.scatter [tilespmem:s12], [sflag:$0x1], $0x20, $0x38;
	[tilespmem:$0x15780] =	vst v63  }
0x335: {  	s13 =	simm.s32 $0x151C0  }
0x336: {  	[hbm4b:s15+s1] =	stream.linear.scatter [tilespmem:s13], [sflag:$0x1], $0x20, $0x38;
	[tilespmem:$0x15780] =	vst v63  }
0x337: {  	s30 =	simm.s32 $0x151E0  }
0x338: {  	[hbm4b:s16+s1] =	stream.linear.scatter [tilespmem:s30], [sflag:$0x1], $0x20, $0x38;
	[tilespmem:$0x15780] =	vst v63  }
0x339: {  	s10 =	simm.s32 $0x15200  }
0x33a: {  	[hbm4b:s17+s1] =	stream.linear.scatter [tilespmem:s10], [sflag:$0x1], $0x20, $0x38;
	[tilespmem:$0x15780] =	vst v63  }
0x33b: {  	s12 =	simm.s32 $0x15220  }
0x33c: {  	[hbm4b:s5+s1] =	stream.linear.scatter [tilespmem:s12], [sflag:$0x1], $0x20, $0x38;
	[tilespmem:$0x15780] =	vst v63  }
0x33d: {  	s13 =	simm.s32 $0x15240  }
0x33e: {  	[hbm4b:s18+s1] =	stream.linear.scatter [tilespmem:s13], [sflag:$0x1], $0x20, $0x38;
	[tilespmem:$0x15780] =	vst v63  }
0x33f: {  	s30 =	simm.s32 $0x15260  }
0x340: {  	[hbm4b:s19+s1] =	stream.linear.scatter [tilespmem:s30], [sflag:$0x1], $0x20, $0x38;
	[tilespmem:$0x15780] =	vst v63  }
0x341: {  	s10 =	simm.s32 $0x15280  }
0x342: {  	[hbm4b:s20+s1] =	stream.linear.scatter [tilespmem:s10], [sflag:$0x1], $0x20, $0x38;
	[tilespmem:$0x15780] =	vst v63  }
0x343: {  	s12 =	simm.s32 $0x152A0  }
0x344: {  	[hbm4b:s21+s1] =	stream.linear.scatter [tilespmem:s12], [sflag:$0x1], $0x20, $0x38;
	[tilespmem:$0x15780] =	vst v63  }
0x345: {  	s13 =	simm.s32 $0x152C0  }
0x346: {  	[hbm4b:s22+s1] =	stream.linear.scatter [tilespmem:s13], [sflag:$0x1], $0x20, $0x38;
	[tilespmem:$0x15780] =	vst v63  }
0x347: {  	s30 =	simm.s32 $0x152E0  }
0x348: {  	[hbm4b:s23+s1] =	stream.linear.scatter [tilespmem:s30], [sflag:$0x1], $0x20, $0x38;
	[tilespmem:$0x15780] =	vst v63  }
0x349: {  	s10 =	simm.s32 $0x15300  }
0x34a: {  	[hbm4b:s24+s1] =	stream.linear.scatter [tilespmem:s10], [sflag:$0x1], $0x20, $0x38;
	[tilespmem:$0x15780] =	vst v63  }
0x34b: {  	s12 =	simm.s32 $0x15320  }
0x34c: {  	[hbm4b:s25+s1] =	stream.linear.scatter [tilespmem:s12], [sflag:$0x1], $0x20, $0x38;
	[tilespmem:$0x15780] =	vst v63  }
0x34d: {  	s13 =	simm.s32 $0x15340  }
0x34e: {  	[hbm4b:s26+s1] =	stream.linear.scatter [tilespmem:s13], [sflag:$0x1], $0x20, $0x38;
	[tilespmem:$0x15780] =	vst v63  }
0x34f: {  	s30 =	simm.s32 $0x15360  }
0x350: {  	[hbm4b:s28+s1] =	stream.linear.scatter [tilespmem:s30], [sflag:$0x1], $0x20, $0x38;
	[tilespmem:$0x15780] =	vst v63  }
0x351: {  	_ =	swait.ge [sflag:s0], $0x20  }
0x352: {  	[sflag:s0] =	ssyncset.done $0x0  }
0x353: {  	[sflag:s0] =	ssyncadd.s32 $0xFFFFFFE0  }
0x354: {  	_ =	swait.ge [sflag:s0], $0x20  }
0x355: {  	[sflag:s0] =	ssyncset.done $0x0  }
0x356: {  	[sflag:s0] =	ssyncadd.s32 $0xFFFFFFE0  }
0x357: {  	_ =	swait.ge [sflag:s0], $0x20  }
0x358: {  	[sflag:s0] =	ssyncset.done $0x0  }
0x359: {  	[sflag:s0] =	ssyncadd.s32 $0xFFFFFFE0  }
0x35a: {  	_ =	swait.ge [sflag:s0], $0x20  }
0x35b: {  	[sflag:s0] =	ssyncset.done $0x0  }
0x35c: {  	[sflag:s0] =	ssyncadd.s32 $0xFFFFFFE0  }
0x35d: {  	_ =	swait.ge [sflag:s0], $0x20  }
0x35e: {  	[sflag:s0] =	ssyncset.done $0x0  }
0x35f: {  	[sflag:s0] =	ssyncadd.s32 $0xFFFFFFE0  }
0x360: {  	_ =	swait.ge [sflag:s0], $0x20  }
0x361: {  	[sflag:s0] =	ssyncset.done $0x0  }
0x362: {  	[sflag:s0] =	ssyncadd.s32 $0xFFFFFFE0  }
0x363: {  	_ =	swait.ge [sflag:s0], $0x20  }
0x364: {  	[sflag:s0] =	ssyncset.done $0x0  }
0x365: {  	[sflag:s0] =	ssyncadd.s32 $0xFFFFFFE0  }
0x366: {  	_ =	swait.ge [sflag:s0], $0x20  }
0x367: {  	[sflag:s0] =	ssyncset.done $0x0  }
0x368: {  	[sflag:s0] =	ssyncadd.s32 $0xFFFFFFE0  }
0x369: {  	_ =	swait.ge [sflag:s0], $0x20  }
0x36a: {  	[sflag:s0] =	ssyncset.done $0x0  }
0x36b: {  	[sflag:s0] =	ssyncadd.s32 $0xFFFFFFE0  }
0x36c: {  	_ =	swait.ge [sflag:s0], $0x20  }
0x36d: {  	[sflag:s0] =	ssyncset.done $0x0  }
0x36e: {  	[sflag:s0] =	ssyncadd.s32 $0xFFFFFFE0  }
0x36f: {  	_ =	swait.ge [sflag:s0], $0x20  }
0x370: {  	[sflag:s0] =	ssyncset.done $0x0  }
0x371: {  	[sflag:s0] =	ssyncadd.s32 $0xFFFFFFE0  }
0x372: {  	_ =	swait.ge [sflag:s0], $0x20  }
0x373: {  	[sflag:s0] =	ssyncset.done $0x0  }
0x374: {  	[sflag:s0] =	ssyncadd.s32 $0xFFFFFFE0  }
0x375: {  	_ =	swait.ge [sflag:s0], $0x20  }
0x376: {  	[sflag:s0] =	ssyncset.done $0x0  }
0x377: {  	[sflag:s0] =	ssyncadd.s32 $0xFFFFFFE0  }
0x378: {  	_ =	swait.ge [sflag:s0], $0x20  }
0x379: {  	[sflag:s0] =	ssyncset.done $0x0  }
0x37a: {  	[sflag:s0] =	ssyncadd.s32 $0xFFFFFFE0  }
0x37b: {  	_ =	swait.ge [sflag:s0], $0x20  }
0x37c: {  	[sflag:s0] =	ssyncset.done $0x0  }
0x37d: {  	[sflag:s0] =	ssyncadd.s32 $0xFFFFFFE0  }
0x37e: {  	_ =	swait.ge [sflag:s0], $0x20  }
0x37f: {  	[sflag:s0] =	ssyncset.done $0x0  }
0x380: {  	s9 =	sadd.s32 $0x1, s9;
	[sflag:s0] =	ssyncadd.s32 $0xFFFFFFE0  }
0x381: {  	p0 =	sne.s32 s9, s29;
	_ =	swait.ge [sflag:s0], $0x20  }
.Ltmp8:
0x382: {  	[sflag:s0] =	ssyncset.done $0x0;
	(pc) =	sbr.rel @p0 .LBB2_1-.Ltmp8, $4  }
0x383: {  	[sflag:s0] =	ssyncadd.s32 $0xFFFFFFE0  }
0x384: {  	_ =	swait.ge [sflag:s0], $0x20  }
0x385: {  	[sflag:s0] =	ssyncset.done $0x0  }
0x386: {  	[sflag:s0] =	ssyncadd.s32 $0xFFFFFFE0  }
0x387: {  	_ =	sfence.sel $0x180000  }
0x388: {  	[bflag:$0x0] =	sbarrier.arrive $0xFFFF  }
0x389: {  	_ =	strace $0x90000047  }
0x38a: {  	s0 =	stileid.u32;
	[bflag:$0x2] =	sbarrier.arrive $0xFFFF  }
0x38b: {  	p0 =	sne.s32 s0, $0x0;
	s0 =	rddreg [dreg:$0xa]  }
0x38c: {  	s0 =	sadd.s32 @!p0 $0x100000, s0  }
0x38d: {  	[sflag:s0] =	ssyncadd.tile.s32 @!p0 $0x1;
	_ =	shalt  }
.Lfunc_end2:
_tile_overlayer_lowered:
.L_overlay_start_2:
0x38e: {  	(tag) =	ssettag $0x2  }
0x38f: {  	s0 =	rddreg [dreg:$0x0];
	s2 =	stileid.u32  }
0x390: {  	s1 =	rddreg [dreg:$0x1];
	p0 =	sne.s32 s2, $0x0  }
0x391: {  	s3 =	rddreg [dreg:$0x2];
	[bflag:$0x3] =	sbarrier.arrive $0xFFFF;
	s2 =	simm.s32 @!p0 $0x1C02  }
0x392: {  	[timem:s3], [sflag:s2] =	dma.local @!p0 [hbm:s0], s1  }
0x393: {  	s0 =	simm.s32 @!p0 $0x2  }
0x394: {  	_ =	swait.ge @!p0 [sflag:s0], s1  }
0x395: {  	s1 =	ssub.s32 @!p0 $0x0, s1;
	[sflag:s0] =	ssyncset.done @!p0 $0x0  }
0x396: {  	[sflag:s0] =	ssyncadd.s32 @!p0 s1  }
0x397: {  	[bflag:$0x3] =	sbarrier.arrive $0xFFFF  }
0x398: {  	_ =	shalt  }

</sc_bundles>
